<compile_context>
chip_gen: v7x
topology: tpu7x:2x2x1
jax: 0.10.2.dev20260603
libtpu: 0.0.44.dev20260713+nightly
codegen_flags: <defaults>
</compile_context>

<pallas_src>
import functools

import jax
import jax.numpy as jnp
import numpy as np
from jax import lax
from jax.experimental import pallas as pl
from jax.experimental.pallas import tpu as pltpu
from jax.experimental.pallas import tpu_sc as plsc

_N = 20000
_C = 46
_NW = 32
_CHUNK = 640
_SROWS = 160
_NSTAGE = _CHUNK // _SROWS

_TWO_PI = np.float32(2.0 * np.pi)
_APC = np.float32(2.0 * np.pi / 9.0)
_LN2 = np.float32(np.log(2.0))


def _trunc_f(x):
    return x.astype(jnp.int32).astype(jnp.float32)


def _ln(s):
    b = plsc.bitcast(s, jnp.int32)
    e = (b >> 23) - 127
    m = plsc.bitcast((b & 0x007FFFFF) | 0x3F800000, jnp.float32)
    t = (m - 1.0) / (m + 1.0)
    t2 = t * t
    lnm = 2.0 * t * (1.0 + t2 * (1.0 / 3.0 + t2 * (0.2 + t2 * (1.0 / 7.0))))
    return e.astype(jnp.float32) * _LN2 + lnm


def _sl1(d):
    ad = jnp.abs(d)
    return jnp.where(ad < 1.0, 0.5 * d * d, ad - 0.5)


_mesh = plsc.VectorSubcoreMesh(core_axis_name="c", subcore_axis_name="s")


@functools.partial(
    pl.kernel,
    mesh=_mesh,
    out_type=jax.ShapeDtypeStruct((_NW * 32,), jnp.float32),
    scratch_types=[
        pltpu.VMEM((_SROWS, _C), jnp.float32),
        pltpu.VMEM((_SROWS, _C), jnp.float32),
        pltpu.VMEM((_SROWS, _C), jnp.float32),
        pltpu.VMEM((_SROWS, _C), jnp.float32),
        pltpu.VMEM((_CHUNK,), jnp.float32),
        pltpu.VMEM((32,), jnp.float32),
        pltpu.SemaphoreType.DMA,
        pltpu.SemaphoreType.DMA,
    ],
    compiler_params=pltpu.CompilerParams(needs_layout_passes=False),
)
def _sc_partials(pred_hbm, tgt_hbm, iou_hbm, out_hbm,
                 pbuf0, tbuf0, pbuf1, tbuf1, ibuf, obuf, sem0, sem1):
    wid = lax.axis_index("s") * 2 + lax.axis_index("c")
    start = wid * _CHUNK
    dma_start = jnp.minimum(start, _N - _CHUNK)
    base_off = start - dma_start
    valid = jnp.minimum(_CHUNK, _N - start)

    lanes = lax.iota(jnp.int32, 16)

    pltpu.sync_copy(iou_hbm.at[pl.ds(dma_start, _CHUNK)], ibuf)

    pbufs = (pbuf0, pbuf1)
    tbufs = (tbuf0, tbuf1)
    sems = (sem0, sem1)

    def stage_start(s):
        pb, tb, sem = pbufs[s % 2], tbufs[s % 2], sems[s % 2]
        r0 = dma_start + s * _SROWS
        hp = pltpu.async_copy(pred_hbm.at[pl.ds(r0, _SROWS)], pb, sem)
        ht = pltpu.async_copy(tgt_hbm.at[pl.ds(r0, _SROWS)], tb, sem)
        return hp, ht

    def make_body(s):
        pb, tb = pbufs[s % 2], tbufs[s % 2]

        def body(j, carry):
            acc, cnt = carry
            rl = j * 16 + lanes
            gl = s * _SROWS + rl
            ok = (gl >= base_off) & (gl < base_off + valid)

            def P(c):
                return plsc.load_gather(
                    pb, [rl, jnp.full((16,), c, jnp.int32)])

            def T(c):
                return plsc.load_gather(
                    tb, [rl, jnp.full((16,), c, jnp.int32)])

            def PG(base, idx):
                return plsc.load_gather(pb, [rl, idx + base])

            iouv = plsc.load_gather(ibuf, [gl])
            pos = ok & (iouv >= 0.55)

            x_shift = jnp.clip(T(0) + 1.5, 0.0, 2.999)
            z_shift = jnp.clip(T(2) + 1.5, 0.0, 2.999)
            xbi = (x_shift * 2.0).astype(jnp.int32)
            zbi = (z_shift * 2.0).astype(jnp.int32)
            xbf = xbi.astype(jnp.float32)
            zbf = zbi.astype(jnp.float32)

            ry = T(6)
            h = ry - _trunc_f(ry / _TWO_PI) * _TWO_PI
            h = jnp.where(h < 0.0, h + _TWO_PI, h)
            sa = h + _APC * 0.5
            sa = sa - _trunc_f(sa / _TWO_PI) * _TWO_PI
            rbi = jnp.clip((sa / _APC).astype(jnp.int32), 0, 8)
            rbf = rbi.astype(jnp.float32)

            zero16 = jnp.zeros((16,), jnp.float32)
            sex = sum((jnp.exp(P(c)) for c in range(0, 6)), zero16)
            sez = sum((jnp.exp(P(c)) for c in range(6, 12)), zero16)
            ser = sum((jnp.exp(P(c)) for c in range(25, 34)), zero16)
            ll_x = PG(0, xbi)
            ll_z = PG(6, zbi)
            ll_r = PG(25, rbi)
            ce = _ln(sex) + _ln(sez) + _ln(ser) - ll_x - ll_z - ll_r

            xr = (x_shift - (xbf * 0.5 + 0.25)) * 2.0
            zr = (z_shift - (zbf * 0.5 + 0.25)) * 2.0
            ryr = (sa - (rbf * _APC + _APC * 0.5)) / (_APC * 0.5)

            px = PG(12, xbi)
            pz = PG(18, zbi)
            pr = PG(34, rbi)
            sl = (_sl1(px - xr) + _sl1(pz - zr) + _sl1(P(24) - T(1))
                  + _sl1(pr - ryr))

            sz = zero16
            for k in range(3):
                a = P(3 + k)
                sz = sz + _sl1(T(43 + k) - (T(3 + k) - a) / a)

            row = ce + sl + sz
            acc = acc + jnp.where(pos, row, 0.0)
            cnt = cnt + jnp.where(pos, 1.0, 0.0)
            return acc, cnt

        return body

    zero = jnp.zeros((16,), jnp.float32)
    acc, cnt = zero, zero
    handles = stage_start(0)
    for s in range(_NSTAGE):
        if s + 1 < _NSTAGE:
            next_handles = stage_start(s + 1)
        for h in handles:
            h.wait()
        acc, cnt = lax.fori_loop(0, _SROWS // 16, make_body(s), (acc, cnt))
        if s + 1 < _NSTAGE:
            handles = next_handles

    obuf[pl.ds(0, 16)] = acc
    obuf[pl.ds(16, 16)] = cnt
    pltpu.sync_copy(obuf, out_hbm.at[pl.ds(wid * 32, 32)])


def _finish_kernel(p_ref, out_ref):
    x = p_ref[...]
    lane = lax.broadcasted_iota(jnp.int32, x.shape, 0)
    is_sum = (lane % 32) < 16
    total = jnp.sum(jnp.where(is_sum, x, 0.0))
    cnt = jnp.sum(jnp.where(is_sum, 0.0, x))
    out_ref[0, 0] = total / cnt


@jax.jit
def kernel(pred, target, iou):
    partials = _sc_partials(pred, target, iou)
    out = pl.pallas_call(
        _finish_kernel,
        out_specs=pl.BlockSpec(memory_space=pltpu.SMEM),
        out_shape=jax.ShapeDtypeStruct((1, 1), jnp.float32),
    )(partials)
    return out[0, 0]

# --- scband reference (transcript-rebuilt; emitter-appended) ---
"""Pipeline reference for scband-bin-based-regression-loss-80942953660502 (READ-ONLY COPY).

The authoritative reference and input builder live on the scoring server;
editing this copy changes nothing except your own understanding.
"""

import jax, jax.numpy as jnp
import numpy as np


def smooth_l1(pred, target, mask=None):
    d = pred - target
    ad = jnp.abs(d)
    loss = jnp.where(ad < 1.0, 0.5 * d * d, ad - 0.5)
    if mask is None:
        return jnp.mean(loss)
    m = jnp.broadcast_to(mask.reshape(mask.shape + (1,) * (loss.ndim - 1)), loss.shape)
    return jnp.sum(jnp.where(m, loss, 0.0)) / jnp.sum(m.astype(loss.dtype))


def cross_entropy(logits, labels, mask=None):
    lse = jax.scipy.special.logsumexp(logits, axis=-1)
    ll = jnp.take_along_axis(logits, labels[:, None], axis=1)[:, 0]
    loss = lse - ll
    if mask is None:
        return jnp.mean(loss)
    return jnp.sum(jnp.where(mask, loss, 0.0)) / jnp.sum(mask.astype(loss.dtype))


def setup_inputs(seed: int = 0) -> dict:
    key = jax.random.key(seed)
    k1, k2, k3 = jax.random.split(key, 3)
    pred = jax.random.normal(k1, (20000, 46), dtype=jnp.float32)
    target = jax.random.normal(k2, (20000, 46), dtype=jnp.float32)
    iou = jax.random.uniform(k3, (20000,), dtype=jnp.float32)
    return {"pred": pred, "target": target, "iou": iou}


def reference(pred, target, iou):
    positive_reg_lb = 0.55
    positive = iou >= positive_reg_lb
    pp = pred
    pt = target
    anchor_size = pp[:, 3:6]
    loc_scope = 1.5
    loc_bin_size = 0.5
    per = int(loc_scope / loc_bin_size) * 2  # 6
    x_off, y_off, z_off = pt[:, 0], pt[:, 1], pt[:, 2]
    x_shift = jnp.clip(x_off + loc_scope, 0.0, loc_scope * 2 - 0.001)
    z_shift = jnp.clip(z_off + loc_scope, 0.0, loc_scope * 2 - 0.001)
    x_bin = jnp.floor(x_shift / loc_bin_size).astype(jnp.int32)
    z_bin = jnp.floor(z_shift / loc_bin_size).astype(jnp.int32)
    loc_loss = cross_entropy(pp[:, 0:per], x_bin, positive) + cross_entropy(pp[:, per:2 * per], z_bin, positive)
    x_res = x_shift - (x_bin.astype(jnp.float32) * loc_bin_size + loc_bin_size / 2)
    z_res = z_shift - (z_bin.astype(jnp.float32) * loc_bin_size + loc_bin_size / 2)
    x_res_n = x_res / loc_bin_size
    z_res_n = z_res / loc_bin_size
    x_oh = jax.nn.one_hot(x_bin, per, dtype=jnp.float32)
    z_oh = jax.nn.one_hot(z_bin, per, dtype=jnp.float32)
    loc_loss = loc_loss + smooth_l1((pp[:, 2 * per:3 * per] * x_oh).sum(axis=1), x_res_n, positive)
    loc_loss = loc_loss + smooth_l1((pp[:, 3 * per:4 * per] * z_oh).sum(axis=1), z_res_n, positive)
    start = 4 * per  # 24
    loc_loss = loc_loss + smooth_l1(pp[:, start:start + 1].sum(axis=1), y_off, positive)
    start = start + 1  # 25
    num_head_bin = 9
    ry_label = pt[:, 6]
    angle_per_class = 2 * np.pi / num_head_bin
    heading = jnp.mod(ry_label, 2 * np.pi)
    shift_angle = jnp.mod(heading + angle_per_class / 2, 2 * np.pi)
    ry_bin = jnp.floor(shift_angle / angle_per_class).astype(jnp.int32)
    ry_bin = jnp.clip(ry_bin, 0, num_head_bin - 1)
    ry_res = shift_angle - (ry_bin.astype(jnp.float32) * angle_per_class + angle_per_class / 2)
    ry_res_n = ry_res / (angle_per_class / 2)
    ry_oh = jax.nn.one_hot(ry_bin, num_head_bin, dtype=jnp.float32)
    loss_ry_bin = cross_entropy(pp[:, start:start + num_head_bin], ry_bin, positive)
    loss_ry_res = smooth_l1((pp[:, start + num_head_bin:start + 2 * num_head_bin] * ry_oh).sum(axis=1), ry_res_n, positive)
    angle_loss = loss_ry_bin + loss_ry_res
    size_res_l = start + 2 * num_head_bin  # 43
    size_res_norm_label = (pt[:, 3:6] - anchor_size) / anchor_size
    size_res_norm = pt[:, size_res_l:size_res_l + 3]
    size_loss = 3.0 * smooth_l1(size_res_norm, size_res_norm_label, positive)
    return loc_loss + angle_loss + size_loss

if __name__ == "__main__":
    import jax
    _d = setup_inputs()
    print(jax.jit(kernel)(*tuple(_d.values())))

</pallas_src>

<mosaic_0001>
#map = affine_map<(d0, d1) -> (0, 0)>
#map1 = affine_map<(d0, d1) -> (0)>
module attributes {stable_mosaic.version = 14 : i64} {
  func.func @_sc_partials(%arg0: i32, %arg1: i32, %arg2: memref<20000x46xf32, #tpu.memory_space<hbm>>, %arg3: memref<20000x46xf32, #tpu.memory_space<hbm>>, %arg4: memref<20000xf32, #tpu.memory_space<hbm>>, %arg5: memref<1024xf32, #tpu.memory_space<hbm>>, %arg6: memref<160x46xf32, #tpu.memory_space<vmem>>, %arg7: memref<160x46xf32, #tpu.memory_space<vmem>>, %arg8: memref<160x46xf32, #tpu.memory_space<vmem>>, %arg9: memref<160x46xf32, #tpu.memory_space<vmem>>, %arg10: memref<640xf32, #tpu.memory_space<vmem>>, %arg11: memref<32xf32, #tpu.memory_space<vmem>>, %arg12: memref<!tpu.dma_semaphore, #tpu.memory_space<semaphore_mem>>, %arg13: memref<!tpu.dma_semaphore, #tpu.memory_space<semaphore_mem>>) attributes {dimension_semantics = [#tpu.dimension_semantics<core_parallel>, #tpu.dimension_semantics<subcore_parallel>], iteration_bounds = array<i64: 2, 16>, scalar_prefetch = 0 : i64, scratch_operands = 8 : i64, tpu.core_type = #tpu.core_type<sc_vector_subcore>, window_params = [{transform_indices = #map}, {transform_indices = #map}, {transform_indices = #map1}, {transform_indices = #map1}]} {
    %mul3A = arith.constant 2 : i32
    %mul3A_0 = arith.muli %arg1, %mul3A : i32
    %add3A = arith.addi %mul3A_0, %arg0 : i32
    %mul3A_1 = arith.constant 640 : i32
    %mul3A_2 = arith.muli %add3A, %mul3A_1 : i32
    %min3A = arith.constant 19360 : i32
    %min3A_3 = arith.minsi %mul3A_2, %min3A : i32
    %sub3A = arith.subi %mul3A_2, %min3A_3 : i32
    %sub3A_4 = arith.constant 20000 : i32
    %sub3A_5 = arith.subi %sub3A_4, %mul3A_2 : i32
    %min3A_6 = arith.constant 640 : i32
    %min3A_7 = arith.minsi %min3A_6, %sub3A_5 : i32
    %iota3A = tpu.iota {dimensions = array<i32: 0>} : vector<16xi32>
    "tpu.region"() ({
      %run_scoped3A = tpu.sem_alloc : memref<!tpu.dma_semaphore, #tpu.memory_space<semaphore_mem>>
      %dma_start3A_107 = tpu.memref_slice %arg4[%min3A_3] : memref<20000xf32, #tpu.memory_space<hbm>> -> memref<640xf32, #tpu.memory_space<hbm>>
      %dma_start3A_108 = tpu.memref_slice %arg4[%min3A_3] : memref<20000xf32, #tpu.memory_space<hbm>> -> memref<640xf32, #tpu.memory_space<hbm>>
      tpu.enqueue_dma source(%dma_start3A_108 : memref<640xf32, #tpu.memory_space<hbm>>) target(%arg10 : memref<640xf32, #tpu.memory_space<vmem>>) target_semaphore(%run_scoped3A : memref<!tpu.dma_semaphore, #tpu.memory_space<semaphore_mem>>)
      %dma_wait3A_109 = tpu.memref_slice %arg4[%min3A_3] : memref<20000xf32, #tpu.memory_space<hbm>> -> memref<640xf32, #tpu.memory_space<hbm>>
      %dma_wait3A_110 = tpu.memref_slice %arg4[%min3A_3] : memref<20000xf32, #tpu.memory_space<hbm>> -> memref<640xf32, #tpu.memory_space<hbm>>
      tpu.wait_dma2 semaphore(%run_scoped3A : memref<!tpu.dma_semaphore, #tpu.memory_space<semaphore_mem>>) src(%dma_wait3A_110 : memref<640xf32, #tpu.memory_space<hbm>>) dst(%arg10 : memref<640xf32, #tpu.memory_space<vmem>>)
      tpu.yield
    }) : () -> ()
    %broadcast_in_dim3A = arith.constant 0.000000e+00 : f32
    %broadcast_in_dim3A_8 = vector.broadcast %broadcast_in_dim3A : f32 to vector<16xf32>
    %add3A_9 = arith.constant 0 : i32
    %add3A_10 = arith.addi %min3A_3, %add3A_9 : i32
    %dma_start3A = arith.constant 0 : i32
    %dma_start3A_11 = tpu.memref_slice %arg2[%add3A_10, %dma_start3A] : memref<20000x46xf32, #tpu.memory_space<hbm>> -> memref<160x46xf32, #tpu.memory_space<hbm>>
    %dma_start3A_12 = arith.constant 0 : i32
    %dma_start3A_13 = tpu.memref_slice %arg2[%add3A_10, %dma_start3A_12] : memref<20000x46xf32, #tpu.memory_space<hbm>> -> memref<160x46xf32, #tpu.memory_space<hbm>>
    tpu.enqueue_dma source(%dma_start3A_13 : memref<160x46xf32, #tpu.memory_space<hbm>>) target(%arg6 : memref<160x46xf32, #tpu.memory_space<vmem>>) target_semaphore(%arg12 : memref<!tpu.dma_semaphore, #tpu.memory_space<semaphore_mem>>)
    %dma_start3A_14 = arith.constant 0 : i32
    %dma_start3A_15 = tpu.memref_slice %arg3[%add3A_10, %dma_start3A_14] : memref<20000x46xf32, #tpu.memory_space<hbm>> -> memref<160x46xf32, #tpu.memory_space<hbm>>
    %dma_start3A_16 = arith.constant 0 : i32
    %dma_start3A_17 = tpu.memref_slice %arg3[%add3A_10, %dma_start3A_16] : memref<20000x46xf32, #tpu.memory_space<hbm>> -> memref<160x46xf32, #tpu.memory_space<hbm>>
    tpu.enqueue_dma source(%dma_start3A_17 : memref<160x46xf32, #tpu.memory_space<hbm>>) target(%arg7 : memref<160x46xf32, #tpu.memory_space<vmem>>) target_semaphore(%arg12 : memref<!tpu.dma_semaphore, #tpu.memory_space<semaphore_mem>>)
    %add3A_18 = arith.constant 160 : i32
    %add3A_19 = arith.addi %min3A_3, %add3A_18 : i32
    %dma_start3A_20 = arith.constant 0 : i32
    %dma_start3A_21 = tpu.memref_slice %arg2[%add3A_19, %dma_start3A_20] : memref<20000x46xf32, #tpu.memory_space<hbm>> -> memref<160x46xf32, #tpu.memory_space<hbm>>
    %dma_start3A_22 = arith.constant 0 : i32
    %dma_start3A_23 = tpu.memref_slice %arg2[%add3A_19, %dma_start3A_22] : memref<20000x46xf32, #tpu.memory_space<hbm>> -> memref<160x46xf32, #tpu.memory_space<hbm>>
    tpu.enqueue_dma source(%dma_start3A_23 : memref<160x46xf32, #tpu.memory_space<hbm>>) target(%arg8 : memref<160x46xf32, #tpu.memory_space<vmem>>) target_semaphore(%arg13 : memref<!tpu.dma_semaphore, #tpu.memory_space<semaphore_mem>>)
    %dma_start3A_24 = arith.constant 0 : i32
    %dma_start3A_25 = tpu.memref_slice %arg3[%add3A_19, %dma_start3A_24] : memref<20000x46xf32, #tpu.memory_space<hbm>> -> memref<160x46xf32, #tpu.memory_space<hbm>>
    %dma_start3A_26 = arith.constant 0 : i32
    %dma_start3A_27 = tpu.memref_slice %arg3[%add3A_19, %dma_start3A_26] : memref<20000x46xf32, #tpu.memory_space<hbm>> -> memref<160x46xf32, #tpu.memory_space<hbm>>
    tpu.enqueue_dma source(%dma_start3A_27 : memref<160x46xf32, #tpu.memory_space<hbm>>) target(%arg9 : memref<160x46xf32, #tpu.memory_space<vmem>>) target_semaphore(%arg13 : memref<!tpu.dma_semaphore, #tpu.memory_space<semaphore_mem>>)
    %dma_wait3A = arith.constant 0 : i32
    %dma_wait3A_28 = tpu.memref_slice %arg2[%add3A_10, %dma_wait3A] : memref<20000x46xf32, #tpu.memory_space<hbm>> -> memref<160x46xf32, #tpu.memory_space<hbm>>
    %dma_wait3A_29 = arith.constant 0 : i32
    %dma_wait3A_30 = tpu.memref_slice %arg2[%add3A_10, %dma_wait3A_29] : memref<20000x46xf32, #tpu.memory_space<hbm>> -> memref<160x46xf32, #tpu.memory_space<hbm>>
    tpu.wait_dma2 semaphore(%arg12 : memref<!tpu.dma_semaphore, #tpu.memory_space<semaphore_mem>>) src(%dma_wait3A_30 : memref<160x46xf32, #tpu.memory_space<hbm>>) dst(%arg6 : memref<160x46xf32, #tpu.memory_space<vmem>>)
    %dma_wait3A_31 = arith.constant 0 : i32
    %dma_wait3A_32 = tpu.memref_slice %arg3[%add3A_10, %dma_wait3A_31] : memref<20000x46xf32, #tpu.memory_space<hbm>> -> memref<160x46xf32, #tpu.memory_space<hbm>>
    %dma_wait3A_33 = arith.constant 0 : i32
    %dma_wait3A_34 = tpu.memref_slice %arg3[%add3A_10, %dma_wait3A_33] : memref<20000x46xf32, #tpu.memory_space<hbm>> -> memref<160x46xf32, #tpu.memory_space<hbm>>
    tpu.wait_dma2 semaphore(%arg12 : memref<!tpu.dma_semaphore, #tpu.memory_space<semaphore_mem>>) src(%dma_wait3A_34 : memref<160x46xf32, #tpu.memory_space<hbm>>) dst(%arg7 : memref<160x46xf32, #tpu.memory_space<vmem>>)
    %scan3A = arith.constant 0 : i32
    %scan3A_35 = arith.constant 10 : i32
    %scan3A_36 = arith.addi %scan3A, %scan3A_35 : i32
    %scan3A_37 = arith.constant 1 : i32
    %scan3A_38:2 = scf.for %scan3A_107 = %scan3A to %scan3A_36 step %scan3A_37 iter_args(%scan3A_108 = %broadcast_in_dim3A_8, %scan3A_109 = %broadcast_in_dim3A_8) -> (vector<16xf32>, vector<16xf32>)  : i32 {
      %mul3A_110 = arith.constant 16 : i32
      %mul3A_111 = arith.muli %scan3A_107, %mul3A_110 : i32
      %add3A_112 = vector.broadcast %mul3A_111 : i32 to vector<16xi32>
      %add3A_113 = arith.addi %add3A_112, %iota3A : vector<16xi32>
      %add3A_114 = arith.constant 0 : i32
      %add3A_115 = vector.broadcast %add3A_114 : i32 to vector<16xi32>
      %add3A_116 = arith.addi %add3A_115, %add3A_113 : vector<16xi32>
      %ge3A = vector.broadcast %sub3A : i32 to vector<16xi32>
      %ge3A_117 = arith.cmpi sge, %add3A_116, %ge3A : vector<16xi32>
      %add3A_118 = arith.addi %sub3A, %min3A_7 : i32
      %lt3A = vector.broadcast %add3A_118 : i32 to vector<16xi32>
      %lt3A_119 = arith.cmpi slt, %add3A_116, %lt3A : vector<16xi32>
      %and3A = arith.andi %ge3A_117, %lt3A_119 : vector<16xi1>
      %gather3A = tpu.vector_load_idx %arg10[%add3A_116] : memref<640xf32, #tpu.memory_space<vmem>>[vector<16xi32>], vector<16xf32>,
      %ge3A_120 = arith.constant 5.500000e-01 : f32
      %ge3A_121 = vector.broadcast %ge3A_120 : f32 to vector<16xf32>
      %ge3A_122 = arith.cmpf oge, %gather3A, %ge3A_121 : vector<16xf32>
      %and3A_123 = arith.andi %and3A, %ge3A_122 : vector<16xi1>
      %broadcast_in_dim3A_124 = arith.constant 0 : i32
      %broadcast_in_dim3A_125 = vector.broadcast %broadcast_in_dim3A_124 : i32 to vector<16xi32>
      %gather3A_126 = tpu.vector_load_idx %arg7[%add3A_113, %broadcast_in_dim3A_125] : memref<160x46xf32, #tpu.memory_space<vmem>>[vector<16xi32>, vector<16xi32>], vector<16xf32>,
      %add3A_127 = arith.constant 1.500000e+00 : f32
      %add3A_128 = vector.broadcast %add3A_127 : f32 to vector<16xf32>
      %add3A_129 = arith.addf %gather3A_126, %add3A_128 : vector<16xf32>
      %jit3A = arith.constant 0.000000e+00 : f32
      %jit3A_130 = arith.constant 2.999000e+00 : f32
      %max3A = vector.broadcast %jit3A : f32 to vector<16xf32>
      %max3A_131 = arith.maximumf %max3A, %add3A_129 : vector<16xf32>
      %min3A_132 = vector.broadcast %jit3A_130 : f32 to vector<16xf32>
      %min3A_133 = arith.minimumf %min3A_132, %max3A_131 : vector<16xf32>
      %broadcast_in_dim3A_134 = arith.constant 2 : i32
      %broadcast_in_dim3A_135 = vector.broadcast %broadcast_in_dim3A_134 : i32 to vector<16xi32>
      %gather3A_136 = tpu.vector_load_idx %arg7[%add3A_113, %broadcast_in_dim3A_135] : memref<160x46xf32, #tpu.memory_space<vmem>>[vector<16xi32>, vector<16xi32>], vector<16xf32>,
      %add3A_137 = arith.constant 1.500000e+00 : f32
      %add3A_138 = vector.broadcast %add3A_137 : f32 to vector<16xf32>
      %add3A_139 = arith.addf %gather3A_136, %add3A_138 : vector<16xf32>
      %jit3A_140 = arith.constant 0.000000e+00 : f32
      %jit3A_141 = arith.constant 2.999000e+00 : f32
      %max3A_142 = vector.broadcast %jit3A_140 : f32 to vector<16xf32>
      %max3A_143 = arith.maximumf %max3A_142, %add3A_139 : vector<16xf32>
      %min3A_144 = vector.broadcast %jit3A_141 : f32 to vector<16xf32>
      %min3A_145 = arith.minimumf %min3A_144, %max3A_143 : vector<16xf32>
      %mul3A_146 = arith.constant 2.000000e+00 : f32
      %mul3A_147 = vector.broadcast %mul3A_146 : f32 to vector<16xf32>
      %mul3A_148 = arith.mulf %min3A_133, %mul3A_147 : vector<16xf32>
      %convert_element_type3A = arith.fptosi %mul3A_148 : vector<16xf32> to vector<16xi32>
      %mul3A_149 = arith.constant 2.000000e+00 : f32
      %mul3A_150 = vector.broadcast %mul3A_149 : f32 to vector<16xf32>
      %mul3A_151 = arith.mulf %min3A_145, %mul3A_150 : vector<16xf32>
      %convert_element_type3A_152 = arith.fptosi %mul3A_151 : vector<16xf32> to vector<16xi32>
      %convert_element_type3A_153 = arith.sitofp %convert_element_type3A : vector<16xi32> to vector<16xf32>
      %convert_element_type3A_154 = arith.sitofp %convert_element_type3A_152 : vector<16xi32> to vector<16xf32>
      %broadcast_in_dim3A_155 = arith.constant 6 : i32
      %broadcast_in_dim3A_156 = vector.broadcast %broadcast_in_dim3A_155 : i32 to vector<16xi32>
      %gather3A_157 = tpu.vector_load_idx %arg7[%add3A_113, %broadcast_in_dim3A_156] : memref<160x46xf32, #tpu.memory_space<vmem>>[vector<16xi32>, vector<16xi32>], vector<16xf32>,
      %div3A = arith.constant 6.28318548 : f32
      %div3A_158 = vector.broadcast %div3A : f32 to vector<16xf32>
      %div3A_159 = arith.divf %gather3A_157, %div3A_158 : vector<16xf32>
      %convert_element_type3A_160 = arith.fptosi %div3A_159 : vector<16xf32> to vector<16xi32>
      %convert_element_type3A_161 = arith.sitofp %convert_element_type3A_160 : vector<16xi32> to vector<16xf32>
      %mul3A_162 = arith.constant 6.28318548 : f32
      %mul3A_163 = vector.broadcast %mul3A_162 : f32 to vector<16xf32>
      %mul3A_164 = arith.mulf %convert_element_type3A_161, %mul3A_163 : vector<16xf32>
      %sub3A_165 = arith.subf %gather3A_157, %mul3A_164 : vector<16xf32>
      %lt3A_166 = arith.constant 0.000000e+00 : f32
      %lt3A_167 = vector.broadcast %lt3A_166 : f32 to vector<16xf32>
      %lt3A_168 = arith.cmpf olt, %sub3A_165, %lt3A_167 : vector<16xf32>
      %add3A_169 = arith.constant 6.28318548 : f32
      %add3A_170 = vector.broadcast %add3A_169 : f32 to vector<16xf32>
      %add3A_171 = arith.addf %sub3A_165, %add3A_170 : vector<16xf32>
      %select_n3A = arith.select %lt3A_168, %add3A_171, %sub3A_165 : vector<16xi1>, vector<16xf32>
      %add3A_172 = arith.constant 0.34906584 : f32
      %add3A_173 = vector.broadcast %add3A_172 : f32 to vector<16xf32>
      %add3A_174 = arith.addf %select_n3A, %add3A_173 : vector<16xf32>
      %div3A_175 = arith.constant 6.28318548 : f32
      %div3A_176 = vector.broadcast %div3A_175 : f32 to vector<16xf32>
      %div3A_177 = arith.divf %add3A_174, %div3A_176 : vector<16xf32>
      %convert_element_type3A_178 = arith.fptosi %div3A_177 : vector<16xf32> to vector<16xi32>
      %convert_element_type3A_179 = arith.sitofp %convert_element_type3A_178 : vector<16xi32> to vector<16xf32>
      %mul3A_180 = arith.constant 6.28318548 : f32
      %mul3A_181 = vector.broadcast %mul3A_180 : f32 to vector<16xf32>
      %mul3A_182 = arith.mulf %convert_element_type3A_179, %mul3A_181 : vector<16xf32>
      %sub3A_183 = arith.subf %add3A_174, %mul3A_182 : vector<16xf32>
      %div3A_184 = arith.constant 0.69813168 : f32
      %div3A_185 = vector.broadcast %div3A_184 : f32 to vector<16xf32>
      %div3A_186 = arith.divf %sub3A_183, %div3A_185 : vector<16xf32>
      %convert_element_type3A_187 = arith.fptosi %div3A_186 : vector<16xf32> to vector<16xi32>
      %jit3A_188 = arith.constant 0 : i32
      %jit3A_189 = arith.constant 8 : i32
      %max3A_190 = vector.broadcast %jit3A_188 : i32 to vector<16xi32>
      %max3A_191 = arith.maxsi %max3A_190, %convert_element_type3A_187 : vector<16xi32>
      %min3A_192 = vector.broadcast %jit3A_189 : i32 to vector<16xi32>
      %min3A_193 = arith.minsi %min3A_192, %max3A_191 : vector<16xi32>
      %convert_element_type3A_194 = arith.sitofp %min3A_193 : vector<16xi32> to vector<16xf32>
      %broadcast_in_dim3A_195 = arith.constant 0.000000e+00 : f32
      %broadcast_in_dim3A_196 = vector.broadcast %broadcast_in_dim3A_195 : f32 to vector<16xf32>
      %broadcast_in_dim3A_197 = arith.constant 0 : i32
      %broadcast_in_dim3A_198 = vector.broadcast %broadcast_in_dim3A_197 : i32 to vector<16xi32>
      %gather3A_199 = tpu.vector_load_idx %arg6[%add3A_113, %broadcast_in_dim3A_198] : memref<160x46xf32, #tpu.memory_space<vmem>>[vector<16xi32>, vector<16xi32>], vector<16xf32>,
      %exp3A = math.exp %gather3A_199 : vector<16xf32>
      %add3A_200 = arith.addf %broadcast_in_dim3A_196, %exp3A : vector<16xf32>
      %broadcast_in_dim3A_201 = arith.constant 1 : i32
      %broadcast_in_dim3A_202 = vector.broadcast %broadcast_in_dim3A_201 : i32 to vector<16xi32>
      %gather3A_203 = tpu.vector_load_idx %arg6[%add3A_113, %broadcast_in_dim3A_202] : memref<160x46xf32, #tpu.memory_space<vmem>>[vector<16xi32>, vector<16xi32>], vector<16xf32>,
      %exp3A_204 = math.exp %gather3A_203 : vector<16xf32>
      %add3A_205 = arith.addf %add3A_200, %exp3A_204 : vector<16xf32>
      %broadcast_in_dim3A_206 = arith.constant 2 : i32
      %broadcast_in_dim3A_207 = vector.broadcast %broadcast_in_dim3A_206 : i32 to vector<16xi32>
      %gather3A_208 = tpu.vector_load_idx %arg6[%add3A_113, %broadcast_in_dim3A_207] : memref<160x46xf32, #tpu.memory_space<vmem>>[vector<16xi32>, vector<16xi32>], vector<16xf32>,
      %exp3A_209 = math.exp %gather3A_208 : vector<16xf32>
      %add3A_210 = arith.addf %add3A_205, %exp3A_209 : vector<16xf32>
      %broadcast_in_dim3A_211 = arith.constant 3 : i32
      %broadcast_in_dim3A_212 = vector.broadcast %broadcast_in_dim3A_211 : i32 to vector<16xi32>
      %gather3A_213 = tpu.vector_load_idx %arg6[%add3A_113, %broadcast_in_dim3A_212] : memref<160x46xf32, #tpu.memory_space<vmem>>[vector<16xi32>, vector<16xi32>], vector<16xf32>,
      %exp3A_214 = math.exp %gather3A_213 : vector<16xf32>
      %add3A_215 = arith.addf %add3A_210, %exp3A_214 : vector<16xf32>
      %broadcast_in_dim3A_216 = arith.constant 4 : i32
      %broadcast_in_dim3A_217 = vector.broadcast %broadcast_in_dim3A_216 : i32 to vector<16xi32>
      %gather3A_218 = tpu.vector_load_idx %arg6[%add3A_113, %broadcast_in_dim3A_217] : memref<160x46xf32, #tpu.memory_space<vmem>>[vector<16xi32>, vector<16xi32>], vector<16xf32>,
      %exp3A_219 = math.exp %gather3A_218 : vector<16xf32>
      %add3A_220 = arith.addf %add3A_215, %exp3A_219 : vector<16xf32>
      %broadcast_in_dim3A_221 = arith.constant 5 : i32
      %broadcast_in_dim3A_222 = vector.broadcast %broadcast_in_dim3A_221 : i32 to vector<16xi32>
      %gather3A_223 = tpu.vector_load_idx %arg6[%add3A_113, %broadcast_in_dim3A_222] : memref<160x46xf32, #tpu.memory_space<vmem>>[vector<16xi32>, vector<16xi32>], vector<16xf32>,
      %exp3A_224 = math.exp %gather3A_223 : vector<16xf32>
      %add3A_225 = arith.addf %add3A_220, %exp3A_224 : vector<16xf32>
      %broadcast_in_dim3A_226 = arith.constant 6 : i32
      %broadcast_in_dim3A_227 = vector.broadcast %broadcast_in_dim3A_226 : i32 to vector<16xi32>
      %gather3A_228 = tpu.vector_load_idx %arg6[%add3A_113, %broadcast_in_dim3A_227] : memref<160x46xf32, #tpu.memory_space<vmem>>[vector<16xi32>, vector<16xi32>], vector<16xf32>,
      %exp3A_229 = math.exp %gather3A_228 : vector<16xf32>
      %add3A_230 = arith.addf %broadcast_in_dim3A_196, %exp3A_229 : vector<16xf32>
      %broadcast_in_dim3A_231 = arith.constant 7 : i32
      %broadcast_in_dim3A_232 = vector.broadcast %broadcast_in_dim3A_231 : i32 to vector<16xi32>
      %gather3A_233 = tpu.vector_load_idx %arg6[%add3A_113, %broadcast_in_dim3A_232] : memref<160x46xf32, #tpu.memory_space<vmem>>[vector<16xi32>, vector<16xi32>], vector<16xf32>,
      %exp3A_234 = math.exp %gather3A_233 : vector<16xf32>
      %add3A_235 = arith.addf %add3A_230, %exp3A_234 : vector<16xf32>
      %broadcast_in_dim3A_236 = arith.constant 8 : i32
      %broadcast_in_dim3A_237 = vector.broadcast %broadcast_in_dim3A_236 : i32 to vector<16xi32>
      %gather3A_238 = tpu.vector_load_idx %arg6[%add3A_113, %broadcast_in_dim3A_237] : memref<160x46xf32, #tpu.memory_space<vmem>>[vector<16xi32>, vector<16xi32>], vector<16xf32>,
      %exp3A_239 = math.exp %gather3A_238 : vector<16xf32>
      %add3A_240 = arith.addf %add3A_235, %exp3A_239 : vector<16xf32>
      %broadcast_in_dim3A_241 = arith.constant 9 : i32
      %broadcast_in_dim3A_242 = vector.broadcast %broadcast_in_dim3A_241 : i32 to vector<16xi32>
      %gather3A_243 = tpu.vector_load_idx %arg6[%add3A_113, %broadcast_in_dim3A_242] : memref<160x46xf32, #tpu.memory_space<vmem>>[vector<16xi32>, vector<16xi32>], vector<16xf32>,
      %exp3A_244 = math.exp %gather3A_243 : vector<16xf32>
      %add3A_245 = arith.addf %add3A_240, %exp3A_244 : vector<16xf32>
      %broadcast_in_dim3A_246 = arith.constant 10 : i32
      %broadcast_in_dim3A_247 = vector.broadcast %broadcast_in_dim3A_246 : i32 to vector<16xi32>
      %gather3A_248 = tpu.vector_load_idx %arg6[%add3A_113, %broadcast_in_dim3A_247] : memref<160x46xf32, #tpu.memory_space<vmem>>[vector<16xi32>, vector<16xi32>], vector<16xf32>,
      %exp3A_249 = math.exp %gather3A_248 : vector<16xf32>
      %add3A_250 = arith.addf %add3A_245, %exp3A_249 : vector<16xf32>
      %broadcast_in_dim3A_251 = arith.constant 11 : i32
      %broadcast_in_dim3A_252 = vector.broadcast %broadcast_in_dim3A_251 : i32 to vector<16xi32>
      %gather3A_253 = tpu.vector_load_idx %arg6[%add3A_113, %broadcast_in_dim3A_252] : memref<160x46xf32, #tpu.memory_space<vmem>>[vector<16xi32>, vector<16xi32>], vector<16xf32>,
      %exp3A_254 = math.exp %gather3A_253 : vector<16xf32>
      %add3A_255 = arith.addf %add3A_250, %exp3A_254 : vector<16xf32>
      %broadcast_in_dim3A_256 = arith.constant 25 : i32
      %broadcast_in_dim3A_257 = vector.broadcast %broadcast_in_dim3A_256 : i32 to vector<16xi32>
      %gather3A_258 = tpu.vector_load_idx %arg6[%add3A_113, %broadcast_in_dim3A_257] : memref<160x46xf32, #tpu.memory_space<vmem>>[vector<16xi32>, vector<16xi32>], vector<16xf32>,
      %exp3A_259 = math.exp %gather3A_258 : vector<16xf32>
      %add3A_260 = arith.addf %broadcast_in_dim3A_196, %exp3A_259 : vector<16xf32>
      %broadcast_in_dim3A_261 = arith.constant 26 : i32
      %broadcast_in_dim3A_262 = vector.broadcast %broadcast_in_dim3A_261 : i32 to vector<16xi32>
      %gather3A_263 = tpu.vector_load_idx %arg6[%add3A_113, %broadcast_in_dim3A_262] : memref<160x46xf32, #tpu.memory_space<vmem>>[vector<16xi32>, vector<16xi32>], vector<16xf32>,
      %exp3A_264 = math.exp %gather3A_263 : vector<16xf32>
      %add3A_265 = arith.addf %add3A_260, %exp3A_264 : vector<16xf32>
      %broadcast_in_dim3A_266 = arith.constant 27 : i32
      %broadcast_in_dim3A_267 = vector.broadcast %broadcast_in_dim3A_266 : i32 to vector<16xi32>
      %gather3A_268 = tpu.vector_load_idx %arg6[%add3A_113, %broadcast_in_dim3A_267] : memref<160x46xf32, #tpu.memory_space<vmem>>[vector<16xi32>, vector<16xi32>], vector<16xf32>,
      %exp3A_269 = math.exp %gather3A_268 : vector<16xf32>
      %add3A_270 = arith.addf %add3A_265, %exp3A_269 : vector<16xf32>
      %broadcast_in_dim3A_271 = arith.constant 28 : i32
      %broadcast_in_dim3A_272 = vector.broadcast %broadcast_in_dim3A_271 : i32 to vector<16xi32>
      %gather3A_273 = tpu.vector_load_idx %arg6[%add3A_113, %broadcast_in_dim3A_272] : memref<160x46xf32, #tpu.memory_space<vmem>>[vector<16xi32>, vector<16xi32>], vector<16xf32>,
      %exp3A_274 = math.exp %gather3A_273 : vector<16xf32>
      %add3A_275 = arith.addf %add3A_270, %exp3A_274 : vector<16xf32>
      %broadcast_in_dim3A_276 = arith.constant 29 : i32
      %broadcast_in_dim3A_277 = vector.broadcast %broadcast_in_dim3A_276 : i32 to vector<16xi32>
      %gather3A_278 = tpu.vector_load_idx %arg6[%add3A_113, %broadcast_in_dim3A_277] : memref<160x46xf32, #tpu.memory_space<vmem>>[vector<16xi32>, vector<16xi32>], vector<16xf32>,
      %exp3A_279 = math.exp %gather3A_278 : vector<16xf32>
      %add3A_280 = arith.addf %add3A_275, %exp3A_279 : vector<16xf32>
      %broadcast_in_dim3A_281 = arith.constant 30 : i32
      %broadcast_in_dim3A_282 = vector.broadcast %broadcast_in_dim3A_281 : i32 to vector<16xi32>
      %gather3A_283 = tpu.vector_load_idx %arg6[%add3A_113, %broadcast_in_dim3A_282] : memref<160x46xf32, #tpu.memory_space<vmem>>[vector<16xi32>, vector<16xi32>], vector<16xf32>,
      %exp3A_284 = math.exp %gather3A_283 : vector<16xf32>
      %add3A_285 = arith.addf %add3A_280, %exp3A_284 : vector<16xf32>
      %broadcast_in_dim3A_286 = arith.constant 31 : i32
      %broadcast_in_dim3A_287 = vector.broadcast %broadcast_in_dim3A_286 : i32 to vector<16xi32>
      %gather3A_288 = tpu.vector_load_idx %arg6[%add3A_113, %broadcast_in_dim3A_287] : memref<160x46xf32, #tpu.memory_space<vmem>>[vector<16xi32>, vector<16xi32>], vector<16xf32>,
      %exp3A_289 = math.exp %gather3A_288 : vector<16xf32>
      %add3A_290 = arith.addf %add3A_285, %exp3A_289 : vector<16xf32>
      %broadcast_in_dim3A_291 = arith.constant 32 : i32
      %broadcast_in_dim3A_292 = vector.broadcast %broadcast_in_dim3A_291 : i32 to vector<16xi32>
      %gather3A_293 = tpu.vector_load_idx %arg6[%add3A_113, %broadcast_in_dim3A_292] : memref<160x46xf32, #tpu.memory_space<vmem>>[vector<16xi32>, vector<16xi32>], vector<16xf32>,
      %exp3A_294 = math.exp %gather3A_293 : vector<16xf32>
      %add3A_295 = arith.addf %add3A_290, %exp3A_294 : vector<16xf32>
      %broadcast_in_dim3A_296 = arith.constant 33 : i32
      %broadcast_in_dim3A_297 = vector.broadcast %broadcast_in_dim3A_296 : i32 to vector<16xi32>
      %gather3A_298 = tpu.vector_load_idx %arg6[%add3A_113, %broadcast_in_dim3A_297] : memref<160x46xf32, #tpu.memory_space<vmem>>[vector<16xi32>, vector<16xi32>], vector<16xf32>,
      %exp3A_299 = math.exp %gather3A_298 : vector<16xf32>
      %add3A_300 = arith.addf %add3A_295, %exp3A_299 : vector<16xf32>
      %add3A_301 = arith.constant 0 : i32
      %add3A_302 = vector.broadcast %add3A_301 : i32 to vector<16xi32>
      %add3A_303 = arith.addi %convert_element_type3A, %add3A_302 : vector<16xi32>
      %gather3A_304 = tpu.vector_load_idx %arg6[%add3A_113, %add3A_303] : memref<160x46xf32, #tpu.memory_space<vmem>>[vector<16xi32>, vector<16xi32>], vector<16xf32>,
      %add3A_305 = arith.constant 6 : i32
      %add3A_306 = vector.broadcast %add3A_305 : i32 to vector<16xi32>
      %add3A_307 = arith.addi %convert_element_type3A_152, %add3A_306 : vector<16xi32>
      %gather3A_308 = tpu.vector_load_idx %arg6[%add3A_113, %add3A_307] : memref<160x46xf32, #tpu.memory_space<vmem>>[vector<16xi32>, vector<16xi32>], vector<16xf32>,
      %add3A_309 = arith.constant 25 : i32
      %add3A_310 = vector.broadcast %add3A_309 : i32 to vector<16xi32>
      %add3A_311 = arith.addi %min3A_193, %add3A_310 : vector<16xi32>
      %gather3A_312 = tpu.vector_load_idx %arg6[%add3A_113, %add3A_311] : memref<160x46xf32, #tpu.memory_space<vmem>>[vector<16xi32>, vector<16xi32>], vector<16xf32>,
      %bitcast3A = vector.bitcast %add3A_225 : vector<16xf32> to vector<16xi32>
      %shift_right_arithmetic3A = arith.constant 23 : i32
      %shift_right_arithmetic3A_313 = vector.broadcast %shift_right_arithmetic3A : i32 to vector<16xi32>
      %shift_right_arithmetic3A_314 = arith.shrsi %bitcast3A, %shift_right_arithmetic3A_313 : vector<16xi32>
      %sub3A_315 = arith.constant 127 : i32
      %sub3A_316 = vector.broadcast %sub3A_315 : i32 to vector<16xi32>
      %sub3A_317 = arith.subi %shift_right_arithmetic3A_314, %sub3A_316 : vector<16xi32>
      %and3A_318 = arith.constant 8388607 : i32
      %and3A_319 = vector.broadcast %and3A_318 : i32 to vector<16xi32>
      %and3A_320 = arith.andi %bitcast3A, %and3A_319 : vector<16xi32>
      %or3A = arith.constant 1065353216 : i32
      %or3A_321 = vector.broadcast %or3A : i32 to vector<16xi32>
      %or3A_322 = arith.ori %and3A_320, %or3A_321 : vector<16xi32>
      %bitcast3A_323 = vector.bitcast %or3A_322 : vector<16xi32> to vector<16xf32>
      %sub3A_324 = arith.constant 1.000000e+00 : f32
      %sub3A_325 = vector.broadcast %sub3A_324 : f32 to vector<16xf32>
      %sub3A_326 = arith.subf %bitcast3A_323, %sub3A_325 : vector<16xf32>
      %add3A_327 = arith.constant 1.000000e+00 : f32
      %add3A_328 = vector.broadcast %add3A_327 : f32 to vector<16xf32>
      %add3A_329 = arith.addf %bitcast3A_323, %add3A_328 : vector<16xf32>
      %div3A_330 = arith.divf %sub3A_326, %add3A_329 : vector<16xf32>
      %mul3A_331 = arith.mulf %div3A_330, %div3A_330 : vector<16xf32>
      %mul3A_332 = arith.constant 2.000000e+00 : f32
      %mul3A_333 = vector.broadcast %mul3A_332 : f32 to vector<16xf32>
      %mul3A_334 = arith.mulf %mul3A_333, %div3A_330 : vector<16xf32>
      %mul3A_335 = arith.constant 0.142857149 : f32
      %mul3A_336 = vector.broadcast %mul3A_335 : f32 to vector<16xf32>
      %mul3A_337 = arith.mulf %mul3A_331, %mul3A_336 : vector<16xf32>
      %add3A_338 = arith.constant 2.000000e-01 : f32
      %add3A_339 = vector.broadcast %add3A_338 : f32 to vector<16xf32>
      %add3A_340 = arith.addf %add3A_339, %mul3A_337 : vector<16xf32>
      %mul3A_341 = arith.mulf %mul3A_331, %add3A_340 : vector<16xf32>
      %add3A_342 = arith.constant 0.333333343 : f32
      %add3A_343 = vector.broadcast %add3A_342 : f32 to vector<16xf32>
      %add3A_344 = arith.addf %add3A_343, %mul3A_341 : vector<16xf32>
      %mul3A_345 = arith.mulf %mul3A_331, %add3A_344 : vector<16xf32>
      %add3A_346 = arith.constant 1.000000e+00 : f32
      %add3A_347 = vector.broadcast %add3A_346 : f32 to vector<16xf32>
      %add3A_348 = arith.addf %add3A_347, %mul3A_345 : vector<16xf32>
      %mul3A_349 = arith.mulf %mul3A_334, %add3A_348 : vector<16xf32>
      %convert_element_type3A_350 = arith.sitofp %sub3A_317 : vector<16xi32> to vector<16xf32>
      %mul3A_351 = arith.constant 0.693147182 : f32
      %mul3A_352 = vector.broadcast %mul3A_351 : f32 to vector<16xf32>
      %mul3A_353 = arith.mulf %convert_element_type3A_350, %mul3A_352 : vector<16xf32>
      %add3A_354 = arith.addf %mul3A_353, %mul3A_349 : vector<16xf32>
      %bitcast3A_355 = vector.bitcast %add3A_255 : vector<16xf32> to vector<16xi32>
      %shift_right_arithmetic3A_356 = arith.constant 23 : i32
      %shift_right_arithmetic3A_357 = vector.broadcast %shift_right_arithmetic3A_356 : i32 to vector<16xi32>
      %shift_right_arithmetic3A_358 = arith.shrsi %bitcast3A_355, %shift_right_arithmetic3A_357 : vector<16xi32>
      %sub3A_359 = arith.constant 127 : i32
      %sub3A_360 = vector.broadcast %sub3A_359 : i32 to vector<16xi32>
      %sub3A_361 = arith.subi %shift_right_arithmetic3A_358, %sub3A_360 : vector<16xi32>
      %and3A_362 = arith.constant 8388607 : i32
      %and3A_363 = vector.broadcast %and3A_362 : i32 to vector<16xi32>
      %and3A_364 = arith.andi %bitcast3A_355, %and3A_363 : vector<16xi32>
      %or3A_365 = arith.constant 1065353216 : i32
      %or3A_366 = vector.broadcast %or3A_365 : i32 to vector<16xi32>
      %or3A_367 = arith.ori %and3A_364, %or3A_366 : vector<16xi32>
      %bitcast3A_368 = vector.bitcast %or3A_367 : vector<16xi32> to vector<16xf32>
      %sub3A_369 = arith.constant 1.000000e+00 : f32
      %sub3A_370 = vector.broadcast %sub3A_369 : f32 to vector<16xf32>
      %sub3A_371 = arith.subf %bitcast3A_368, %sub3A_370 : vector<16xf32>
      %add3A_372 = arith.constant 1.000000e+00 : f32
      %add3A_373 = vector.broadcast %add3A_372 : f32 to vector<16xf32>
      %add3A_374 = arith.addf %bitcast3A_368, %add3A_373 : vector<16xf32>
      %div3A_375 = arith.divf %sub3A_371, %add3A_374 : vector<16xf32>
      %mul3A_376 = arith.mulf %div3A_375, %div3A_375 : vector<16xf32>
      %mul3A_377 = arith.constant 2.000000e+00 : f32
      %mul3A_378 = vector.broadcast %mul3A_377 : f32 to vector<16xf32>
      %mul3A_379 = arith.mulf %mul3A_378, %div3A_375 : vector<16xf32>
      %mul3A_380 = arith.constant 0.142857149 : f32
      %mul3A_381 = vector.broadcast %mul3A_380 : f32 to vector<16xf32>
      %mul3A_382 = arith.mulf %mul3A_376, %mul3A_381 : vector<16xf32>
      %add3A_383 = arith.constant 2.000000e-01 : f32
      %add3A_384 = vector.broadcast %add3A_383 : f32 to vector<16xf32>
      %add3A_385 = arith.addf %add3A_384, %mul3A_382 : vector<16xf32>
      %mul3A_386 = arith.mulf %mul3A_376, %add3A_385 : vector<16xf32>
      %add3A_387 = arith.constant 0.333333343 : f32
      %add3A_388 = vector.broadcast %add3A_387 : f32 to vector<16xf32>
      %add3A_389 = arith.addf %add3A_388, %mul3A_386 : vector<16xf32>
      %mul3A_390 = arith.mulf %mul3A_376, %add3A_389 : vector<16xf32>
      %add3A_391 = arith.constant 1.000000e+00 : f32
      %add3A_392 = vector.broadcast %add3A_391 : f32 to vector<16xf32>
      %add3A_393 = arith.addf %add3A_392, %mul3A_390 : vector<16xf32>
      %mul3A_394 = arith.mulf %mul3A_379, %add3A_393 : vector<16xf32>
      %convert_element_type3A_395 = arith.sitofp %sub3A_361 : vector<16xi32> to vector<16xf32>
      %mul3A_396 = arith.constant 0.693147182 : f32
      %mul3A_397 = vector.broadcast %mul3A_396 : f32 to vector<16xf32>
      %mul3A_398 = arith.mulf %convert_element_type3A_395, %mul3A_397 : vector<16xf32>
      %add3A_399 = arith.addf %mul3A_398, %mul3A_394 : vector<16xf32>
      %add3A_400 = arith.addf %add3A_354, %add3A_399 : vector<16xf32>
      %bitcast3A_401 = vector.bitcast %add3A_300 : vector<16xf32> to vector<16xi32>
      %shift_right_arithmetic3A_402 = arith.constant 23 : i32
      %shift_right_arithmetic3A_403 = vector.broadcast %shift_right_arithmetic3A_402 : i32 to vector<16xi32>
      %shift_right_arithmetic3A_404 = arith.shrsi %bitcast3A_401, %shift_right_arithmetic3A_403 : vector<16xi32>
      %sub3A_405 = arith.constant 127 : i32
      %sub3A_406 = vector.broadcast %sub3A_405 : i32 to vector<16xi32>
      %sub3A_407 = arith.subi %shift_right_arithmetic3A_404, %sub3A_406 : vector<16xi32>
      %and3A_408 = arith.constant 8388607 : i32
      %and3A_409 = vector.broadcast %and3A_408 : i32 to vector<16xi32>
      %and3A_410 = arith.andi %bitcast3A_401, %and3A_409 : vector<16xi32>
      %or3A_411 = arith.constant 1065353216 : i32
      %or3A_412 = vector.broadcast %or3A_411 : i32 to vector<16xi32>
      %or3A_413 = arith.ori %and3A_410, %or3A_412 : vector<16xi32>
      %bitcast3A_414 = vector.bitcast %or3A_413 : vector<16xi32> to vector<16xf32>
      %sub3A_415 = arith.constant 1.000000e+00 : f32
      %sub3A_416 = vector.broadcast %sub3A_415 : f32 to vector<16xf32>
      %sub3A_417 = arith.subf %bitcast3A_414, %sub3A_416 : vector<16xf32>
      %add3A_418 = arith.constant 1.000000e+00 : f32
      %add3A_419 = vector.broadcast %add3A_418 : f32 to vector<16xf32>
      %add3A_420 = arith.addf %bitcast3A_414, %add3A_419 : vector<16xf32>
      %div3A_421 = arith.divf %sub3A_417, %add3A_420 : vector<16xf32>
      %mul3A_422 = arith.mulf %div3A_421, %div3A_421 : vector<16xf32>
      %mul3A_423 = arith.constant 2.000000e+00 : f32
      %mul3A_424 = vector.broadcast %mul3A_423 : f32 to vector<16xf32>
      %mul3A_425 = arith.mulf %mul3A_424, %div3A_421 : vector<16xf32>
      %mul3A_426 = arith.constant 0.142857149 : f32
      %mul3A_427 = vector.broadcast %mul3A_426 : f32 to vector<16xf32>
      %mul3A_428 = arith.mulf %mul3A_422, %mul3A_427 : vector<16xf32>
      %add3A_429 = arith.constant 2.000000e-01 : f32
      %add3A_430 = vector.broadcast %add3A_429 : f32 to vector<16xf32>
      %add3A_431 = arith.addf %add3A_430, %mul3A_428 : vector<16xf32>
      %mul3A_432 = arith.mulf %mul3A_422, %add3A_431 : vector<16xf32>
      %add3A_433 = arith.constant 0.333333343 : f32
      %add3A_434 = vector.broadcast %add3A_433 : f32 to vector<16xf32>
      %add3A_435 = arith.addf %add3A_434, %mul3A_432 : vector<16xf32>
      %mul3A_436 = arith.mulf %mul3A_422, %add3A_435 : vector<16xf32>
      %add3A_437 = arith.constant 1.000000e+00 : f32
      %add3A_438 = vector.broadcast %add3A_437 : f32 to vector<16xf32>
      %add3A_439 = arith.addf %add3A_438, %mul3A_436 : vector<16xf32>
      %mul3A_440 = arith.mulf %mul3A_425, %add3A_439 : vector<16xf32>
      %convert_element_type3A_441 = arith.sitofp %sub3A_407 : vector<16xi32> to vector<16xf32>
      %mul3A_442 = arith.constant 0.693147182 : f32
      %mul3A_443 = vector.broadcast %mul3A_442 : f32 to vector<16xf32>
      %mul3A_444 = arith.mulf %convert_element_type3A_441, %mul3A_443 : vector<16xf32>
      %add3A_445 = arith.addf %mul3A_444, %mul3A_440 : vector<16xf32>
      %add3A_446 = arith.addf %add3A_400, %add3A_445 : vector<16xf32>
      %sub3A_447 = arith.subf %add3A_446, %gather3A_304 : vector<16xf32>
      %sub3A_448 = arith.subf %sub3A_447, %gather3A_308 : vector<16xf32>
      %sub3A_449 = arith.subf %sub3A_448, %gather3A_312 : vector<16xf32>
      %mul3A_450 = arith.constant 5.000000e-01 : f32
      %mul3A_451 = vector.broadcast %mul3A_450 : f32 to vector<16xf32>
      %mul3A_452 = arith.mulf %convert_element_type3A_153, %mul3A_451 : vector<16xf32>
      %add3A_453 = arith.constant 2.500000e-01 : f32
      %add3A_454 = vector.broadcast %add3A_453 : f32 to vector<16xf32>
      %add3A_455 = arith.addf %mul3A_452, %add3A_454 : vector<16xf32>
      %sub3A_456 = arith.subf %min3A_133, %add3A_455 : vector<16xf32>
      %mul3A_457 = arith.constant 2.000000e+00 : f32
      %mul3A_458 = vector.broadcast %mul3A_457 : f32 to vector<16xf32>
      %mul3A_459 = arith.mulf %sub3A_456, %mul3A_458 : vector<16xf32>
      %mul3A_460 = arith.constant 5.000000e-01 : f32
      %mul3A_461 = vector.broadcast %mul3A_460 : f32 to vector<16xf32>
      %mul3A_462 = arith.mulf %convert_element_type3A_154, %mul3A_461 : vector<16xf32>
      %add3A_463 = arith.constant 2.500000e-01 : f32
      %add3A_464 = vector.broadcast %add3A_463 : f32 to vector<16xf32>
      %add3A_465 = arith.addf %mul3A_462, %add3A_464 : vector<16xf32>
      %sub3A_466 = arith.subf %min3A_145, %add3A_465 : vector<16xf32>
      %mul3A_467 = arith.constant 2.000000e+00 : f32
      %mul3A_468 = vector.broadcast %mul3A_467 : f32 to vector<16xf32>
      %mul3A_469 = arith.mulf %sub3A_466, %mul3A_468 : vector<16xf32>
      %mul3A_470 = arith.constant 0.69813168 : f32
      %mul3A_471 = vector.broadcast %mul3A_470 : f32 to vector<16xf32>
      %mul3A_472 = arith.mulf %convert_element_type3A_194, %mul3A_471 : vector<16xf32>
      %add3A_473 = arith.constant 0.34906584 : f32
      %add3A_474 = vector.broadcast %add3A_473 : f32 to vector<16xf32>
      %add3A_475 = arith.addf %mul3A_472, %add3A_474 : vector<16xf32>
      %sub3A_476 = arith.subf %sub3A_183, %add3A_475 : vector<16xf32>
      %div3A_477 = arith.constant 0.34906584 : f32
      %div3A_478 = vector.broadcast %div3A_477 : f32 to vector<16xf32>
      %div3A_479 = arith.divf %sub3A_476, %div3A_478 : vector<16xf32>
      %add3A_480 = arith.constant 12 : i32
      %add3A_481 = vector.broadcast %add3A_480 : i32 to vector<16xi32>
      %add3A_482 = arith.addi %convert_element_type3A, %add3A_481 : vector<16xi32>
      %gather3A_483 = tpu.vector_load_idx %arg6[%add3A_113, %add3A_482] : memref<160x46xf32, #tpu.memory_space<vmem>>[vector<16xi32>, vector<16xi32>], vector<16xf32>,
      %add3A_484 = arith.constant 18 : i32
      %add3A_485 = vector.broadcast %add3A_484 : i32 to vector<16xi32>
      %add3A_486 = arith.addi %convert_element_type3A_152, %add3A_485 : vector<16xi32>
      %gather3A_487 = tpu.vector_load_idx %arg6[%add3A_113, %add3A_486] : memref<160x46xf32, #tpu.memory_space<vmem>>[vector<16xi32>, vector<16xi32>], vector<16xf32>,
      %add3A_488 = arith.constant 34 : i32
      %add3A_489 = vector.broadcast %add3A_488 : i32 to vector<16xi32>
      %add3A_490 = arith.addi %min3A_193, %add3A_489 : vector<16xi32>
      %gather3A_491 = tpu.vector_load_idx %arg6[%add3A_113, %add3A_490] : memref<160x46xf32, #tpu.memory_space<vmem>>[vector<16xi32>, vector<16xi32>], vector<16xf32>,
      %sub3A_492 = arith.subf %gather3A_483, %mul3A_459 : vector<16xf32>
      %abs3A = math.absf %sub3A_492 : vector<16xf32>
      %lt3A_493 = arith.constant 1.000000e+00 : f32
      %lt3A_494 = vector.broadcast %lt3A_493 : f32 to vector<16xf32>
      %lt3A_495 = arith.cmpf olt, %abs3A, %lt3A_494 : vector<16xf32>
      %mul3A_496 = arith.constant 5.000000e-01 : f32
      %mul3A_497 = vector.broadcast %mul3A_496 : f32 to vector<16xf32>
      %mul3A_498 = arith.mulf %mul3A_497, %sub3A_492 : vector<16xf32>
      %mul3A_499 = arith.mulf %mul3A_498, %sub3A_492 : vector<16xf32>
      %sub3A_500 = arith.constant 5.000000e-01 : f32
      %sub3A_501 = vector.broadcast %sub3A_500 : f32 to vector<16xf32>
      %sub3A_502 = arith.subf %abs3A, %sub3A_501 : vector<16xf32>
      %select_n3A_503 = arith.select %lt3A_495, %mul3A_499, %sub3A_502 : vector<16xi1>, vector<16xf32>
      %sub3A_504 = arith.subf %gather3A_487, %mul3A_469 : vector<16xf32>
      %abs3A_505 = math.absf %sub3A_504 : vector<16xf32>
      %lt3A_506 = arith.constant 1.000000e+00 : f32
      %lt3A_507 = vector.broadcast %lt3A_506 : f32 to vector<16xf32>
      %lt3A_508 = arith.cmpf olt, %abs3A_505, %lt3A_507 : vector<16xf32>
      %mul3A_509 = arith.constant 5.000000e-01 : f32
      %mul3A_510 = vector.broadcast %mul3A_509 : f32 to vector<16xf32>
      %mul3A_511 = arith.mulf %mul3A_510, %sub3A_504 : vector<16xf32>
      %mul3A_512 = arith.mulf %mul3A_511, %sub3A_504 : vector<16xf32>
      %sub3A_513 = arith.constant 5.000000e-01 : f32
      %sub3A_514 = vector.broadcast %sub3A_513 : f32 to vector<16xf32>
      %sub3A_515 = arith.subf %abs3A_505, %sub3A_514 : vector<16xf32>
      %select_n3A_516 = arith.select %lt3A_508, %mul3A_512, %sub3A_515 : vector<16xi1>, vector<16xf32>
      %add3A_517 = arith.addf %select_n3A_503, %select_n3A_516 : vector<16xf32>
      %broadcast_in_dim3A_518 = arith.constant 24 : i32
      %broadcast_in_dim3A_519 = vector.broadcast %broadcast_in_dim3A_518 : i32 to vector<16xi32>
      %gather3A_520 = tpu.vector_load_idx %arg6[%add3A_113, %broadcast_in_dim3A_519] : memref<160x46xf32, #tpu.memory_space<vmem>>[vector<16xi32>, vector<16xi32>], vector<16xf32>,
      %broadcast_in_dim3A_521 = arith.constant 1 : i32
      %broadcast_in_dim3A_522 = vector.broadcast %broadcast_in_dim3A_521 : i32 to vector<16xi32>
      %gather3A_523 = tpu.vector_load_idx %arg7[%add3A_113, %broadcast_in_dim3A_522] : memref<160x46xf32, #tpu.memory_space<vmem>>[vector<16xi32>, vector<16xi32>], vector<16xf32>,
      %sub3A_524 = arith.subf %gather3A_520, %gather3A_523 : vector<16xf32>
      %abs3A_525 = math.absf %sub3A_524 : vector<16xf32>
      %lt3A_526 = arith.constant 1.000000e+00 : f32
      %lt3A_527 = vector.broadcast %lt3A_526 : f32 to vector<16xf32>
      %lt3A_528 = arith.cmpf olt, %abs3A_525, %lt3A_527 : vector<16xf32>
      %mul3A_529 = arith.constant 5.000000e-01 : f32
      %mul3A_530 = vector.broadcast %mul3A_529 : f32 to vector<16xf32>
      %mul3A_531 = arith.mulf %mul3A_530, %sub3A_524 : vector<16xf32>
      %mul3A_532 = arith.mulf %mul3A_531, %sub3A_524 : vector<16xf32>
      %sub3A_533 = arith.constant 5.000000e-01 : f32
      %sub3A_534 = vector.broadcast %sub3A_533 : f32 to vector<16xf32>
      %sub3A_535 = arith.subf %abs3A_525, %sub3A_534 : vector<16xf32>
      %select_n3A_536 = arith.select %lt3A_528, %mul3A_532, %sub3A_535 : vector<16xi1>, vector<16xf32>
      %add3A_537 = arith.addf %add3A_517, %select_n3A_536 : vector<16xf32>
      %sub3A_538 = arith.subf %gather3A_491, %div3A_479 : vector<16xf32>
      %abs3A_539 = math.absf %sub3A_538 : vector<16xf32>
      %lt3A_540 = arith.constant 1.000000e+00 : f32
      %lt3A_541 = vector.broadcast %lt3A_540 : f32 to vector<16xf32>
      %lt3A_542 = arith.cmpf olt, %abs3A_539, %lt3A_541 : vector<16xf32>
      %mul3A_543 = arith.constant 5.000000e-01 : f32
      %mul3A_544 = vector.broadcast %mul3A_543 : f32 to vector<16xf32>
      %mul3A_545 = arith.mulf %mul3A_544, %sub3A_538 : vector<16xf32>
      %mul3A_546 = arith.mulf %mul3A_545, %sub3A_538 : vector<16xf32>
      %sub3A_547 = arith.constant 5.000000e-01 : f32
      %sub3A_548 = vector.broadcast %sub3A_547 : f32 to vector<16xf32>
      %sub3A_549 = arith.subf %abs3A_539, %sub3A_548 : vector<16xf32>
      %select_n3A_550 = arith.select %lt3A_542, %mul3A_546, %sub3A_549 : vector<16xi1>, vector<16xf32>
      %add3A_551 = arith.addf %add3A_537, %select_n3A_550 : vector<16xf32>
      %broadcast_in_dim3A_552 = arith.constant 3 : i32
      %broadcast_in_dim3A_553 = vector.broadcast %broadcast_in_dim3A_552 : i32 to vector<16xi32>
      %gather3A_554 = tpu.vector_load_idx %arg6[%add3A_113, %broadcast_in_dim3A_553] : memref<160x46xf32, #tpu.memory_space<vmem>>[vector<16xi32>, vector<16xi32>], vector<16xf32>,
      %broadcast_in_dim3A_555 = arith.constant 43 : i32
      %broadcast_in_dim3A_556 = vector.broadcast %broadcast_in_dim3A_555 : i32 to vector<16xi32>
      %gather3A_557 = tpu.vector_load_idx %arg7[%add3A_113, %broadcast_in_dim3A_556] : memref<160x46xf32, #tpu.memory_space<vmem>>[vector<16xi32>, vector<16xi32>], vector<16xf32>,
      %broadcast_in_dim3A_558 = arith.constant 3 : i32
      %broadcast_in_dim3A_559 = vector.broadcast %broadcast_in_dim3A_558 : i32 to vector<16xi32>
      %gather3A_560 = tpu.vector_load_idx %arg7[%add3A_113, %broadcast_in_dim3A_559] : memref<160x46xf32, #tpu.memory_space<vmem>>[vector<16xi32>, vector<16xi32>], vector<16xf32>,
      %sub3A_561 = arith.subf %gather3A_560, %gather3A_554 : vector<16xf32>
      %div3A_562 = arith.divf %sub3A_561, %gather3A_554 : vector<16xf32>
      %sub3A_563 = arith.subf %gather3A_557, %div3A_562 : vector<16xf32>
      %abs3A_564 = math.absf %sub3A_563 : vector<16xf32>
      %lt3A_565 = arith.constant 1.000000e+00 : f32
      %lt3A_566 = vector.broadcast %lt3A_565 : f32 to vector<16xf32>
      %lt3A_567 = arith.cmpf olt, %abs3A_564, %lt3A_566 : vector<16xf32>
      %mul3A_568 = arith.constant 5.000000e-01 : f32
      %mul3A_569 = vector.broadcast %mul3A_568 : f32 to vector<16xf32>
      %mul3A_570 = arith.mulf %mul3A_569, %sub3A_563 : vector<16xf32>
      %mul3A_571 = arith.mulf %mul3A_570, %sub3A_563 : vector<16xf32>
      %sub3A_572 = arith.constant 5.000000e-01 : f32
      %sub3A_573 = vector.broadcast %sub3A_572 : f32 to vector<16xf32>
      %sub3A_574 = arith.subf %abs3A_564, %sub3A_573 : vector<16xf32>
      %select_n3A_575 = arith.select %lt3A_567, %mul3A_571, %sub3A_574 : vector<16xi1>, vector<16xf32>
      %add3A_576 = arith.addf %broadcast_in_dim3A_196, %select_n3A_575 : vector<16xf32>
      %broadcast_in_dim3A_577 = arith.constant 4 : i32
      %broadcast_in_dim3A_578 = vector.broadcast %broadcast_in_dim3A_577 : i32 to vector<16xi32>
      %gather3A_579 = tpu.vector_load_idx %arg6[%add3A_113, %broadcast_in_dim3A_578] : memref<160x46xf32, #tpu.memory_space<vmem>>[vector<16xi32>, vector<16xi32>], vector<16xf32>,
      %broadcast_in_dim3A_580 = arith.constant 44 : i32
      %broadcast_in_dim3A_581 = vector.broadcast %broadcast_in_dim3A_580 : i32 to vector<16xi32>
      %gather3A_582 = tpu.vector_load_idx %arg7[%add3A_113, %broadcast_in_dim3A_581] : memref<160x46xf32, #tpu.memory_space<vmem>>[vector<16xi32>, vector<16xi32>], vector<16xf32>,
      %broadcast_in_dim3A_583 = arith.constant 4 : i32
      %broadcast_in_dim3A_584 = vector.broadcast %broadcast_in_dim3A_583 : i32 to vector<16xi32>
      %gather3A_585 = tpu.vector_load_idx %arg7[%add3A_113, %broadcast_in_dim3A_584] : memref<160x46xf32, #tpu.memory_space<vmem>>[vector<16xi32>, vector<16xi32>], vector<16xf32>,
      %sub3A_586 = arith.subf %gather3A_585, %gather3A_579 : vector<16xf32>
      %div3A_587 = arith.divf %sub3A_586, %gather3A_579 : vector<16xf32>
      %sub3A_588 = arith.subf %gather3A_582, %div3A_587 : vector<16xf32>
      %abs3A_589 = math.absf %sub3A_588 : vector<16xf32>
      %lt3A_590 = arith.constant 1.000000e+00 : f32
      %lt3A_591 = vector.broadcast %lt3A_590 : f32 to vector<16xf32>
      %lt3A_592 = arith.cmpf olt, %abs3A_589, %lt3A_591 : vector<16xf32>
      %mul3A_593 = arith.constant 5.000000e-01 : f32
      %mul3A_594 = vector.broadcast %mul3A_593 : f32 to vector<16xf32>
      %mul3A_595 = arith.mulf %mul3A_594, %sub3A_588 : vector<16xf32>
      %mul3A_596 = arith.mulf %mul3A_595, %sub3A_588 : vector<16xf32>
      %sub3A_597 = arith.constant 5.000000e-01 : f32
      %sub3A_598 = vector.broadcast %sub3A_597 : f32 to vector<16xf32>
      %sub3A_599 = arith.subf %abs3A_589, %sub3A_598 : vector<16xf32>
      %select_n3A_600 = arith.select %lt3A_592, %mul3A_596, %sub3A_599 : vector<16xi1>, vector<16xf32>
      %add3A_601 = arith.addf %add3A_576, %select_n3A_600 : vector<16xf32>
      %broadcast_in_dim3A_602 = arith.constant 5 : i32
      %broadcast_in_dim3A_603 = vector.broadcast %broadcast_in_dim3A_602 : i32 to vector<16xi32>
      %gather3A_604 = tpu.vector_load_idx %arg6[%add3A_113, %broadcast_in_dim3A_603] : memref<160x46xf32, #tpu.memory_space<vmem>>[vector<16xi32>, vector<16xi32>], vector<16xf32>,
      %broadcast_in_dim3A_605 = arith.constant 45 : i32
      %broadcast_in_dim3A_606 = vector.broadcast %broadcast_in_dim3A_605 : i32 to vector<16xi32>
      %gather3A_607 = tpu.vector_load_idx %arg7[%add3A_113, %broadcast_in_dim3A_606] : memref<160x46xf32, #tpu.memory_space<vmem>>[vector<16xi32>, vector<16xi32>], vector<16xf32>,
      %broadcast_in_dim3A_608 = arith.constant 5 : i32
      %broadcast_in_dim3A_609 = vector.broadcast %broadcast_in_dim3A_608 : i32 to vector<16xi32>
      %gather3A_610 = tpu.vector_load_idx %arg7[%add3A_113, %broadcast_in_dim3A_609] : memref<160x46xf32, #tpu.memory_space<vmem>>[vector<16xi32>, vector<16xi32>], vector<16xf32>,
      %sub3A_611 = arith.subf %gather3A_610, %gather3A_604 : vector<16xf32>
      %div3A_612 = arith.divf %sub3A_611, %gather3A_604 : vector<16xf32>
      %sub3A_613 = arith.subf %gather3A_607, %div3A_612 : vector<16xf32>
      %abs3A_614 = math.absf %sub3A_613 : vector<16xf32>
      %lt3A_615 = arith.constant 1.000000e+00 : f32
      %lt3A_616 = vector.broadcast %lt3A_615 : f32 to vector<16xf32>
      %lt3A_617 = arith.cmpf olt, %abs3A_614, %lt3A_616 : vector<16xf32>
      %mul3A_618 = arith.constant 5.000000e-01 : f32
      %mul3A_619 = vector.broadcast %mul3A_618 : f32 to vector<16xf32>
      %mul3A_620 = arith.mulf %mul3A_619, %sub3A_613 : vector<16xf32>
      %mul3A_621 = arith.mulf %mul3A_620, %sub3A_613 : vector<16xf32>
      %sub3A_622 = arith.constant 5.000000e-01 : f32
      %sub3A_623 = vector.broadcast %sub3A_622 : f32 to vector<16xf32>
      %sub3A_624 = arith.subf %abs3A_614, %sub3A_623 : vector<16xf32>
      %select_n3A_625 = arith.select %lt3A_617, %mul3A_621, %sub3A_624 : vector<16xi1>, vector<16xf32>
      %add3A_626 = arith.addf %add3A_601, %select_n3A_625 : vector<16xf32>
      %add3A_627 = arith.addf %sub3A_449, %add3A_551 : vector<16xf32>
      %add3A_628 = arith.addf %add3A_627, %add3A_626 : vector<16xf32>
      %jit3A_629 = arith.constant 0.000000e+00 : f32
      %broadcast_in_dim3A_630 = vector.broadcast %jit3A_629 : f32 to vector<16xf32>
      %select_n3A_631 = arith.select %and3A_123, %add3A_628, %broadcast_in_dim3A_630 : vector<16xi1>, vector<16xf32>
      %add3A_632 = arith.addf %scan3A_108, %select_n3A_631 : vector<16xf32>
      %jit3A_633 = arith.constant 1.000000e+00 : f32
      %jit3A_634 = arith.constant 0.000000e+00 : f32
      %broadcast_in_dim3A_635 = vector.broadcast %jit3A_633 : f32 to vector<16xf32>
      %broadcast_in_dim3A_636 = vector.broadcast %jit3A_634 : f32 to vector<16xf32>
      %select_n3A_637 = arith.select %and3A_123, %broadcast_in_dim3A_635, %broadcast_in_dim3A_636 : vector<16xi1>, vector<16xf32>
      %add3A_638 = arith.addf %scan3A_109, %select_n3A_637 : vector<16xf32>
      scf.yield %add3A_632, %add3A_638 : vector<16xf32>, vector<16xf32>
    }
    %scan3A_39 = arith.constant 10 : i32
    %add3A_40 = arith.constant 320 : i32
    %add3A_41 = arith.addi %min3A_3, %add3A_40 : i32
    %dma_start3A_42 = arith.constant 0 : i32
    %dma_start3A_43 = tpu.memref_slice %arg2[%add3A_41, %dma_start3A_42] : memref<20000x46xf32, #tpu.memory_space<hbm>> -> memref<160x46xf32, #tpu.memory_space<hbm>>
    %dma_start3A_44 = arith.constant 0 : i32
    %dma_start3A_45 = tpu.memref_slice %arg2[%add3A_41, %dma_start3A_44] : memref<20000x46xf32, #tpu.memory_space<hbm>> -> memref<160x46xf32, #tpu.memory_space<hbm>>
    tpu.enqueue_dma source(%dma_start3A_45 : memref<160x46xf32, #tpu.memory_space<hbm>>) target(%arg6 : memref<160x46xf32, #tpu.memory_space<vmem>>) target_semaphore(%arg12 : memref<!tpu.dma_semaphore, #tpu.memory_space<semaphore_mem>>)
    %dma_start3A_46 = arith.constant 0 : i32
    %dma_start3A_47 = tpu.memref_slice %arg3[%add3A_41, %dma_start3A_46] : memref<20000x46xf32, #tpu.memory_space<hbm>> -> memref<160x46xf32, #tpu.memory_space<hbm>>
    %dma_start3A_48 = arith.constant 0 : i32
    %dma_start3A_49 = tpu.memref_slice %arg3[%add3A_41, %dma_start3A_48] : memref<20000x46xf32, #tpu.memory_space<hbm>> -> memref<160x46xf32, #tpu.memory_space<hbm>>
    tpu.enqueue_dma source(%dma_start3A_49 : memref<160x46xf32, #tpu.memory_space<hbm>>) target(%arg7 : memref<160x46xf32, #tpu.memory_space<vmem>>) target_semaphore(%arg12 : memref<!tpu.dma_semaphore, #tpu.memory_space<semaphore_mem>>)
    %dma_wait3A_50 = arith.constant 0 : i32
    %dma_wait3A_51 = tpu.memref_slice %arg2[%add3A_19, %dma_wait3A_50] : memref<20000x46xf32, #tpu.memory_space<hbm>> -> memref<160x46xf32, #tpu.memory_space<hbm>>
    %dma_wait3A_52 = arith.constant 0 : i32
    %dma_wait3A_53 = tpu.memref_slice %arg2[%add3A_19, %dma_wait3A_52] : memref<20000x46xf32, #tpu.memory_space<hbm>> -> memref<160x46xf32, #tpu.memory_space<hbm>>
    tpu.wait_dma2 semaphore(%arg13 : memref<!tpu.dma_semaphore, #tpu.memory_space<semaphore_mem>>) src(%dma_wait3A_53 : memref<160x46xf32, #tpu.memory_space<hbm>>) dst(%arg8 : memref<160x46xf32, #tpu.memory_space<vmem>>)
    %dma_wait3A_54 = arith.constant 0 : i32
    %dma_wait3A_55 = tpu.memref_slice %arg3[%add3A_19, %dma_wait3A_54] : memref<20000x46xf32, #tpu.memory_space<hbm>> -> memref<160x46xf32, #tpu.memory_space<hbm>>
    %dma_wait3A_56 = arith.constant 0 : i32
    %dma_wait3A_57 = tpu.memref_slice %arg3[%add3A_19, %dma_wait3A_56] : memref<20000x46xf32, #tpu.memory_space<hbm>> -> memref<160x46xf32, #tpu.memory_space<hbm>>
    tpu.wait_dma2 semaphore(%arg13 : memref<!tpu.dma_semaphore, #tpu.memory_space<semaphore_mem>>) src(%dma_wait3A_57 : memref<160x46xf32, #tpu.memory_space<hbm>>) dst(%arg9 : memref<160x46xf32, #tpu.memory_space<vmem>>)
    %scan3A_58 = arith.constant 0 : i32
    %scan3A_59 = arith.constant 10 : i32
    %scan3A_60 = arith.addi %scan3A_58, %scan3A_59 : i32
    %scan3A_61 = arith.constant 1 : i32
    %scan3A_62:2 = scf.for %scan3A_107 = %scan3A_58 to %scan3A_60 step %scan3A_61 iter_args(%scan3A_108 = %scan3A_38#0, %scan3A_109 = %scan3A_38#1) -> (vector<16xf32>, vector<16xf32>)  : i32 {
      %mul3A_110 = arith.constant 16 : i32
      %mul3A_111 = arith.muli %scan3A_107, %mul3A_110 : i32
      %add3A_112 = vector.broadcast %mul3A_111 : i32 to vector<16xi32>
      %add3A_113 = arith.addi %add3A_112, %iota3A : vector<16xi32>
      %add3A_114 = arith.constant 160 : i32
      %add3A_115 = vector.broadcast %add3A_114 : i32 to vector<16xi32>
      %add3A_116 = arith.addi %add3A_115, %add3A_113 : vector<16xi32>
      %ge3A = vector.broadcast %sub3A : i32 to vector<16xi32>
      %ge3A_117 = arith.cmpi sge, %add3A_116, %ge3A : vector<16xi32>
      %add3A_118 = arith.addi %sub3A, %min3A_7 : i32
      %lt3A = vector.broadcast %add3A_118 : i32 to vector<16xi32>
      %lt3A_119 = arith.cmpi slt, %add3A_116, %lt3A : vector<16xi32>
      %and3A = arith.andi %ge3A_117, %lt3A_119 : vector<16xi1>
      %gather3A = tpu.vector_load_idx %arg10[%add3A_116] : memref<640xf32, #tpu.memory_space<vmem>>[vector<16xi32>], vector<16xf32>,
      %ge3A_120 = arith.constant 5.500000e-01 : f32
      %ge3A_121 = vector.broadcast %ge3A_120 : f32 to vector<16xf32>
      %ge3A_122 = arith.cmpf oge, %gather3A, %ge3A_121 : vector<16xf32>
      %and3A_123 = arith.andi %and3A, %ge3A_122 : vector<16xi1>
      %broadcast_in_dim3A_124 = arith.constant 0 : i32
      %broadcast_in_dim3A_125 = vector.broadcast %broadcast_in_dim3A_124 : i32 to vector<16xi32>
      %gather3A_126 = tpu.vector_load_idx %arg9[%add3A_113, %broadcast_in_dim3A_125] : memref<160x46xf32, #tpu.memory_space<vmem>>[vector<16xi32>, vector<16xi32>], vector<16xf32>,
      %add3A_127 = arith.constant 1.500000e+00 : f32
      %add3A_128 = vector.broadcast %add3A_127 : f32 to vector<16xf32>
      %add3A_129 = arith.addf %gather3A_126, %add3A_128 : vector<16xf32>
      %jit3A = arith.constant 0.000000e+00 : f32
      %jit3A_130 = arith.constant 2.999000e+00 : f32
      %max3A = vector.broadcast %jit3A : f32 to vector<16xf32>
      %max3A_131 = arith.maximumf %max3A, %add3A_129 : vector<16xf32>
      %min3A_132 = vector.broadcast %jit3A_130 : f32 to vector<16xf32>
      %min3A_133 = arith.minimumf %min3A_132, %max3A_131 : vector<16xf32>
      %broadcast_in_dim3A_134 = arith.constant 2 : i32
      %broadcast_in_dim3A_135 = vector.broadcast %broadcast_in_dim3A_134 : i32 to vector<16xi32>
      %gather3A_136 = tpu.vector_load_idx %arg9[%add3A_113, %broadcast_in_dim3A_135] : memref<160x46xf32, #tpu.memory_space<vmem>>[vector<16xi32>, vector<16xi32>], vector<16xf32>,
      %add3A_137 = arith.constant 1.500000e+00 : f32
      %add3A_138 = vector.broadcast %add3A_137 : f32 to vector<16xf32>
      %add3A_139 = arith.addf %gather3A_136, %add3A_138 : vector<16xf32>
      %jit3A_140 = arith.constant 0.000000e+00 : f32
      %jit3A_141 = arith.constant 2.999000e+00 : f32
      %max3A_142 = vector.broadcast %jit3A_140 : f32 to vector<16xf32>
      %max3A_143 = arith.maximumf %max3A_142, %add3A_139 : vector<16xf32>
      %min3A_144 = vector.broadcast %jit3A_141 : f32 to vector<16xf32>
      %min3A_145 = arith.minimumf %min3A_144, %max3A_143 : vector<16xf32>
      %mul3A_146 = arith.constant 2.000000e+00 : f32
      %mul3A_147 = vector.broadcast %mul3A_146 : f32 to vector<16xf32>
      %mul3A_148 = arith.mulf %min3A_133, %mul3A_147 : vector<16xf32>
      %convert_element_type3A = arith.fptosi %mul3A_148 : vector<16xf32> to vector<16xi32>
      %mul3A_149 = arith.constant 2.000000e+00 : f32
      %mul3A_150 = vector.broadcast %mul3A_149 : f32 to vector<16xf32>
      %mul3A_151 = arith.mulf %min3A_145, %mul3A_150 : vector<16xf32>
      %convert_element_type3A_152 = arith.fptosi %mul3A_151 : vector<16xf32> to vector<16xi32>
      %convert_element_type3A_153 = arith.sitofp %convert_element_type3A : vector<16xi32> to vector<16xf32>
      %convert_element_type3A_154 = arith.sitofp %convert_element_type3A_152 : vector<16xi32> to vector<16xf32>
      %broadcast_in_dim3A_155 = arith.constant 6 : i32
      %broadcast_in_dim3A_156 = vector.broadcast %broadcast_in_dim3A_155 : i32 to vector<16xi32>
      %gather3A_157 = tpu.vector_load_idx %arg9[%add3A_113, %broadcast_in_dim3A_156] : memref<160x46xf32, #tpu.memory_space<vmem>>[vector<16xi32>, vector<16xi32>], vector<16xf32>,
      %div3A = arith.constant 6.28318548 : f32
      %div3A_158 = vector.broadcast %div3A : f32 to vector<16xf32>
      %div3A_159 = arith.divf %gather3A_157, %div3A_158 : vector<16xf32>
      %convert_element_type3A_160 = arith.fptosi %div3A_159 : vector<16xf32> to vector<16xi32>
      %convert_element_type3A_161 = arith.sitofp %convert_element_type3A_160 : vector<16xi32> to vector<16xf32>
      %mul3A_162 = arith.constant 6.28318548 : f32
      %mul3A_163 = vector.broadcast %mul3A_162 : f32 to vector<16xf32>
      %mul3A_164 = arith.mulf %convert_element_type3A_161, %mul3A_163 : vector<16xf32>
      %sub3A_165 = arith.subf %gather3A_157, %mul3A_164 : vector<16xf32>
      %lt3A_166 = arith.constant 0.000000e+00 : f32
      %lt3A_167 = vector.broadcast %lt3A_166 : f32 to vector<16xf32>
      %lt3A_168 = arith.cmpf olt, %sub3A_165, %lt3A_167 : vector<16xf32>
      %add3A_169 = arith.constant 6.28318548 : f32
      %add3A_170 = vector.broadcast %add3A_169 : f32 to vector<16xf32>
      %add3A_171 = arith.addf %sub3A_165, %add3A_170 : vector<16xf32>
      %select_n3A = arith.select %lt3A_168, %add3A_171, %sub3A_165 : vector<16xi1>, vector<16xf32>
      %add3A_172 = arith.constant 0.34906584 : f32
      %add3A_173 = vector.broadcast %add3A_172 : f32 to vector<16xf32>
      %add3A_174 = arith.addf %select_n3A, %add3A_173 : vector<16xf32>
      %div3A_175 = arith.constant 6.28318548 : f32
      %div3A_176 = vector.broadcast %div3A_175 : f32 to vector<16xf32>
      %div3A_177 = arith.divf %add3A_174, %div3A_176 : vector<16xf32>
      %convert_element_type3A_178 = arith.fptosi %div3A_177 : vector<16xf32> to vector<16xi32>
      %convert_element_type3A_179 = arith.sitofp %convert_element_type3A_178 : vector<16xi32> to vector<16xf32>
      %mul3A_180 = arith.constant 6.28318548 : f32
      %mul3A_181 = vector.broadcast %mul3A_180 : f32 to vector<16xf32>
      %mul3A_182 = arith.mulf %convert_element_type3A_179, %mul3A_181 : vector<16xf32>
      %sub3A_183 = arith.subf %add3A_174, %mul3A_182 : vector<16xf32>
      %div3A_184 = arith.constant 0.69813168 : f32
      %div3A_185 = vector.broadcast %div3A_184 : f32 to vector<16xf32>
      %div3A_186 = arith.divf %sub3A_183, %div3A_185 : vector<16xf32>
      %convert_element_type3A_187 = arith.fptosi %div3A_186 : vector<16xf32> to vector<16xi32>
      %jit3A_188 = arith.constant 0 : i32
      %jit3A_189 = arith.constant 8 : i32
      %max3A_190 = vector.broadcast %jit3A_188 : i32 to vector<16xi32>
      %max3A_191 = arith.maxsi %max3A_190, %convert_element_type3A_187 : vector<16xi32>
      %min3A_192 = vector.broadcast %jit3A_189 : i32 to vector<16xi32>
      %min3A_193 = arith.minsi %min3A_192, %max3A_191 : vector<16xi32>
      %convert_element_type3A_194 = arith.sitofp %min3A_193 : vector<16xi32> to vector<16xf32>
      %broadcast_in_dim3A_195 = arith.constant 0.000000e+00 : f32
      %broadcast_in_dim3A_196 = vector.broadcast %broadcast_in_dim3A_195 : f32 to vector<16xf32>
      %broadcast_in_dim3A_197 = arith.constant 0 : i32
      %broadcast_in_dim3A_198 = vector.broadcast %broadcast_in_dim3A_197 : i32 to vector<16xi32>
      %gather3A_199 = tpu.vector_load_idx %arg8[%add3A_113, %broadcast_in_dim3A_198] : memref<160x46xf32, #tpu.memory_space<vmem>>[vector<16xi32>, vector<16xi32>], vector<16xf32>,
      %exp3A = math.exp %gather3A_199 : vector<16xf32>
      %add3A_200 = arith.addf %broadcast_in_dim3A_196, %exp3A : vector<16xf32>
      %broadcast_in_dim3A_201 = arith.constant 1 : i32
      %broadcast_in_dim3A_202 = vector.broadcast %broadcast_in_dim3A_201 : i32 to vector<16xi32>
      %gather3A_203 = tpu.vector_load_idx %arg8[%add3A_113, %broadcast_in_dim3A_202] : memref<160x46xf32, #tpu.memory_space<vmem>>[vector<16xi32>, vector<16xi32>], vector<16xf32>,
      %exp3A_204 = math.exp %gather3A_203 : vector<16xf32>
      %add3A_205 = arith.addf %add3A_200, %exp3A_204 : vector<16xf32>
      %broadcast_in_dim3A_206 = arith.constant 2 : i32
      %broadcast_in_dim3A_207 = vector.broadcast %broadcast_in_dim3A_206 : i32 to vector<16xi32>
      %gather3A_208 = tpu.vector_load_idx %arg8[%add3A_113, %broadcast_in_dim3A_207] : memref<160x46xf32, #tpu.memory_space<vmem>>[vector<16xi32>, vector<16xi32>], vector<16xf32>,
      %exp3A_209 = math.exp %gather3A_208 : vector<16xf32>
      %add3A_210 = arith.addf %add3A_205, %exp3A_209 : vector<16xf32>
      %broadcast_in_dim3A_211 = arith.constant 3 : i32
      %broadcast_in_dim3A_212 = vector.broadcast %broadcast_in_dim3A_211 : i32 to vector<16xi32>
      %gather3A_213 = tpu.vector_load_idx %arg8[%add3A_113, %broadcast_in_dim3A_212] : memref<160x46xf32, #tpu.memory_space<vmem>>[vector<16xi32>, vector<16xi32>], vector<16xf32>,
      %exp3A_214 = math.exp %gather3A_213 : vector<16xf32>
      %add3A_215 = arith.addf %add3A_210, %exp3A_214 : vector<16xf32>
      %broadcast_in_dim3A_216 = arith.constant 4 : i32
      %broadcast_in_dim3A_217 = vector.broadcast %broadcast_in_dim3A_216 : i32 to vector<16xi32>
      %gather3A_218 = tpu.vector_load_idx %arg8[%add3A_113, %broadcast_in_dim3A_217] : memref<160x46xf32, #tpu.memory_space<vmem>>[vector<16xi32>, vector<16xi32>], vector<16xf32>,
      %exp3A_219 = math.exp %gather3A_218 : vector<16xf32>
      %add3A_220 = arith.addf %add3A_215, %exp3A_219 : vector<16xf32>
      %broadcast_in_dim3A_221 = arith.constant 5 : i32
      %broadcast_in_dim3A_222 = vector.broadcast %broadcast_in_dim3A_221 : i32 to vector<16xi32>
      %gather3A_223 = tpu.vector_load_idx %arg8[%add3A_113, %broadcast_in_dim3A_222] : memref<160x46xf32, #tpu.memory_space<vmem>>[vector<16xi32>, vector<16xi32>], vector<16xf32>,
      %exp3A_224 = math.exp %gather3A_223 : vector<16xf32>
      %add3A_225 = arith.addf %add3A_220, %exp3A_224 : vector<16xf32>
      %broadcast_in_dim3A_226 = arith.constant 6 : i32
      %broadcast_in_dim3A_227 = vector.broadcast %broadcast_in_dim3A_226 : i32 to vector<16xi32>
      %gather3A_228 = tpu.vector_load_idx %arg8[%add3A_113, %broadcast_in_dim3A_227] : memref<160x46xf32, #tpu.memory_space<vmem>>[vector<16xi32>, vector<16xi32>], vector<16xf32>,
      %exp3A_229 = math.exp %gather3A_228 : vector<16xf32>
      %add3A_230 = arith.addf %broadcast_in_dim3A_196, %exp3A_229 : vector<16xf32>
      %broadcast_in_dim3A_231 = arith.constant 7 : i32
      %broadcast_in_dim3A_232 = vector.broadcast %broadcast_in_dim3A_231 : i32 to vector<16xi32>
      %gather3A_233 = tpu.vector_load_idx %arg8[%add3A_113, %broadcast_in_dim3A_232] : memref<160x46xf32, #tpu.memory_space<vmem>>[vector<16xi32>, vector<16xi32>], vector<16xf32>,
      %exp3A_234 = math.exp %gather3A_233 : vector<16xf32>
      %add3A_235 = arith.addf %add3A_230, %exp3A_234 : vector<16xf32>
      %broadcast_in_dim3A_236 = arith.constant 8 : i32
      %broadcast_in_dim3A_237 = vector.broadcast %broadcast_in_dim3A_236 : i32 to vector<16xi32>
      %gather3A_238 = tpu.vector_load_idx %arg8[%add3A_113, %broadcast_in_dim3A_237] : memref<160x46xf32, #tpu.memory_space<vmem>>[vector<16xi32>, vector<16xi32>], vector<16xf32>,
      %exp3A_239 = math.exp %gather3A_238 : vector<16xf32>
      %add3A_240 = arith.addf %add3A_235, %exp3A_239 : vector<16xf32>
      %broadcast_in_dim3A_241 = arith.constant 9 : i32
      %broadcast_in_dim3A_242 = vector.broadcast %broadcast_in_dim3A_241 : i32 to vector<16xi32>
      %gather3A_243 = tpu.vector_load_idx %arg8[%add3A_113, %broadcast_in_dim3A_242] : memref<160x46xf32, #tpu.memory_space<vmem>>[vector<16xi32>, vector<16xi32>], vector<16xf32>,
      %exp3A_244 = math.exp %gather3A_243 : vector<16xf32>
      %add3A_245 = arith.addf %add3A_240, %exp3A_244 : vector<16xf32>
      %broadcast_in_dim3A_246 = arith.constant 10 : i32
      %broadcast_in_dim3A_247 = vector.broadcast %broadcast_in_dim3A_246 : i32 to vector<16xi32>
      %gather3A_248 = tpu.vector_load_idx %arg8[%add3A_113, %broadcast_in_dim3A_247] : memref<160x46xf32, #tpu.memory_space<vmem>>[vector<16xi32>, vector<16xi32>], vector<16xf32>,
      %exp3A_249 = math.exp %gather3A_248 : vector<16xf32>
      %add3A_250 = arith.addf %add3A_245, %exp3A_249 : vector<16xf32>
      %broadcast_in_dim3A_251 = arith.constant 11 : i32
      %broadcast_in_dim3A_252 = vector.broadcast %broadcast_in_dim3A_251 : i32 to vector<16xi32>
      %gather3A_253 = tpu.vector_load_idx %arg8[%add3A_113, %broadcast_in_dim3A_252] : memref<160x46xf32, #tpu.memory_space<vmem>>[vector<16xi32>, vector<16xi32>], vector<16xf32>,
      %exp3A_254 = math.exp %gather3A_253 : vector<16xf32>
      %add3A_255 = arith.addf %add3A_250, %exp3A_254 : vector<16xf32>
      %broadcast_in_dim3A_256 = arith.constant 25 : i32
      %broadcast_in_dim3A_257 = vector.broadcast %broadcast_in_dim3A_256 : i32 to vector<16xi32>
      %gather3A_258 = tpu.vector_load_idx %arg8[%add3A_113, %broadcast_in_dim3A_257] : memref<160x46xf32, #tpu.memory_space<vmem>>[vector<16xi32>, vector<16xi32>], vector<16xf32>,
      %exp3A_259 = math.exp %gather3A_258 : vector<16xf32>
      %add3A_260 = arith.addf %broadcast_in_dim3A_196, %exp3A_259 : vector<16xf32>
      %broadcast_in_dim3A_261 = arith.constant 26 : i32
      %broadcast_in_dim3A_262 = vector.broadcast %broadcast_in_dim3A_261 : i32 to vector<16xi32>
      %gather3A_263 = tpu.vector_load_idx %arg8[%add3A_113, %broadcast_in_dim3A_262] : memref<160x46xf32, #tpu.memory_space<vmem>>[vector<16xi32>, vector<16xi32>], vector<16xf32>,
      %exp3A_264 = math.exp %gather3A_263 : vector<16xf32>
      %add3A_265 = arith.addf %add3A_260, %exp3A_264 : vector<16xf32>
      %broadcast_in_dim3A_266 = arith.constant 27 : i32
      %broadcast_in_dim3A_267 = vector.broadcast %broadcast_in_dim3A_266 : i32 to vector<16xi32>
      %gather3A_268 = tpu.vector_load_idx %arg8[%add3A_113, %broadcast_in_dim3A_267] : memref<160x46xf32, #tpu.memory_space<vmem>>[vector<16xi32>, vector<16xi32>], vector<16xf32>,
      %exp3A_269 = math.exp %gather3A_268 : vector<16xf32>
      %add3A_270 = arith.addf %add3A_265, %exp3A_269 : vector<16xf32>
      %broadcast_in_dim3A_271 = arith.constant 28 : i32
      %broadcast_in_dim3A_272 = vector.broadcast %broadcast_in_dim3A_271 : i32 to vector<16xi32>
      %gather3A_273 = tpu.vector_load_idx %arg8[%add3A_113, %broadcast_in_dim3A_272] : memref<160x46xf32, #tpu.memory_space<vmem>>[vector<16xi32>, vector<16xi32>], vector<16xf32>,
      %exp3A_274 = math.exp %gather3A_273 : vector<16xf32>
      %add3A_275 = arith.addf %add3A_270, %exp3A_274 : vector<16xf32>
      %broadcast_in_dim3A_276 = arith.constant 29 : i32
      %broadcast_in_dim3A_277 = vector.broadcast %broadcast_in_dim3A_276 : i32 to vector<16xi32>
      %gather3A_278 = tpu.vector_load_idx %arg8[%add3A_113, %broadcast_in_dim3A_277] : memref<160x46xf32, #tpu.memory_space<vmem>>[vector<16xi32>, vector<16xi32>], vector<16xf32>,
      %exp3A_279 = math.exp %gather3A_278 : vector<16xf32>
      %add3A_280 = arith.addf %add3A_275, %exp3A_279 : vector<16xf32>
      %broadcast_in_dim3A_281 = arith.constant 30 : i32
      %broadcast_in_dim3A_282 = vector.broadcast %broadcast_in_dim3A_281 : i32 to vector<16xi32>
      %gather3A_283 = tpu.vector_load_idx %arg8[%add3A_113, %broadcast_in_dim3A_282] : memref<160x46xf32, #tpu.memory_space<vmem>>[vector<16xi32>, vector<16xi32>], vector<16xf32>,
      %exp3A_284 = math.exp %gather3A_283 : vector<16xf32>
      %add3A_285 = arith.addf %add3A_280, %exp3A_284 : vector<16xf32>
      %broadcast_in_dim3A_286 = arith.constant 31 : i32
      %broadcast_in_dim3A_287 = vector.broadcast %broadcast_in_dim3A_286 : i32 to vector<16xi32>
      %gather3A_288 = tpu.vector_load_idx %arg8[%add3A_113, %broadcast_in_dim3A_287] : memref<160x46xf32, #tpu.memory_space<vmem>>[vector<16xi32>, vector<16xi32>], vector<16xf32>,
      %exp3A_289 = math.exp %gather3A_288 : vector<16xf32>
      %add3A_290 = arith.addf %add3A_285, %exp3A_289 : vector<16xf32>
      %broadcast_in_dim3A_291 = arith.constant 32 : i32
      %broadcast_in_dim3A_292 = vector.broadcast %broadcast_in_dim3A_291 : i32 to vector<16xi32>
      %gather3A_293 = tpu.vector_load_idx %arg8[%add3A_113, %broadcast_in_dim3A_292] : memref<160x46xf32, #tpu.memory_space<vmem>>[vector<16xi32>, vector<16xi32>], vector<16xf32>,
      %exp3A_294 = math.exp %gather3A_293 : vector<16xf32>
      %add3A_295 = arith.addf %add3A_290, %exp3A_294 : vector<16xf32>
      %broadcast_in_dim3A_296 = arith.constant 33 : i32
      %broadcast_in_dim3A_297 = vector.broadcast %broadcast_in_dim3A_296 : i32 to vector<16xi32>
      %gather3A_298 = tpu.vector_load_idx %arg8[%add3A_113, %broadcast_in_dim3A_297] : memref<160x46xf32, #tpu.memory_space<vmem>>[vector<16xi32>, vector<16xi32>], vector<16xf32>,
      %exp3A_299 = math.exp %gather3A_298 : vector<16xf32>
      %add3A_300 = arith.addf %add3A_295, %exp3A_299 : vector<16xf32>
      %add3A_301 = arith.constant 0 : i32
      %add3A_302 = vector.broadcast %add3A_301 : i32 to vector<16xi32>
      %add3A_303 = arith.addi %convert_element_type3A, %add3A_302 : vector<16xi32>
      %gather3A_304 = tpu.vector_load_idx %arg8[%add3A_113, %add3A_303] : memref<160x46xf32, #tpu.memory_space<vmem>>[vector<16xi32>, vector<16xi32>], vector<16xf32>,
      %add3A_305 = arith.constant 6 : i32
      %add3A_306 = vector.broadcast %add3A_305 : i32 to vector<16xi32>
      %add3A_307 = arith.addi %convert_element_type3A_152, %add3A_306 : vector<16xi32>
      %gather3A_308 = tpu.vector_load_idx %arg8[%add3A_113, %add3A_307] : memref<160x46xf32, #tpu.memory_space<vmem>>[vector<16xi32>, vector<16xi32>], vector<16xf32>,
      %add3A_309 = arith.constant 25 : i32
      %add3A_310 = vector.broadcast %add3A_309 : i32 to vector<16xi32>
      %add3A_311 = arith.addi %min3A_193, %add3A_310 : vector<16xi32>
      %gather3A_312 = tpu.vector_load_idx %arg8[%add3A_113, %add3A_311] : memref<160x46xf32, #tpu.memory_space<vmem>>[vector<16xi32>, vector<16xi32>], vector<16xf32>,
      %bitcast3A = vector.bitcast %add3A_225 : vector<16xf32> to vector<16xi32>
      %shift_right_arithmetic3A = arith.constant 23 : i32
      %shift_right_arithmetic3A_313 = vector.broadcast %shift_right_arithmetic3A : i32 to vector<16xi32>
      %shift_right_arithmetic3A_314 = arith.shrsi %bitcast3A, %shift_right_arithmetic3A_313 : vector<16xi32>
      %sub3A_315 = arith.constant 127 : i32
      %sub3A_316 = vector.broadcast %sub3A_315 : i32 to vector<16xi32>
      %sub3A_317 = arith.subi %shift_right_arithmetic3A_314, %sub3A_316 : vector<16xi32>
      %and3A_318 = arith.constant 8388607 : i32
      %and3A_319 = vector.broadcast %and3A_318 : i32 to vector<16xi32>
      %and3A_320 = arith.andi %bitcast3A, %and3A_319 : vector<16xi32>
      %or3A = arith.constant 1065353216 : i32
      %or3A_321 = vector.broadcast %or3A : i32 to vector<16xi32>
      %or3A_322 = arith.ori %and3A_320, %or3A_321 : vector<16xi32>
      %bitcast3A_323 = vector.bitcast %or3A_322 : vector<16xi32> to vector<16xf32>
      %sub3A_324 = arith.constant 1.000000e+00 : f32
      %sub3A_325 = vector.broadcast %sub3A_324 : f32 to vector<16xf32>
      %sub3A_326 = arith.subf %bitcast3A_323, %sub3A_325 : vector<16xf32>
      %add3A_327 = arith.constant 1.000000e+00 : f32
      %add3A_328 = vector.broadcast %add3A_327 : f32 to vector<16xf32>
      %add3A_329 = arith.addf %bitcast3A_323, %add3A_328 : vector<16xf32>
      %div3A_330 = arith.divf %sub3A_326, %add3A_329 : vector<16xf32>
      %mul3A_331 = arith.mulf %div3A_330, %div3A_330 : vector<16xf32>
      %mul3A_332 = arith.constant 2.000000e+00 : f32
      %mul3A_333 = vector.broadcast %mul3A_332 : f32 to vector<16xf32>
      %mul3A_334 = arith.mulf %mul3A_333, %div3A_330 : vector<16xf32>
      %mul3A_335 = arith.constant 0.142857149 : f32
      %mul3A_336 = vector.broadcast %mul3A_335 : f32 to vector<16xf32>
      %mul3A_337 = arith.mulf %mul3A_331, %mul3A_336 : vector<16xf32>
      %add3A_338 = arith.constant 2.000000e-01 : f32
      %add3A_339 = vector.broadcast %add3A_338 : f32 to vector<16xf32>
      %add3A_340 = arith.addf %add3A_339, %mul3A_337 : vector<16xf32>
      %mul3A_341 = arith.mulf %mul3A_331, %add3A_340 : vector<16xf32>
      %add3A_342 = arith.constant 0.333333343 : f32
      %add3A_343 = vector.broadcast %add3A_342 : f32 to vector<16xf32>
      %add3A_344 = arith.addf %add3A_343, %mul3A_341 : vector<16xf32>
      %mul3A_345 = arith.mulf %mul3A_331, %add3A_344 : vector<16xf32>
      %add3A_346 = arith.constant 1.000000e+00 : f32
      %add3A_347 = vector.broadcast %add3A_346 : f32 to vector<16xf32>
      %add3A_348 = arith.addf %add3A_347, %mul3A_345 : vector<16xf32>
      %mul3A_349 = arith.mulf %mul3A_334, %add3A_348 : vector<16xf32>
      %convert_element_type3A_350 = arith.sitofp %sub3A_317 : vector<16xi32> to vector<16xf32>
      %mul3A_351 = arith.constant 0.693147182 : f32
      %mul3A_352 = vector.broadcast %mul3A_351 : f32 to vector<16xf32>
      %mul3A_353 = arith.mulf %convert_element_type3A_350, %mul3A_352 : vector<16xf32>
      %add3A_354 = arith.addf %mul3A_353, %mul3A_349 : vector<16xf32>
      %bitcast3A_355 = vector.bitcast %add3A_255 : vector<16xf32> to vector<16xi32>
      %shift_right_arithmetic3A_356 = arith.constant 23 : i32
      %shift_right_arithmetic3A_357 = vector.broadcast %shift_right_arithmetic3A_356 : i32 to vector<16xi32>
      %shift_right_arithmetic3A_358 = arith.shrsi %bitcast3A_355, %shift_right_arithmetic3A_357 : vector<16xi32>
      %sub3A_359 = arith.constant 127 : i32
      %sub3A_360 = vector.broadcast %sub3A_359 : i32 to vector<16xi32>
      %sub3A_361 = arith.subi %shift_right_arithmetic3A_358, %sub3A_360 : vector<16xi32>
      %and3A_362 = arith.constant 8388607 : i32
      %and3A_363 = vector.broadcast %and3A_362 : i32 to vector<16xi32>
      %and3A_364 = arith.andi %bitcast3A_355, %and3A_363 : vector<16xi32>
      %or3A_365 = arith.constant 1065353216 : i32
      %or3A_366 = vector.broadcast %or3A_365 : i32 to vector<16xi32>
      %or3A_367 = arith.ori %and3A_364, %or3A_366 : vector<16xi32>
      %bitcast3A_368 = vector.bitcast %or3A_367 : vector<16xi32> to vector<16xf32>
      %sub3A_369 = arith.constant 1.000000e+00 : f32
      %sub3A_370 = vector.broadcast %sub3A_369 : f32 to vector<16xf32>
      %sub3A_371 = arith.subf %bitcast3A_368, %sub3A_370 : vector<16xf32>
      %add3A_372 = arith.constant 1.000000e+00 : f32
      %add3A_373 = vector.broadcast %add3A_372 : f32 to vector<16xf32>
      %add3A_374 = arith.addf %bitcast3A_368, %add3A_373 : vector<16xf32>
      %div3A_375 = arith.divf %sub3A_371, %add3A_374 : vector<16xf32>
      %mul3A_376 = arith.mulf %div3A_375, %div3A_375 : vector<16xf32>
      %mul3A_377 = arith.constant 2.000000e+00 : f32
      %mul3A_378 = vector.broadcast %mul3A_377 : f32 to vector<16xf32>
      %mul3A_379 = arith.mulf %mul3A_378, %div3A_375 : vector<16xf32>
      %mul3A_380 = arith.constant 0.142857149 : f32
      %mul3A_381 = vector.broadcast %mul3A_380 : f32 to vector<16xf32>
      %mul3A_382 = arith.mulf %mul3A_376, %mul3A_381 : vector<16xf32>
      %add3A_383 = arith.constant 2.000000e-01 : f32
      %add3A_384 = vector.broadcast %add3A_383 : f32 to vector<16xf32>
      %add3A_385 = arith.addf %add3A_384, %mul3A_382 : vector<16xf32>
      %mul3A_386 = arith.mulf %mul3A_376, %add3A_385 : vector<16xf32>
      %add3A_387 = arith.constant 0.333333343 : f32
      %add3A_388 = vector.broadcast %add3A_387 : f32 to vector<16xf32>
      %add3A_389 = arith.addf %add3A_388, %mul3A_386 : vector<16xf32>
      %mul3A_390 = arith.mulf %mul3A_376, %add3A_389 : vector<16xf32>
      %add3A_391 = arith.constant 1.000000e+00 : f32
      %add3A_392 = vector.broadcast %add3A_391 : f32 to vector<16xf32>
      %add3A_393 = arith.addf %add3A_392, %mul3A_390 : vector<16xf32>
      %mul3A_394 = arith.mulf %mul3A_379, %add3A_393 : vector<16xf32>
      %convert_element_type3A_395 = arith.sitofp %sub3A_361 : vector<16xi32> to vector<16xf32>
      %mul3A_396 = arith.constant 0.693147182 : f32
      %mul3A_397 = vector.broadcast %mul3A_396 : f32 to vector<16xf32>
      %mul3A_398 = arith.mulf %convert_element_type3A_395, %mul3A_397 : vector<16xf32>
      %add3A_399 = arith.addf %mul3A_398, %mul3A_394 : vector<16xf32>
      %add3A_400 = arith.addf %add3A_354, %add3A_399 : vector<16xf32>
      %bitcast3A_401 = vector.bitcast %add3A_300 : vector<16xf32> to vector<16xi32>
      %shift_right_arithmetic3A_402 = arith.constant 23 : i32
      %shift_right_arithmetic3A_403 = vector.broadcast %shift_right_arithmetic3A_402 : i32 to vector<16xi32>
      %shift_right_arithmetic3A_404 = arith.shrsi %bitcast3A_401, %shift_right_arithmetic3A_403 : vector<16xi32>
      %sub3A_405 = arith.constant 127 : i32
      %sub3A_406 = vector.broadcast %sub3A_405 : i32 to vector<16xi32>
      %sub3A_407 = arith.subi %shift_right_arithmetic3A_404, %sub3A_406 : vector<16xi32>
      %and3A_408 = arith.constant 8388607 : i32
      %and3A_409 = vector.broadcast %and3A_408 : i32 to vector<16xi32>
      %and3A_410 = arith.andi %bitcast3A_401, %and3A_409 : vector<16xi32>
      %or3A_411 = arith.constant 1065353216 : i32
      %or3A_412 = vector.broadcast %or3A_411 : i32 to vector<16xi32>
      %or3A_413 = arith.ori %and3A_410, %or3A_412 : vector<16xi32>
      %bitcast3A_414 = vector.bitcast %or3A_413 : vector<16xi32> to vector<16xf32>
      %sub3A_415 = arith.constant 1.000000e+00 : f32
      %sub3A_416 = vector.broadcast %sub3A_415 : f32 to vector<16xf32>
      %sub3A_417 = arith.subf %bitcast3A_414, %sub3A_416 : vector<16xf32>
      %add3A_418 = arith.constant 1.000000e+00 : f32
      %add3A_419 = vector.broadcast %add3A_418 : f32 to vector<16xf32>
      %add3A_420 = arith.addf %bitcast3A_414, %add3A_419 : vector<16xf32>
      %div3A_421 = arith.divf %sub3A_417, %add3A_420 : vector<16xf32>
      %mul3A_422 = arith.mulf %div3A_421, %div3A_421 : vector<16xf32>
      %mul3A_423 = arith.constant 2.000000e+00 : f32
      %mul3A_424 = vector.broadcast %mul3A_423 : f32 to vector<16xf32>
      %mul3A_425 = arith.mulf %mul3A_424, %div3A_421 : vector<16xf32>
      %mul3A_426 = arith.constant 0.142857149 : f32
      %mul3A_427 = vector.broadcast %mul3A_426 : f32 to vector<16xf32>
      %mul3A_428 = arith.mulf %mul3A_422, %mul3A_427 : vector<16xf32>
      %add3A_429 = arith.constant 2.000000e-01 : f32
      %add3A_430 = vector.broadcast %add3A_429 : f32 to vector<16xf32>
      %add3A_431 = arith.addf %add3A_430, %mul3A_428 : vector<16xf32>
      %mul3A_432 = arith.mulf %mul3A_422, %add3A_431 : vector<16xf32>
      %add3A_433 = arith.constant 0.333333343 : f32
      %add3A_434 = vector.broadcast %add3A_433 : f32 to vector<16xf32>
      %add3A_435 = arith.addf %add3A_434, %mul3A_432 : vector<16xf32>
      %mul3A_436 = arith.mulf %mul3A_422, %add3A_435 : vector<16xf32>
      %add3A_437 = arith.constant 1.000000e+00 : f32
      %add3A_438 = vector.broadcast %add3A_437 : f32 to vector<16xf32>
      %add3A_439 = arith.addf %add3A_438, %mul3A_436 : vector<16xf32>
      %mul3A_440 = arith.mulf %mul3A_425, %add3A_439 : vector<16xf32>
      %convert_element_type3A_441 = arith.sitofp %sub3A_407 : vector<16xi32> to vector<16xf32>
      %mul3A_442 = arith.constant 0.693147182 : f32
      %mul3A_443 = vector.broadcast %mul3A_442 : f32 to vector<16xf32>
      %mul3A_444 = arith.mulf %convert_element_type3A_441, %mul3A_443 : vector<16xf32>
      %add3A_445 = arith.addf %mul3A_444, %mul3A_440 : vector<16xf32>
      %add3A_446 = arith.addf %add3A_400, %add3A_445 : vector<16xf32>
      %sub3A_447 = arith.subf %add3A_446, %gather3A_304 : vector<16xf32>
      %sub3A_448 = arith.subf %sub3A_447, %gather3A_308 : vector<16xf32>
      %sub3A_449 = arith.subf %sub3A_448, %gather3A_312 : vector<16xf32>
      %mul3A_450 = arith.constant 5.000000e-01 : f32
      %mul3A_451 = vector.broadcast %mul3A_450 : f32 to vector<16xf32>
      %mul3A_452 = arith.mulf %convert_element_type3A_153, %mul3A_451 : vector<16xf32>
      %add3A_453 = arith.constant 2.500000e-01 : f32
      %add3A_454 = vector.broadcast %add3A_453 : f32 to vector<16xf32>
      %add3A_455 = arith.addf %mul3A_452, %add3A_454 : vector<16xf32>
      %sub3A_456 = arith.subf %min3A_133, %add3A_455 : vector<16xf32>
      %mul3A_457 = arith.constant 2.000000e+00 : f32
      %mul3A_458 = vector.broadcast %mul3A_457 : f32 to vector<16xf32>
      %mul3A_459 = arith.mulf %sub3A_456, %mul3A_458 : vector<16xf32>
      %mul3A_460 = arith.constant 5.000000e-01 : f32
      %mul3A_461 = vector.broadcast %mul3A_460 : f32 to vector<16xf32>
      %mul3A_462 = arith.mulf %convert_element_type3A_154, %mul3A_461 : vector<16xf32>
      %add3A_463 = arith.constant 2.500000e-01 : f32
      %add3A_464 = vector.broadcast %add3A_463 : f32 to vector<16xf32>
      %add3A_465 = arith.addf %mul3A_462, %add3A_464 : vector<16xf32>
      %sub3A_466 = arith.subf %min3A_145, %add3A_465 : vector<16xf32>
      %mul3A_467 = arith.constant 2.000000e+00 : f32
      %mul3A_468 = vector.broadcast %mul3A_467 : f32 to vector<16xf32>
      %mul3A_469 = arith.mulf %sub3A_466, %mul3A_468 : vector<16xf32>
      %mul3A_470 = arith.constant 0.69813168 : f32
      %mul3A_471 = vector.broadcast %mul3A_470 : f32 to vector<16xf32>
      %mul3A_472 = arith.mulf %convert_element_type3A_194, %mul3A_471 : vector<16xf32>
      %add3A_473 = arith.constant 0.34906584 : f32
      %add3A_474 = vector.broadcast %add3A_473 : f32 to vector<16xf32>
      %add3A_475 = arith.addf %mul3A_472, %add3A_474 : vector<16xf32>
      %sub3A_476 = arith.subf %sub3A_183, %add3A_475 : vector<16xf32>
      %div3A_477 = arith.constant 0.34906584 : f32
      %div3A_478 = vector.broadcast %div3A_477 : f32 to vector<16xf32>
      %div3A_479 = arith.divf %sub3A_476, %div3A_478 : vector<16xf32>
      %add3A_480 = arith.constant 12 : i32
      %add3A_481 = vector.broadcast %add3A_480 : i32 to vector<16xi32>
      %add3A_482 = arith.addi %convert_element_type3A, %add3A_481 : vector<16xi32>
      %gather3A_483 = tpu.vector_load_idx %arg8[%add3A_113, %add3A_482] : memref<160x46xf32, #tpu.memory_space<vmem>>[vector<16xi32>, vector<16xi32>], vector<16xf32>,
      %add3A_484 = arith.constant 18 : i32
      %add3A_485 = vector.broadcast %add3A_484 : i32 to vector<16xi32>
      %add3A_486 = arith.addi %convert_element_type3A_152, %add3A_485 : vector<16xi32>
      %gather3A_487 = tpu.vector_load_idx %arg8[%add3A_113, %add3A_486] : memref<160x46xf32, #tpu.memory_space<vmem>>[vector<16xi32>, vector<16xi32>], vector<16xf32>,
      %add3A_488 = arith.constant 34 : i32
      %add3A_489 = vector.broadcast %add3A_488 : i32 to vector<16xi32>
      %add3A_490 = arith.addi %min3A_193, %add3A_489 : vector<16xi32>
      %gather3A_491 = tpu.vector_load_idx %arg8[%add3A_113, %add3A_490] : memref<160x46xf32, #tpu.memory_space<vmem>>[vector<16xi32>, vector<16xi32>], vector<16xf32>,
      %sub3A_492 = arith.subf %gather3A_483, %mul3A_459 : vector<16xf32>
      %abs3A = math.absf %sub3A_492 : vector<16xf32>
      %lt3A_493 = arith.constant 1.000000e+00 : f32
      %lt3A_494 = vector.broadcast %lt3A_493 : f32 to vector<16xf32>
      %lt3A_495 = arith.cmpf olt, %abs3A, %lt3A_494 : vector<16xf32>
      %mul3A_496 = arith.constant 5.000000e-01 : f32
      %mul3A_497 = vector.broadcast %mul3A_496 : f32 to vector<16xf32>
      %mul3A_498 = arith.mulf %mul3A_497, %sub3A_492 : vector<16xf32>
      %mul3A_499 = arith.mulf %mul3A_498, %sub3A_492 : vector<16xf32>
      %sub3A_500 = arith.constant 5.000000e-01 : f32
      %sub3A_501 = vector.broadcast %sub3A_500 : f32 to vector<16xf32>
      %sub3A_502 = arith.subf %abs3A, %sub3A_501 : vector<16xf32>
      %select_n3A_503 = arith.select %lt3A_495, %mul3A_499, %sub3A_502 : vector<16xi1>, vector<16xf32>
      %sub3A_504 = arith.subf %gather3A_487, %mul3A_469 : vector<16xf32>
      %abs3A_505 = math.absf %sub3A_504 : vector<16xf32>
      %lt3A_506 = arith.constant 1.000000e+00 : f32
      %lt3A_507 = vector.broadcast %lt3A_506 : f32 to vector<16xf32>
      %lt3A_508 = arith.cmpf olt, %abs3A_505, %lt3A_507 : vector<16xf32>
      %mul3A_509 = arith.constant 5.000000e-01 : f32
      %mul3A_510 = vector.broadcast %mul3A_509 : f32 to vector<16xf32>
      %mul3A_511 = arith.mulf %mul3A_510, %sub3A_504 : vector<16xf32>
      %mul3A_512 = arith.mulf %mul3A_511, %sub3A_504 : vector<16xf32>
      %sub3A_513 = arith.constant 5.000000e-01 : f32
      %sub3A_514 = vector.broadcast %sub3A_513 : f32 to vector<16xf32>
      %sub3A_515 = arith.subf %abs3A_505, %sub3A_514 : vector<16xf32>
      %select_n3A_516 = arith.select %lt3A_508, %mul3A_512, %sub3A_515 : vector<16xi1>, vector<16xf32>
      %add3A_517 = arith.addf %select_n3A_503, %select_n3A_516 : vector<16xf32>
      %broadcast_in_dim3A_518 = arith.constant 24 : i32
      %broadcast_in_dim3A_519 = vector.broadcast %broadcast_in_dim3A_518 : i32 to vector<16xi32>
      %gather3A_520 = tpu.vector_load_idx %arg8[%add3A_113, %broadcast_in_dim3A_519] : memref<160x46xf32, #tpu.memory_space<vmem>>[vector<16xi32>, vector<16xi32>], vector<16xf32>,
      %broadcast_in_dim3A_521 = arith.constant 1 : i32
      %broadcast_in_dim3A_522 = vector.broadcast %broadcast_in_dim3A_521 : i32 to vector<16xi32>
      %gather3A_523 = tpu.vector_load_idx %arg9[%add3A_113, %broadcast_in_dim3A_522] : memref<160x46xf32, #tpu.memory_space<vmem>>[vector<16xi32>, vector<16xi32>], vector<16xf32>,
      %sub3A_524 = arith.subf %gather3A_520, %gather3A_523 : vector<16xf32>
      %abs3A_525 = math.absf %sub3A_524 : vector<16xf32>
      %lt3A_526 = arith.constant 1.000000e+00 : f32
      %lt3A_527 = vector.broadcast %lt3A_526 : f32 to vector<16xf32>
      %lt3A_528 = arith.cmpf olt, %abs3A_525, %lt3A_527 : vector<16xf32>
      %mul3A_529 = arith.constant 5.000000e-01 : f32
      %mul3A_530 = vector.broadcast %mul3A_529 : f32 to vector<16xf32>
      %mul3A_531 = arith.mulf %mul3A_530, %sub3A_524 : vector<16xf32>
      %mul3A_532 = arith.mulf %mul3A_531, %sub3A_524 : vector<16xf32>
      %sub3A_533 = arith.constant 5.000000e-01 : f32
      %sub3A_534 = vector.broadcast %sub3A_533 : f32 to vector<16xf32>
      %sub3A_535 = arith.subf %abs3A_525, %sub3A_534 : vector<16xf32>
      %select_n3A_536 = arith.select %lt3A_528, %mul3A_532, %sub3A_535 : vector<16xi1>, vector<16xf32>
      %add3A_537 = arith.addf %add3A_517, %select_n3A_536 : vector<16xf32>
      %sub3A_538 = arith.subf %gather3A_491, %div3A_479 : vector<16xf32>
      %abs3A_539 = math.absf %sub3A_538 : vector<16xf32>
      %lt3A_540 = arith.constant 1.000000e+00 : f32
      %lt3A_541 = vector.broadcast %lt3A_540 : f32 to vector<16xf32>
      %lt3A_542 = arith.cmpf olt, %abs3A_539, %lt3A_541 : vector<16xf32>
      %mul3A_543 = arith.constant 5.000000e-01 : f32
      %mul3A_544 = vector.broadcast %mul3A_543 : f32 to vector<16xf32>
      %mul3A_545 = arith.mulf %mul3A_544, %sub3A_538 : vector<16xf32>
      %mul3A_546 = arith.mulf %mul3A_545, %sub3A_538 : vector<16xf32>
      %sub3A_547 = arith.constant 5.000000e-01 : f32
      %sub3A_548 = vector.broadcast %sub3A_547 : f32 to vector<16xf32>
      %sub3A_549 = arith.subf %abs3A_539, %sub3A_548 : vector<16xf32>
      %select_n3A_550 = arith.select %lt3A_542, %mul3A_546, %sub3A_549 : vector<16xi1>, vector<16xf32>
      %add3A_551 = arith.addf %add3A_537, %select_n3A_550 : vector<16xf32>
      %broadcast_in_dim3A_552 = arith.constant 3 : i32
      %broadcast_in_dim3A_553 = vector.broadcast %broadcast_in_dim3A_552 : i32 to vector<16xi32>
      %gather3A_554 = tpu.vector_load_idx %arg8[%add3A_113, %broadcast_in_dim3A_553] : memref<160x46xf32, #tpu.memory_space<vmem>>[vector<16xi32>, vector<16xi32>], vector<16xf32>,
      %broadcast_in_dim3A_555 = arith.constant 43 : i32
      %broadcast_in_dim3A_556 = vector.broadcast %broadcast_in_dim3A_555 : i32 to vector<16xi32>
      %gather3A_557 = tpu.vector_load_idx %arg9[%add3A_113, %broadcast_in_dim3A_556] : memref<160x46xf32, #tpu.memory_space<vmem>>[vector<16xi32>, vector<16xi32>], vector<16xf32>,
      %broadcast_in_dim3A_558 = arith.constant 3 : i32
      %broadcast_in_dim3A_559 = vector.broadcast %broadcast_in_dim3A_558 : i32 to vector<16xi32>
      %gather3A_560 = tpu.vector_load_idx %arg9[%add3A_113, %broadcast_in_dim3A_559] : memref<160x46xf32, #tpu.memory_space<vmem>>[vector<16xi32>, vector<16xi32>], vector<16xf32>,
      %sub3A_561 = arith.subf %gather3A_560, %gather3A_554 : vector<16xf32>
      %div3A_562 = arith.divf %sub3A_561, %gather3A_554 : vector<16xf32>
      %sub3A_563 = arith.subf %gather3A_557, %div3A_562 : vector<16xf32>
      %abs3A_564 = math.absf %sub3A_563 : vector<16xf32>
      %lt3A_565 = arith.constant 1.000000e+00 : f32
      %lt3A_566 = vector.broadcast %lt3A_565 : f32 to vector<16xf32>
      %lt3A_567 = arith.cmpf olt, %abs3A_564, %lt3A_566 : vector<16xf32>
      %mul3A_568 = arith.constant 5.000000e-01 : f32
      %mul3A_569 = vector.broadcast %mul3A_568 : f32 to vector<16xf32>
      %mul3A_570 = arith.mulf %mul3A_569, %sub3A_563 : vector<16xf32>
      %mul3A_571 = arith.mulf %mul3A_570, %sub3A_563 : vector<16xf32>
      %sub3A_572 = arith.constant 5.000000e-01 : f32
      %sub3A_573 = vector.broadcast %sub3A_572 : f32 to vector<16xf32>
      %sub3A_574 = arith.subf %abs3A_564, %sub3A_573 : vector<16xf32>
      %select_n3A_575 = arith.select %lt3A_567, %mul3A_571, %sub3A_574 : vector<16xi1>, vector<16xf32>
      %add3A_576 = arith.addf %broadcast_in_dim3A_196, %select_n3A_575 : vector<16xf32>
      %broadcast_in_dim3A_577 = arith.constant 4 : i32
      %broadcast_in_dim3A_578 = vector.broadcast %broadcast_in_dim3A_577 : i32 to vector<16xi32>
      %gather3A_579 = tpu.vector_load_idx %arg8[%add3A_113, %broadcast_in_dim3A_578] : memref<160x46xf32, #tpu.memory_space<vmem>>[vector<16xi32>, vector<16xi32>], vector<16xf32>,
      %broadcast_in_dim3A_580 = arith.constant 44 : i32
      %broadcast_in_dim3A_581 = vector.broadcast %broadcast_in_dim3A_580 : i32 to vector<16xi32>
      %gather3A_582 = tpu.vector_load_idx %arg9[%add3A_113, %broadcast_in_dim3A_581] : memref<160x46xf32, #tpu.memory_space<vmem>>[vector<16xi32>, vector<16xi32>], vector<16xf32>,
      %broadcast_in_dim3A_583 = arith.constant 4 : i32
      %broadcast_in_dim3A_584 = vector.broadcast %broadcast_in_dim3A_583 : i32 to vector<16xi32>
      %gather3A_585 = tpu.vector_load_idx %arg9[%add3A_113, %broadcast_in_dim3A_584] : memref<160x46xf32, #tpu.memory_space<vmem>>[vector<16xi32>, vector<16xi32>], vector<16xf32>,
      %sub3A_586 = arith.subf %gather3A_585, %gather3A_579 : vector<16xf32>
      %div3A_587 = arith.divf %sub3A_586, %gather3A_579 : vector<16xf32>
      %sub3A_588 = arith.subf %gather3A_582, %div3A_587 : vector<16xf32>
      %abs3A_589 = math.absf %sub3A_588 : vector<16xf32>
      %lt3A_590 = arith.constant 1.000000e+00 : f32
      %lt3A_591 = vector.broadcast %lt3A_590 : f32 to vector<16xf32>
      %lt3A_592 = arith.cmpf olt, %abs3A_589, %lt3A_591 : vector<16xf32>
      %mul3A_593 = arith.constant 5.000000e-01 : f32
      %mul3A_594 = vector.broadcast %mul3A_593 : f32 to vector<16xf32>
      %mul3A_595 = arith.mulf %mul3A_594, %sub3A_588 : vector<16xf32>
      %mul3A_596 = arith.mulf %mul3A_595, %sub3A_588 : vector<16xf32>
      %sub3A_597 = arith.constant 5.000000e-01 : f32
      %sub3A_598 = vector.broadcast %sub3A_597 : f32 to vector<16xf32>
      %sub3A_599 = arith.subf %abs3A_589, %sub3A_598 : vector<16xf32>
      %select_n3A_600 = arith.select %lt3A_592, %mul3A_596, %sub3A_599 : vector<16xi1>, vector<16xf32>
      %add3A_601 = arith.addf %add3A_576, %select_n3A_600 : vector<16xf32>
      %broadcast_in_dim3A_602 = arith.constant 5 : i32
      %broadcast_in_dim3A_603 = vector.broadcast %broadcast_in_dim3A_602 : i32 to vector<16xi32>
      %gather3A_604 = tpu.vector_load_idx %arg8[%add3A_113, %broadcast_in_dim3A_603] : memref<160x46xf32, #tpu.memory_space<vmem>>[vector<16xi32>, vector<16xi32>], vector<16xf32>,
      %broadcast_in_dim3A_605 = arith.constant 45 : i32
      %broadcast_in_dim3A_606 = vector.broadcast %broadcast_in_dim3A_605 : i32 to vector<16xi32>
      %gather3A_607 = tpu.vector_load_idx %arg9[%add3A_113, %broadcast_in_dim3A_606] : memref<160x46xf32, #tpu.memory_space<vmem>>[vector<16xi32>, vector<16xi32>], vector<16xf32>,
      %broadcast_in_dim3A_608 = arith.constant 5 : i32
      %broadcast_in_dim3A_609 = vector.broadcast %broadcast_in_dim3A_608 : i32 to vector<16xi32>
      %gather3A_610 = tpu.vector_load_idx %arg9[%add3A_113, %broadcast_in_dim3A_609] : memref<160x46xf32, #tpu.memory_space<vmem>>[vector<16xi32>, vector<16xi32>], vector<16xf32>,
      %sub3A_611 = arith.subf %gather3A_610, %gather3A_604 : vector<16xf32>
      %div3A_612 = arith.divf %sub3A_611, %gather3A_604 : vector<16xf32>
      %sub3A_613 = arith.subf %gather3A_607, %div3A_612 : vector<16xf32>
      %abs3A_614 = math.absf %sub3A_613 : vector<16xf32>
      %lt3A_615 = arith.constant 1.000000e+00 : f32
      %lt3A_616 = vector.broadcast %lt3A_615 : f32 to vector<16xf32>
      %lt3A_617 = arith.cmpf olt, %abs3A_614, %lt3A_616 : vector<16xf32>
      %mul3A_618 = arith.constant 5.000000e-01 : f32
      %mul3A_619 = vector.broadcast %mul3A_618 : f32 to vector<16xf32>
      %mul3A_620 = arith.mulf %mul3A_619, %sub3A_613 : vector<16xf32>
      %mul3A_621 = arith.mulf %mul3A_620, %sub3A_613 : vector<16xf32>
      %sub3A_622 = arith.constant 5.000000e-01 : f32
      %sub3A_623 = vector.broadcast %sub3A_622 : f32 to vector<16xf32>
      %sub3A_624 = arith.subf %abs3A_614, %sub3A_623 : vector<16xf32>
      %select_n3A_625 = arith.select %lt3A_617, %mul3A_621, %sub3A_624 : vector<16xi1>, vector<16xf32>
      %add3A_626 = arith.addf %add3A_601, %select_n3A_625 : vector<16xf32>
      %add3A_627 = arith.addf %sub3A_449, %add3A_551 : vector<16xf32>
      %add3A_628 = arith.addf %add3A_627, %add3A_626 : vector<16xf32>
      %jit3A_629 = arith.constant 0.000000e+00 : f32
      %broadcast_in_dim3A_630 = vector.broadcast %jit3A_629 : f32 to vector<16xf32>
      %select_n3A_631 = arith.select %and3A_123, %add3A_628, %broadcast_in_dim3A_630 : vector<16xi1>, vector<16xf32>
      %add3A_632 = arith.addf %scan3A_108, %select_n3A_631 : vector<16xf32>
      %jit3A_633 = arith.constant 1.000000e+00 : f32
      %jit3A_634 = arith.constant 0.000000e+00 : f32
      %broadcast_in_dim3A_635 = vector.broadcast %jit3A_633 : f32 to vector<16xf32>
      %broadcast_in_dim3A_636 = vector.broadcast %jit3A_634 : f32 to vector<16xf32>
      %select_n3A_637 = arith.select %and3A_123, %broadcast_in_dim3A_635, %broadcast_in_dim3A_636 : vector<16xi1>, vector<16xf32>
      %add3A_638 = arith.addf %scan3A_109, %select_n3A_637 : vector<16xf32>
      scf.yield %add3A_632, %add3A_638 : vector<16xf32>, vector<16xf32>
    }
    %scan3A_63 = arith.constant 10 : i32
    %add3A_64 = arith.constant 480 : i32
    %add3A_65 = arith.addi %min3A_3, %add3A_64 : i32
    %dma_start3A_66 = arith.constant 0 : i32
    %dma_start3A_67 = tpu.memref_slice %arg2[%add3A_65, %dma_start3A_66] : memref<20000x46xf32, #tpu.memory_space<hbm>> -> memref<160x46xf32, #tpu.memory_space<hbm>>
    %dma_start3A_68 = arith.constant 0 : i32
    %dma_start3A_69 = tpu.memref_slice %arg2[%add3A_65, %dma_start3A_68] : memref<20000x46xf32, #tpu.memory_space<hbm>> -> memref<160x46xf32, #tpu.memory_space<hbm>>
    tpu.enqueue_dma source(%dma_start3A_69 : memref<160x46xf32, #tpu.memory_space<hbm>>) target(%arg8 : memref<160x46xf32, #tpu.memory_space<vmem>>) target_semaphore(%arg13 : memref<!tpu.dma_semaphore, #tpu.memory_space<semaphore_mem>>)
    %dma_start3A_70 = arith.constant 0 : i32
    %dma_start3A_71 = tpu.memref_slice %arg3[%add3A_65, %dma_start3A_70] : memref<20000x46xf32, #tpu.memory_space<hbm>> -> memref<160x46xf32, #tpu.memory_space<hbm>>
    %dma_start3A_72 = arith.constant 0 : i32
    %dma_start3A_73 = tpu.memref_slice %arg3[%add3A_65, %dma_start3A_72] : memref<20000x46xf32, #tpu.memory_space<hbm>> -> memref<160x46xf32, #tpu.memory_space<hbm>>
    tpu.enqueue_dma source(%dma_start3A_73 : memref<160x46xf32, #tpu.memory_space<hbm>>) target(%arg9 : memref<160x46xf32, #tpu.memory_space<vmem>>) target_semaphore(%arg13 : memref<!tpu.dma_semaphore, #tpu.memory_space<semaphore_mem>>)
    %dma_wait3A_74 = arith.constant 0 : i32
    %dma_wait3A_75 = tpu.memref_slice %arg2[%add3A_41, %dma_wait3A_74] : memref<20000x46xf32, #tpu.memory_space<hbm>> -> memref<160x46xf32, #tpu.memory_space<hbm>>
    %dma_wait3A_76 = arith.constant 0 : i32
    %dma_wait3A_77 = tpu.memref_slice %arg2[%add3A_41, %dma_wait3A_76] : memref<20000x46xf32, #tpu.memory_space<hbm>> -> memref<160x46xf32, #tpu.memory_space<hbm>>
    tpu.wait_dma2 semaphore(%arg12 : memref<!tpu.dma_semaphore, #tpu.memory_space<semaphore_mem>>) src(%dma_wait3A_77 : memref<160x46xf32, #tpu.memory_space<hbm>>) dst(%arg6 : memref<160x46xf32, #tpu.memory_space<vmem>>)
    %dma_wait3A_78 = arith.constant 0 : i32
    %dma_wait3A_79 = tpu.memref_slice %arg3[%add3A_41, %dma_wait3A_78] : memref<20000x46xf32, #tpu.memory_space<hbm>> -> memref<160x46xf32, #tpu.memory_space<hbm>>
    %dma_wait3A_80 = arith.constant 0 : i32
    %dma_wait3A_81 = tpu.memref_slice %arg3[%add3A_41, %dma_wait3A_80] : memref<20000x46xf32, #tpu.memory_space<hbm>> -> memref<160x46xf32, #tpu.memory_space<hbm>>
    tpu.wait_dma2 semaphore(%arg12 : memref<!tpu.dma_semaphore, #tpu.memory_space<semaphore_mem>>) src(%dma_wait3A_81 : memref<160x46xf32, #tpu.memory_space<hbm>>) dst(%arg7 : memref<160x46xf32, #tpu.memory_space<vmem>>)
    %scan3A_82 = arith.constant 0 : i32
    %scan3A_83 = arith.constant 10 : i32
    %scan3A_84 = arith.addi %scan3A_82, %scan3A_83 : i32
    %scan3A_85 = arith.constant 1 : i32
    %scan3A_86:2 = scf.for %scan3A_107 = %scan3A_82 to %scan3A_84 step %scan3A_85 iter_args(%scan3A_108 = %scan3A_62#0, %scan3A_109 = %scan3A_62#1) -> (vector<16xf32>, vector<16xf32>)  : i32 {
      %mul3A_110 = arith.constant 16 : i32
      %mul3A_111 = arith.muli %scan3A_107, %mul3A_110 : i32
      %add3A_112 = vector.broadcast %mul3A_111 : i32 to vector<16xi32>
      %add3A_113 = arith.addi %add3A_112, %iota3A : vector<16xi32>
      %add3A_114 = arith.constant 320 : i32
      %add3A_115 = vector.broadcast %add3A_114 : i32 to vector<16xi32>
      %add3A_116 = arith.addi %add3A_115, %add3A_113 : vector<16xi32>
      %ge3A = vector.broadcast %sub3A : i32 to vector<16xi32>
      %ge3A_117 = arith.cmpi sge, %add3A_116, %ge3A : vector<16xi32>
      %add3A_118 = arith.addi %sub3A, %min3A_7 : i32
      %lt3A = vector.broadcast %add3A_118 : i32 to vector<16xi32>
      %lt3A_119 = arith.cmpi slt, %add3A_116, %lt3A : vector<16xi32>
      %and3A = arith.andi %ge3A_117, %lt3A_119 : vector<16xi1>
      %gather3A = tpu.vector_load_idx %arg10[%add3A_116] : memref<640xf32, #tpu.memory_space<vmem>>[vector<16xi32>], vector<16xf32>,
      %ge3A_120 = arith.constant 5.500000e-01 : f32
      %ge3A_121 = vector.broadcast %ge3A_120 : f32 to vector<16xf32>
      %ge3A_122 = arith.cmpf oge, %gather3A, %ge3A_121 : vector<16xf32>
      %and3A_123 = arith.andi %and3A, %ge3A_122 : vector<16xi1>
      %broadcast_in_dim3A_124 = arith.constant 0 : i32
      %broadcast_in_dim3A_125 = vector.broadcast %broadcast_in_dim3A_124 : i32 to vector<16xi32>
      %gather3A_126 = tpu.vector_load_idx %arg7[%add3A_113, %broadcast_in_dim3A_125] : memref<160x46xf32, #tpu.memory_space<vmem>>[vector<16xi32>, vector<16xi32>], vector<16xf32>,
      %add3A_127 = arith.constant 1.500000e+00 : f32
      %add3A_128 = vector.broadcast %add3A_127 : f32 to vector<16xf32>
      %add3A_129 = arith.addf %gather3A_126, %add3A_128 : vector<16xf32>
      %jit3A = arith.constant 0.000000e+00 : f32
      %jit3A_130 = arith.constant 2.999000e+00 : f32
      %max3A = vector.broadcast %jit3A : f32 to vector<16xf32>
      %max3A_131 = arith.maximumf %max3A, %add3A_129 : vector<16xf32>
      %min3A_132 = vector.broadcast %jit3A_130 : f32 to vector<16xf32>
      %min3A_133 = arith.minimumf %min3A_132, %max3A_131 : vector<16xf32>
      %broadcast_in_dim3A_134 = arith.constant 2 : i32
      %broadcast_in_dim3A_135 = vector.broadcast %broadcast_in_dim3A_134 : i32 to vector<16xi32>
      %gather3A_136 = tpu.vector_load_idx %arg7[%add3A_113, %broadcast_in_dim3A_135] : memref<160x46xf32, #tpu.memory_space<vmem>>[vector<16xi32>, vector<16xi32>], vector<16xf32>,
      %add3A_137 = arith.constant 1.500000e+00 : f32
      %add3A_138 = vector.broadcast %add3A_137 : f32 to vector<16xf32>
      %add3A_139 = arith.addf %gather3A_136, %add3A_138 : vector<16xf32>
      %jit3A_140 = arith.constant 0.000000e+00 : f32
      %jit3A_141 = arith.constant 2.999000e+00 : f32
      %max3A_142 = vector.broadcast %jit3A_140 : f32 to vector<16xf32>
      %max3A_143 = arith.maximumf %max3A_142, %add3A_139 : vector<16xf32>
      %min3A_144 = vector.broadcast %jit3A_141 : f32 to vector<16xf32>
      %min3A_145 = arith.minimumf %min3A_144, %max3A_143 : vector<16xf32>
      %mul3A_146 = arith.constant 2.000000e+00 : f32
      %mul3A_147 = vector.broadcast %mul3A_146 : f32 to vector<16xf32>
      %mul3A_148 = arith.mulf %min3A_133, %mul3A_147 : vector<16xf32>
      %convert_element_type3A = arith.fptosi %mul3A_148 : vector<16xf32> to vector<16xi32>
      %mul3A_149 = arith.constant 2.000000e+00 : f32
      %mul3A_150 = vector.broadcast %mul3A_149 : f32 to vector<16xf32>
      %mul3A_151 = arith.mulf %min3A_145, %mul3A_150 : vector<16xf32>
      %convert_element_type3A_152 = arith.fptosi %mul3A_151 : vector<16xf32> to vector<16xi32>
      %convert_element_type3A_153 = arith.sitofp %convert_element_type3A : vector<16xi32> to vector<16xf32>
      %convert_element_type3A_154 = arith.sitofp %convert_element_type3A_152 : vector<16xi32> to vector<16xf32>
      %broadcast_in_dim3A_155 = arith.constant 6 : i32
      %broadcast_in_dim3A_156 = vector.broadcast %broadcast_in_dim3A_155 : i32 to vector<16xi32>
      %gather3A_157 = tpu.vector_load_idx %arg7[%add3A_113, %broadcast_in_dim3A_156] : memref<160x46xf32, #tpu.memory_space<vmem>>[vector<16xi32>, vector<16xi32>], vector<16xf32>,
      %div3A = arith.constant 6.28318548 : f32
      %div3A_158 = vector.broadcast %div3A : f32 to vector<16xf32>
      %div3A_159 = arith.divf %gather3A_157, %div3A_158 : vector<16xf32>
      %convert_element_type3A_160 = arith.fptosi %div3A_159 : vector<16xf32> to vector<16xi32>
      %convert_element_type3A_161 = arith.sitofp %convert_element_type3A_160 : vector<16xi32> to vector<16xf32>
      %mul3A_162 = arith.constant 6.28318548 : f32
      %mul3A_163 = vector.broadcast %mul3A_162 : f32 to vector<16xf32>
      %mul3A_164 = arith.mulf %convert_element_type3A_161, %mul3A_163 : vector<16xf32>
      %sub3A_165 = arith.subf %gather3A_157, %mul3A_164 : vector<16xf32>
      %lt3A_166 = arith.constant 0.000000e+00 : f32
      %lt3A_167 = vector.broadcast %lt3A_166 : f32 to vector<16xf32>
      %lt3A_168 = arith.cmpf olt, %sub3A_165, %lt3A_167 : vector<16xf32>
      %add3A_169 = arith.constant 6.28318548 : f32
      %add3A_170 = vector.broadcast %add3A_169 : f32 to vector<16xf32>
      %add3A_171 = arith.addf %sub3A_165, %add3A_170 : vector<16xf32>
      %select_n3A = arith.select %lt3A_168, %add3A_171, %sub3A_165 : vector<16xi1>, vector<16xf32>
      %add3A_172 = arith.constant 0.34906584 : f32
      %add3A_173 = vector.broadcast %add3A_172 : f32 to vector<16xf32>
      %add3A_174 = arith.addf %select_n3A, %add3A_173 : vector<16xf32>
      %div3A_175 = arith.constant 6.28318548 : f32
      %div3A_176 = vector.broadcast %div3A_175 : f32 to vector<16xf32>
      %div3A_177 = arith.divf %add3A_174, %div3A_176 : vector<16xf32>
      %convert_element_type3A_178 = arith.fptosi %div3A_177 : vector<16xf32> to vector<16xi32>
      %convert_element_type3A_179 = arith.sitofp %convert_element_type3A_178 : vector<16xi32> to vector<16xf32>
      %mul3A_180 = arith.constant 6.28318548 : f32
      %mul3A_181 = vector.broadcast %mul3A_180 : f32 to vector<16xf32>
      %mul3A_182 = arith.mulf %convert_element_type3A_179, %mul3A_181 : vector<16xf32>
      %sub3A_183 = arith.subf %add3A_174, %mul3A_182 : vector<16xf32>
      %div3A_184 = arith.constant 0.69813168 : f32
      %div3A_185 = vector.broadcast %div3A_184 : f32 to vector<16xf32>
      %div3A_186 = arith.divf %sub3A_183, %div3A_185 : vector<16xf32>
      %convert_element_type3A_187 = arith.fptosi %div3A_186 : vector<16xf32> to vector<16xi32>
      %jit3A_188 = arith.constant 0 : i32
      %jit3A_189 = arith.constant 8 : i32
      %max3A_190 = vector.broadcast %jit3A_188 : i32 to vector<16xi32>
      %max3A_191 = arith.maxsi %max3A_190, %convert_element_type3A_187 : vector<16xi32>
      %min3A_192 = vector.broadcast %jit3A_189 : i32 to vector<16xi32>
      %min3A_193 = arith.minsi %min3A_192, %max3A_191 : vector<16xi32>
      %convert_element_type3A_194 = arith.sitofp %min3A_193 : vector<16xi32> to vector<16xf32>
      %broadcast_in_dim3A_195 = arith.constant 0.000000e+00 : f32
      %broadcast_in_dim3A_196 = vector.broadcast %broadcast_in_dim3A_195 : f32 to vector<16xf32>
      %broadcast_in_dim3A_197 = arith.constant 0 : i32
      %broadcast_in_dim3A_198 = vector.broadcast %broadcast_in_dim3A_197 : i32 to vector<16xi32>
      %gather3A_199 = tpu.vector_load_idx %arg6[%add3A_113, %broadcast_in_dim3A_198] : memref<160x46xf32, #tpu.memory_space<vmem>>[vector<16xi32>, vector<16xi32>], vector<16xf32>,
      %exp3A = math.exp %gather3A_199 : vector<16xf32>
      %add3A_200 = arith.addf %broadcast_in_dim3A_196, %exp3A : vector<16xf32>
      %broadcast_in_dim3A_201 = arith.constant 1 : i32
      %broadcast_in_dim3A_202 = vector.broadcast %broadcast_in_dim3A_201 : i32 to vector<16xi32>
      %gather3A_203 = tpu.vector_load_idx %arg6[%add3A_113, %broadcast_in_dim3A_202] : memref<160x46xf32, #tpu.memory_space<vmem>>[vector<16xi32>, vector<16xi32>], vector<16xf32>,
      %exp3A_204 = math.exp %gather3A_203 : vector<16xf32>
      %add3A_205 = arith.addf %add3A_200, %exp3A_204 : vector<16xf32>
      %broadcast_in_dim3A_206 = arith.constant 2 : i32
      %broadcast_in_dim3A_207 = vector.broadcast %broadcast_in_dim3A_206 : i32 to vector<16xi32>
      %gather3A_208 = tpu.vector_load_idx %arg6[%add3A_113, %broadcast_in_dim3A_207] : memref<160x46xf32, #tpu.memory_space<vmem>>[vector<16xi32>, vector<16xi32>], vector<16xf32>,
      %exp3A_209 = math.exp %gather3A_208 : vector<16xf32>
      %add3A_210 = arith.addf %add3A_205, %exp3A_209 : vector<16xf32>
      %broadcast_in_dim3A_211 = arith.constant 3 : i32
      %broadcast_in_dim3A_212 = vector.broadcast %broadcast_in_dim3A_211 : i32 to vector<16xi32>
      %gather3A_213 = tpu.vector_load_idx %arg6[%add3A_113, %broadcast_in_dim3A_212] : memref<160x46xf32, #tpu.memory_space<vmem>>[vector<16xi32>, vector<16xi32>], vector<16xf32>,
      %exp3A_214 = math.exp %gather3A_213 : vector<16xf32>
      %add3A_215 = arith.addf %add3A_210, %exp3A_214 : vector<16xf32>
      %broadcast_in_dim3A_216 = arith.constant 4 : i32
      %broadcast_in_dim3A_217 = vector.broadcast %broadcast_in_dim3A_216 : i32 to vector<16xi32>
      %gather3A_218 = tpu.vector_load_idx %arg6[%add3A_113, %broadcast_in_dim3A_217] : memref<160x46xf32, #tpu.memory_space<vmem>>[vector<16xi32>, vector<16xi32>], vector<16xf32>,
      %exp3A_219 = math.exp %gather3A_218 : vector<16xf32>
      %add3A_220 = arith.addf %add3A_215, %exp3A_219 : vector<16xf32>
      %broadcast_in_dim3A_221 = arith.constant 5 : i32
      %broadcast_in_dim3A_222 = vector.broadcast %broadcast_in_dim3A_221 : i32 to vector<16xi32>
      %gather3A_223 = tpu.vector_load_idx %arg6[%add3A_113, %broadcast_in_dim3A_222] : memref<160x46xf32, #tpu.memory_space<vmem>>[vector<16xi32>, vector<16xi32>], vector<16xf32>,
      %exp3A_224 = math.exp %gather3A_223 : vector<16xf32>
      %add3A_225 = arith.addf %add3A_220, %exp3A_224 : vector<16xf32>
      %broadcast_in_dim3A_226 = arith.constant 6 : i32
      %broadcast_in_dim3A_227 = vector.broadcast %broadcast_in_dim3A_226 : i32 to vector<16xi32>
      %gather3A_228 = tpu.vector_load_idx %arg6[%add3A_113, %broadcast_in_dim3A_227] : memref<160x46xf32, #tpu.memory_space<vmem>>[vector<16xi32>, vector<16xi32>], vector<16xf32>,
      %exp3A_229 = math.exp %gather3A_228 : vector<16xf32>
      %add3A_230 = arith.addf %broadcast_in_dim3A_196, %exp3A_229 : vector<16xf32>
      %broadcast_in_dim3A_231 = arith.constant 7 : i32
      %broadcast_in_dim3A_232 = vector.broadcast %broadcast_in_dim3A_231 : i32 to vector<16xi32>
      %gather3A_233 = tpu.vector_load_idx %arg6[%add3A_113, %broadcast_in_dim3A_232] : memref<160x46xf32, #tpu.memory_space<vmem>>[vector<16xi32>, vector<16xi32>], vector<16xf32>,
      %exp3A_234 = math.exp %gather3A_233 : vector<16xf32>
      %add3A_235 = arith.addf %add3A_230, %exp3A_234 : vector<16xf32>
      %broadcast_in_dim3A_236 = arith.constant 8 : i32
      %broadcast_in_dim3A_237 = vector.broadcast %broadcast_in_dim3A_236 : i32 to vector<16xi32>
      %gather3A_238 = tpu.vector_load_idx %arg6[%add3A_113, %broadcast_in_dim3A_237] : memref<160x46xf32, #tpu.memory_space<vmem>>[vector<16xi32>, vector<16xi32>], vector<16xf32>,
      %exp3A_239 = math.exp %gather3A_238 : vector<16xf32>
      %add3A_240 = arith.addf %add3A_235, %exp3A_239 : vector<16xf32>
      %broadcast_in_dim3A_241 = arith.constant 9 : i32
      %broadcast_in_dim3A_242 = vector.broadcast %broadcast_in_dim3A_241 : i32 to vector<16xi32>
      %gather3A_243 = tpu.vector_load_idx %arg6[%add3A_113, %broadcast_in_dim3A_242] : memref<160x46xf32, #tpu.memory_space<vmem>>[vector<16xi32>, vector<16xi32>], vector<16xf32>,
      %exp3A_244 = math.exp %gather3A_243 : vector<16xf32>
      %add3A_245 = arith.addf %add3A_240, %exp3A_244 : vector<16xf32>
      %broadcast_in_dim3A_246 = arith.constant 10 : i32
      %broadcast_in_dim3A_247 = vector.broadcast %broadcast_in_dim3A_246 : i32 to vector<16xi32>
      %gather3A_248 = tpu.vector_load_idx %arg6[%add3A_113, %broadcast_in_dim3A_247] : memref<160x46xf32, #tpu.memory_space<vmem>>[vector<16xi32>, vector<16xi32>], vector<16xf32>,
      %exp3A_249 = math.exp %gather3A_248 : vector<16xf32>
      %add3A_250 = arith.addf %add3A_245, %exp3A_249 : vector<16xf32>
      %broadcast_in_dim3A_251 = arith.constant 11 : i32
      %broadcast_in_dim3A_252 = vector.broadcast %broadcast_in_dim3A_251 : i32 to vector<16xi32>
      %gather3A_253 = tpu.vector_load_idx %arg6[%add3A_113, %broadcast_in_dim3A_252] : memref<160x46xf32, #tpu.memory_space<vmem>>[vector<16xi32>, vector<16xi32>], vector<16xf32>,
      %exp3A_254 = math.exp %gather3A_253 : vector<16xf32>
      %add3A_255 = arith.addf %add3A_250, %exp3A_254 : vector<16xf32>
      %broadcast_in_dim3A_256 = arith.constant 25 : i32
      %broadcast_in_dim3A_257 = vector.broadcast %broadcast_in_dim3A_256 : i32 to vector<16xi32>
      %gather3A_258 = tpu.vector_load_idx %arg6[%add3A_113, %broadcast_in_dim3A_257] : memref<160x46xf32, #tpu.memory_space<vmem>>[vector<16xi32>, vector<16xi32>], vector<16xf32>,
      %exp3A_259 = math.exp %gather3A_258 : vector<16xf32>
      %add3A_260 = arith.addf %broadcast_in_dim3A_196, %exp3A_259 : vector<16xf32>
      %broadcast_in_dim3A_261 = arith.constant 26 : i32
      %broadcast_in_dim3A_262 = vector.broadcast %broadcast_in_dim3A_261 : i32 to vector<16xi32>
      %gather3A_263 = tpu.vector_load_idx %arg6[%add3A_113, %broadcast_in_dim3A_262] : memref<160x46xf32, #tpu.memory_space<vmem>>[vector<16xi32>, vector<16xi32>], vector<16xf32>,
      %exp3A_264 = math.exp %gather3A_263 : vector<16xf32>
      %add3A_265 = arith.addf %add3A_260, %exp3A_264 : vector<16xf32>
      %broadcast_in_dim3A_266 = arith.constant 27 : i32
      %broadcast_in_dim3A_267 = vector.broadcast %broadcast_in_dim3A_266 : i32 to vector<16xi32>
      %gather3A_268 = tpu.vector_load_idx %arg6[%add3A_113, %broadcast_in_dim3A_267] : memref<160x46xf32, #tpu.memory_space<vmem>>[vector<16xi32>, vector<16xi32>], vector<16xf32>,
      %exp3A_269 = math.exp %gather3A_268 : vector<16xf32>
      %add3A_270 = arith.addf %add3A_265, %exp3A_269 : vector<16xf32>
      %broadcast_in_dim3A_271 = arith.constant 28 : i32
      %broadcast_in_dim3A_272 = vector.broadcast %broadcast_in_dim3A_271 : i32 to vector<16xi32>
      %gather3A_273 = tpu.vector_load_idx %arg6[%add3A_113, %broadcast_in_dim3A_272] : memref<160x46xf32, #tpu.memory_space<vmem>>[vector<16xi32>, vector<16xi32>], vector<16xf32>,
      %exp3A_274 = math.exp %gather3A_273 : vector<16xf32>
      %add3A_275 = arith.addf %add3A_270, %exp3A_274 : vector<16xf32>
      %broadcast_in_dim3A_276 = arith.constant 29 : i32
      %broadcast_in_dim3A_277 = vector.broadcast %broadcast_in_dim3A_276 : i32 to vector<16xi32>
      %gather3A_278 = tpu.vector_load_idx %arg6[%add3A_113, %broadcast_in_dim3A_277] : memref<160x46xf32, #tpu.memory_space<vmem>>[vector<16xi32>, vector<16xi32>], vector<16xf32>,
      %exp3A_279 = math.exp %gather3A_278 : vector<16xf32>
      %add3A_280 = arith.addf %add3A_275, %exp3A_279 : vector<16xf32>
      %broadcast_in_dim3A_281 = arith.constant 30 : i32
      %broadcast_in_dim3A_282 = vector.broadcast %broadcast_in_dim3A_281 : i32 to vector<16xi32>
      %gather3A_283 = tpu.vector_load_idx %arg6[%add3A_113, %broadcast_in_dim3A_282] : memref<160x46xf32, #tpu.memory_space<vmem>>[vector<16xi32>, vector<16xi32>], vector<16xf32>,
      %exp3A_284 = math.exp %gather3A_283 : vector<16xf32>
      %add3A_285 = arith.addf %add3A_280, %exp3A_284 : vector<16xf32>
      %broadcast_in_dim3A_286 = arith.constant 31 : i32
      %broadcast_in_dim3A_287 = vector.broadcast %broadcast_in_dim3A_286 : i32 to vector<16xi32>
      %gather3A_288 = tpu.vector_load_idx %arg6[%add3A_113, %broadcast_in_dim3A_287] : memref<160x46xf32, #tpu.memory_space<vmem>>[vector<16xi32>, vector<16xi32>], vector<16xf32>,
      %exp3A_289 = math.exp %gather3A_288 : vector<16xf32>
      %add3A_290 = arith.addf %add3A_285, %exp3A_289 : vector<16xf32>
      %broadcast_in_dim3A_291 = arith.constant 32 : i32
      %broadcast_in_dim3A_292 = vector.broadcast %broadcast_in_dim3A_291 : i32 to vector<16xi32>
      %gather3A_293 = tpu.vector_load_idx %arg6[%add3A_113, %broadcast_in_dim3A_292] : memref<160x46xf32, #tpu.memory_space<vmem>>[vector<16xi32>, vector<16xi32>], vector<16xf32>,
      %exp3A_294 = math.exp %gather3A_293 : vector<16xf32>
      %add3A_295 = arith.addf %add3A_290, %exp3A_294 : vector<16xf32>
      %broadcast_in_dim3A_296 = arith.constant 33 : i32
      %broadcast_in_dim3A_297 = vector.broadcast %broadcast_in_dim3A_296 : i32 to vector<16xi32>
      %gather3A_298 = tpu.vector_load_idx %arg6[%add3A_113, %broadcast_in_dim3A_297] : memref<160x46xf32, #tpu.memory_space<vmem>>[vector<16xi32>, vector<16xi32>], vector<16xf32>,
      %exp3A_299 = math.exp %gather3A_298 : vector<16xf32>
      %add3A_300 = arith.addf %add3A_295, %exp3A_299 : vector<16xf32>
      %add3A_301 = arith.constant 0 : i32
      %add3A_302 = vector.broadcast %add3A_301 : i32 to vector<16xi32>
      %add3A_303 = arith.addi %convert_element_type3A, %add3A_302 : vector<16xi32>
      %gather3A_304 = tpu.vector_load_idx %arg6[%add3A_113, %add3A_303] : memref<160x46xf32, #tpu.memory_space<vmem>>[vector<16xi32>, vector<16xi32>], vector<16xf32>,
      %add3A_305 = arith.constant 6 : i32
      %add3A_306 = vector.broadcast %add3A_305 : i32 to vector<16xi32>
      %add3A_307 = arith.addi %convert_element_type3A_152, %add3A_306 : vector<16xi32>
      %gather3A_308 = tpu.vector_load_idx %arg6[%add3A_113, %add3A_307] : memref<160x46xf32, #tpu.memory_space<vmem>>[vector<16xi32>, vector<16xi32>], vector<16xf32>,
      %add3A_309 = arith.constant 25 : i32
      %add3A_310 = vector.broadcast %add3A_309 : i32 to vector<16xi32>
      %add3A_311 = arith.addi %min3A_193, %add3A_310 : vector<16xi32>
      %gather3A_312 = tpu.vector_load_idx %arg6[%add3A_113, %add3A_311] : memref<160x46xf32, #tpu.memory_space<vmem>>[vector<16xi32>, vector<16xi32>], vector<16xf32>,
      %bitcast3A = vector.bitcast %add3A_225 : vector<16xf32> to vector<16xi32>
      %shift_right_arithmetic3A = arith.constant 23 : i32
      %shift_right_arithmetic3A_313 = vector.broadcast %shift_right_arithmetic3A : i32 to vector<16xi32>
      %shift_right_arithmetic3A_314 = arith.shrsi %bitcast3A, %shift_right_arithmetic3A_313 : vector<16xi32>
      %sub3A_315 = arith.constant 127 : i32
      %sub3A_316 = vector.broadcast %sub3A_315 : i32 to vector<16xi32>
      %sub3A_317 = arith.subi %shift_right_arithmetic3A_314, %sub3A_316 : vector<16xi32>
      %and3A_318 = arith.constant 8388607 : i32
      %and3A_319 = vector.broadcast %and3A_318 : i32 to vector<16xi32>
      %and3A_320 = arith.andi %bitcast3A, %and3A_319 : vector<16xi32>
      %or3A = arith.constant 1065353216 : i32
      %or3A_321 = vector.broadcast %or3A : i32 to vector<16xi32>
      %or3A_322 = arith.ori %and3A_320, %or3A_321 : vector<16xi32>
      %bitcast3A_323 = vector.bitcast %or3A_322 : vector<16xi32> to vector<16xf32>
      %sub3A_324 = arith.constant 1.000000e+00 : f32
      %sub3A_325 = vector.broadcast %sub3A_324 : f32 to vector<16xf32>
      %sub3A_326 = arith.subf %bitcast3A_323, %sub3A_325 : vector<16xf32>
      %add3A_327 = arith.constant 1.000000e+00 : f32
      %add3A_328 = vector.broadcast %add3A_327 : f32 to vector<16xf32>
      %add3A_329 = arith.addf %bitcast3A_323, %add3A_328 : vector<16xf32>
      %div3A_330 = arith.divf %sub3A_326, %add3A_329 : vector<16xf32>
      %mul3A_331 = arith.mulf %div3A_330, %div3A_330 : vector<16xf32>
      %mul3A_332 = arith.constant 2.000000e+00 : f32
      %mul3A_333 = vector.broadcast %mul3A_332 : f32 to vector<16xf32>
      %mul3A_334 = arith.mulf %mul3A_333, %div3A_330 : vector<16xf32>
      %mul3A_335 = arith.constant 0.142857149 : f32
      %mul3A_336 = vector.broadcast %mul3A_335 : f32 to vector<16xf32>
      %mul3A_337 = arith.mulf %mul3A_331, %mul3A_336 : vector<16xf32>
      %add3A_338 = arith.constant 2.000000e-01 : f32
      %add3A_339 = vector.broadcast %add3A_338 : f32 to vector<16xf32>
      %add3A_340 = arith.addf %add3A_339, %mul3A_337 : vector<16xf32>
      %mul3A_341 = arith.mulf %mul3A_331, %add3A_340 : vector<16xf32>
      %add3A_342 = arith.constant 0.333333343 : f32
      %add3A_343 = vector.broadcast %add3A_342 : f32 to vector<16xf32>
      %add3A_344 = arith.addf %add3A_343, %mul3A_341 : vector<16xf32>
      %mul3A_345 = arith.mulf %mul3A_331, %add3A_344 : vector<16xf32>
      %add3A_346 = arith.constant 1.000000e+00 : f32
      %add3A_347 = vector.broadcast %add3A_346 : f32 to vector<16xf32>
      %add3A_348 = arith.addf %add3A_347, %mul3A_345 : vector<16xf32>
      %mul3A_349 = arith.mulf %mul3A_334, %add3A_348 : vector<16xf32>
      %convert_element_type3A_350 = arith.sitofp %sub3A_317 : vector<16xi32> to vector<16xf32>
      %mul3A_351 = arith.constant 0.693147182 : f32
      %mul3A_352 = vector.broadcast %mul3A_351 : f32 to vector<16xf32>
      %mul3A_353 = arith.mulf %convert_element_type3A_350, %mul3A_352 : vector<16xf32>
      %add3A_354 = arith.addf %mul3A_353, %mul3A_349 : vector<16xf32>
      %bitcast3A_355 = vector.bitcast %add3A_255 : vector<16xf32> to vector<16xi32>
      %shift_right_arithmetic3A_356 = arith.constant 23 : i32
      %shift_right_arithmetic3A_357 = vector.broadcast %shift_right_arithmetic3A_356 : i32 to vector<16xi32>
      %shift_right_arithmetic3A_358 = arith.shrsi %bitcast3A_355, %shift_right_arithmetic3A_357 : vector<16xi32>
      %sub3A_359 = arith.constant 127 : i32
      %sub3A_360 = vector.broadcast %sub3A_359 : i32 to vector<16xi32>
      %sub3A_361 = arith.subi %shift_right_arithmetic3A_358, %sub3A_360 : vector<16xi32>
      %and3A_362 = arith.constant 8388607 : i32
      %and3A_363 = vector.broadcast %and3A_362 : i32 to vector<16xi32>
      %and3A_364 = arith.andi %bitcast3A_355, %and3A_363 : vector<16xi32>
      %or3A_365 = arith.constant 1065353216 : i32
      %or3A_366 = vector.broadcast %or3A_365 : i32 to vector<16xi32>
      %or3A_367 = arith.ori %and3A_364, %or3A_366 : vector<16xi32>
      %bitcast3A_368 = vector.bitcast %or3A_367 : vector<16xi32> to vector<16xf32>
      %sub3A_369 = arith.constant 1.000000e+00 : f32
      %sub3A_370 = vector.broadcast %sub3A_369 : f32 to vector<16xf32>
      %sub3A_371 = arith.subf %bitcast3A_368, %sub3A_370 : vector<16xf32>
      %add3A_372 = arith.constant 1.000000e+00 : f32
      %add3A_373 = vector.broadcast %add3A_372 : f32 to vector<16xf32>
      %add3A_374 = arith.addf %bitcast3A_368, %add3A_373 : vector<16xf32>
      %div3A_375 = arith.divf %sub3A_371, %add3A_374 : vector<16xf32>
      %mul3A_376 = arith.mulf %div3A_375, %div3A_375 : vector<16xf32>
      %mul3A_377 = arith.constant 2.000000e+00 : f32
      %mul3A_378 = vector.broadcast %mul3A_377 : f32 to vector<16xf32>
      %mul3A_379 = arith.mulf %mul3A_378, %div3A_375 : vector<16xf32>
      %mul3A_380 = arith.constant 0.142857149 : f32
      %mul3A_381 = vector.broadcast %mul3A_380 : f32 to vector<16xf32>
      %mul3A_382 = arith.mulf %mul3A_376, %mul3A_381 : vector<16xf32>
      %add3A_383 = arith.constant 2.000000e-01 : f32
      %add3A_384 = vector.broadcast %add3A_383 : f32 to vector<16xf32>
      %add3A_385 = arith.addf %add3A_384, %mul3A_382 : vector<16xf32>
      %mul3A_386 = arith.mulf %mul3A_376, %add3A_385 : vector<16xf32>
      %add3A_387 = arith.constant 0.333333343 : f32
      %add3A_388 = vector.broadcast %add3A_387 : f32 to vector<16xf32>
      %add3A_389 = arith.addf %add3A_388, %mul3A_386 : vector<16xf32>
      %mul3A_390 = arith.mulf %mul3A_376, %add3A_389 : vector<16xf32>
      %add3A_391 = arith.constant 1.000000e+00 : f32
      %add3A_392 = vector.broadcast %add3A_391 : f32 to vector<16xf32>
      %add3A_393 = arith.addf %add3A_392, %mul3A_390 : vector<16xf32>
      %mul3A_394 = arith.mulf %mul3A_379, %add3A_393 : vector<16xf32>
      %convert_element_type3A_395 = arith.sitofp %sub3A_361 : vector<16xi32> to vector<16xf32>
      %mul3A_396 = arith.constant 0.693147182 : f32
      %mul3A_397 = vector.broadcast %mul3A_396 : f32 to vector<16xf32>
      %mul3A_398 = arith.mulf %convert_element_type3A_395, %mul3A_397 : vector<16xf32>
      %add3A_399 = arith.addf %mul3A_398, %mul3A_394 : vector<16xf32>
      %add3A_400 = arith.addf %add3A_354, %add3A_399 : vector<16xf32>
      %bitcast3A_401 = vector.bitcast %add3A_300 : vector<16xf32> to vector<16xi32>
      %shift_right_arithmetic3A_402 = arith.constant 23 : i32
      %shift_right_arithmetic3A_403 = vector.broadcast %shift_right_arithmetic3A_402 : i32 to vector<16xi32>
      %shift_right_arithmetic3A_404 = arith.shrsi %bitcast3A_401, %shift_right_arithmetic3A_403 : vector<16xi32>
      %sub3A_405 = arith.constant 127 : i32
      %sub3A_406 = vector.broadcast %sub3A_405 : i32 to vector<16xi32>
      %sub3A_407 = arith.subi %shift_right_arithmetic3A_404, %sub3A_406 : vector<16xi32>
      %and3A_408 = arith.constant 8388607 : i32
      %and3A_409 = vector.broadcast %and3A_408 : i32 to vector<16xi32>
      %and3A_410 = arith.andi %bitcast3A_401, %and3A_409 : vector<16xi32>
      %or3A_411 = arith.constant 1065353216 : i32
      %or3A_412 = vector.broadcast %or3A_411 : i32 to vector<16xi32>
      %or3A_413 = arith.ori %and3A_410, %or3A_412 : vector<16xi32>
      %bitcast3A_414 = vector.bitcast %or3A_413 : vector<16xi32> to vector<16xf32>
      %sub3A_415 = arith.constant 1.000000e+00 : f32
      %sub3A_416 = vector.broadcast %sub3A_415 : f32 to vector<16xf32>
      %sub3A_417 = arith.subf %bitcast3A_414, %sub3A_416 : vector<16xf32>
      %add3A_418 = arith.constant 1.000000e+00 : f32
      %add3A_419 = vector.broadcast %add3A_418 : f32 to vector<16xf32>
      %add3A_420 = arith.addf %bitcast3A_414, %add3A_419 : vector<16xf32>
      %div3A_421 = arith.divf %sub3A_417, %add3A_420 : vector<16xf32>
      %mul3A_422 = arith.mulf %div3A_421, %div3A_421 : vector<16xf32>
      %mul3A_423 = arith.constant 2.000000e+00 : f32
      %mul3A_424 = vector.broadcast %mul3A_423 : f32 to vector<16xf32>
      %mul3A_425 = arith.mulf %mul3A_424, %div3A_421 : vector<16xf32>
      %mul3A_426 = arith.constant 0.142857149 : f32
      %mul3A_427 = vector.broadcast %mul3A_426 : f32 to vector<16xf32>
      %mul3A_428 = arith.mulf %mul3A_422, %mul3A_427 : vector<16xf32>
      %add3A_429 = arith.constant 2.000000e-01 : f32
      %add3A_430 = vector.broadcast %add3A_429 : f32 to vector<16xf32>
      %add3A_431 = arith.addf %add3A_430, %mul3A_428 : vector<16xf32>
      %mul3A_432 = arith.mulf %mul3A_422, %add3A_431 : vector<16xf32>
      %add3A_433 = arith.constant 0.333333343 : f32
      %add3A_434 = vector.broadcast %add3A_433 : f32 to vector<16xf32>
      %add3A_435 = arith.addf %add3A_434, %mul3A_432 : vector<16xf32>
      %mul3A_436 = arith.mulf %mul3A_422, %add3A_435 : vector<16xf32>
      %add3A_437 = arith.constant 1.000000e+00 : f32
      %add3A_438 = vector.broadcast %add3A_437 : f32 to vector<16xf32>
      %add3A_439 = arith.addf %add3A_438, %mul3A_436 : vector<16xf32>
      %mul3A_440 = arith.mulf %mul3A_425, %add3A_439 : vector<16xf32>
      %convert_element_type3A_441 = arith.sitofp %sub3A_407 : vector<16xi32> to vector<16xf32>
      %mul3A_442 = arith.constant 0.693147182 : f32
      %mul3A_443 = vector.broadcast %mul3A_442 : f32 to vector<16xf32>
      %mul3A_444 = arith.mulf %convert_element_type3A_441, %mul3A_443 : vector<16xf32>
      %add3A_445 = arith.addf %mul3A_444, %mul3A_440 : vector<16xf32>
      %add3A_446 = arith.addf %add3A_400, %add3A_445 : vector<16xf32>
      %sub3A_447 = arith.subf %add3A_446, %gather3A_304 : vector<16xf32>
      %sub3A_448 = arith.subf %sub3A_447, %gather3A_308 : vector<16xf32>
      %sub3A_449 = arith.subf %sub3A_448, %gather3A_312 : vector<16xf32>
      %mul3A_450 = arith.constant 5.000000e-01 : f32
      %mul3A_451 = vector.broadcast %mul3A_450 : f32 to vector<16xf32>
      %mul3A_452 = arith.mulf %convert_element_type3A_153, %mul3A_451 : vector<16xf32>
      %add3A_453 = arith.constant 2.500000e-01 : f32
      %add3A_454 = vector.broadcast %add3A_453 : f32 to vector<16xf32>
      %add3A_455 = arith.addf %mul3A_452, %add3A_454 : vector<16xf32>
      %sub3A_456 = arith.subf %min3A_133, %add3A_455 : vector<16xf32>
      %mul3A_457 = arith.constant 2.000000e+00 : f32
      %mul3A_458 = vector.broadcast %mul3A_457 : f32 to vector<16xf32>
      %mul3A_459 = arith.mulf %sub3A_456, %mul3A_458 : vector<16xf32>
      %mul3A_460 = arith.constant 5.000000e-01 : f32
      %mul3A_461 = vector.broadcast %mul3A_460 : f32 to vector<16xf32>
      %mul3A_462 = arith.mulf %convert_element_type3A_154, %mul3A_461 : vector<16xf32>
      %add3A_463 = arith.constant 2.500000e-01 : f32
      %add3A_464 = vector.broadcast %add3A_463 : f32 to vector<16xf32>
      %add3A_465 = arith.addf %mul3A_462, %add3A_464 : vector<16xf32>
      %sub3A_466 = arith.subf %min3A_145, %add3A_465 : vector<16xf32>
      %mul3A_467 = arith.constant 2.000000e+00 : f32
      %mul3A_468 = vector.broadcast %mul3A_467 : f32 to vector<16xf32>
      %mul3A_469 = arith.mulf %sub3A_466, %mul3A_468 : vector<16xf32>
      %mul3A_470 = arith.constant 0.69813168 : f32
      %mul3A_471 = vector.broadcast %mul3A_470 : f32 to vector<16xf32>
      %mul3A_472 = arith.mulf %convert_element_type3A_194, %mul3A_471 : vector<16xf32>
      %add3A_473 = arith.constant 0.34906584 : f32
      %add3A_474 = vector.broadcast %add3A_473 : f32 to vector<16xf32>
      %add3A_475 = arith.addf %mul3A_472, %add3A_474 : vector<16xf32>
      %sub3A_476 = arith.subf %sub3A_183, %add3A_475 : vector<16xf32>
      %div3A_477 = arith.constant 0.34906584 : f32
      %div3A_478 = vector.broadcast %div3A_477 : f32 to vector<16xf32>
      %div3A_479 = arith.divf %sub3A_476, %div3A_478 : vector<16xf32>
      %add3A_480 = arith.constant 12 : i32
      %add3A_481 = vector.broadcast %add3A_480 : i32 to vector<16xi32>
      %add3A_482 = arith.addi %convert_element_type3A, %add3A_481 : vector<16xi32>
      %gather3A_483 = tpu.vector_load_idx %arg6[%add3A_113, %add3A_482] : memref<160x46xf32, #tpu.memory_space<vmem>>[vector<16xi32>, vector<16xi32>], vector<16xf32>,
      %add3A_484 = arith.constant 18 : i32
      %add3A_485 = vector.broadcast %add3A_484 : i32 to vector<16xi32>
      %add3A_486 = arith.addi %convert_element_type3A_152, %add3A_485 : vector<16xi32>
      %gather3A_487 = tpu.vector_load_idx %arg6[%add3A_113, %add3A_486] : memref<160x46xf32, #tpu.memory_space<vmem>>[vector<16xi32>, vector<16xi32>], vector<16xf32>,
      %add3A_488 = arith.constant 34 : i32
      %add3A_489 = vector.broadcast %add3A_488 : i32 to vector<16xi32>
      %add3A_490 = arith.addi %min3A_193, %add3A_489 : vector<16xi32>
      %gather3A_491 = tpu.vector_load_idx %arg6[%add3A_113, %add3A_490] : memref<160x46xf32, #tpu.memory_space<vmem>>[vector<16xi32>, vector<16xi32>], vector<16xf32>,
      %sub3A_492 = arith.subf %gather3A_483, %mul3A_459 : vector<16xf32>
      %abs3A = math.absf %sub3A_492 : vector<16xf32>
      %lt3A_493 = arith.constant 1.000000e+00 : f32
      %lt3A_494 = vector.broadcast %lt3A_493 : f32 to vector<16xf32>
      %lt3A_495 = arith.cmpf olt, %abs3A, %lt3A_494 : vector<16xf32>
      %mul3A_496 = arith.constant 5.000000e-01 : f32
      %mul3A_497 = vector.broadcast %mul3A_496 : f32 to vector<16xf32>
      %mul3A_498 = arith.mulf %mul3A_497, %sub3A_492 : vector<16xf32>
      %mul3A_499 = arith.mulf %mul3A_498, %sub3A_492 : vector<16xf32>
      %sub3A_500 = arith.constant 5.000000e-01 : f32
      %sub3A_501 = vector.broadcast %sub3A_500 : f32 to vector<16xf32>
      %sub3A_502 = arith.subf %abs3A, %sub3A_501 : vector<16xf32>
      %select_n3A_503 = arith.select %lt3A_495, %mul3A_499, %sub3A_502 : vector<16xi1>, vector<16xf32>
      %sub3A_504 = arith.subf %gather3A_487, %mul3A_469 : vector<16xf32>
      %abs3A_505 = math.absf %sub3A_504 : vector<16xf32>
      %lt3A_506 = arith.constant 1.000000e+00 : f32
      %lt3A_507 = vector.broadcast %lt3A_506 : f32 to vector<16xf32>
      %lt3A_508 = arith.cmpf olt, %abs3A_505, %lt3A_507 : vector<16xf32>
      %mul3A_509 = arith.constant 5.000000e-01 : f32
      %mul3A_510 = vector.broadcast %mul3A_509 : f32 to vector<16xf32>
      %mul3A_511 = arith.mulf %mul3A_510, %sub3A_504 : vector<16xf32>
      %mul3A_512 = arith.mulf %mul3A_511, %sub3A_504 : vector<16xf32>
      %sub3A_513 = arith.constant 5.000000e-01 : f32
      %sub3A_514 = vector.broadcast %sub3A_513 : f32 to vector<16xf32>
      %sub3A_515 = arith.subf %abs3A_505, %sub3A_514 : vector<16xf32>
      %select_n3A_516 = arith.select %lt3A_508, %mul3A_512, %sub3A_515 : vector<16xi1>, vector<16xf32>
      %add3A_517 = arith.addf %select_n3A_503, %select_n3A_516 : vector<16xf32>
      %broadcast_in_dim3A_518 = arith.constant 24 : i32
      %broadcast_in_dim3A_519 = vector.broadcast %broadcast_in_dim3A_518 : i32 to vector<16xi32>
      %gather3A_520 = tpu.vector_load_idx %arg6[%add3A_113, %broadcast_in_dim3A_519] : memref<160x46xf32, #tpu.memory_space<vmem>>[vector<16xi32>, vector<16xi32>], vector<16xf32>,
      %broadcast_in_dim3A_521 = arith.constant 1 : i32
      %broadcast_in_dim3A_522 = vector.broadcast %broadcast_in_dim3A_521 : i32 to vector<16xi32>
      %gather3A_523 = tpu.vector_load_idx %arg7[%add3A_113, %broadcast_in_dim3A_522] : memref<160x46xf32, #tpu.memory_space<vmem>>[vector<16xi32>, vector<16xi32>], vector<16xf32>,
      %sub3A_524 = arith.subf %gather3A_520, %gather3A_523 : vector<16xf32>
      %abs3A_525 = math.absf %sub3A_524 : vector<16xf32>
      %lt3A_526 = arith.constant 1.000000e+00 : f32
      %lt3A_527 = vector.broadcast %lt3A_526 : f32 to vector<16xf32>
      %lt3A_528 = arith.cmpf olt, %abs3A_525, %lt3A_527 : vector<16xf32>
      %mul3A_529 = arith.constant 5.000000e-01 : f32
      %mul3A_530 = vector.broadcast %mul3A_529 : f32 to vector<16xf32>
      %mul3A_531 = arith.mulf %mul3A_530, %sub3A_524 : vector<16xf32>
      %mul3A_532 = arith.mulf %mul3A_531, %sub3A_524 : vector<16xf32>
      %sub3A_533 = arith.constant 5.000000e-01 : f32
      %sub3A_534 = vector.broadcast %sub3A_533 : f32 to vector<16xf32>
      %sub3A_535 = arith.subf %abs3A_525, %sub3A_534 : vector<16xf32>
      %select_n3A_536 = arith.select %lt3A_528, %mul3A_532, %sub3A_535 : vector<16xi1>, vector<16xf32>
      %add3A_537 = arith.addf %add3A_517, %select_n3A_536 : vector<16xf32>
      %sub3A_538 = arith.subf %gather3A_491, %div3A_479 : vector<16xf32>
      %abs3A_539 = math.absf %sub3A_538 : vector<16xf32>
      %lt3A_540 = arith.constant 1.000000e+00 : f32
      %lt3A_541 = vector.broadcast %lt3A_540 : f32 to vector<16xf32>
      %lt3A_542 = arith.cmpf olt, %abs3A_539, %lt3A_541 : vector<16xf32>
      %mul3A_543 = arith.constant 5.000000e-01 : f32
      %mul3A_544 = vector.broadcast %mul3A_543 : f32 to vector<16xf32>
      %mul3A_545 = arith.mulf %mul3A_544, %sub3A_538 : vector<16xf32>
      %mul3A_546 = arith.mulf %mul3A_545, %sub3A_538 : vector<16xf32>
      %sub3A_547 = arith.constant 5.000000e-01 : f32
      %sub3A_548 = vector.broadcast %sub3A_547 : f32 to vector<16xf32>
      %sub3A_549 = arith.subf %abs3A_539, %sub3A_548 : vector<16xf32>
      %select_n3A_550 = arith.select %lt3A_542, %mul3A_546, %sub3A_549 : vector<16xi1>, vector<16xf32>
      %add3A_551 = arith.addf %add3A_537, %select_n3A_550 : vector<16xf32>
      %broadcast_in_dim3A_552 = arith.constant 3 : i32
      %broadcast_in_dim3A_553 = vector.broadcast %broadcast_in_dim3A_552 : i32 to vector<16xi32>
      %gather3A_554 = tpu.vector_load_idx %arg6[%add3A_113, %broadcast_in_dim3A_553] : memref<160x46xf32, #tpu.memory_space<vmem>>[vector<16xi32>, vector<16xi32>], vector<16xf32>,
      %broadcast_in_dim3A_555 = arith.constant 43 : i32
      %broadcast_in_dim3A_556 = vector.broadcast %broadcast_in_dim3A_555 : i32 to vector<16xi32>
      %gather3A_557 = tpu.vector_load_idx %arg7[%add3A_113, %broadcast_in_dim3A_556] : memref<160x46xf32, #tpu.memory_space<vmem>>[vector<16xi32>, vector<16xi32>], vector<16xf32>,
      %broadcast_in_dim3A_558 = arith.constant 3 : i32
      %broadcast_in_dim3A_559 = vector.broadcast %broadcast_in_dim3A_558 : i32 to vector<16xi32>
      %gather3A_560 = tpu.vector_load_idx %arg7[%add3A_113, %broadcast_in_dim3A_559] : memref<160x46xf32, #tpu.memory_space<vmem>>[vector<16xi32>, vector<16xi32>], vector<16xf32>,
      %sub3A_561 = arith.subf %gather3A_560, %gather3A_554 : vector<16xf32>
      %div3A_562 = arith.divf %sub3A_561, %gather3A_554 : vector<16xf32>
      %sub3A_563 = arith.subf %gather3A_557, %div3A_562 : vector<16xf32>
      %abs3A_564 = math.absf %sub3A_563 : vector<16xf32>
      %lt3A_565 = arith.constant 1.000000e+00 : f32
      %lt3A_566 = vector.broadcast %lt3A_565 : f32 to vector<16xf32>
      %lt3A_567 = arith.cmpf olt, %abs3A_564, %lt3A_566 : vector<16xf32>
      %mul3A_568 = arith.constant 5.000000e-01 : f32
      %mul3A_569 = vector.broadcast %mul3A_568 : f32 to vector<16xf32>
      %mul3A_570 = arith.mulf %mul3A_569, %sub3A_563 : vector<16xf32>
      %mul3A_571 = arith.mulf %mul3A_570, %sub3A_563 : vector<16xf32>
      %sub3A_572 = arith.constant 5.000000e-01 : f32
      %sub3A_573 = vector.broadcast %sub3A_572 : f32 to vector<16xf32>
      %sub3A_574 = arith.subf %abs3A_564, %sub3A_573 : vector<16xf32>
      %select_n3A_575 = arith.select %lt3A_567, %mul3A_571, %sub3A_574 : vector<16xi1>, vector<16xf32>
      %add3A_576 = arith.addf %broadcast_in_dim3A_196, %select_n3A_575 : vector<16xf32>
      %broadcast_in_dim3A_577 = arith.constant 4 : i32
      %broadcast_in_dim3A_578 = vector.broadcast %broadcast_in_dim3A_577 : i32 to vector<16xi32>
      %gather3A_579 = tpu.vector_load_idx %arg6[%add3A_113, %broadcast_in_dim3A_578] : memref<160x46xf32, #tpu.memory_space<vmem>>[vector<16xi32>, vector<16xi32>], vector<16xf32>,
      %broadcast_in_dim3A_580 = arith.constant 44 : i32
      %broadcast_in_dim3A_581 = vector.broadcast %broadcast_in_dim3A_580 : i32 to vector<16xi32>
      %gather3A_582 = tpu.vector_load_idx %arg7[%add3A_113, %broadcast_in_dim3A_581] : memref<160x46xf32, #tpu.memory_space<vmem>>[vector<16xi32>, vector<16xi32>], vector<16xf32>,
      %broadcast_in_dim3A_583 = arith.constant 4 : i32
      %broadcast_in_dim3A_584 = vector.broadcast %broadcast_in_dim3A_583 : i32 to vector<16xi32>
      %gather3A_585 = tpu.vector_load_idx %arg7[%add3A_113, %broadcast_in_dim3A_584] : memref<160x46xf32, #tpu.memory_space<vmem>>[vector<16xi32>, vector<16xi32>], vector<16xf32>,
      %sub3A_586 = arith.subf %gather3A_585, %gather3A_579 : vector<16xf32>
      %div3A_587 = arith.divf %sub3A_586, %gather3A_579 : vector<16xf32>
      %sub3A_588 = arith.subf %gather3A_582, %div3A_587 : vector<16xf32>
      %abs3A_589 = math.absf %sub3A_588 : vector<16xf32>
      %lt3A_590 = arith.constant 1.000000e+00 : f32
      %lt3A_591 = vector.broadcast %lt3A_590 : f32 to vector<16xf32>
      %lt3A_592 = arith.cmpf olt, %abs3A_589, %lt3A_591 : vector<16xf32>
      %mul3A_593 = arith.constant 5.000000e-01 : f32
      %mul3A_594 = vector.broadcast %mul3A_593 : f32 to vector<16xf32>
      %mul3A_595 = arith.mulf %mul3A_594, %sub3A_588 : vector<16xf32>
      %mul3A_596 = arith.mulf %mul3A_595, %sub3A_588 : vector<16xf32>
      %sub3A_597 = arith.constant 5.000000e-01 : f32
      %sub3A_598 = vector.broadcast %sub3A_597 : f32 to vector<16xf32>
      %sub3A_599 = arith.subf %abs3A_589, %sub3A_598 : vector<16xf32>
      %select_n3A_600 = arith.select %lt3A_592, %mul3A_596, %sub3A_599 : vector<16xi1>, vector<16xf32>
      %add3A_601 = arith.addf %add3A_576, %select_n3A_600 : vector<16xf32>
      %broadcast_in_dim3A_602 = arith.constant 5 : i32
      %broadcast_in_dim3A_603 = vector.broadcast %broadcast_in_dim3A_602 : i32 to vector<16xi32>
      %gather3A_604 = tpu.vector_load_idx %arg6[%add3A_113, %broadcast_in_dim3A_603] : memref<160x46xf32, #tpu.memory_space<vmem>>[vector<16xi32>, vector<16xi32>], vector<16xf32>,
      %broadcast_in_dim3A_605 = arith.constant 45 : i32
      %broadcast_in_dim3A_606 = vector.broadcast %broadcast_in_dim3A_605 : i32 to vector<16xi32>
      %gather3A_607 = tpu.vector_load_idx %arg7[%add3A_113, %broadcast_in_dim3A_606] : memref<160x46xf32, #tpu.memory_space<vmem>>[vector<16xi32>, vector<16xi32>], vector<16xf32>,
      %broadcast_in_dim3A_608 = arith.constant 5 : i32
      %broadcast_in_dim3A_609 = vector.broadcast %broadcast_in_dim3A_608 : i32 to vector<16xi32>
      %gather3A_610 = tpu.vector_load_idx %arg7[%add3A_113, %broadcast_in_dim3A_609] : memref<160x46xf32, #tpu.memory_space<vmem>>[vector<16xi32>, vector<16xi32>], vector<16xf32>,
      %sub3A_611 = arith.subf %gather3A_610, %gather3A_604 : vector<16xf32>
      %div3A_612 = arith.divf %sub3A_611, %gather3A_604 : vector<16xf32>
      %sub3A_613 = arith.subf %gather3A_607, %div3A_612 : vector<16xf32>
      %abs3A_614 = math.absf %sub3A_613 : vector<16xf32>
      %lt3A_615 = arith.constant 1.000000e+00 : f32
      %lt3A_616 = vector.broadcast %lt3A_615 : f32 to vector<16xf32>
      %lt3A_617 = arith.cmpf olt, %abs3A_614, %lt3A_616 : vector<16xf32>
      %mul3A_618 = arith.constant 5.000000e-01 : f32
      %mul3A_619 = vector.broadcast %mul3A_618 : f32 to vector<16xf32>
      %mul3A_620 = arith.mulf %mul3A_619, %sub3A_613 : vector<16xf32>
      %mul3A_621 = arith.mulf %mul3A_620, %sub3A_613 : vector<16xf32>
      %sub3A_622 = arith.constant 5.000000e-01 : f32
      %sub3A_623 = vector.broadcast %sub3A_622 : f32 to vector<16xf32>
      %sub3A_624 = arith.subf %abs3A_614, %sub3A_623 : vector<16xf32>
      %select_n3A_625 = arith.select %lt3A_617, %mul3A_621, %sub3A_624 : vector<16xi1>, vector<16xf32>
      %add3A_626 = arith.addf %add3A_601, %select_n3A_625 : vector<16xf32>
      %add3A_627 = arith.addf %sub3A_449, %add3A_551 : vector<16xf32>
      %add3A_628 = arith.addf %add3A_627, %add3A_626 : vector<16xf32>
      %jit3A_629 = arith.constant 0.000000e+00 : f32
      %broadcast_in_dim3A_630 = vector.broadcast %jit3A_629 : f32 to vector<16xf32>
      %select_n3A_631 = arith.select %and3A_123, %add3A_628, %broadcast_in_dim3A_630 : vector<16xi1>, vector<16xf32>
      %add3A_632 = arith.addf %scan3A_108, %select_n3A_631 : vector<16xf32>
      %jit3A_633 = arith.constant 1.000000e+00 : f32
      %jit3A_634 = arith.constant 0.000000e+00 : f32
      %broadcast_in_dim3A_635 = vector.broadcast %jit3A_633 : f32 to vector<16xf32>
      %broadcast_in_dim3A_636 = vector.broadcast %jit3A_634 : f32 to vector<16xf32>
      %select_n3A_637 = arith.select %and3A_123, %broadcast_in_dim3A_635, %broadcast_in_dim3A_636 : vector<16xi1>, vector<16xf32>
      %add3A_638 = arith.addf %scan3A_109, %select_n3A_637 : vector<16xf32>
      scf.yield %add3A_632, %add3A_638 : vector<16xf32>, vector<16xf32>
    }
    %scan3A_87 = arith.constant 10 : i32
    %dma_wait3A_88 = arith.constant 0 : i32
    %dma_wait3A_89 = tpu.memref_slice %arg2[%add3A_65, %dma_wait3A_88] : memref<20000x46xf32, #tpu.memory_space<hbm>> -> memref<160x46xf32, #tpu.memory_space<hbm>>
    %dma_wait3A_90 = arith.constant 0 : i32
    %dma_wait3A_91 = tpu.memref_slice %arg2[%add3A_65, %dma_wait3A_90] : memref<20000x46xf32, #tpu.memory_space<hbm>> -> memref<160x46xf32, #tpu.memory_space<hbm>>
    tpu.wait_dma2 semaphore(%arg13 : memref<!tpu.dma_semaphore, #tpu.memory_space<semaphore_mem>>) src(%dma_wait3A_91 : memref<160x46xf32, #tpu.memory_space<hbm>>) dst(%arg8 : memref<160x46xf32, #tpu.memory_space<vmem>>)
    %dma_wait3A_92 = arith.constant 0 : i32
    %dma_wait3A_93 = tpu.memref_slice %arg3[%add3A_65, %dma_wait3A_92] : memref<20000x46xf32, #tpu.memory_space<hbm>> -> memref<160x46xf32, #tpu.memory_space<hbm>>
    %dma_wait3A_94 = arith.constant 0 : i32
    %dma_wait3A_95 = tpu.memref_slice %arg3[%add3A_65, %dma_wait3A_94] : memref<20000x46xf32, #tpu.memory_space<hbm>> -> memref<160x46xf32, #tpu.memory_space<hbm>>
    tpu.wait_dma2 semaphore(%arg13 : memref<!tpu.dma_semaphore, #tpu.memory_space<semaphore_mem>>) src(%dma_wait3A_95 : memref<160x46xf32, #tpu.memory_space<hbm>>) dst(%arg9 : memref<160x46xf32, #tpu.memory_space<vmem>>)
    %scan3A_96 = arith.constant 0 : i32
    %scan3A_97 = arith.constant 10 : i32
    %scan3A_98 = arith.addi %scan3A_96, %scan3A_97 : i32
    %scan3A_99 = arith.constant 1 : i32
    %scan3A_100:2 = scf.for %scan3A_107 = %scan3A_96 to %scan3A_98 step %scan3A_99 iter_args(%scan3A_108 = %scan3A_86#0, %scan3A_109 = %scan3A_86#1) -> (vector<16xf32>, vector<16xf32>)  : i32 {
      %mul3A_110 = arith.constant 16 : i32
      %mul3A_111 = arith.muli %scan3A_107, %mul3A_110 : i32
      %add3A_112 = vector.broadcast %mul3A_111 : i32 to vector<16xi32>
      %add3A_113 = arith.addi %add3A_112, %iota3A : vector<16xi32>
      %add3A_114 = arith.constant 480 : i32
      %add3A_115 = vector.broadcast %add3A_114 : i32 to vector<16xi32>
      %add3A_116 = arith.addi %add3A_115, %add3A_113 : vector<16xi32>
      %ge3A = vector.broadcast %sub3A : i32 to vector<16xi32>
      %ge3A_117 = arith.cmpi sge, %add3A_116, %ge3A : vector<16xi32>
      %add3A_118 = arith.addi %sub3A, %min3A_7 : i32
      %lt3A = vector.broadcast %add3A_118 : i32 to vector<16xi32>
      %lt3A_119 = arith.cmpi slt, %add3A_116, %lt3A : vector<16xi32>
      %and3A = arith.andi %ge3A_117, %lt3A_119 : vector<16xi1>
      %gather3A = tpu.vector_load_idx %arg10[%add3A_116] : memref<640xf32, #tpu.memory_space<vmem>>[vector<16xi32>], vector<16xf32>,
      %ge3A_120 = arith.constant 5.500000e-01 : f32
      %ge3A_121 = vector.broadcast %ge3A_120 : f32 to vector<16xf32>
      %ge3A_122 = arith.cmpf oge, %gather3A, %ge3A_121 : vector<16xf32>
      %and3A_123 = arith.andi %and3A, %ge3A_122 : vector<16xi1>
      %broadcast_in_dim3A_124 = arith.constant 0 : i32
      %broadcast_in_dim3A_125 = vector.broadcast %broadcast_in_dim3A_124 : i32 to vector<16xi32>
      %gather3A_126 = tpu.vector_load_idx %arg9[%add3A_113, %broadcast_in_dim3A_125] : memref<160x46xf32, #tpu.memory_space<vmem>>[vector<16xi32>, vector<16xi32>], vector<16xf32>,
      %add3A_127 = arith.constant 1.500000e+00 : f32
      %add3A_128 = vector.broadcast %add3A_127 : f32 to vector<16xf32>
      %add3A_129 = arith.addf %gather3A_126, %add3A_128 : vector<16xf32>
      %jit3A = arith.constant 0.000000e+00 : f32
      %jit3A_130 = arith.constant 2.999000e+00 : f32
      %max3A = vector.broadcast %jit3A : f32 to vector<16xf32>
      %max3A_131 = arith.maximumf %max3A, %add3A_129 : vector<16xf32>
      %min3A_132 = vector.broadcast %jit3A_130 : f32 to vector<16xf32>
      %min3A_133 = arith.minimumf %min3A_132, %max3A_131 : vector<16xf32>
      %broadcast_in_dim3A_134 = arith.constant 2 : i32
      %broadcast_in_dim3A_135 = vector.broadcast %broadcast_in_dim3A_134 : i32 to vector<16xi32>
      %gather3A_136 = tpu.vector_load_idx %arg9[%add3A_113, %broadcast_in_dim3A_135] : memref<160x46xf32, #tpu.memory_space<vmem>>[vector<16xi32>, vector<16xi32>], vector<16xf32>,
      %add3A_137 = arith.constant 1.500000e+00 : f32
      %add3A_138 = vector.broadcast %add3A_137 : f32 to vector<16xf32>
      %add3A_139 = arith.addf %gather3A_136, %add3A_138 : vector<16xf32>
      %jit3A_140 = arith.constant 0.000000e+00 : f32
      %jit3A_141 = arith.constant 2.999000e+00 : f32
      %max3A_142 = vector.broadcast %jit3A_140 : f32 to vector<16xf32>
      %max3A_143 = arith.maximumf %max3A_142, %add3A_139 : vector<16xf32>
      %min3A_144 = vector.broadcast %jit3A_141 : f32 to vector<16xf32>
      %min3A_145 = arith.minimumf %min3A_144, %max3A_143 : vector<16xf32>
      %mul3A_146 = arith.constant 2.000000e+00 : f32
      %mul3A_147 = vector.broadcast %mul3A_146 : f32 to vector<16xf32>
      %mul3A_148 = arith.mulf %min3A_133, %mul3A_147 : vector<16xf32>
      %convert_element_type3A = arith.fptosi %mul3A_148 : vector<16xf32> to vector<16xi32>
      %mul3A_149 = arith.constant 2.000000e+00 : f32
      %mul3A_150 = vector.broadcast %mul3A_149 : f32 to vector<16xf32>
      %mul3A_151 = arith.mulf %min3A_145, %mul3A_150 : vector<16xf32>
      %convert_element_type3A_152 = arith.fptosi %mul3A_151 : vector<16xf32> to vector<16xi32>
      %convert_element_type3A_153 = arith.sitofp %convert_element_type3A : vector<16xi32> to vector<16xf32>
      %convert_element_type3A_154 = arith.sitofp %convert_element_type3A_152 : vector<16xi32> to vector<16xf32>
      %broadcast_in_dim3A_155 = arith.constant 6 : i32
      %broadcast_in_dim3A_156 = vector.broadcast %broadcast_in_dim3A_155 : i32 to vector<16xi32>
      %gather3A_157 = tpu.vector_load_idx %arg9[%add3A_113, %broadcast_in_dim3A_156] : memref<160x46xf32, #tpu.memory_space<vmem>>[vector<16xi32>, vector<16xi32>], vector<16xf32>,
      %div3A = arith.constant 6.28318548 : f32
      %div3A_158 = vector.broadcast %div3A : f32 to vector<16xf32>
      %div3A_159 = arith.divf %gather3A_157, %div3A_158 : vector<16xf32>
      %convert_element_type3A_160 = arith.fptosi %div3A_159 : vector<16xf32> to vector<16xi32>
      %convert_element_type3A_161 = arith.sitofp %convert_element_type3A_160 : vector<16xi32> to vector<16xf32>
      %mul3A_162 = arith.constant 6.28318548 : f32
      %mul3A_163 = vector.broadcast %mul3A_162 : f32 to vector<16xf32>
      %mul3A_164 = arith.mulf %convert_element_type3A_161, %mul3A_163 : vector<16xf32>
      %sub3A_165 = arith.subf %gather3A_157, %mul3A_164 : vector<16xf32>
      %lt3A_166 = arith.constant 0.000000e+00 : f32
      %lt3A_167 = vector.broadcast %lt3A_166 : f32 to vector<16xf32>
      %lt3A_168 = arith.cmpf olt, %sub3A_165, %lt3A_167 : vector<16xf32>
      %add3A_169 = arith.constant 6.28318548 : f32
      %add3A_170 = vector.broadcast %add3A_169 : f32 to vector<16xf32>
      %add3A_171 = arith.addf %sub3A_165, %add3A_170 : vector<16xf32>
      %select_n3A = arith.select %lt3A_168, %add3A_171, %sub3A_165 : vector<16xi1>, vector<16xf32>
      %add3A_172 = arith.constant 0.34906584 : f32
      %add3A_173 = vector.broadcast %add3A_172 : f32 to vector<16xf32>
      %add3A_174 = arith.addf %select_n3A, %add3A_173 : vector<16xf32>
      %div3A_175 = arith.constant 6.28318548 : f32
      %div3A_176 = vector.broadcast %div3A_175 : f32 to vector<16xf32>
      %div3A_177 = arith.divf %add3A_174, %div3A_176 : vector<16xf32>
      %convert_element_type3A_178 = arith.fptosi %div3A_177 : vector<16xf32> to vector<16xi32>
      %convert_element_type3A_179 = arith.sitofp %convert_element_type3A_178 : vector<16xi32> to vector<16xf32>
      %mul3A_180 = arith.constant 6.28318548 : f32
      %mul3A_181 = vector.broadcast %mul3A_180 : f32 to vector<16xf32>
      %mul3A_182 = arith.mulf %convert_element_type3A_179, %mul3A_181 : vector<16xf32>
      %sub3A_183 = arith.subf %add3A_174, %mul3A_182 : vector<16xf32>
      %div3A_184 = arith.constant 0.69813168 : f32
      %div3A_185 = vector.broadcast %div3A_184 : f32 to vector<16xf32>
      %div3A_186 = arith.divf %sub3A_183, %div3A_185 : vector<16xf32>
      %convert_element_type3A_187 = arith.fptosi %div3A_186 : vector<16xf32> to vector<16xi32>
      %jit3A_188 = arith.constant 0 : i32
      %jit3A_189 = arith.constant 8 : i32
      %max3A_190 = vector.broadcast %jit3A_188 : i32 to vector<16xi32>
      %max3A_191 = arith.maxsi %max3A_190, %convert_element_type3A_187 : vector<16xi32>
      %min3A_192 = vector.broadcast %jit3A_189 : i32 to vector<16xi32>
      %min3A_193 = arith.minsi %min3A_192, %max3A_191 : vector<16xi32>
      %convert_element_type3A_194 = arith.sitofp %min3A_193 : vector<16xi32> to vector<16xf32>
      %broadcast_in_dim3A_195 = arith.constant 0.000000e+00 : f32
      %broadcast_in_dim3A_196 = vector.broadcast %broadcast_in_dim3A_195 : f32 to vector<16xf32>
      %broadcast_in_dim3A_197 = arith.constant 0 : i32
      %broadcast_in_dim3A_198 = vector.broadcast %broadcast_in_dim3A_197 : i32 to vector<16xi32>
      %gather3A_199 = tpu.vector_load_idx %arg8[%add3A_113, %broadcast_in_dim3A_198] : memref<160x46xf32, #tpu.memory_space<vmem>>[vector<16xi32>, vector<16xi32>], vector<16xf32>,
      %exp3A = math.exp %gather3A_199 : vector<16xf32>
      %add3A_200 = arith.addf %broadcast_in_dim3A_196, %exp3A : vector<16xf32>
      %broadcast_in_dim3A_201 = arith.constant 1 : i32
      %broadcast_in_dim3A_202 = vector.broadcast %broadcast_in_dim3A_201 : i32 to vector<16xi32>
      %gather3A_203 = tpu.vector_load_idx %arg8[%add3A_113, %broadcast_in_dim3A_202] : memref<160x46xf32, #tpu.memory_space<vmem>>[vector<16xi32>, vector<16xi32>], vector<16xf32>,
      %exp3A_204 = math.exp %gather3A_203 : vector<16xf32>
      %add3A_205 = arith.addf %add3A_200, %exp3A_204 : vector<16xf32>
      %broadcast_in_dim3A_206 = arith.constant 2 : i32
      %broadcast_in_dim3A_207 = vector.broadcast %broadcast_in_dim3A_206 : i32 to vector<16xi32>
      %gather3A_208 = tpu.vector_load_idx %arg8[%add3A_113, %broadcast_in_dim3A_207] : memref<160x46xf32, #tpu.memory_space<vmem>>[vector<16xi32>, vector<16xi32>], vector<16xf32>,
      %exp3A_209 = math.exp %gather3A_208 : vector<16xf32>
      %add3A_210 = arith.addf %add3A_205, %exp3A_209 : vector<16xf32>
      %broadcast_in_dim3A_211 = arith.constant 3 : i32
      %broadcast_in_dim3A_212 = vector.broadcast %broadcast_in_dim3A_211 : i32 to vector<16xi32>
      %gather3A_213 = tpu.vector_load_idx %arg8[%add3A_113, %broadcast_in_dim3A_212] : memref<160x46xf32, #tpu.memory_space<vmem>>[vector<16xi32>, vector<16xi32>], vector<16xf32>,
      %exp3A_214 = math.exp %gather3A_213 : vector<16xf32>
      %add3A_215 = arith.addf %add3A_210, %exp3A_214 : vector<16xf32>
      %broadcast_in_dim3A_216 = arith.constant 4 : i32
      %broadcast_in_dim3A_217 = vector.broadcast %broadcast_in_dim3A_216 : i32 to vector<16xi32>
      %gather3A_218 = tpu.vector_load_idx %arg8[%add3A_113, %broadcast_in_dim3A_217] : memref<160x46xf32, #tpu.memory_space<vmem>>[vector<16xi32>, vector<16xi32>], vector<16xf32>,
      %exp3A_219 = math.exp %gather3A_218 : vector<16xf32>
      %add3A_220 = arith.addf %add3A_215, %exp3A_219 : vector<16xf32>
      %broadcast_in_dim3A_221 = arith.constant 5 : i32
      %broadcast_in_dim3A_222 = vector.broadcast %broadcast_in_dim3A_221 : i32 to vector<16xi32>
      %gather3A_223 = tpu.vector_load_idx %arg8[%add3A_113, %broadcast_in_dim3A_222] : memref<160x46xf32, #tpu.memory_space<vmem>>[vector<16xi32>, vector<16xi32>], vector<16xf32>,
      %exp3A_224 = math.exp %gather3A_223 : vector<16xf32>
      %add3A_225 = arith.addf %add3A_220, %exp3A_224 : vector<16xf32>
      %broadcast_in_dim3A_226 = arith.constant 6 : i32
      %broadcast_in_dim3A_227 = vector.broadcast %broadcast_in_dim3A_226 : i32 to vector<16xi32>
      %gather3A_228 = tpu.vector_load_idx %arg8[%add3A_113, %broadcast_in_dim3A_227] : memref<160x46xf32, #tpu.memory_space<vmem>>[vector<16xi32>, vector<16xi32>], vector<16xf32>,
      %exp3A_229 = math.exp %gather3A_228 : vector<16xf32>
      %add3A_230 = arith.addf %broadcast_in_dim3A_196, %exp3A_229 : vector<16xf32>
      %broadcast_in_dim3A_231 = arith.constant 7 : i32
      %broadcast_in_dim3A_232 = vector.broadcast %broadcast_in_dim3A_231 : i32 to vector<16xi32>
      %gather3A_233 = tpu.vector_load_idx %arg8[%add3A_113, %broadcast_in_dim3A_232] : memref<160x46xf32, #tpu.memory_space<vmem>>[vector<16xi32>, vector<16xi32>], vector<16xf32>,
      %exp3A_234 = math.exp %gather3A_233 : vector<16xf32>
      %add3A_235 = arith.addf %add3A_230, %exp3A_234 : vector<16xf32>
      %broadcast_in_dim3A_236 = arith.constant 8 : i32
      %broadcast_in_dim3A_237 = vector.broadcast %broadcast_in_dim3A_236 : i32 to vector<16xi32>
      %gather3A_238 = tpu.vector_load_idx %arg8[%add3A_113, %broadcast_in_dim3A_237] : memref<160x46xf32, #tpu.memory_space<vmem>>[vector<16xi32>, vector<16xi32>], vector<16xf32>,
      %exp3A_239 = math.exp %gather3A_238 : vector<16xf32>
      %add3A_240 = arith.addf %add3A_235, %exp3A_239 : vector<16xf32>
      %broadcast_in_dim3A_241 = arith.constant 9 : i32
      %broadcast_in_dim3A_242 = vector.broadcast %broadcast_in_dim3A_241 : i32 to vector<16xi32>
      %gather3A_243 = tpu.vector_load_idx %arg8[%add3A_113, %broadcast_in_dim3A_242] : memref<160x46xf32, #tpu.memory_space<vmem>>[vector<16xi32>, vector<16xi32>], vector<16xf32>,
      %exp3A_244 = math.exp %gather3A_243 : vector<16xf32>
      %add3A_245 = arith.addf %add3A_240, %exp3A_244 : vector<16xf32>
      %broadcast_in_dim3A_246 = arith.constant 10 : i32
      %broadcast_in_dim3A_247 = vector.broadcast %broadcast_in_dim3A_246 : i32 to vector<16xi32>
      %gather3A_248 = tpu.vector_load_idx %arg8[%add3A_113, %broadcast_in_dim3A_247] : memref<160x46xf32, #tpu.memory_space<vmem>>[vector<16xi32>, vector<16xi32>], vector<16xf32>,
      %exp3A_249 = math.exp %gather3A_248 : vector<16xf32>
      %add3A_250 = arith.addf %add3A_245, %exp3A_249 : vector<16xf32>
      %broadcast_in_dim3A_251 = arith.constant 11 : i32
      %broadcast_in_dim3A_252 = vector.broadcast %broadcast_in_dim3A_251 : i32 to vector<16xi32>
      %gather3A_253 = tpu.vector_load_idx %arg8[%add3A_113, %broadcast_in_dim3A_252] : memref<160x46xf32, #tpu.memory_space<vmem>>[vector<16xi32>, vector<16xi32>], vector<16xf32>,
      %exp3A_254 = math.exp %gather3A_253 : vector<16xf32>
      %add3A_255 = arith.addf %add3A_250, %exp3A_254 : vector<16xf32>
      %broadcast_in_dim3A_256 = arith.constant 25 : i32
      %broadcast_in_dim3A_257 = vector.broadcast %broadcast_in_dim3A_256 : i32 to vector<16xi32>
      %gather3A_258 = tpu.vector_load_idx %arg8[%add3A_113, %broadcast_in_dim3A_257] : memref<160x46xf32, #tpu.memory_space<vmem>>[vector<16xi32>, vector<16xi32>], vector<16xf32>,
      %exp3A_259 = math.exp %gather3A_258 : vector<16xf32>
      %add3A_260 = arith.addf %broadcast_in_dim3A_196, %exp3A_259 : vector<16xf32>
      %broadcast_in_dim3A_261 = arith.constant 26 : i32
      %broadcast_in_dim3A_262 = vector.broadcast %broadcast_in_dim3A_261 : i32 to vector<16xi32>
      %gather3A_263 = tpu.vector_load_idx %arg8[%add3A_113, %broadcast_in_dim3A_262] : memref<160x46xf32, #tpu.memory_space<vmem>>[vector<16xi32>, vector<16xi32>], vector<16xf32>,
      %exp3A_264 = math.exp %gather3A_263 : vector<16xf32>
      %add3A_265 = arith.addf %add3A_260, %exp3A_264 : vector<16xf32>
      %broadcast_in_dim3A_266 = arith.constant 27 : i32
      %broadcast_in_dim3A_267 = vector.broadcast %broadcast_in_dim3A_266 : i32 to vector<16xi32>
      %gather3A_268 = tpu.vector_load_idx %arg8[%add3A_113, %broadcast_in_dim3A_267] : memref<160x46xf32, #tpu.memory_space<vmem>>[vector<16xi32>, vector<16xi32>], vector<16xf32>,
      %exp3A_269 = math.exp %gather3A_268 : vector<16xf32>
      %add3A_270 = arith.addf %add3A_265, %exp3A_269 : vector<16xf32>
      %broadcast_in_dim3A_271 = arith.constant 28 : i32
      %broadcast_in_dim3A_272 = vector.broadcast %broadcast_in_dim3A_271 : i32 to vector<16xi32>
      %gather3A_273 = tpu.vector_load_idx %arg8[%add3A_113, %broadcast_in_dim3A_272] : memref<160x46xf32, #tpu.memory_space<vmem>>[vector<16xi32>, vector<16xi32>], vector<16xf32>,
      %exp3A_274 = math.exp %gather3A_273 : vector<16xf32>
      %add3A_275 = arith.addf %add3A_270, %exp3A_274 : vector<16xf32>
      %broadcast_in_dim3A_276 = arith.constant 29 : i32
      %broadcast_in_dim3A_277 = vector.broadcast %broadcast_in_dim3A_276 : i32 to vector<16xi32>
      %gather3A_278 = tpu.vector_load_idx %arg8[%add3A_113, %broadcast_in_dim3A_277] : memref<160x46xf32, #tpu.memory_space<vmem>>[vector<16xi32>, vector<16xi32>], vector<16xf32>,
      %exp3A_279 = math.exp %gather3A_278 : vector<16xf32>
      %add3A_280 = arith.addf %add3A_275, %exp3A_279 : vector<16xf32>
      %broadcast_in_dim3A_281 = arith.constant 30 : i32
      %broadcast_in_dim3A_282 = vector.broadcast %broadcast_in_dim3A_281 : i32 to vector<16xi32>
      %gather3A_283 = tpu.vector_load_idx %arg8[%add3A_113, %broadcast_in_dim3A_282] : memref<160x46xf32, #tpu.memory_space<vmem>>[vector<16xi32>, vector<16xi32>], vector<16xf32>,
      %exp3A_284 = math.exp %gather3A_283 : vector<16xf32>
      %add3A_285 = arith.addf %add3A_280, %exp3A_284 : vector<16xf32>
      %broadcast_in_dim3A_286 = arith.constant 31 : i32
      %broadcast_in_dim3A_287 = vector.broadcast %broadcast_in_dim3A_286 : i32 to vector<16xi32>
      %gather3A_288 = tpu.vector_load_idx %arg8[%add3A_113, %broadcast_in_dim3A_287] : memref<160x46xf32, #tpu.memory_space<vmem>>[vector<16xi32>, vector<16xi32>], vector<16xf32>,
      %exp3A_289 = math.exp %gather3A_288 : vector<16xf32>
      %add3A_290 = arith.addf %add3A_285, %exp3A_289 : vector<16xf32>
      %broadcast_in_dim3A_291 = arith.constant 32 : i32
      %broadcast_in_dim3A_292 = vector.broadcast %broadcast_in_dim3A_291 : i32 to vector<16xi32>
      %gather3A_293 = tpu.vector_load_idx %arg8[%add3A_113, %broadcast_in_dim3A_292] : memref<160x46xf32, #tpu.memory_space<vmem>>[vector<16xi32>, vector<16xi32>], vector<16xf32>,
      %exp3A_294 = math.exp %gather3A_293 : vector<16xf32>
      %add3A_295 = arith.addf %add3A_290, %exp3A_294 : vector<16xf32>
      %broadcast_in_dim3A_296 = arith.constant 33 : i32
      %broadcast_in_dim3A_297 = vector.broadcast %broadcast_in_dim3A_296 : i32 to vector<16xi32>
      %gather3A_298 = tpu.vector_load_idx %arg8[%add3A_113, %broadcast_in_dim3A_297] : memref<160x46xf32, #tpu.memory_space<vmem>>[vector<16xi32>, vector<16xi32>], vector<16xf32>,
      %exp3A_299 = math.exp %gather3A_298 : vector<16xf32>
      %add3A_300 = arith.addf %add3A_295, %exp3A_299 : vector<16xf32>
      %add3A_301 = arith.constant 0 : i32
      %add3A_302 = vector.broadcast %add3A_301 : i32 to vector<16xi32>
      %add3A_303 = arith.addi %convert_element_type3A, %add3A_302 : vector<16xi32>
      %gather3A_304 = tpu.vector_load_idx %arg8[%add3A_113, %add3A_303] : memref<160x46xf32, #tpu.memory_space<vmem>>[vector<16xi32>, vector<16xi32>], vector<16xf32>,
      %add3A_305 = arith.constant 6 : i32
      %add3A_306 = vector.broadcast %add3A_305 : i32 to vector<16xi32>
      %add3A_307 = arith.addi %convert_element_type3A_152, %add3A_306 : vector<16xi32>
      %gather3A_308 = tpu.vector_load_idx %arg8[%add3A_113, %add3A_307] : memref<160x46xf32, #tpu.memory_space<vmem>>[vector<16xi32>, vector<16xi32>], vector<16xf32>,
      %add3A_309 = arith.constant 25 : i32
      %add3A_310 = vector.broadcast %add3A_309 : i32 to vector<16xi32>
      %add3A_311 = arith.addi %min3A_193, %add3A_310 : vector<16xi32>
      %gather3A_312 = tpu.vector_load_idx %arg8[%add3A_113, %add3A_311] : memref<160x46xf32, #tpu.memory_space<vmem>>[vector<16xi32>, vector<16xi32>], vector<16xf32>,
      %bitcast3A = vector.bitcast %add3A_225 : vector<16xf32> to vector<16xi32>
      %shift_right_arithmetic3A = arith.constant 23 : i32
      %shift_right_arithmetic3A_313 = vector.broadcast %shift_right_arithmetic3A : i32 to vector<16xi32>
      %shift_right_arithmetic3A_314 = arith.shrsi %bitcast3A, %shift_right_arithmetic3A_313 : vector<16xi32>
      %sub3A_315 = arith.constant 127 : i32
      %sub3A_316 = vector.broadcast %sub3A_315 : i32 to vector<16xi32>
      %sub3A_317 = arith.subi %shift_right_arithmetic3A_314, %sub3A_316 : vector<16xi32>
      %and3A_318 = arith.constant 8388607 : i32
      %and3A_319 = vector.broadcast %and3A_318 : i32 to vector<16xi32>
      %and3A_320 = arith.andi %bitcast3A, %and3A_319 : vector<16xi32>
      %or3A = arith.constant 1065353216 : i32
      %or3A_321 = vector.broadcast %or3A : i32 to vector<16xi32>
      %or3A_322 = arith.ori %and3A_320, %or3A_321 : vector<16xi32>
      %bitcast3A_323 = vector.bitcast %or3A_322 : vector<16xi32> to vector<16xf32>
      %sub3A_324 = arith.constant 1.000000e+00 : f32
      %sub3A_325 = vector.broadcast %sub3A_324 : f32 to vector<16xf32>
      %sub3A_326 = arith.subf %bitcast3A_323, %sub3A_325 : vector<16xf32>
      %add3A_327 = arith.constant 1.000000e+00 : f32
      %add3A_328 = vector.broadcast %add3A_327 : f32 to vector<16xf32>
      %add3A_329 = arith.addf %bitcast3A_323, %add3A_328 : vector<16xf32>
      %div3A_330 = arith.divf %sub3A_326, %add3A_329 : vector<16xf32>
      %mul3A_331 = arith.mulf %div3A_330, %div3A_330 : vector<16xf32>
      %mul3A_332 = arith.constant 2.000000e+00 : f32
      %mul3A_333 = vector.broadcast %mul3A_332 : f32 to vector<16xf32>
      %mul3A_334 = arith.mulf %mul3A_333, %div3A_330 : vector<16xf32>
      %mul3A_335 = arith.constant 0.142857149 : f32
      %mul3A_336 = vector.broadcast %mul3A_335 : f32 to vector<16xf32>
      %mul3A_337 = arith.mulf %mul3A_331, %mul3A_336 : vector<16xf32>
      %add3A_338 = arith.constant 2.000000e-01 : f32
      %add3A_339 = vector.broadcast %add3A_338 : f32 to vector<16xf32>
      %add3A_340 = arith.addf %add3A_339, %mul3A_337 : vector<16xf32>
      %mul3A_341 = arith.mulf %mul3A_331, %add3A_340 : vector<16xf32>
      %add3A_342 = arith.constant 0.333333343 : f32
      %add3A_343 = vector.broadcast %add3A_342 : f32 to vector<16xf32>
      %add3A_344 = arith.addf %add3A_343, %mul3A_341 : vector<16xf32>
      %mul3A_345 = arith.mulf %mul3A_331, %add3A_344 : vector<16xf32>
      %add3A_346 = arith.constant 1.000000e+00 : f32
      %add3A_347 = vector.broadcast %add3A_346 : f32 to vector<16xf32>
      %add3A_348 = arith.addf %add3A_347, %mul3A_345 : vector<16xf32>
      %mul3A_349 = arith.mulf %mul3A_334, %add3A_348 : vector<16xf32>
      %convert_element_type3A_350 = arith.sitofp %sub3A_317 : vector<16xi32> to vector<16xf32>
      %mul3A_351 = arith.constant 0.693147182 : f32
      %mul3A_352 = vector.broadcast %mul3A_351 : f32 to vector<16xf32>
      %mul3A_353 = arith.mulf %convert_element_type3A_350, %mul3A_352 : vector<16xf32>
      %add3A_354 = arith.addf %mul3A_353, %mul3A_349 : vector<16xf32>
      %bitcast3A_355 = vector.bitcast %add3A_255 : vector<16xf32> to vector<16xi32>
      %shift_right_arithmetic3A_356 = arith.constant 23 : i32
      %shift_right_arithmetic3A_357 = vector.broadcast %shift_right_arithmetic3A_356 : i32 to vector<16xi32>
      %shift_right_arithmetic3A_358 = arith.shrsi %bitcast3A_355, %shift_right_arithmetic3A_357 : vector<16xi32>
      %sub3A_359 = arith.constant 127 : i32
      %sub3A_360 = vector.broadcast %sub3A_359 : i32 to vector<16xi32>
      %sub3A_361 = arith.subi %shift_right_arithmetic3A_358, %sub3A_360 : vector<16xi32>
      %and3A_362 = arith.constant 8388607 : i32
      %and3A_363 = vector.broadcast %and3A_362 : i32 to vector<16xi32>
      %and3A_364 = arith.andi %bitcast3A_355, %and3A_363 : vector<16xi32>
      %or3A_365 = arith.constant 1065353216 : i32
      %or3A_366 = vector.broadcast %or3A_365 : i32 to vector<16xi32>
      %or3A_367 = arith.ori %and3A_364, %or3A_366 : vector<16xi32>
      %bitcast3A_368 = vector.bitcast %or3A_367 : vector<16xi32> to vector<16xf32>
      %sub3A_369 = arith.constant 1.000000e+00 : f32
      %sub3A_370 = vector.broadcast %sub3A_369 : f32 to vector<16xf32>
      %sub3A_371 = arith.subf %bitcast3A_368, %sub3A_370 : vector<16xf32>
      %add3A_372 = arith.constant 1.000000e+00 : f32
      %add3A_373 = vector.broadcast %add3A_372 : f32 to vector<16xf32>
      %add3A_374 = arith.addf %bitcast3A_368, %add3A_373 : vector<16xf32>
      %div3A_375 = arith.divf %sub3A_371, %add3A_374 : vector<16xf32>
      %mul3A_376 = arith.mulf %div3A_375, %div3A_375 : vector<16xf32>
      %mul3A_377 = arith.constant 2.000000e+00 : f32
      %mul3A_378 = vector.broadcast %mul3A_377 : f32 to vector<16xf32>
      %mul3A_379 = arith.mulf %mul3A_378, %div3A_375 : vector<16xf32>
      %mul3A_380 = arith.constant 0.142857149 : f32
      %mul3A_381 = vector.broadcast %mul3A_380 : f32 to vector<16xf32>
      %mul3A_382 = arith.mulf %mul3A_376, %mul3A_381 : vector<16xf32>
      %add3A_383 = arith.constant 2.000000e-01 : f32
      %add3A_384 = vector.broadcast %add3A_383 : f32 to vector<16xf32>
      %add3A_385 = arith.addf %add3A_384, %mul3A_382 : vector<16xf32>
      %mul3A_386 = arith.mulf %mul3A_376, %add3A_385 : vector<16xf32>
      %add3A_387 = arith.constant 0.333333343 : f32
      %add3A_388 = vector.broadcast %add3A_387 : f32 to vector<16xf32>
      %add3A_389 = arith.addf %add3A_388, %mul3A_386 : vector<16xf32>
      %mul3A_390 = arith.mulf %mul3A_376, %add3A_389 : vector<16xf32>
      %add3A_391 = arith.constant 1.000000e+00 : f32
      %add3A_392 = vector.broadcast %add3A_391 : f32 to vector<16xf32>
      %add3A_393 = arith.addf %add3A_392, %mul3A_390 : vector<16xf32>
      %mul3A_394 = arith.mulf %mul3A_379, %add3A_393 : vector<16xf32>
      %convert_element_type3A_395 = arith.sitofp %sub3A_361 : vector<16xi32> to vector<16xf32>
      %mul3A_396 = arith.constant 0.693147182 : f32
      %mul3A_397 = vector.broadcast %mul3A_396 : f32 to vector<16xf32>
      %mul3A_398 = arith.mulf %convert_element_type3A_395, %mul3A_397 : vector<16xf32>
      %add3A_399 = arith.addf %mul3A_398, %mul3A_394 : vector<16xf32>
      %add3A_400 = arith.addf %add3A_354, %add3A_399 : vector<16xf32>
      %bitcast3A_401 = vector.bitcast %add3A_300 : vector<16xf32> to vector<16xi32>
      %shift_right_arithmetic3A_402 = arith.constant 23 : i32
      %shift_right_arithmetic3A_403 = vector.broadcast %shift_right_arithmetic3A_402 : i32 to vector<16xi32>
      %shift_right_arithmetic3A_404 = arith.shrsi %bitcast3A_401, %shift_right_arithmetic3A_403 : vector<16xi32>
      %sub3A_405 = arith.constant 127 : i32
      %sub3A_406 = vector.broadcast %sub3A_405 : i32 to vector<16xi32>
      %sub3A_407 = arith.subi %shift_right_arithmetic3A_404, %sub3A_406 : vector<16xi32>
      %and3A_408 = arith.constant 8388607 : i32
      %and3A_409 = vector.broadcast %and3A_408 : i32 to vector<16xi32>
      %and3A_410 = arith.andi %bitcast3A_401, %and3A_409 : vector<16xi32>
      %or3A_411 = arith.constant 1065353216 : i32
      %or3A_412 = vector.broadcast %or3A_411 : i32 to vector<16xi32>
      %or3A_413 = arith.ori %and3A_410, %or3A_412 : vector<16xi32>
      %bitcast3A_414 = vector.bitcast %or3A_413 : vector<16xi32> to vector<16xf32>
      %sub3A_415 = arith.constant 1.000000e+00 : f32
      %sub3A_416 = vector.broadcast %sub3A_415 : f32 to vector<16xf32>
      %sub3A_417 = arith.subf %bitcast3A_414, %sub3A_416 : vector<16xf32>
      %add3A_418 = arith.constant 1.000000e+00 : f32
      %add3A_419 = vector.broadcast %add3A_418 : f32 to vector<16xf32>
      %add3A_420 = arith.addf %bitcast3A_414, %add3A_419 : vector<16xf32>
      %div3A_421 = arith.divf %sub3A_417, %add3A_420 : vector<16xf32>
      %mul3A_422 = arith.mulf %div3A_421, %div3A_421 : vector<16xf32>
      %mul3A_423 = arith.constant 2.000000e+00 : f32
      %mul3A_424 = vector.broadcast %mul3A_423 : f32 to vector<16xf32>
      %mul3A_425 = arith.mulf %mul3A_424, %div3A_421 : vector<16xf32>
      %mul3A_426 = arith.constant 0.142857149 : f32
      %mul3A_427 = vector.broadcast %mul3A_426 : f32 to vector<16xf32>
      %mul3A_428 = arith.mulf %mul3A_422, %mul3A_427 : vector<16xf32>
      %add3A_429 = arith.constant 2.000000e-01 : f32
      %add3A_430 = vector.broadcast %add3A_429 : f32 to vector<16xf32>
      %add3A_431 = arith.addf %add3A_430, %mul3A_428 : vector<16xf32>
      %mul3A_432 = arith.mulf %mul3A_422, %add3A_431 : vector<16xf32>
      %add3A_433 = arith.constant 0.333333343 : f32
      %add3A_434 = vector.broadcast %add3A_433 : f32 to vector<16xf32>
      %add3A_435 = arith.addf %add3A_434, %mul3A_432 : vector<16xf32>
      %mul3A_436 = arith.mulf %mul3A_422, %add3A_435 : vector<16xf32>
      %add3A_437 = arith.constant 1.000000e+00 : f32
      %add3A_438 = vector.broadcast %add3A_437 : f32 to vector<16xf32>
      %add3A_439 = arith.addf %add3A_438, %mul3A_436 : vector<16xf32>
      %mul3A_440 = arith.mulf %mul3A_425, %add3A_439 : vector<16xf32>
      %convert_element_type3A_441 = arith.sitofp %sub3A_407 : vector<16xi32> to vector<16xf32>
      %mul3A_442 = arith.constant 0.693147182 : f32
      %mul3A_443 = vector.broadcast %mul3A_442 : f32 to vector<16xf32>
      %mul3A_444 = arith.mulf %convert_element_type3A_441, %mul3A_443 : vector<16xf32>
      %add3A_445 = arith.addf %mul3A_444, %mul3A_440 : vector<16xf32>
      %add3A_446 = arith.addf %add3A_400, %add3A_445 : vector<16xf32>
      %sub3A_447 = arith.subf %add3A_446, %gather3A_304 : vector<16xf32>
      %sub3A_448 = arith.subf %sub3A_447, %gather3A_308 : vector<16xf32>
      %sub3A_449 = arith.subf %sub3A_448, %gather3A_312 : vector<16xf32>
      %mul3A_450 = arith.constant 5.000000e-01 : f32
      %mul3A_451 = vector.broadcast %mul3A_450 : f32 to vector<16xf32>
      %mul3A_452 = arith.mulf %convert_element_type3A_153, %mul3A_451 : vector<16xf32>
      %add3A_453 = arith.constant 2.500000e-01 : f32
      %add3A_454 = vector.broadcast %add3A_453 : f32 to vector<16xf32>
      %add3A_455 = arith.addf %mul3A_452, %add3A_454 : vector<16xf32>
      %sub3A_456 = arith.subf %min3A_133, %add3A_455 : vector<16xf32>
      %mul3A_457 = arith.constant 2.000000e+00 : f32
      %mul3A_458 = vector.broadcast %mul3A_457 : f32 to vector<16xf32>
      %mul3A_459 = arith.mulf %sub3A_456, %mul3A_458 : vector<16xf32>
      %mul3A_460 = arith.constant 5.000000e-01 : f32
      %mul3A_461 = vector.broadcast %mul3A_460 : f32 to vector<16xf32>
      %mul3A_462 = arith.mulf %convert_element_type3A_154, %mul3A_461 : vector<16xf32>
      %add3A_463 = arith.constant 2.500000e-01 : f32
      %add3A_464 = vector.broadcast %add3A_463 : f32 to vector<16xf32>
      %add3A_465 = arith.addf %mul3A_462, %add3A_464 : vector<16xf32>
      %sub3A_466 = arith.subf %min3A_145, %add3A_465 : vector<16xf32>
      %mul3A_467 = arith.constant 2.000000e+00 : f32
      %mul3A_468 = vector.broadcast %mul3A_467 : f32 to vector<16xf32>
      %mul3A_469 = arith.mulf %sub3A_466, %mul3A_468 : vector<16xf32>
      %mul3A_470 = arith.constant 0.69813168 : f32
      %mul3A_471 = vector.broadcast %mul3A_470 : f32 to vector<16xf32>
      %mul3A_472 = arith.mulf %convert_element_type3A_194, %mul3A_471 : vector<16xf32>
      %add3A_473 = arith.constant 0.34906584 : f32
      %add3A_474 = vector.broadcast %add3A_473 : f32 to vector<16xf32>
      %add3A_475 = arith.addf %mul3A_472, %add3A_474 : vector<16xf32>
      %sub3A_476 = arith.subf %sub3A_183, %add3A_475 : vector<16xf32>
      %div3A_477 = arith.constant 0.34906584 : f32
      %div3A_478 = vector.broadcast %div3A_477 : f32 to vector<16xf32>
      %div3A_479 = arith.divf %sub3A_476, %div3A_478 : vector<16xf32>
      %add3A_480 = arith.constant 12 : i32
      %add3A_481 = vector.broadcast %add3A_480 : i32 to vector<16xi32>
      %add3A_482 = arith.addi %convert_element_type3A, %add3A_481 : vector<16xi32>
      %gather3A_483 = tpu.vector_load_idx %arg8[%add3A_113, %add3A_482] : memref<160x46xf32, #tpu.memory_space<vmem>>[vector<16xi32>, vector<16xi32>], vector<16xf32>,
      %add3A_484 = arith.constant 18 : i32
      %add3A_485 = vector.broadcast %add3A_484 : i32 to vector<16xi32>
      %add3A_486 = arith.addi %convert_element_type3A_152, %add3A_485 : vector<16xi32>
      %gather3A_487 = tpu.vector_load_idx %arg8[%add3A_113, %add3A_486] : memref<160x46xf32, #tpu.memory_space<vmem>>[vector<16xi32>, vector<16xi32>], vector<16xf32>,
      %add3A_488 = arith.constant 34 : i32
      %add3A_489 = vector.broadcast %add3A_488 : i32 to vector<16xi32>
      %add3A_490 = arith.addi %min3A_193, %add3A_489 : vector<16xi32>
      %gather3A_491 = tpu.vector_load_idx %arg8[%add3A_113, %add3A_490] : memref<160x46xf32, #tpu.memory_space<vmem>>[vector<16xi32>, vector<16xi32>], vector<16xf32>,
      %sub3A_492 = arith.subf %gather3A_483, %mul3A_459 : vector<16xf32>
      %abs3A = math.absf %sub3A_492 : vector<16xf32>
      %lt3A_493 = arith.constant 1.000000e+00 : f32
      %lt3A_494 = vector.broadcast %lt3A_493 : f32 to vector<16xf32>
      %lt3A_495 = arith.cmpf olt, %abs3A, %lt3A_494 : vector<16xf32>
      %mul3A_496 = arith.constant 5.000000e-01 : f32
      %mul3A_497 = vector.broadcast %mul3A_496 : f32 to vector<16xf32>
      %mul3A_498 = arith.mulf %mul3A_497, %sub3A_492 : vector<16xf32>
      %mul3A_499 = arith.mulf %mul3A_498, %sub3A_492 : vector<16xf32>
      %sub3A_500 = arith.constant 5.000000e-01 : f32
      %sub3A_501 = vector.broadcast %sub3A_500 : f32 to vector<16xf32>
      %sub3A_502 = arith.subf %abs3A, %sub3A_501 : vector<16xf32>
      %select_n3A_503 = arith.select %lt3A_495, %mul3A_499, %sub3A_502 : vector<16xi1>, vector<16xf32>
      %sub3A_504 = arith.subf %gather3A_487, %mul3A_469 : vector<16xf32>
      %abs3A_505 = math.absf %sub3A_504 : vector<16xf32>
      %lt3A_506 = arith.constant 1.000000e+00 : f32
      %lt3A_507 = vector.broadcast %lt3A_506 : f32 to vector<16xf32>
      %lt3A_508 = arith.cmpf olt, %abs3A_505, %lt3A_507 : vector<16xf32>
      %mul3A_509 = arith.constant 5.000000e-01 : f32
      %mul3A_510 = vector.broadcast %mul3A_509 : f32 to vector<16xf32>
      %mul3A_511 = arith.mulf %mul3A_510, %sub3A_504 : vector<16xf32>
      %mul3A_512 = arith.mulf %mul3A_511, %sub3A_504 : vector<16xf32>
      %sub3A_513 = arith.constant 5.000000e-01 : f32
      %sub3A_514 = vector.broadcast %sub3A_513 : f32 to vector<16xf32>
      %sub3A_515 = arith.subf %abs3A_505, %sub3A_514 : vector<16xf32>
      %select_n3A_516 = arith.select %lt3A_508, %mul3A_512, %sub3A_515 : vector<16xi1>, vector<16xf32>
      %add3A_517 = arith.addf %select_n3A_503, %select_n3A_516 : vector<16xf32>
      %broadcast_in_dim3A_518 = arith.constant 24 : i32
      %broadcast_in_dim3A_519 = vector.broadcast %broadcast_in_dim3A_518 : i32 to vector<16xi32>
      %gather3A_520 = tpu.vector_load_idx %arg8[%add3A_113, %broadcast_in_dim3A_519] : memref<160x46xf32, #tpu.memory_space<vmem>>[vector<16xi32>, vector<16xi32>], vector<16xf32>,
      %broadcast_in_dim3A_521 = arith.constant 1 : i32
      %broadcast_in_dim3A_522 = vector.broadcast %broadcast_in_dim3A_521 : i32 to vector<16xi32>
      %gather3A_523 = tpu.vector_load_idx %arg9[%add3A_113, %broadcast_in_dim3A_522] : memref<160x46xf32, #tpu.memory_space<vmem>>[vector<16xi32>, vector<16xi32>], vector<16xf32>,
      %sub3A_524 = arith.subf %gather3A_520, %gather3A_523 : vector<16xf32>
      %abs3A_525 = math.absf %sub3A_524 : vector<16xf32>
      %lt3A_526 = arith.constant 1.000000e+00 : f32
      %lt3A_527 = vector.broadcast %lt3A_526 : f32 to vector<16xf32>
      %lt3A_528 = arith.cmpf olt, %abs3A_525, %lt3A_527 : vector<16xf32>
      %mul3A_529 = arith.constant 5.000000e-01 : f32
      %mul3A_530 = vector.broadcast %mul3A_529 : f32 to vector<16xf32>
      %mul3A_531 = arith.mulf %mul3A_530, %sub3A_524 : vector<16xf32>
      %mul3A_532 = arith.mulf %mul3A_531, %sub3A_524 : vector<16xf32>
      %sub3A_533 = arith.constant 5.000000e-01 : f32
      %sub3A_534 = vector.broadcast %sub3A_533 : f32 to vector<16xf32>
      %sub3A_535 = arith.subf %abs3A_525, %sub3A_534 : vector<16xf32>
      %select_n3A_536 = arith.select %lt3A_528, %mul3A_532, %sub3A_535 : vector<16xi1>, vector<16xf32>
      %add3A_537 = arith.addf %add3A_517, %select_n3A_536 : vector<16xf32>
      %sub3A_538 = arith.subf %gather3A_491, %div3A_479 : vector<16xf32>
      %abs3A_539 = math.absf %sub3A_538 : vector<16xf32>
      %lt3A_540 = arith.constant 1.000000e+00 : f32
      %lt3A_541 = vector.broadcast %lt3A_540 : f32 to vector<16xf32>
      %lt3A_542 = arith.cmpf olt, %abs3A_539, %lt3A_541 : vector<16xf32>
      %mul3A_543 = arith.constant 5.000000e-01 : f32
      %mul3A_544 = vector.broadcast %mul3A_543 : f32 to vector<16xf32>
      %mul3A_545 = arith.mulf %mul3A_544, %sub3A_538 : vector<16xf32>
      %mul3A_546 = arith.mulf %mul3A_545, %sub3A_538 : vector<16xf32>
      %sub3A_547 = arith.constant 5.000000e-01 : f32
      %sub3A_548 = vector.broadcast %sub3A_547 : f32 to vector<16xf32>
      %sub3A_549 = arith.subf %abs3A_539, %sub3A_548 : vector<16xf32>
      %select_n3A_550 = arith.select %lt3A_542, %mul3A_546, %sub3A_549 : vector<16xi1>, vector<16xf32>
      %add3A_551 = arith.addf %add3A_537, %select_n3A_550 : vector<16xf32>
      %broadcast_in_dim3A_552 = arith.constant 3 : i32
      %broadcast_in_dim3A_553 = vector.broadcast %broadcast_in_dim3A_552 : i32 to vector<16xi32>
      %gather3A_554 = tpu.vector_load_idx %arg8[%add3A_113, %broadcast_in_dim3A_553] : memref<160x46xf32, #tpu.memory_space<vmem>>[vector<16xi32>, vector<16xi32>], vector<16xf32>,
      %broadcast_in_dim3A_555 = arith.constant 43 : i32
      %broadcast_in_dim3A_556 = vector.broadcast %broadcast_in_dim3A_555 : i32 to vector<16xi32>
      %gather3A_557 = tpu.vector_load_idx %arg9[%add3A_113, %broadcast_in_dim3A_556] : memref<160x46xf32, #tpu.memory_space<vmem>>[vector<16xi32>, vector<16xi32>], vector<16xf32>,
      %broadcast_in_dim3A_558 = arith.constant 3 : i32
      %broadcast_in_dim3A_559 = vector.broadcast %broadcast_in_dim3A_558 : i32 to vector<16xi32>
      %gather3A_560 = tpu.vector_load_idx %arg9[%add3A_113, %broadcast_in_dim3A_559] : memref<160x46xf32, #tpu.memory_space<vmem>>[vector<16xi32>, vector<16xi32>], vector<16xf32>,
      %sub3A_561 = arith.subf %gather3A_560, %gather3A_554 : vector<16xf32>
      %div3A_562 = arith.divf %sub3A_561, %gather3A_554 : vector<16xf32>
      %sub3A_563 = arith.subf %gather3A_557, %div3A_562 : vector<16xf32>
      %abs3A_564 = math.absf %sub3A_563 : vector<16xf32>
      %lt3A_565 = arith.constant 1.000000e+00 : f32
      %lt3A_566 = vector.broadcast %lt3A_565 : f32 to vector<16xf32>
      %lt3A_567 = arith.cmpf olt, %abs3A_564, %lt3A_566 : vector<16xf32>
      %mul3A_568 = arith.constant 5.000000e-01 : f32
      %mul3A_569 = vector.broadcast %mul3A_568 : f32 to vector<16xf32>
      %mul3A_570 = arith.mulf %mul3A_569, %sub3A_563 : vector<16xf32>
      %mul3A_571 = arith.mulf %mul3A_570, %sub3A_563 : vector<16xf32>
      %sub3A_572 = arith.constant 5.000000e-01 : f32
      %sub3A_573 = vector.broadcast %sub3A_572 : f32 to vector<16xf32>
      %sub3A_574 = arith.subf %abs3A_564, %sub3A_573 : vector<16xf32>
      %select_n3A_575 = arith.select %lt3A_567, %mul3A_571, %sub3A_574 : vector<16xi1>, vector<16xf32>
      %add3A_576 = arith.addf %broadcast_in_dim3A_196, %select_n3A_575 : vector<16xf32>
      %broadcast_in_dim3A_577 = arith.constant 4 : i32
      %broadcast_in_dim3A_578 = vector.broadcast %broadcast_in_dim3A_577 : i32 to vector<16xi32>
      %gather3A_579 = tpu.vector_load_idx %arg8[%add3A_113, %broadcast_in_dim3A_578] : memref<160x46xf32, #tpu.memory_space<vmem>>[vector<16xi32>, vector<16xi32>], vector<16xf32>,
      %broadcast_in_dim3A_580 = arith.constant 44 : i32
      %broadcast_in_dim3A_581 = vector.broadcast %broadcast_in_dim3A_580 : i32 to vector<16xi32>
      %gather3A_582 = tpu.vector_load_idx %arg9[%add3A_113, %broadcast_in_dim3A_581] : memref<160x46xf32, #tpu.memory_space<vmem>>[vector<16xi32>, vector<16xi32>], vector<16xf32>,
      %broadcast_in_dim3A_583 = arith.constant 4 : i32
      %broadcast_in_dim3A_584 = vector.broadcast %broadcast_in_dim3A_583 : i32 to vector<16xi32>
      %gather3A_585 = tpu.vector_load_idx %arg9[%add3A_113, %broadcast_in_dim3A_584] : memref<160x46xf32, #tpu.memory_space<vmem>>[vector<16xi32>, vector<16xi32>], vector<16xf32>,
      %sub3A_586 = arith.subf %gather3A_585, %gather3A_579 : vector<16xf32>
      %div3A_587 = arith.divf %sub3A_586, %gather3A_579 : vector<16xf32>
      %sub3A_588 = arith.subf %gather3A_582, %div3A_587 : vector<16xf32>
      %abs3A_589 = math.absf %sub3A_588 : vector<16xf32>
      %lt3A_590 = arith.constant 1.000000e+00 : f32
      %lt3A_591 = vector.broadcast %lt3A_590 : f32 to vector<16xf32>
      %lt3A_592 = arith.cmpf olt, %abs3A_589, %lt3A_591 : vector<16xf32>
      %mul3A_593 = arith.constant 5.000000e-01 : f32
      %mul3A_594 = vector.broadcast %mul3A_593 : f32 to vector<16xf32>
      %mul3A_595 = arith.mulf %mul3A_594, %sub3A_588 : vector<16xf32>
      %mul3A_596 = arith.mulf %mul3A_595, %sub3A_588 : vector<16xf32>
      %sub3A_597 = arith.constant 5.000000e-01 : f32
      %sub3A_598 = vector.broadcast %sub3A_597 : f32 to vector<16xf32>
      %sub3A_599 = arith.subf %abs3A_589, %sub3A_598 : vector<16xf32>
      %select_n3A_600 = arith.select %lt3A_592, %mul3A_596, %sub3A_599 : vector<16xi1>, vector<16xf32>
      %add3A_601 = arith.addf %add3A_576, %select_n3A_600 : vector<16xf32>
      %broadcast_in_dim3A_602 = arith.constant 5 : i32
      %broadcast_in_dim3A_603 = vector.broadcast %broadcast_in_dim3A_602 : i32 to vector<16xi32>
      %gather3A_604 = tpu.vector_load_idx %arg8[%add3A_113, %broadcast_in_dim3A_603] : memref<160x46xf32, #tpu.memory_space<vmem>>[vector<16xi32>, vector<16xi32>], vector<16xf32>,
      %broadcast_in_dim3A_605 = arith.constant 45 : i32
      %broadcast_in_dim3A_606 = vector.broadcast %broadcast_in_dim3A_605 : i32 to vector<16xi32>
      %gather3A_607 = tpu.vector_load_idx %arg9[%add3A_113, %broadcast_in_dim3A_606] : memref<160x46xf32, #tpu.memory_space<vmem>>[vector<16xi32>, vector<16xi32>], vector<16xf32>,
      %broadcast_in_dim3A_608 = arith.constant 5 : i32
      %broadcast_in_dim3A_609 = vector.broadcast %broadcast_in_dim3A_608 : i32 to vector<16xi32>
      %gather3A_610 = tpu.vector_load_idx %arg9[%add3A_113, %broadcast_in_dim3A_609] : memref<160x46xf32, #tpu.memory_space<vmem>>[vector<16xi32>, vector<16xi32>], vector<16xf32>,
      %sub3A_611 = arith.subf %gather3A_610, %gather3A_604 : vector<16xf32>
      %div3A_612 = arith.divf %sub3A_611, %gather3A_604 : vector<16xf32>
      %sub3A_613 = arith.subf %gather3A_607, %div3A_612 : vector<16xf32>
      %abs3A_614 = math.absf %sub3A_613 : vector<16xf32>
      %lt3A_615 = arith.constant 1.000000e+00 : f32
      %lt3A_616 = vector.broadcast %lt3A_615 : f32 to vector<16xf32>
      %lt3A_617 = arith.cmpf olt, %abs3A_614, %lt3A_616 : vector<16xf32>
      %mul3A_618 = arith.constant 5.000000e-01 : f32
      %mul3A_619 = vector.broadcast %mul3A_618 : f32 to vector<16xf32>
      %mul3A_620 = arith.mulf %mul3A_619, %sub3A_613 : vector<16xf32>
      %mul3A_621 = arith.mulf %mul3A_620, %sub3A_613 : vector<16xf32>
      %sub3A_622 = arith.constant 5.000000e-01 : f32
      %sub3A_623 = vector.broadcast %sub3A_622 : f32 to vector<16xf32>
      %sub3A_624 = arith.subf %abs3A_614, %sub3A_623 : vector<16xf32>
      %select_n3A_625 = arith.select %lt3A_617, %mul3A_621, %sub3A_624 : vector<16xi1>, vector<16xf32>
      %add3A_626 = arith.addf %add3A_601, %select_n3A_625 : vector<16xf32>
      %add3A_627 = arith.addf %sub3A_449, %add3A_551 : vector<16xf32>
      %add3A_628 = arith.addf %add3A_627, %add3A_626 : vector<16xf32>
      %jit3A_629 = arith.constant 0.000000e+00 : f32
      %broadcast_in_dim3A_630 = vector.broadcast %jit3A_629 : f32 to vector<16xf32>
      %select_n3A_631 = arith.select %and3A_123, %add3A_628, %broadcast_in_dim3A_630 : vector<16xi1>, vector<16xf32>
      %add3A_632 = arith.addf %scan3A_108, %select_n3A_631 : vector<16xf32>
      %jit3A_633 = arith.constant 1.000000e+00 : f32
      %jit3A_634 = arith.constant 0.000000e+00 : f32
      %broadcast_in_dim3A_635 = vector.broadcast %jit3A_633 : f32 to vector<16xf32>
      %broadcast_in_dim3A_636 = vector.broadcast %jit3A_634 : f32 to vector<16xf32>
      %select_n3A_637 = arith.select %and3A_123, %broadcast_in_dim3A_635, %broadcast_in_dim3A_636 : vector<16xi1>, vector<16xf32>
      %add3A_638 = arith.addf %scan3A_109, %select_n3A_637 : vector<16xf32>
      scf.yield %add3A_632, %add3A_638 : vector<16xf32>, vector<16xf32>
    }
    %scan3A_101 = arith.constant 10 : i32
    %swap3A = arith.constant 0 : index
    %swap3A_102 = tpu.vector_load %arg11[%swap3A] {strides = array<i32>} : memref<32xf32, #tpu.memory_space<vmem>>, vector<16xf32>,
    tpu.vector_store %arg11[%swap3A], %scan3A_100#0 {strides = array<i32>} : memref<32xf32, #tpu.memory_space<vmem>>, vector<16xf32>,
    %swap3A_103 = arith.constant 16 : index
    %swap3A_104 = tpu.vector_load %arg11[%swap3A_103] {strides = array<i32>} : memref<32xf32, #tpu.memory_space<vmem>>, vector<16xf32>,
    tpu.vector_store %arg11[%swap3A_103], %scan3A_100#1 {strides = array<i32>} : memref<32xf32, #tpu.memory_space<vmem>>, vector<16xf32>,
    %mul3A_105 = arith.constant 32 : i32
    %mul3A_106 = arith.muli %add3A, %mul3A_105 : i32
    "tpu.region"() ({
      %run_scoped3A = tpu.sem_alloc : memref<!tpu.dma_semaphore, #tpu.memory_space<semaphore_mem>>
      %dma_start3A_107 = tpu.memref_slice %arg5[%mul3A_106] : memref<1024xf32, #tpu.memory_space<hbm>> -> memref<32xf32, #tpu.memory_space<hbm>>
      %dma_start3A_108 = tpu.memref_slice %arg5[%mul3A_106] : memref<1024xf32, #tpu.memory_space<hbm>> -> memref<32xf32, #tpu.memory_space<hbm>>
      tpu.enqueue_dma source(%arg11 : memref<32xf32, #tpu.memory_space<vmem>>) target(%dma_start3A_108 : memref<32xf32, #tpu.memory_space<hbm>>) target_semaphore(%run_scoped3A : memref<!tpu.dma_semaphore, #tpu.memory_space<semaphore_mem>>)
      %dma_wait3A_109 = tpu.memref_slice %arg5[%mul3A_106] : memref<1024xf32, #tpu.memory_space<hbm>> -> memref<32xf32, #tpu.memory_space<hbm>>
      %dma_wait3A_110 = tpu.memref_slice %arg5[%mul3A_106] : memref<1024xf32, #tpu.memory_space<hbm>> -> memref<32xf32, #tpu.memory_space<hbm>>
      tpu.wait_dma2 semaphore(%run_scoped3A : memref<!tpu.dma_semaphore, #tpu.memory_space<semaphore_mem>>) src(%arg11 : memref<32xf32, #tpu.memory_space<vmem>>) dst(%dma_wait3A_110 : memref<32xf32, #tpu.memory_space<hbm>>)
      tpu.yield
    }) : () -> ()
    return
  }
}

module attributes {stable_mosaic.version = 14 : i64} {
  func.func @_finish_kernel(%arg0: memref<1024xf32, #tpu.memory_space<vmem>>, %arg1: memref<1x1xf32, #tpu.memory_space<smem>>) attributes {dimension_semantics = [], scalar_prefetch = 0 : i64, scratch_operands = 0 : i64, tpu.core_type = #tpu.core_type<tc>} {
    %get3A = arith.constant 0 : index
    %get3A_0 = vector.load %arg0[%get3A] : memref<1024xf32, #tpu.memory_space<vmem>>, vector<1024xf32>
    %iota3A = tpu.iota {dimensions = array<i32: 1>} : vector<1x1024xi32>
    %iota3A_1 = vector.shape_cast %iota3A : vector<1x1024xi32> to vector<1024xi32>
    %jit3A = arith.constant 32 : i32
    %eq3A = arith.constant 0 : i32
    %eq3A_2 = arith.cmpi eq, %jit3A, %eq3A : i32
    %jit3A_3 = arith.constant 1 : i32
    %select_n3A = arith.select %eq3A_2, %jit3A_3, %jit3A : i32
    %rem3A = vector.broadcast %select_n3A : i32 to vector<1024xi32>
    %rem3A_4 = arith.remsi %iota3A_1, %rem3A : vector<1024xi32>
    %ne3A = arith.constant 0 : i32
    %ne3A_5 = vector.broadcast %ne3A : i32 to vector<1024xi32>
    %ne3A_6 = arith.cmpi ne, %rem3A_4, %ne3A_5 : vector<1024xi32>
    %lt3A = arith.constant 0 : i32
    %lt3A_7 = vector.broadcast %lt3A : i32 to vector<1024xi32>
    %lt3A_8 = arith.cmpi slt, %rem3A_4, %lt3A_7 : vector<1024xi32>
    %lt3A_9 = arith.constant 0 : i32
    %lt3A_10 = arith.cmpi slt, %select_n3A, %lt3A_9 : i32
    %ne3A_11 = vector.broadcast %lt3A_10 : i1 to vector<1024xi1>
    %ne3A_12 = vector.broadcast %ne3A_11 : vector<1024xi1> to vector<1024xi1>
    %ne3A_13 = arith.xori %lt3A_8, %ne3A_12 : vector<1024xi1>
    %and3A = arith.andi %ne3A_13, %ne3A_6 : vector<1024xi1>
    %add3A = vector.broadcast %select_n3A : i32 to vector<1024xi32>
    %add3A_14 = arith.addi %rem3A_4, %add3A : vector<1024xi32>
    %select_n3A_15 = arith.select %and3A, %add3A_14, %rem3A_4 : vector<1024xi1>, vector<1024xi32>
    %lt3A_16 = arith.constant 16 : i32
    %lt3A_17 = vector.broadcast %lt3A_16 : i32 to vector<1024xi32>
    %lt3A_18 = arith.cmpi slt, %select_n3A_15, %lt3A_17 : vector<1024xi32>
    %jit3A_19 = arith.constant 0.000000e+00 : f32
    %broadcast_in_dim3A = vector.broadcast %jit3A_19 : f32 to vector<1024xf32>
    %select_n3A_20 = arith.select %lt3A_18, %get3A_0, %broadcast_in_dim3A : vector<1024xi1>, vector<1024xf32>
    %reduce_sum3A = vector.shape_cast %select_n3A_20 : vector<1024xf32> to vector<1x1024xf32>
    %reduce_sum3A_21 = arith.constant dense<0.000000e+00> : vector<1xf32>
    %reduce_sum3A_22 = vector.multi_reduction <add>, %reduce_sum3A, %reduce_sum3A_21 [1] : vector<1x1024xf32> to vector<1xf32>
    %reduce_sum3A_23 = vector.shape_cast %reduce_sum3A_22 : vector<1xf32> to vector<1x1xf32>
    %reduce_sum3A_24 = vector.extract %reduce_sum3A_23[0, 0] : f32 from vector<1x1xf32>
    %jit3A_25 = arith.constant 0.000000e+00 : f32
    %broadcast_in_dim3A_26 = vector.broadcast %jit3A_25 : f32 to vector<1024xf32>
    %select_n3A_27 = arith.select %lt3A_18, %broadcast_in_dim3A_26, %get3A_0 : vector<1024xi1>, vector<1024xf32>
    %reduce_sum3A_28 = vector.shape_cast %select_n3A_27 : vector<1024xf32> to vector<1x1024xf32>
    %reduce_sum3A_29 = arith.constant dense<0.000000e+00> : vector<1xf32>
    %reduce_sum3A_30 = vector.multi_reduction <add>, %reduce_sum3A_28, %reduce_sum3A_29 [1] : vector<1x1024xf32> to vector<1xf32>
    %reduce_sum3A_31 = vector.shape_cast %reduce_sum3A_30 : vector<1xf32> to vector<1x1xf32>
    %reduce_sum3A_32 = vector.extract %reduce_sum3A_31[0, 0] : f32 from vector<1x1xf32>
    %div3A = arith.divf %reduce_sum3A_24, %reduce_sum3A_32 : f32
    %swap3A = arith.constant 0 : index
    %swap3A_33 = arith.constant 0 : index
    %swap3A_34 = memref.load %arg1[%swap3A, %swap3A_33] : memref<1x1xf32, #tpu.memory_space<smem>>
    memref.store %div3A, %arg1[%swap3A, %swap3A_33] : memref<1x1xf32, #tpu.memory_space<smem>>
    return
  }
}

</mosaic_0001>

<sc_bundles>
// kernel: kernel.4.cloned.1.call-start
scs
__scs_entry_jumppad:
0x0: {  	(pc) =	sbr.rel $0x88, $3  }
0x1: {  	(tag) =	ssettag $0x0;
	lr =	simm.s32 $0x1  }
0x2: {  	[smem:$0x3F9E] =	sst lr;
	_ =	strace $0xD0000000  }
0x3: {  	_ = 	snop  }
0x4: {  	_ = 	snop  }
0x5: {  	_ = 	snop  }
0x6: {  	_ = 	snop  }
0x7: {  	_ = 	snop  }
__scs_overlays_trampoline_lowered:
0x8: {  	[smem:$0x3FAD] =	sst s0  }
0x9: {  	[smem:$0x3FAE] =	sst s1  }
0xa: {  	[smem:$0x3FAF] =	sst s2  }
0xb: {  	[smem:$0x3FB0] =	sst s3  }
0xc: {  	[smem:$0x3FB1] =	sst s4  }
0xd: {  	[smem:$0x3FB2] =	sst s5  }
0xe: {  	[smem:$0x3FB3] =	sst s6  }
0xf: {  	[smem:$0x3FB4] =	sst s7  }
0x10: {  	[smem:$0x3FB5] =	sst s8  }
0x11: {  	[smem:$0x3FB6] =	sst s9;
	s0 =	simm.s32 @!p0 $0x0  }
0x12: {  	s1 =	sld [smem:$0x3F9C];
	s0 =	simm.s32 @p0 $0x1  }
0x13: {  	[smem:$0x3FB7] =	sst s0;
	s0 =	simm.s32 @!p1 $0x0  }
0x14: {  	s2 =	sld [smem:$0x3F9B];
	s0 =	simm.s32 @p1 $0x1  }
0x15: {  	[smem:$0x3FB8] =	sst s0;
	s0 =	simm.s32 @!p2 $0x0  }
0x16: {  	s3 =	sld [smem:$0x3FDB];
	s0 =	simm.s32 @p2 $0x1  }
0x17: {  	s4 =	simm.s32 $0x1BF5;
	[smem:$0x3FBA] =	sst s0  }
0x18: {  	s0 =	sld [smem:$0x3F9D];
	_ =	swait.ge [sflag:s4], $0x0  }
0x19: {  	s7 =	sld [smem:$0x3F9E]  }
0x1a: {  	s8 =	sadd.s32 $0xFFFFE003, lr  }
0x1b: {  	s9 =	sadd.s32 $0xFFFFFEF7, lr;
	s5 =	simm.s32 $0xFFFFFFFF;
	p2 =	slt.u32 s8, $0xFFFFF086  }
0x1c: {  	p1 =	slt.u32 s9, $0xF7A;
	s5 =	simm.s32 @!p2 $0x0  }
0x1d: {  	s5 =	simm.s32 @p1 $0x1;
	p0 =	seq.s32 s7, s2  }
0x1e: {  	s7 =	smul.u32 @!p0 $0xF7A, s2;
	p2 =	seq.s32 @!p0 s5, $0x0  }
0x1f: {  	s9 =	smul.u32 $0xF7A, s1;
	s8 =	simm.s32 @!p0 $0x1BF5;
	p2 =	por !p2, p0  }
0x20: {  	[sflag:s8] =	ssyncset.s32 @!p0 $0xFFFFF086;
	s6 =	sadd.s32 @!p0 s3, s7;
	s7 =	simm.s32 @!p0 $0x108  }
0x21: {  	s3 =	sadd.s32 s3, s9;
	s6 =	sadd.s32 @!p0 $0x88, s6;
	s7 =	simm.s32 @p2 $0x1082  }
0x22: {  	[simem:s7], [sflag:s8] =	dma.local @!p0 [hbm:s6], $0xF7A  }
0x23: {  	s9 =	sor.u32 $0xD0000000, s2;
	s6 =	simm.s32 $0x108;
	_ =	swait.ge @!p0 [sflag:s8], $0x0  }
0x24: {  	s3 =	sadd.s32 $0x88, s3;
	s6 =	simm.s32 @!p1 $0x1082;
	[sflag:s4] =	ssyncset.s32 $0xFFFFF086  }
0x25: {  	[simem:s6], [sflag:s4] =	dma.local [hbm:s3], $0xF7A  }
0x26: {  	[smem:$0x3F9E] =	sst s1;
	(tag) =	ssettag s2;
	_ =	strace s9  }
0x27: {  	s1 =	sld [smem:$0x3FAE]  }
0x28: {  	s2 =	sld [smem:$0x3FAF]  }
0x29: {  	s4 =	sld [smem:$0x3FB1]  }
0x2a: {  	p0 =	seq.s32 s5, $0x0;
	s5 =	sld [smem:$0x3FB2]  }
0x2b: {  	s6 =	sld [smem:$0x3FB3]  }
0x2c: {  	s7 =	sld [smem:$0x3FB4]  }
0x2d: {  	s3 =	simm.s32 $0x108;
	s8 =	sld [smem:$0x3FB5]  }
0x2e: {  	s3 =	simm.s32 @!p0 $0x1082;
	s9 =	sld [smem:$0x3FB6]  }
0x2f: {  	lr =	sadd.s32 s0, s3;
	s0 =	sld [smem:$0x3FAD]  }
0x30: {  	s3 =	sld [smem:$0x3FB0]  }
0x31: {  	[smem:$0x3FB9] =	sst s10  }
0x32: {  	s10 =	sld [smem:$0x3FB7];
	_ =	sdelay $0x3  }
0x33: {  	p0 =	seq.s32 s10, $0x1;
	s10 =	sld [smem:$0x3FB9];
	_ =	sdelay $0x3  }
0x34: {  	[smem:$0x3FB9] =	sst s10  }
0x35: {  	s10 =	sld [smem:$0x3FB8];
	_ =	sdelay $0x3  }
0x36: {  	p1 =	seq.s32 s10, $0x1;
	s10 =	sld [smem:$0x3FB9];
	_ =	sdelay $0x3  }
0x37: {  	[smem:$0x3FB9] =	sst s10  }
0x38: {  	s10 =	sld [smem:$0x3FBA]  }
0x39: {  	_ = 	snop;
	(pc) =	sbr.ind lr, $3  }
0x3a: {  	_ = 	snop  }
0x3b: {  	_ = 	snop  }
0x3c: {  	p2 =	seq.s32 s10, $0x1;
	s10 =	sld [smem:$0x3FB9]  }
0x3d: {  	_ =	shalt  }
0x3e: {  	_ =	shalt  }
0x3f: {  	_ =	shalt  }
0x40: {  	_ =	shalt  }
0x41: {  	_ =	shalt  }
0x42: {  	_ =	shalt  }
0x43: {  	_ =	shalt  }
0x44: {  	_ =	shalt  }
0x45: {  	_ =	shalt  }
0x46: {  	_ =	shalt  }
0x47: {  	_ =	shalt  }
0x48: {  	_ =	shalt  }
0x49: {  	_ =	shalt  }
0x4a: {  	_ =	shalt  }
0x4b: {  	_ =	shalt  }
0x4c: {  	_ =	shalt  }
0x4d: {  	_ =	shalt  }
0x4e: {  	_ =	shalt  }
0x4f: {  	_ =	shalt  }
0x50: {  	_ =	shalt  }
0x51: {  	_ =	shalt  }
0x52: {  	_ =	shalt  }
0x53: {  	_ =	shalt  }
0x54: {  	_ =	shalt  }
0x55: {  	_ =	shalt  }
0x56: {  	_ =	shalt  }
0x57: {  	_ =	shalt  }
0x58: {  	_ =	shalt  }
0x59: {  	_ =	shalt  }
0x5a: {  	_ =	shalt  }
0x5b: {  	_ =	shalt  }
0x5c: {  	_ =	shalt  }
0x5d: {  	_ =	shalt  }
0x5e: {  	_ =	shalt  }
0x5f: {  	_ =	shalt  }
0x60: {  	_ =	shalt  }
0x61: {  	_ =	shalt  }
0x62: {  	_ =	shalt  }
0x63: {  	_ =	shalt  }
0x64: {  	_ =	shalt  }
0x65: {  	_ =	shalt  }
0x66: {  	_ =	shalt  }
0x67: {  	_ =	shalt  }
0x68: {  	_ =	shalt  }
0x69: {  	_ =	shalt  }
0x6a: {  	_ =	shalt  }
0x6b: {  	_ =	shalt  }
0x6c: {  	_ =	shalt  }
0x6d: {  	_ =	shalt  }
0x6e: {  	_ =	shalt  }
0x6f: {  	_ =	shalt  }
0x70: {  	_ =	shalt  }
0x71: {  	_ =	shalt  }
0x72: {  	_ =	shalt  }
0x73: {  	_ =	shalt  }
0x74: {  	_ =	shalt  }
0x75: {  	_ =	shalt  }
0x76: {  	_ =	shalt  }
0x77: {  	_ =	shalt  }
0x78: {  	_ =	shalt  }
0x79: {  	_ =	shalt  }
0x7a: {  	_ =	shalt  }
0x7b: {  	_ =	shalt  }
0x7c: {  	_ =	shalt  }
0x7d: {  	_ =	shalt  }
0x7e: {  	_ =	shalt  }
0x7f: {  	_ =	shalt  }
0x80: {  	_ =	shalt  }
0x81: {  	_ =	shalt  }
0x82: {  	_ =	shalt  }
0x83: {  	_ =	shalt  }
0x84: {  	_ =	shalt  }
0x85: {  	_ =	shalt  }
0x86: {  	_ =	shalt  }
0x87: {  	_ =	shalt  }
.Lfunc_end0:
.L_simem_size_0:
called_computation_lowered:
.L_overlay_start_0:
0x88: {  	s2 =	sld [smem:$0x3FD9]  }
0x89: {  	s3 =	sld [smem:$0x3FFE];
	_ =	sdelay $0x1  }
0x8a: {  	s1 =	srdreg.scid  }
0x8b: {  	s0 =	sand.u32 $0x1, s1  }
0x8c: {  	s17 =	sshll.u32 s0, $0xA;
	s2 =	sadd.s32 s3, s2  }
0x8d: {  	s2 =	sadd.s32 s2, s17  }
0x8e: {  	[smem:$0x3FC5] =	sst s2  }
0x8f: {  	_ = 	snop  }
0x90: {  	s2 =	sld [smem:$0x3FC7];
	(tm) =	ssettm $0x1  }
0x91: {  	s18 =	sld [smem:$0x3FFB];
	_ =	sdelay $0x3  }
0x92: {  	_ =	strace s18  }
0x93: {  	s3 =	sld [smem:$0x3FFC];
	_ =	sdelay $0x3  }
0x94: {  	_ =	strace s3  }
0x95: {  	s3 =	sld [smem:$0x3FFD];
	_ =	sdelay $0x3  }
0x96: {  	_ =	strace s3  }
0x97: {  	_ =	strace $0x8FFFFFFF  }
0x98: {  	s19 =	sld [smem:$0x3FDB];
	_ =	sdelay $0x1  }
0x99: {  	s4 =	simm.s32 $_scs_section_size  }
0x9a: {  	s5 =	simm.s32 $_size__tile_overlayer_lowered;
	s6 =	simm.s32 $_tile_overlayer_lowered  }
0x9b: {  	s22 =	simm.s32 $0x1BFF;
	s21 =	sshll.u32 s6, $0x1;
	s3 =	sadd.s32 s4, s19  }
0x9c: {  	s7 =	simm.s32 $0x0;
	s20 =	sshll.u32 s5, $0x1;
	s5 =	sadd.s32 s21, s3  }
0x9d: {  	[timem:s7], [sflag:s22] =	dma.local [hbm:s5], s20  }
0x9e: {  	_ =	swait.ge [sflag:s22], s20  }
0x9f: {  	s4 =	ssub.s32 $0x0, s20;
	[sflag:s22] =	ssyncset.done $0x0  }
0xa0: {  	[sflag:s22] =	ssyncadd.s32 s4;
	_ =	sdelay $0x1  }
0xa1: {  	s23 =	simm.s32 $0x1B8B  }
0xa2: {  	_ =	swait.ge [sflag:s23], $0x1  }
0xa3: {  	[sflag:s23] =	ssyncset.done $0x0  }
0xa4: {  	s25 =	simm.s32 $0x1B8E;
	s24 =	sld [smem:$0x3FFE];
	[sflag:s23] =	ssyncadd.s32 $0xFFFFFFFF  }
0xa5: {  	s26 =	simm.s32 $execute0_lowered;
	[smem:$0x3FD2] =	sst s25  }
0xa6: {  	s5 =	sshll.u32 s26, $0x1;
	_ =	strace $0x80000046;
	[dreg:$0x1] =	wrdreg $0xFFFFFFFF  }
0xa7: {  	s28 =	simm.s32 $_size_execute0_lowered;
	s3 =	sadd.s32 s3, s5;
	[dreg:$0x0] =	wrdreg $0x0  }
0xa8: {  	s5 =	sshll.u32 s28, $0x1;
	[dreg:$0x2] =	wrdreg s3  }
0xa9: {  	[dreg:$0x3] =	wrdreg s5  }
0xaa: {  	[dreg:$0x4] =	wrdreg $0xC0  }
0xab: {  	_ =	task [dreg:s7], $0x5FFFF  }
0xac: {  	[dreg:$0x1] =	wrdreg $0xFFFFFFFF  }
0xad: {  	[dreg:$0x0] =	wrdreg $0x60  }
0xae: {  	[dreg:$0x2] =	wrdreg s24  }
0xaf: {  	[dreg:$0x3] =	wrdreg s2  }
0xb0: {  	[dreg:$0x4] =	wrdreg $0x9  }
0xb1: {  	_ =	task.clear_ibuf [dreg:s7], $0x5FFFF;
	_ =	strace $0x90000046  }
0xb2: {  	s29 =	simm.s32 $0x9;
	_ =	strace $0x80000048  }
0xb3: {  	_ =	swait.ge [sflag:s29], $0x1  }
0xb4: {  	[sflag:s29] =	ssyncadd.s32 $0xFFFFFFFF  }
0xb5: {  	_ =	strace $0x90000048  }
0xb6: {  	_ =	sfence  }
0xb7: {  	s30 =	sld [smem:$0x0];
	_ =	sdelay $0x2  }
0xb8: {  	s31 =	sshll.u32 s1, $0xD;
	s1 =	sshrl.u32 s1, $0x2  }
0xb9: {  	s3 =	sand.u32 $0x4000, s31;
	s1 =	sadd.s32 s1, s30  }
0xba: {  	s0 =	sor.u32 s3, s0;
	s1 =	sshll.u32 s1, $0x11  }
0xbb: {  	s0 =	sor.u32 s1, s0  }
0xbc: {  	s0 =	sadd.s32 $0x8F2B, s0  }
0xbd: {  	[sflag:s0] =	ssyncadd.remote.s32 $0x1  }
0xbe: {  	_ =	sfence.sel $0xFFFF  }
0xbf: {  	[dreg:$0x0] =	wrdreg $0xFFFFFFFF;
	(pc) =	sbr.abs _section_cstart, $3  }
0xc0: {  	[dreg:$0x1] =	wrdreg $0xFFFFFFFF  }
0xc1: {  	_ =	task.clear_ibuf [dreg:s7], $0x2FFFF;
	_ =	strace $0x9FFFFFFF  }
0xc2: {  	(tm) =	ssettm $0x7FFFFFFF  }
0xc3: {  	_ =	shalt  }
tec
execute0_lowered:
.L_overlay_start_1:
0x0: {  	(tag) =	ssettag $0x1  }
0x1: {  	s3 =	rddreg [dreg:$0x0]  }
0x2: {  	s4 =	rddreg [dreg:$0x1]  }
0x3: {  	s0 =	rddreg [dreg:$0x2];
	s5 =	srdreg.scid  }
0x4: {  	s1 =	stileid.u32;
	s2 =	simm.s32 $0x0;
	s16 =	simm.s32 $0x5000  }
0x5: {  	s19 =	simm.s32 $0x1;
	s20 =	simm.s32 $0x2;
	[smem:$0x7FF] =	sst s2  }
0x6: {  	v0 =	vimm.f32 $6.283185480e+00;
	s5 =	sand.u32 $0x1, s5;
	s6 =	sshll.u32 s1, $0x1;
	_ =	strace $0x80000047  }
0x7: {  	s21 =	simm.s32 $0x14280;
	s22 =	simm.s32 $0x0;
	s6 =	sor.u32 s5, s6;
	(erf) = vrcp.f32 v0;
	v0 =	vimm.f32 $6.981316800e-01  }
0x8: {  	s10 =	sadd.s32 $0x800, s3;
	s5 =	ssub.s32 $0x2, s5;
	s7 =	smul.u32 $0x280, s6;
	(erf) = vrcp.f32 v0;
	v0 =	vimm.f32 $3.490658400e-01  }
0x9: {  	s11 =	sadd.s32 $0x4EA00, s3;
	s6 =	sshll.u32 s6, $0x2;
	s26 =	sshrl.u32 s5, $0x1;
	(erf) = vrcp.f32 v0  }
0xa: {  	s12 =	sadd.s32 s6, s3;
	s13 =	ssub.s32 s5, s26;
	s28 =	smin.u32 s7, $0x4BA0  }
0xb: {  	s29 =	ssub.s32 $0x4E20, s7;
	s12 =	sadd.s32 $0x9CC00, s12;
	s13 =	smax.u32 s13, $0x1  }
0xc: {  	s17 =	ssub.s32 s7, s28;
	s30 =	sshrl.u32 s28, $0x3;
	s9 =	sshll.u32 s28, $0x4  }
0xd: {  	s8 =	smin.u32 s29, $0x280;
	s3 =	sadd.s32 s4, s30;
	s4 =	sadd.s32 s10, s9  }
0xe: {  	s31 =	sadd.s32 $0xA00, s9;
	s5 =	sadd.s32 s11, s9;
	s18 =	sadd.s32 s8, s17  }
0xf: {  	s14 =	sadd.s32 $0x1400, s9;
	s15 =	sadd.s32 $0x1E00, s9;
	v2 =	vmov s17;
	s17 =	simm.s32 $0xA000  }
0x10: {  	s6 =	sadd.s32 s10, s31;
	s7 =	sadd.s32 s11, s31;
	s8 =	sadd.s32 s10, s14;
	v0 =	vpop (erf)  }
0x11: {  	v4 =	vlaneseq.u32;
	v6 =	vimm.f32 $0.0e+00;
	s9 =	sadd.s32 s11, s14;
	s10 =	sadd.s32 s10, s15;
	s11 =	sadd.s32 s11, s15;
	v1 =	vpop (erf)  }
0x12: {  	v7 =	vor.u32 $0xA0, v4;
	v8 =	vmul.u32 $0x80, v4;
	s14 =	simm.s32 $0x14000;
	s15 =	simm.s32 $0x3;
	v3 =	vmov s18;
	s18 =	simm.s32 $0xF000;
	v5 =	vpop (erf)  }
.LBB2_1:
0x13: {  	[tilespmem:s14], [sflag:$0x3] =	stream.linear.gather [hbm4b:s3+s2], $0x280, $0x38;
	[tilespmem:$0x14300] =	vst v63  }
0x14: {  	_ =	swait.ge [sflag:s15], $0x280  }
0x15: {  	[sflag:s15] =	ssyncset.done $0x0  }
0x16: {  	[sflag:s15] =	ssyncadd.s32 $0xFFFFFD80  }
0x17: {  	[tilespmem:s2], [sflag:$0x1] =	stream.linear.gather [hbm4b:s4+s2], $0x5000, $0x38;
	[tilespmem:$0x14300] =	vst v63  }
0x18: {  	_ = 	snop  }
0x19: {  	[tilespmem:s16], [sflag:$0x1] =	stream.linear.gather [hbm4b:s5+s2], $0x5000, $0x38;
	[tilespmem:$0x14300] =	vst v63  }
0x1a: {  	_ = 	snop  }
0x1b: {  	[tilespmem:s17], [sflag:$0x2] =	stream.linear.gather [hbm4b:s6+s2], $0x5000, $0x38;
	[tilespmem:$0x14300] =	vst v63  }
0x1c: {  	_ = 	snop  }
0x1d: {  	[tilespmem:s18], [sflag:$0x2] =	stream.linear.gather [hbm4b:s7+s2], $0x5000, $0x38;
	[tilespmem:$0x14300] =	vst v63  }
0x1e: {  	v9 =	vor.u32 s2, v4;
	_ =	swait.ge [sflag:s19], $0x5000  }
0x1f: {  	v12 =	vshll.u32 v9, $0x7;
	[sflag:s19] =	ssyncset.done $0x0  }
0x20: {  	[sflag:s19] =	ssyncadd.s32 $0xFFFFB000  }
0x21: {  	v10 =	vor.u32 $0x18, v12;
	_ =	swait.ge [sflag:s19], $0x5000  }
0x22: {  	v11 =	vor.u32 $0x1, v12;
	[sflag:s19] =	ssyncset.done $0x0  }
0x23: {  	v13 =	vor.u32 $0x5, v12;
	[sflag:s19] =	ssyncadd.s32 $0xFFFFB000  }
0x24: {  	v15 =	vor.u32 $0x4, v12;
	v16 =	vld.idx.msk [tilespmem:v12+s16+$0x0], $0xffff  }
0x25: {  	v27 =	vor.u32 $0x6, v12;
	v21 =	vld.idx.msk [tilespmem:v12+s2+$0x0], $0xffff  }
0x26: {  	v18 =	vld.idx.msk [tilespmem:v10+s2+$0x0], $0xffff  }
0x27: {  	v22 =	vld.idx.msk [tilespmem:v11+s16+$0x0], $0xffff  }
0x28: {  	v24 =	vor.u32 $0x21, v12;
	v20 =	vld.idx.msk [tilespmem:v13+s16+$0x0], $0xffff  }
0x29: {  	v10 =	vor.u32 $0x3, v12;
	v17 =	vld.idx.msk [tilespmem:v15+s16+$0x0], $0xffff  }
0x2a: {  	v26 =	vor.u32 $0xB, v12;
	v14 =	vld.idx.msk [tilespmem:v27+s16+$0x0], $0xffff  }
0x2b: {  	v28 =	vor.u32 $0x1F, v12;
	v25 =	vld.idx.msk [tilespmem:v13+s2+$0x0], $0xffff  }
0x2c: {  	v13 =	vor.u32 $0x20, v12;
	v23 =	vld.idx.msk [tilespmem:v15+s2+$0x0], $0xffff  }
0x2d: {  	v29 =	vld.idx.msk [tilespmem:v24+s2+$0x0], $0xffff  }
0x2e: {  	v15 =	vor.u32 $0xA, v12;
	v19 =	vld.idx.msk [tilespmem:v10+s2+$0x0], $0xffff  }
0x2f: {  	v30 =	vor.u32 $0x2, v12;
	v31 =	vld.idx.msk [tilespmem:v26+s2+$0x0], $0xffff  }
0x30: {  	v38 =	vld.idx.msk [tilespmem:v28+s2+$0x0], $0xffff  }
0x31: {  	v32 =	vor.u32 $0x9, v12;
	v33 =	vld.idx.msk [tilespmem:v13+s2+$0x0], $0xffff;
	(erf) = vrcp.f32 v25  }
0x32: {  	v34 =	vor.u32 $0x1E, v12;
	v26 =	vld.idx.msk [tilespmem:v10+s16+$0x0], $0xffff;
	v21 =	vmul.f32 $1.442695020e+00, v21;
	(erf) = vrcp.f32 v23  }
0x33: {  	v37 =	vor.u32 $0x8, v12;
	v10 =	vld.idx.msk [tilespmem:v15+s2+$0x0], $0xffff;
	v24 =	vmul.f32 v14, v0;
	(erf) = vrcp.f32 v19  }
0x34: {  	v41 =	vor.u32 $0x1D, v12;
	v28 =	vld.idx.msk [tilespmem:v30+s16+$0x0], $0xffff;
	v29 =	vmul.f32 $1.442695020e+00, v29;
	v42 =	vmul.f32 $1.442695020e+00, v25  }
0x35: {  	v30 =	vld.idx.msk [tilespmem:v30+s2+$0x0], $0xffff;
	v43 =	vmul.f32 $1.442695020e+00, v31;
	v39 =	vmul.f32 $1.442695020e+00, v23  }
0x36: {  	v35 =	vor.u32 $0x7, v12;
	v13 =	vld.idx.msk [tilespmem:v32+s2+$0x0], $0xffff;
	v38 =	vmul.f32 $1.442695020e+00, v38;
	(erf) = vpow2.f32 v21  }
0x37: {  	v36 =	vor.u32 $0x1C, v12;
	v15 =	vld.idx.msk [tilespmem:v34+s2+$0x0], $0xffff;
	v44 =	vmul.f32 $1.442695020e+00, v33;
	(erf) = vpow2.f32 v29  }
0x38: {  	v32 =	vld.idx.msk [tilespmem:v37+s2+$0x0], $0xffff;
	v34 =	vor.u32 $0x1A, v12;
	v40 =	vmul.f32 $1.442695020e+00, v10;
	(erf) = vpow2.f32 v42  }
0x39: {  	v31 =	vld.idx.msk [tilespmem:v41+s2+$0x0], $0xffff;
	v33 =	vor.u32 $0x1B, v12;
	v37 =	vmul.f32 $1.442695020e+00, v19;
	(erf) = vpow2.f32 v43  }
0x3a: {  	s23 =	simm.s32 $0x10;
	v10 =	vimm.f32 $0.0e+00;
	v29 =	vld.idx.msk [tilespmem:v11+s2+$0x0], $0xffff;
	v11 =	vimm.f32 $0.0e+00;
	v21 =	vpop (erf);
	(erf) = vpow2.f32 v44  }
.LBB2_2:
0x3b: {  	p0 =	sne.s32 s23, $0x90;
	v35 =	vld.idx.msk [tilespmem:v35+s2+$0x0], $0xffff;
	v41 =	vmul.f32 $1.442695020e+00, v13;
	v42 =	vor.u32 $0x19, v12;
	(erf) = vpow2.f32 v39;
	v39 =	vpop (erf)  }
0x3c: {  	v13 =	vor.u32 s23, v4;
	v43 =	vmul.f32 $1.442695020e+00, v15;
	v36 =	vld.idx.msk [tilespmem:v36+s2+$0x0], $0xffff;
	(erf) = vpow2.f32 v40;
	v40 =	vpop (erf)  }
0x3d: {  	v15 =	vshll.u32 v13, $0x7;
	v30 =	vmul.f32 $1.442695020e+00, v30;
	v44 =	vld.idx.msk [tilespmem:v27+s2+$0x0], $0xffff;
	(erf) = vpow2.f32 v38  }
0x3e: {  	v32 =	vmul.f32 $1.442695020e+00, v32;
	v38 =	vor.u32 $0x2D, v12;
	v33 =	vld.idx.msk [tilespmem:v33+s2+$0x0], $0xffff;
	(erf) = vpow2.f32 v37  }
0x3f: {  	v31 =	vmul.f32 $1.442695020e+00, v31;
	v37 =	vor.u32 $0x2C, v12;
	v34 =	vld.idx.msk [tilespmem:v34+s2+$0x0], $0xffff;
	v45 =	vpop (erf);
	(erf) = vpow2.f32 v41  }
0x40: {  	v46 =	vor.u32 $0x2B, v12;
	v41 =	vmul.f32 $1.442695020e+00, v29;
	v42 =	vld.idx.msk [tilespmem:v42+s2+$0x0], $0xffff;
	(erf) = vpow2.f32 v43;
	v27 =	vpop (erf)  }
0x41: {  	v16 =	vadd.f32 $1.500000000e+00, v16;
	v35 =	vmul.f32 $1.442695020e+00, v35;
	(erf) = vpow2.f32 v30;
	v29 =	vpop (erf)  }
0x42: {  	v18 =	vsub.f32 v18, v22;
	v36 =	vmul.f32 $1.442695020e+00, v36;
	(erf) = vpow2.f32 v32;
	v30 =	vpop (erf)  }
0x43: {  	v20 =	vsub.f32 v20, v25;
	v22 =	vmul.f32 $1.442695020e+00, v44;
	(erf) = vpow2.f32 v31;
	v25 =	vpop (erf)  }
0x44: {  	v17 =	vsub.f32 v17, v23;
	v31 =	vmul.f32 $1.442695020e+00, v33;
	(erf) = vpow2.f32 v41;
	v32 =	vpop (erf)  }
0x45: {  	v19 =	vsub.f32 v26, v19;
	v33 =	vmul.f32 $1.442695020e+00, v34;
	(erf) = vpow2.f32 v35;
	v26 =	vpop (erf)  }
0x46: {  	v23 =	vadd.f32 $1.500000000e+00, v28;
	v42 =	vmul.f32 $1.442695020e+00, v42;
	(erf) = vpow2.f32 v36;
	v34 =	vpop (erf)  }
0x47: {  	v16 =	vmax.f32 v16, $0.0e+00;
	v35 =	vand.u32 $0x7FFFFFFF, v18;
	v36 =	vpop (erf);
	(erf) = vpow2.f32 v22  }
0x48: {  	v22 =	vmin.f32 v16, $2.999000070e+00;
	v16 =	vmul.f32 $5.000000000e-01, v18;
	v41 =	vpop (erf);
	(erf) = vpow2.f32 v31  }
0x49: {  	v24 =	vtrunc.f32 v24;
	v23 =	vmax.f32 v23, $0.0e+00;
	(erf) = vpow2.f32 v42;
	v28 =	vpop (erf)  }
0x4a: {  	v24 =	vcvt.f32.s32 v24;
	v23 =	vmin.f32 v23, $2.999000070e+00;
	v31 =	vadd.f32 v22, v22;
	v42 =	vpop (erf)  }
0x4b: {  	v43 =	vadd.f32 v23, v23;
	v16 =	vmul.f32 v16, v18;
	v18 =	vpop (erf);
	(erf) = vpow2.f32 v33  }
0x4c: {  	v24 =	vcvt.s32.f32 v24;
	v47 =	vadd.f32 $-5.000000000e-01, v35;
	v31 =	vtrunc.f32 v31;
	v44 =	vpop (erf)  }
0x4d: {  	v43 =	vtrunc.f32 v43;
	vm0 =	vlt.f32 v35, $1.000000000e+00;
	v31 =	vcvt.f32.s32 v31;
	v35 =	vpop (erf)  }
0x4e: {  	v24 =	vmul.f32 $6.283185480e+00, v24;
	v43 =	vcvt.f32.s32 v43;
	v16 =	vsel vm0, v16, v47;
	v33 =	vpop (erf)  }
0x4f: {  	v47 =	vcvt.s32.f32 v31;
	v48 =	vand.u32 $0xFFFFFF80, v31;
	v49 =	vand.u32 $0x7F, v31;
	v38 =	vld.idx.msk [tilespmem:v38+s16+$0x0], $0xffff;
	v50 =	vpop (erf)  }
0x50: {  	v39 =	vmul.f32 v17, v39;
	v20 =	vmul.f32 v20, v21;
	v31 =	vadd.s32 $0xC, v31;
	v37 =	vld.idx.msk [tilespmem:v37+s16+$0x0], $0xffff;
	v21 =	vpop (erf)  }
0x51: {  	v19 =	vmul.f32 v19, v40;
	v17 =	vadd.s32 v12, v48;
	v48 =	vadd.s32 $0x6, v43;
	v40 =	vpop (erf)  }
0x52: {  	v51 =	vcvt.s32.f32 v43;
	v52 =	vand.u32 $0xFFFFFF80, v31;
	v31 =	vand.u32 $0x7F, v31;
	v46 =	vld.idx.msk [tilespmem:v46+s16+$0x0], $0xffff;
	v53 =	vpop (erf)  }
0x53: {  	v24 =	vsub.f32 v14, v24;
	v43 =	vadd.s32 $0x12, v43;
	v14 =	vadd.f32 $0.0e+00, v53  }
0x54: {  	v17 =	vor.u32 v49, v17;
	v49 =	vand.u32 $0xFFFFFF80, v48;
	v48 =	vand.u32 $0x7F, v48;
	v53 =	vpop (erf)  }
0x55: {  	v45 =	vadd.f32 $0.0e+00, v45;
	v47 =	vmul.f32 $5.000000000e-01, v47;
	v53 =	vadd.f32 v53, v14  }
0x56: {  	v52 =	vadd.s32 v12, v52;
	v37 =	vsub.f32 v37, v39;
	v14 =	vsub.f32 v38, v20  }
0x57: {  	v20 =	vadd.f32 $0.0e+00, v21;
	v38 =	vand.u32 $0x7F, v43;
	v21 =	vadd.f32 v40, v53  }
0x58: {  	v35 =	vadd.f32 v35, v45;
	v39 =	vand.u32 $0xFFFFFF80, v43;
	v40 =	vsub.f32 v46, v19  }
0x59: {  	v19 =	vadd.f32 v33, v20;
	v20 =	vadd.f32 v50, v21;
	v21 =	vadd.s32 v12, v49  }
0x5a: {  	v31 =	vor.u32 v31, v52;
	v33 =	vadd.f32 v42, v35;
	v35 =	vmul.f32 $5.000000000e-01, v51  }
0x5b: {  	v39 =	vadd.s32 v12, v39;
	v18 =	vadd.f32 v18, v19;
	v19 =	vadd.f32 v44, v20  }
0x5c: {  	vm0 =	vlt.f32 v24, $0.0e+00;
	v42 =	vadd.f32 $6.283185480e+00, v24;
	v33 =	vadd.f32 v36, v33  }
0x5d: {  	v18 =	vadd.f32 v41, v18;
	v20 =	vor.u32 v48, v21;
	v19 =	vadd.f32 v28, v19  }
0x5e: {  	v21 =	vadd.f32 v32, v33;
	v32 =	vor.u32 v38, v39;
	v28 =	vadd.f32 $2.500000000e-01, v47  }
0x5f: {  	v26 =	vadd.f32 v26, v18;
	v18 =	vand.u32 $0x7FFFFFFF, v14;
	v33 =	vadd.f32 v34, v19  }
0x60: {  	v29 =	vadd.f32 v29, v21;
	v34 =	vand.u32 $0x7FFFFFFF, v40;
	v19 =	vmul.f32 $5.000000000e-01, v14  }
0x61: {  	v21 =	vsel vm0, v42, v24;
	v24 =	vadd.f32 v30, v26;
	v25 =	vadd.f32 v25, v33  }
0x62: {  	v26 =	vadd.f32 $3.490658400e-01, v21;
	v21 =	vand.u32 $0x7FFFFF, v29;
	v30 =	vand.u32 $0x7FFFFFFF, v37  }
0x63: {  	v25 =	vadd.f32 v27, v25;
	v27 =	vor.u32 $0x3F800000, v21;
	v21 =	vand.u32 $0x7FFFFF, v24  }
0x64: {  	v33 =	vmul.f32 v26, v0;
	v36 =	vadd.f32 $1.000000000e+00, v27;
	v38 =	vor.u32 $0x3F800000, v21  }
0x65: {  	v41 =	vmul.f32 $5.000000000e-01, v37;
	v21 =	vadd.f32 $1.000000000e+00, v38;
	v39 =	vand.u32 $0x7FFFFF, v25  }
0x66: {  	v33 =	vtrunc.f32 v33;
	v39 =	vor.u32 $0x3F800000, v39;
	(erf) = vrcp.f32 v36  }
0x67: {  	v33 =	vcvt.f32.s32 v33;
	v36 =	vadd.f32 $1.000000000e+00, v39;
	(erf) = vrcp.f32 v21  }
0x68: {  	v35 =	vadd.f32 $2.500000000e-01, v35;
	v42 =	vmul.f32 $5.000000000e-01, v40;
	v21 =	vadd.f32 $-5.000000000e-01, v18;
	v31 =	vld.idx.msk [tilespmem:v31+s2+$0x0], $0xffff  }
0x69: {  	vm0 =	vlt.f32 v34, $1.000000000e+00;
	v33 =	vcvt.s32.f32 v33;
	v32 =	vld.idx.msk [tilespmem:v32+s2+$0x0], $0xffff;
	(erf) = vrcp.f32 v36  }
0x6a: {  	v28 =	vsub.f32 v22, v28;
	v22 =	vadd.f32 $-5.000000000e-01, v34;
	v36 =	vmul.f32 v42, v40  }
0x6b: {  	v34 =	vsub.f32 v23, v35;
	v35 =	vadd.f32 $-5.000000000e-01, v30;
	v33 =	vmul.f32 $6.283185480e+00, v33  }
0x6c: {  	v28 =	vadd.f32 v28, v28;
	v23 =	vadd.f32 $0.0e+00, v36;
	v36 =	vmul.f32 v41, v37  }
0x6d: {  	vm1 =	vlt.f32 v30, $1.000000000e+00;
	v26 =	vsub.f32 v26, v33;
	v37 =	vadd.f32 v34, v34  }
0x6e: {  	v27 =	vadd.f32 $-1.000000000e+00, v27;
	v28 =	vsub.f32 v31, v28;
	v30 =	vsel vm1, v36, v35  }
0x6f: {  	v34 =	vadd.f32 $-1.000000000e+00, v38;
	v31 =	vmul.f32 v26, v1;
	v32 =	vsub.f32 v32, v37;
	v33 =	vpop (erf)  }
0x70: {  	v35 =	vmul.f32 $5.000000000e-01, v28;
	v27 =	vmul.f32 v33, v27;
	v33 =	vand.u32 $0x7FFFFFFF, v28;
	v36 =	vpop (erf)  }
0x71: {  	v31 =	vtrunc.f32 v31;
	v34 =	vmul.f32 v36, v34;
	v36 =	vadd.f32 $-1.000000000e+00, v39  }
0x72: {  	v31 =	vcvt.f32.s32 v31;
	v38 =	vadd.f32 $-5.000000000e-01, v33;
	v37 =	vmul.f32 v27, v27;
	v39 =	vpop (erf)  }
0x73: {  	v29 =	vshra.s32 v29, $0x17;
	v40 =	vmul.f32 v34, v34;
	v36 =	vmul.f32 v39, v36  }
0x74: {  	v24 =	vshra.s32 v24, $0x17;
	vm1 =	vgt.s32 v31, $0x0;
	v39 =	vmul.f32 $1.428571490e-01, v37  }
0x75: {  	v31 =	vnsel vm1, $0x0, v31;
	v41 =	vmul.f32 $1.428571490e-01, v40;
	v42 =	vmul.f32 v36, v36  }
0x76: {  	v29 =	vadd.s32 $0xFFFFFF81, v29;
	v24 =	vadd.s32 $0xFFFFFF81, v24;
	v31 =	vmin.u32 v31, $0x8  }
0x77: {  	v39 =	vadd.f32 $2.000000030e-01, v39;
	v41 =	vadd.f32 $2.000000030e-01, v41;
	v43 =	vmul.f32 $1.428571490e-01, v42  }
0x78: {  	v29 =	vcvt.s32.f32 v29;
	v24 =	vcvt.s32.f32 v24;
	v44 =	vor.u32 v12, v31;
	v12 =	vmovc v15  }
0x79: {  	v15 =	vmul.f32 v39, v37;
	v39 =	vmul.f32 v41, v40;
	v41 =	vadd.f32 $2.000000030e-01, v43  }
0x7a: {  	v29 =	vmul.f32 $6.931471820e-01, v29;
	v25 =	vshra.s32 v25, $0x17;
	v43 =	vadd.s32 $0x22, v44  }
0x7b: {  	v15 =	vadd.f32 $3.333333430e-01, v15;
	v39 =	vadd.f32 $3.333333430e-01, v39;
	v41 =	vmul.f32 v41, v42  }
0x7c: {  	v25 =	vadd.s32 $0xFFFFFF81, v25;
	v24 =	vmul.f32 $6.931471820e-01, v24;
	v31 =	vcvt.s32.f32 v31  }
0x7d: {  	v15 =	vmul.f32 v15, v37;
	v37 =	vmul.f32 v39, v40;
	v39 =	vadd.f32 $3.333333430e-01, v41  }
0x7e: {  	v27 =	vadd.f32 v27, v27;
	v34 =	vadd.f32 v34, v34;
	v31 =	vmul.f32 $6.981316800e-01, v31  }
0x7f: {  	v15 =	vadd.f32 $1.000000000e+00, v15;
	v37 =	vadd.f32 $1.000000000e+00, v37;
	v39 =	vmul.f32 v39, v42  }
0x80: {  	v25 =	vcvt.s32.f32 v25;
	v36 =	vadd.f32 v36, v36;
	v31 =	vadd.f32 $3.490658400e-01, v31;
	v40 =	vld.idx.msk [tilespmem:v43+s2+$0x0], $0xffff  }
0x81: {  	v15 =	vmul.f32 v15, v27;
	v27 =	vmul.f32 v37, v34;
	v34 =	vadd.f32 $1.000000000e+00, v39  }
0x82: {  	v25 =	vmul.f32 $6.931471820e-01, v25;
	v26 =	vsub.f32 v26, v31;
	v37 =	vadd.s32 $0x19, v44  }
0x83: {  	v15 =	vadd.f32 v15, v29;
	v17 =	vld.idx.msk [tilespmem:v17+s2+$0x0], $0xffff;
	v24 =	vadd.f32 v27, v24;
	v27 =	vmul.f32 v34, v36  }
0x84: {  	v31 =	vmul.f32 $5.000000000e-01, v32;
	v26 =	vmul.f32 v26, v5;
	v29 =	vand.u32 $0x7FFFFFFF, v32  }
0x85: {  	v20 =	vld.idx.msk [tilespmem:v20+s2+$0x0], $0xffff;
	v15 =	vadd.f32 v24, v15;
	v24 =	vadd.f32 v27, v25;
	v25 =	vmul.f32 v35, v28  }
0x86: {  	v27 =	vmul.f32 v31, v32;
	v28 =	vadd.f32 $-5.000000000e-01, v29;
	v26 =	vsub.f32 v40, v26  }
0x87: {  	vm1 =	vlt.f32 v33, $1.000000000e+00;
	vm2 =	vlt.f32 v29, $1.000000000e+00;
	v31 =	vld.idx.msk [tilespmem:v37+s2+$0x0], $0xffff;
	v15 =	vadd.f32 v24, v15  }
0x88: {  	v24 =	vsel vm1, v25, v38;
	v25 =	vsel vm2, v27, v28;
	v27 =	vmul.f32 $5.000000000e-01, v26  }
0x89: {  	v15 =	vsub.f32 v15, v17;
	v17 =	vadd.f32 v25, v24;
	v24 =	vand.u32 $0x7FFFFFFF, v26  }
0x8a: {  	v22 =	vsel vm0, v23, v22;
	v25 =	vmul.f32 v27, v26;
	v26 =	vadd.f32 $-5.000000000e-01, v24  }
0x8b: {  	vm0 =	vlt.f32 v24, $1.000000000e+00;
	v23 =	vld.idx.msk [tilespmem:v9+s14+$0x0], $0xffff;
	v15 =	vsub.f32 v15, v20;
	v16 =	vadd.f32 v16, v17  }
0x8c: {  	v14 =	vmul.f32 v19, v14;
	v20 =	vadd.f32 v30, v22;
	v17 =	vsel vm0, v25, v26  }
0x8d: {  	vm0 =	vlt.f32 v18, $1.000000000e+00;
	v15 =	vsub.f32 v15, v31;
	v16 =	vadd.f32 v16, v17  }
0x8e: {  	vm1 =	vge.u32 v9, v2;
	vm2 =	vlt.u32 v9, v3;
	v9 =	vmovc v13;
	v14 =	vsel vm0, v14, v21  }
0x8f: {  	v13 =	vor.u32 $0x18, v12;
	v14 =	vadd.f32 v14, v20;
	v15 =	vadd.f32 v15, v16  }
0x90: {  	v21 =	vor.u32 $0x1, v12;
	vm0 =	vmand vm1, vm2  }
0x91: {  	v19 =	vor.u32 $0x5, v12;
	vm1 =	vge.f32 v23, $5.500000120e-01;
	v14 =	vadd.f32 v15, v14  }
0x92: {  	v15 =	vor.u32 $0x4, v12;
	vm0 =	vmand vm0, vm1;
	v16 =	vld.idx.msk [tilespmem:v12+s16+$0x0], $0xffff  }
0x93: {  	v27 =	vor.u32 $0x6, v12;
	v17 =	vsel vm0, $0x3F800000, v6;
	v24 =	vld.idx.msk [tilespmem:v12+s2+$0x0], $0xffff;
	v14 =	vnsel vm0, $0x0, v14  }
0x94: {  	v10 =	vadd.f32 v17, v10;
	v18 =	vld.idx.msk [tilespmem:v13+s2+$0x0], $0xffff;
	v11 =	vadd.f32 v14, v11  }
0x95: {  	v22 =	vld.idx.msk [tilespmem:v21+s16+$0x0], $0xffff  }
0x96: {  	v13 =	vor.u32 $0x3, v12;
	v20 =	vld.idx.msk [tilespmem:v19+s16+$0x0], $0xffff  }
0x97: {  	v26 =	vor.u32 $0x21, v12;
	v17 =	vld.idx.msk [tilespmem:v15+s16+$0x0], $0xffff  }
0x98: {  	v28 =	vor.u32 $0xB, v12;
	v14 =	vld.idx.msk [tilespmem:v27+s16+$0x0], $0xffff  }
0x99: {  	v29 =	vor.u32 $0x20, v12;
	v25 =	vld.idx.msk [tilespmem:v19+s2+$0x0], $0xffff  }
0x9a: {  	v23 =	vld.idx.msk [tilespmem:v15+s2+$0x0], $0xffff  }
0x9b: {  	v15 =	vor.u32 $0xA, v12;
	v19 =	vld.idx.msk [tilespmem:v13+s2+$0x0], $0xffff  }
0x9c: {  	v30 =	vor.u32 $0x1F, v12;
	v31 =	vld.idx.msk [tilespmem:v26+s2+$0x0], $0xffff  }
0x9d: {  	v32 =	vor.u32 $0x2, v12;
	v33 =	vld.idx.msk [tilespmem:v28+s2+$0x0], $0xffff  }
0x9e: {  	v34 =	vor.u32 $0x9, v12;
	v29 =	vld.idx.msk [tilespmem:v29+s2+$0x0], $0xffff  }
0x9f: {  	v36 =	vor.u32 $0x1E, v12;
	v26 =	vld.idx.msk [tilespmem:v13+s16+$0x0], $0xffff;
	(erf) = vrcp.f32 v25  }
0xa0: {  	v37 =	vld.idx.msk [tilespmem:v15+s2+$0x0], $0xffff;
	(erf) = vrcp.f32 v23  }
0xa1: {  	v40 =	vor.u32 $0x8, v12;
	v38 =	vmul.f32 $1.442695020e+00, v24;
	v41 =	vld.idx.msk [tilespmem:v30+s2+$0x0], $0xffff;
	(erf) = vrcp.f32 v19  }
0xa2: {  	v42 =	vor.u32 $0x1D, v12;
	v24 =	vmul.f32 v14, v0;
	v31 =	vmul.f32 $1.442695020e+00, v31;
	v28 =	vld.idx.msk [tilespmem:v32+s16+$0x0], $0xffff  }
0xa3: {  	v43 =	vmul.f32 $1.442695020e+00, v25;
	v13 =	vld.idx.msk [tilespmem:v34+s2+$0x0], $0xffff;
	v34 =	vmul.f32 $1.442695020e+00, v33  }
.Ltmp0:
0xa4: {  	v35 =	vor.u32 $0x7, v12;
	v44 =	vmul.f32 $1.442695020e+00, v29;
	v15 =	vld.idx.msk [tilespmem:v36+s2+$0x0], $0xffff;
	(erf) = vpow2.f32 v38;
	(pc) =	sbr.rel @p0 .LBB2_2-.Ltmp0, $4  }
0xa5: {  	v39 =	vmul.f32 $1.442695020e+00, v23;
	v36 =	vor.u32 $0x1C, v12;
	v30 =	vld.idx.msk [tilespmem:v32+s2+$0x0], $0xffff;
	(erf) = vpow2.f32 v31  }
0xa6: {  	v32 =	vld.idx.msk [tilespmem:v40+s2+$0x0], $0xffff;
	v40 =	vmul.f32 $1.442695020e+00, v37;
	(erf) = vpow2.f32 v43  }
0xa7: {  	v33 =	vor.u32 $0x1B, v12;
	v38 =	vmul.f32 $1.442695020e+00, v41;
	v31 =	vld.idx.msk [tilespmem:v42+s2+$0x0], $0xffff;
	(erf) = vpow2.f32 v34  }
0xa8: {  	s23 =	sadd.s32 $0x10, s23;
	v37 =	vmul.f32 $1.442695020e+00, v19;
	v34 =	vor.u32 $0x1A, v12;
	v29 =	vld.idx.msk [tilespmem:v21+s2+$0x0], $0xffff;
	(erf) = vpow2.f32 v44;
	v21 =	vpop (erf)  }
0xa9: {  	_ =	sdelay $0x1  }
0xaa: {  	(erf) = vpow2.f32 v39;
	v13 =	vmul.f32 $1.442695020e+00, v13  }
0xab: {  	v15 =	vmul.f32 $1.442695020e+00, v15;
	(erf) = vpow2.f32 v40  }
0xac: {  	v35 =	vld.idx.msk [tilespmem:v35+s2+$0x0], $0xffff;
	v53 =	vor.u32 $0x19, v12;
	v54 =	vpop (erf);
	v30 =	vmul.f32 $1.442695020e+00, v30;
	(erf) = vpow2.f32 v38  }
0xad: {  	v36 =	vld.idx.msk [tilespmem:v36+s2+$0x0], $0xffff;
	v57 =	vor.u32 $0x2D, v12;
	v55 =	vpop (erf);
	v32 =	vmul.f32 $1.442695020e+00, v32;
	(erf) = vpow2.f32 v37  }
0xae: {  	v56 =	vld.idx.msk [tilespmem:v27+s2+$0x0], $0xffff;
	v58 =	vor.u32 $0x2C, v12;
	v31 =	vmul.f32 $1.442695020e+00, v31;
	v41 =	vpop (erf);
	(erf) = vpow2.f32 v13  }
0xaf: {  	v42 =	vor.u32 $0x2B, v12;
	v29 =	vmul.f32 $1.442695020e+00, v29;
	(erf) = vpow2.f32 v15;
	v27 =	vpop (erf)  }
0xb0: {  	v16 =	vadd.f32 $1.500000000e+00, v16;
	v24 =	vtrunc.f32 v24;
	v13 =	vld.idx.msk [tilespmem:v33+s2+$0x0], $0xffff;
	(erf) = vpow2.f32 v30;
	v30 =	vpop (erf)  }
0xb1: {  	v18 =	vsub.f32 v18, v22;
	v39 =	vld.idx.msk [tilespmem:v53+s2+$0x0], $0xffff;
	v35 =	vmul.f32 $1.442695020e+00, v35;
	(erf) = vpow2.f32 v32;
	v32 =	vpop (erf)  }
0xb2: {  	v20 =	vsub.f32 v20, v25;
	v36 =	vmul.f32 $1.442695020e+00, v36;
	(erf) = vpow2.f32 v31;
	v31 =	vpop (erf)  }
0xb3: {  	v17 =	vsub.f32 v17, v23;
	v15 =	vld.idx.msk [tilespmem:v34+s2+$0x0], $0xffff;
	v22 =	vmul.f32 $1.442695020e+00, v56;
	(erf) = vpow2.f32 v29;
	v29 =	vpop (erf)  }
0xb4: {  	v28 =	vadd.f32 $1.500000000e+00, v28;
	v24 =	vcvt.f32.s32 v24;
	(erf) = vpow2.f32 v35;
	v25 =	vpop (erf)  }
0xb5: {  	v19 =	vsub.f32 v26, v19;
	v13 =	vmul.f32 $1.442695020e+00, v13;
	(erf) = vpow2.f32 v36;
	v23 =	vpop (erf)  }
0xb6: {  	vm12 =	vge.u32 v9, v2;
	v59 =	vmul.f32 $1.442695020e+00, v39;
	v36 =	vpop (erf);
	(erf) = vpow2.f32 v22  }
0xb7: {  	v16 =	vmax.f32 v16, $0.0e+00;
	v24 =	vcvt.s32.f32 v24;
	v22 =	vpop (erf);
	(erf) = vpow2.f32 v13  }
0xb8: {  	v15 =	vmul.f32 $1.442695020e+00, v15;
	v13 =	vmax.f32 v28, $0.0e+00;
	(erf) = vpow2.f32 v59;
	v28 =	vpop (erf)  }
0xb9: {  	v17 =	vmul.f32 v17, v54;
	v26 =	vmin.f32 v16, $2.999000070e+00;
	v16 =	vmul.f32 $5.000000000e-01, v18;
	v34 =	vld.idx.msk [tilespmem:v58+s16+$0x0], $0xffff;
	v60 =	vpop (erf)  }
0xba: {  	v24 =	vmul.f32 $6.283185480e+00, v24;
	v42 =	vld.idx.msk [tilespmem:v42+s16+$0x0], $0xffff;
	(erf) = vpow2.f32 v15;
	v15 =	vand.u32 $0x7FFFFFFF, v18;
	v39 =	vpop (erf)  }
0xbb: {  	vm13 =	vlt.u32 v9, v3;
	v20 =	vmul.f32 v20, v21;
	v16 =	vmul.f32 v16, v18;
	v18 =	vpop (erf)  }
0xbc: {  	v19 =	vmul.f32 v19, v55;
	v24 =	vsub.f32 v14, v24;
	v35 =	vmin.f32 v13, $2.999000070e+00;
	v45 =	vpop (erf)  }
0xbd: {  	v13 =	vadd.f32 v26, v26;
	v44 =	vadd.f32 $-5.000000000e-01, v15;
	vm0 =	vlt.f32 v15, $1.000000000e+00;
	v15 =	vpop (erf)  }
0xbe: {  	v41 =	vadd.f32 $0.0e+00, v41;
	vm6 =	vlt.f32 v24, $0.0e+00;
	v43 =	vadd.f32 v35, v35;
	v61 =	vpop (erf)  }
0xbf: {  	v17 =	vsub.f32 v34, v17;
	v19 =	vsub.f32 v42, v19;
	v13 =	vtrunc.f32 v13;
	v49 =	vpop (erf)  }
0xc0: {  	v42 =	vadd.f32 $6.283185480e+00, v24;
	v46 =	vcvt.f32.s32 v13;
	v13 =	vtrunc.f32 v43;
	v21 =	vpop (erf)  }
0xc1: {  	v33 =	vld.idx.msk [tilespmem:v57+s16+$0x0], $0xffff;
	v43 =	vcvt.f32.s32 v13;
	v13 =	vsel vm0, v16, v44;
	v44 =	vand.u32 $0x7FFFFFFF, v17;
	v63 =	vpop (erf)  }
0xc2: {  	v47 =	vcvt.s32.f32 v46;
	v16 =	vand.u32 $0xFFFFFF80, v46;
	v38 =	vadd.f32 $0.0e+00, v63  }
0xc3: {  	v48 =	vand.u32 $0x7F, v46;
	v46 =	vadd.s32 $0xC, v46;
	v57 =	vadd.f32 v45, v41;
	v14 =	vpop (erf)  }
0xc4: {  	v52 =	vadd.f32 $-5.000000000e-01, v44;
	vm1 =	vlt.f32 v44, $1.000000000e+00;
	v38 =	vadd.f32 v14, v38  }
0xc5: {  	v16 =	vadd.s32 v12, v16;
	v62 =	vadd.s32 $0x6, v43;
	v50 =	vcvt.s32.f32 v43  }
0xc6: {  	v51 =	vand.u32 $0xFFFFFF80, v46;
	v14 =	vsub.f32 v33, v20;
	v20 =	vadd.f32 v21, v38  }
0xc7: {  	v46 =	vand.u32 $0x7F, v46;
	v43 =	vadd.s32 $0x12, v43;
	v56 =	vadd.f32 $0.0e+00, v49  }
0xc8: {  	v16 =	vor.u32 v48, v16;
	v54 =	vand.u32 $0xFFFFFF80, v62;
	v20 =	vadd.f32 v61, v20  }
0xc9: {  	v40 =	vand.u32 $0x7F, v62;
	v60 =	vadd.f32 v60, v57;
	v15 =	vadd.f32 v15, v56  }
0xca: {  	v55 =	vmul.f32 $5.000000000e-01, v47;
	v21 =	vadd.s32 v12, v51;
	v18 =	vadd.f32 v18, v20  }
0xcb: {  	v15 =	vadd.f32 v39, v15;
	v20 =	vor.u32 v46, v21;
	v21 =	vadd.f32 v36, v60  }
0xcc: {  	v58 =	vand.u32 $0x7F, v43;
	v62 =	vmul.f32 $5.000000000e-01, v50;
	v18 =	vadd.f32 v28, v18  }
0xcd: {  	v59 =	vand.u32 $0xFFFFFF80, v43;
	v15 =	vadd.f32 v22, v15;
	v21 =	vadd.f32 v29, v21  }
0xce: {  	v49 =	vmul.f32 $5.000000000e-01, v19;
	v38 =	vadd.f32 $2.500000000e-01, v62;
	v18 =	vadd.f32 v23, v18  }
0xcf: {  	v22 =	vadd.f32 v25, v15;
	v25 =	vadd.f32 v30, v21;
	v21 =	vsel vm6, v42, v24  }
0xd0: {  	v63 =	vadd.s32 v12, v59;
	v18 =	vadd.f32 v31, v18;
	v31 =	vadd.f32 $3.490658400e-01, v21  }
0xd1: {  	v51 =	vmul.f32 $5.000000000e-01, v17;
	v61 =	vadd.s32 v12, v54;
	v30 =	vadd.f32 v32, v22  }
0xd2: {  	v23 =	vor.u32 v58, v63;
	v22 =	vand.u32 $0x7FFFFF, v25;
	v43 =	vmul.f32 v31, v0  }
0xd3: {  	v18 =	vadd.f32 v27, v18;
	v27 =	vor.u32 $0x3F800000, v22;
	v22 =	vand.u32 $0x7FFFFF, v30  }
0xd4: {  	v45 =	vadd.f32 $1.000000000e+00, v27;
	v46 =	vor.u32 $0x3F800000, v22;
	v32 =	vtrunc.f32 v43  }
0xd5: {  	v22 =	vadd.f32 $1.000000000e+00, v46;
	v47 =	vand.u32 $0x7FFFFF, v18;
	v32 =	vcvt.f32.s32 v32  }
0xd6: {  	v29 =	vadd.f32 $2.500000000e-01, v55;
	v37 =	vor.u32 $0x3F800000, v47;
	(erf) = vrcp.f32 v45  }
0xd7: {  	v48 =	vadd.f32 $1.000000000e+00, v37;
	(erf) = vrcp.f32 v22;
	v32 =	vcvt.s32.f32 v32  }
0xd8: {  	v50 =	vsub.f32 v35, v38;
	v17 =	vmul.f32 v51, v17;
	v24 =	vand.u32 $0x7FFFFFFF, v19  }
0xd9: {  	v26 =	vsub.f32 v26, v29;
	v20 =	vld.idx.msk [tilespmem:v20+s2+$0x0], $0xffff;
	(erf) = vrcp.f32 v48;
	v32 =	vmul.f32 $6.283185480e+00, v32  }
0xda: {  	v19 =	vmul.f32 v49, v19;
	v29 =	vadd.f32 $-5.000000000e-01, v24;
	vm7 =	vlt.f32 v24, $1.000000000e+00;
	v23 =	vld.idx.msk [tilespmem:v23+s2+$0x0], $0xffff  }
0xdb: {  	v25 =	vshra.s32 v25, $0x17;
	v24 =	vsub.f32 v31, v32;
	v31 =	vadd.f32 v50, v50  }
0xdc: {  	v26 =	vadd.f32 v26, v26;
	v25 =	vadd.s32 $0xFFFFFF81, v25;
	v30 =	vshra.s32 v30, $0x17  }
0xdd: {  	v25 =	vcvt.s32.f32 v25;
	v27 =	vadd.f32 $-1.000000000e+00, v27;
	v30 =	vadd.s32 $0xFFFFFF81, v30  }
0xde: {  	v20 =	vsub.f32 v20, v26;
	v30 =	vcvt.s32.f32 v30;
	v32 =	vsel vm1, v17, v52  }
0xdf: {  	v17 =	vadd.f32 $-1.000000000e+00, v46;
	v26 =	vmul.f32 v24, v1;
	v23 =	vsub.f32 v23, v31;
	v31 =	vpop (erf)  }
0xe0: {  	v15 =	vand.u32 $0x7FFFFFFF, v14;
	v25 =	vmul.f32 $6.931471820e-01, v25;
	v27 =	vmul.f32 v31, v27;
	v53 =	vpop (erf)  }
0xe1: {  	v54 =	vadd.f32 $-1.000000000e+00, v37;
	v26 =	vtrunc.f32 v26;
	v17 =	vmul.f32 v53, v17  }
0xe2: {  	v28 =	vor.u32 v40, v61;
	v26 =	vcvt.f32.s32 v26;
	v57 =	vpop (erf);
	v56 =	vmul.f32 v27, v27  }
0xe3: {  	v18 =	vshra.s32 v18, $0x17;
	v33 =	vmul.f32 v57, v54;
	v58 =	vmul.f32 v17, v17  }
0xe4: {  	v18 =	vadd.s32 $0xFFFFFF81, v18;
	v55 =	vmul.f32 $5.000000000e-01, v20;
	v59 =	vmul.f32 $1.428571490e-01, v56  }
0xe5: {  	vm8 =	vgt.s32 v26, $0x0;
	v61 =	vmul.f32 v33, v33;
	v60 =	vmul.f32 $1.428571490e-01, v58  }
0xe6: {  	v30 =	vmul.f32 $6.931471820e-01, v30;
	v26 =	vnsel vm8, $0x0, v26;
	v36 =	vadd.f32 $2.000000030e-01, v59  }
0xe7: {  	v26 =	vmin.u32 v26, $0x8;
	v62 =	vmul.f32 $1.428571490e-01, v61;
	v38 =	vadd.f32 $2.000000030e-01, v60  }
0xe8: {  	v18 =	vcvt.s32.f32 v18;
	v12 =	vor.u32 v12, v26;
	v36 =	vmul.f32 v36, v56  }
0xe9: {  	v63 =	vadd.s32 $0x22, v12;
	v40 =	vadd.f32 $2.000000030e-01, v62;
	v38 =	vmul.f32 v38, v58  }
0xea: {  	v26 =	vcvt.s32.f32 v26;
	v12 =	vadd.s32 $0x19, v12;
	v36 =	vadd.f32 $3.333333430e-01, v36  }
0xeb: {  	v18 =	vmul.f32 $6.931471820e-01, v18;
	v40 =	vmul.f32 v40, v61;
	v38 =	vadd.f32 $3.333333430e-01, v38  }
0xec: {  	v19 =	vadd.f32 $0.0e+00, v19;
	v48 =	vld.idx.msk [tilespmem:v16+s2+$0x0], $0xffff;
	v26 =	vmul.f32 $6.981316800e-01, v26;
	v35 =	vmul.f32 v36, v56  }
0xed: {  	v16 =	vadd.f32 v27, v27;
	v27 =	vld.idx.msk [tilespmem:v28+s2+$0x0], $0xffff;
	v47 =	vadd.f32 $3.333333430e-01, v40;
	v46 =	vmul.f32 v38, v58  }
0xee: {  	v31 =	vand.u32 $0x7FFFFFFF, v20;
	v26 =	vadd.f32 $3.490658400e-01, v26;
	v41 =	vld.idx.msk [tilespmem:v63+s2+$0x0], $0xffff;
	v28 =	vadd.f32 $1.000000000e+00, v35  }
0xef: {  	s23 =	simm.s32 $0x0;
	v17 =	vadd.f32 v17, v17;
	v50 =	vld.idx.msk [tilespmem:v12+s2+$0x0], $0xffff;
	v12 =	vmul.f32 v47, v61;
	v49 =	vadd.f32 $1.000000000e+00, v46  }
0xf0: {  	v51 =	vld.idx.msk [tilespmem:v9+s14+$0x0], $0xffff;
	v45 =	vadd.f32 $-5.000000000e-01, v31;
	[tilespmem:s23], [sflag:$0x1] =	stream.linear.gather [hbm4b:s8+s23], $0x5000, $0x38;
	v24 =	vsub.f32 v24, v26;
	v16 =	vmul.f32 v28, v16  }
0xf1: {  	v33 =	vadd.f32 v33, v33;
	v12 =	vadd.f32 $1.000000000e+00, v12;
	v17 =	vmul.f32 v49, v17  }
0xf2: {  	[tilespmem:s16], [sflag:$0x1] =	stream.linear.gather [hbm4b:s9+s23], $0x5000, $0x38;
	v24 =	vmul.f32 v24, v5;
	v16 =	vadd.f32 v16, v25;
	v25 =	vmov s23;
	[tilespmem:$0x14300] =	vst v63  }
0xf3: {  	_ =	swait.ge [sflag:s20], $0x5000;
	v26 =	vmul.f32 v12, v33;
	v17 =	vadd.f32 v17, v30;
	v12 =	vshll.u32 v25, $0x7  }
0xf4: {  	[sflag:s20] =	ssyncset.done $0x0;
	v28 =	vmul.f32 $5.000000000e-01, v23;
	v24 =	vsub.f32 v41, v24;
	v12 =	vor.u32 v8, v12  }
0xf5: {  	v21 =	vmul.f32 $5.000000000e-01, v14;
	[sflag:s20] =	ssyncadd.s32 $0xFFFFB000;
	v16 =	vadd.f32 v17, v16;
	v17 =	vadd.f32 v26, v18  }
0xf6: {  	_ =	swait.ge [sflag:s20], $0x5000;
	v18 =	vmul.f32 v55, v20;
	v20 =	vmul.f32 v28, v23;
	v28 =	vor.u32 $0x18, v12  }
0xf7: {  	vm9 =	vlt.f32 v31, $1.000000000e+00;
	[sflag:s20] =	ssyncset.done $0x0;
	v31 =	vmul.f32 $5.000000000e-01, v24;
	v26 =	vor.u32 $0x1, v12  }
0xf8: {  	v54 =	vand.u32 $0x7FFFFFFF, v24;
	v25 =	vand.u32 $0x7FFFFFFF, v23;
	[sflag:s20] =	ssyncadd.s32 $0xFFFFB000;
	v30 =	vor.u32 $0x5, v12  }
0xf9: {  	v23 =	vadd.f32 $-5.000000000e-01, v25;
	v52 =	vor.u32 $0x4, v12;
	v17 =	vadd.f32 v17, v16;
	v16 =	vld.idx.msk [tilespmem:v12+s18+$0x0], $0xffff  }
0xfa: {  	vm2 =	vlt.f32 v25, $1.000000000e+00;
	v24 =	vmul.f32 v31, v24;
	v31 =	vor.u32 $0x3, v12;
	v53 =	vld.idx.msk [tilespmem:v12+s17+$0x0], $0xffff  }
0xfb: {  	v18 =	vsel vm9, v18, v45;
	v20 =	vsel vm2, v20, v23;
	v23 =	vsub.f32 v17, v48;
	v17 =	vld.idx.msk [tilespmem:v28+s17+$0x0], $0xffff  }
0xfc: {  	v14 =	vmul.f32 v21, v14;
	v22 =	vadd.f32 $-5.000000000e-01, v15;
	v18 =	vadd.f32 v20, v18;
	v20 =	vld.idx.msk [tilespmem:v26+s18+$0x0], $0xffff  }
0xfd: {  	vm11 =	vlt.f32 v15, $1.000000000e+00;
	v29 =	vsel vm7, v19, v29;
	v25 =	vor.u32 $0x6, v12;
	v19 =	vld.idx.msk [tilespmem:v30+s18+$0x0], $0xffff  }
0xfe: {  	v9 =	vsel vm11, v14, v22;
	v56 =	vor.u32 $0x9, v12;
	v28 =	vadd.f32 $-5.000000000e-01, v54;
	v22 =	vld.idx.msk [tilespmem:v52+s17+$0x0], $0xffff  }
0xff: {  	vm10 =	vlt.f32 v54, $1.000000000e+00;
	v15 =	vld.idx.msk [tilespmem:v31+s17+$0x0], $0xffff;
	v23 =	vsub.f32 v23, v27;
	v27 =	vadd.f32 v13, v18  }
0x100: {  	v18 =	vld.idx.msk [tilespmem:v52+s18+$0x0], $0xffff;
	v24 =	vsel vm10, v24, v28;
	v28 =	vadd.f32 v32, v29;
	v29 =	vor.u32 $0x21, v12  }
0x101: {  	v55 =	vor.u32 $0xB, v12;
	v21 =	vsub.f32 v23, v50;
	v23 =	vld.idx.msk [tilespmem:v30+s17+$0x0], $0xffff  }
0x102: {  	vm14 =	vmand vm12, vm13;
	v13 =	vld.idx.msk [tilespmem:v25+s18+$0x0], $0xffff;
	v24 =	vadd.f32 v27, v24;
	v27 =	vor.u32 $0x20, v12  }
0x103: {  	vm15 =	vge.f32 v51, $5.500000120e-01;
	v32 =	vld.idx.msk [tilespmem:v56+s17+$0x0], $0xffff;
	v9 =	vadd.f32 v9, v28;
	v28 =	vor.u32 $0x1F, v12  }
0x104: {  	vm0 =	vmand vm14, vm15;
	v14 =	vadd.f32 v21, v24;
	v24 =	vor.u32 $0xA, v12;
	v21 =	vld.idx.msk [tilespmem:v31+s18+$0x0], $0xffff  }
0x105: {  	v58 =	vor.u32 $0x1E, v12;
	v60 =	vor.u32 $0x8, v12;
	v30 =	vor.u32 $0x2, v12;
	v29 =	vld.idx.msk [tilespmem:v29+s17+$0x0], $0xffff  }
0x106: {  	v62 =	vor.u32 $0x1D, v12;
	v9 =	vadd.f32 v14, v9;
	v14 =	vld.idx.msk [tilespmem:v55+s17+$0x0], $0xffff;
	(erf) = vrcp.f32 v23  }
0x107: {  	v31 =	vsel vm0, $0x3F800000, v6;
	v36 =	vmul.f32 $1.442695020e+00, v22;
	v57 =	vld.idx.msk [tilespmem:v27+s17+$0x0], $0xffff;
	(erf) = vrcp.f32 v22  }
0x108: {  	v10 =	vadd.f32 v31, v10;
	v9 =	vnsel vm0, $0x0, v9;
	v61 =	vld.idx.msk [tilespmem:v28+s17+$0x0], $0xffff;
	(erf) = vrcp.f32 v15  }
0x109: {  	v31 =	vmul.f32 $1.442695020e+00, v23;
	v9 =	vadd.f32 v9, v11;
	v59 =	vld.idx.msk [tilespmem:v24+s17+$0x0], $0xffff;
	v11 =	vmul.f32 $1.442695020e+00, v53  }
0x10a: {  	v27 =	vld.idx.msk [tilespmem:v30+s18+$0x0], $0xffff;
	v24 =	vmul.f32 v13, v0;
	v29 =	vmul.f32 $1.442695020e+00, v29  }
0x10b: {  	v33 =	vor.u32 $0x7, v12;
	v28 =	vld.idx.msk [tilespmem:v30+s17+$0x0], $0xffff;
	v63 =	vmul.f32 $1.442695020e+00, v14;
	(erf) = vpow2.f32 v11  }
0x10c: {  	v34 =	vor.u32 $0x1C, v12;
	v14 =	vld.idx.msk [tilespmem:v58+s17+$0x0], $0xffff;
	v37 =	vmul.f32 $1.442695020e+00, v57;
	(erf) = vpow2.f32 v29  }
0x10d: {  	v30 =	vld.idx.msk [tilespmem:v60+s17+$0x0], $0xffff;
	v11 =	vadd.s32 s23, v7;
	v35 =	vmul.f32 $1.442695020e+00, v61;
	(erf) = vpow2.f32 v31  }
0x10e: {  	s23 =	simm.s32 $0x10;
	v29 =	vld.idx.msk [tilespmem:v62+s17+$0x0], $0xffff;
	v38 =	vmul.f32 $1.442695020e+00, v59;
	v31 =	vor.u32 $0x1B, v12;
	(erf) = vpow2.f32 v63  }
.LBB2_4:
0x10f: {  	p0 =	sne.s32 s23, $0x90;
	v26 =	vld.idx.msk [tilespmem:v26+s17+$0x0], $0xffff;
	v39 =	vmul.f32 $1.442695020e+00, v15;
	v40 =	vor.u32 $0x1A, v12;
	(erf) = vpow2.f32 v37;
	v37 =	vpop (erf)  }
0x110: {  	v32 =	vmul.f32 $1.442695020e+00, v32;
	v41 =	vor.u32 $0x19, v12;
	v33 =	vld.idx.msk [tilespmem:v33+s17+$0x0], $0xffff;
	(erf) = vpow2.f32 v36;
	v36 =	vpop (erf)  }
0x111: {  	v42 =	vmov s23;
	v43 =	vmul.f32 $1.442695020e+00, v14;
	v34 =	vld.idx.msk [tilespmem:v34+s17+$0x0], $0xffff;
	(erf) = vpow2.f32 v38;
	v38 =	vpop (erf)  }
0x112: {  	v14 =	vshll.u32 v42, $0x7;
	v28 =	vmul.f32 $1.442695020e+00, v28;
	v42 =	vld.idx.msk [tilespmem:v25+s17+$0x0], $0xffff;
	(erf) = vpow2.f32 v35  }
0x113: {  	v30 =	vmul.f32 $1.442695020e+00, v30;
	v35 =	vor.u32 $0x2D, v12;
	v31 =	vld.idx.msk [tilespmem:v31+s17+$0x0], $0xffff;
	(erf) = vpow2.f32 v39  }
0x114: {  	v29 =	vmul.f32 $1.442695020e+00, v29;
	v39 =	vld.idx.msk [tilespmem:v40+s17+$0x0], $0xffff;
	v40 =	vor.u32 $0x2C, v12;
	v44 =	vpop (erf);
	(erf) = vpow2.f32 v32  }
0x115: {  	v45 =	vor.u32 $0x2B, v12;
	v32 =	vmul.f32 $1.442695020e+00, v26;
	v41 =	vld.idx.msk [tilespmem:v41+s17+$0x0], $0xffff;
	(erf) = vpow2.f32 v43;
	v25 =	vpop (erf)  }
0x116: {  	v16 =	vadd.f32 $1.500000000e+00, v16;
	v33 =	vmul.f32 $1.442695020e+00, v33;
	(erf) = vpow2.f32 v28;
	v26 =	vpop (erf)  }
0x117: {  	v17 =	vsub.f32 v17, v20;
	v28 =	vmul.f32 $1.442695020e+00, v34;
	(erf) = vpow2.f32 v30;
	v20 =	vpop (erf)  }
0x118: {  	v19 =	vsub.f32 v19, v23;
	v30 =	vmul.f32 $1.442695020e+00, v42;
	(erf) = vpow2.f32 v29;
	v23 =	vpop (erf)  }
0x119: {  	v18 =	vsub.f32 v18, v22;
	v29 =	vmul.f32 $1.442695020e+00, v31;
	(erf) = vpow2.f32 v32;
	v31 =	vpop (erf)  }
0x11a: {  	v34 =	vsub.f32 v21, v15;
	v32 =	vmul.f32 $1.442695020e+00, v39;
	(erf) = vpow2.f32 v33;
	v33 =	vpop (erf)  }
0x11b: {  	v15 =	vadd.f32 $1.500000000e+00, v27;
	v22 =	vmul.f32 $1.442695020e+00, v41;
	(erf) = vpow2.f32 v28;
	v27 =	vpop (erf)  }
0x11c: {  	v16 =	vmax.f32 v16, $0.0e+00;
	v28 =	vand.u32 $0x7FFFFFFF, v17;
	v39 =	vpop (erf);
	(erf) = vpow2.f32 v30  }
0x11d: {  	v21 =	vmin.f32 v16, $2.999000070e+00;
	v16 =	vmul.f32 $5.000000000e-01, v17;
	v30 =	vpop (erf);
	(erf) = vpow2.f32 v29  }
0x11e: {  	v24 =	vtrunc.f32 v24;
	v15 =	vmax.f32 v15, $0.0e+00;
	(erf) = vpow2.f32 v22;
	v29 =	vpop (erf)  }
0x11f: {  	v24 =	vcvt.f32.s32 v24;
	v22 =	vmin.f32 v15, $2.999000070e+00;
	v15 =	vadd.f32 v21, v21;
	v41 =	vpop (erf)  }
0x120: {  	v16 =	vmul.f32 v16, v17;
	v42 =	vadd.f32 v22, v22;
	v17 =	vpop (erf);
	(erf) = vpow2.f32 v32  }
0x121: {  	v24 =	vcvt.s32.f32 v24;
	v47 =	vadd.f32 $-5.000000000e-01, v28;
	v15 =	vtrunc.f32 v15;
	v43 =	vpop (erf)  }
0x122: {  	vm0 =	vlt.f32 v28, $1.000000000e+00;
	v46 =	vcvt.f32.s32 v15;
	v15 =	vtrunc.f32 v42;
	v28 =	vpop (erf)  }
0x123: {  	v24 =	vmul.f32 $6.283185480e+00, v24;
	v42 =	vcvt.f32.s32 v15;
	v15 =	vsel vm0, v16, v47;
	v32 =	vpop (erf)  }
0x124: {  	v47 =	vcvt.s32.f32 v46;
	v16 =	vand.u32 $0xFFFFFF80, v46;
	v48 =	vand.u32 $0x7F, v46;
	v35 =	vld.idx.msk [tilespmem:v35+s18+$0x0], $0xffff;
	v49 =	vpop (erf)  }
0x125: {  	v18 =	vmul.f32 v18, v36;
	v19 =	vmul.f32 v19, v37;
	v46 =	vadd.s32 $0xC, v46;
	v40 =	vld.idx.msk [tilespmem:v40+s18+$0x0], $0xffff;
	v36 =	vpop (erf)  }
0x126: {  	v34 =	vmul.f32 v34, v38;
	v16 =	vadd.s32 v12, v16;
	v37 =	vadd.s32 $0x6, v42;
	v38 =	vpop (erf)  }
0x127: {  	v50 =	vcvt.s32.f32 v42;
	v51 =	vand.u32 $0xFFFFFF80, v46;
	v46 =	vand.u32 $0x7F, v46;
	v45 =	vld.idx.msk [tilespmem:v45+s18+$0x0], $0xffff;
	v52 =	vpop (erf)  }
0x128: {  	v24 =	vsub.f32 v13, v24;
	v42 =	vadd.s32 $0x12, v42;
	v13 =	vadd.f32 $0.0e+00, v52  }
0x129: {  	v16 =	vor.u32 v48, v16;
	v48 =	vand.u32 $0xFFFFFF80, v37;
	v37 =	vand.u32 $0x7F, v37;
	v52 =	vpop (erf)  }
0x12a: {  	v44 =	vadd.f32 $0.0e+00, v44;
	v47 =	vmul.f32 $5.000000000e-01, v47;
	v52 =	vadd.f32 v52, v13  }
0x12b: {  	v51 =	vadd.s32 v12, v51;
	v40 =	vsub.f32 v40, v18;
	v13 =	vsub.f32 v35, v19  }
0x12c: {  	v18 =	vadd.f32 $0.0e+00, v36;
	v35 =	vand.u32 $0x7F, v42;
	v19 =	vadd.f32 v38, v52  }
0x12d: {  	v28 =	vadd.f32 v28, v44;
	v36 =	vand.u32 $0xFFFFFF80, v42;
	v34 =	vsub.f32 v45, v34  }
0x12e: {  	v18 =	vadd.f32 v32, v18;
	v32 =	vadd.s32 v12, v48;
	v19 =	vadd.f32 v49, v19  }
0x12f: {  	v28 =	vadd.f32 v41, v28;
	v41 =	vor.u32 v46, v51;
	v38 =	vmul.f32 $5.000000000e-01, v50  }
0x130: {  	v36 =	vadd.s32 v12, v36;
	v17 =	vadd.f32 v17, v18;
	v18 =	vadd.f32 v43, v19  }
0x131: {  	vm0 =	vlt.f32 v24, $0.0e+00;
	v28 =	vadd.f32 v39, v28;
	v42 =	vadd.f32 $6.283185480e+00, v24  }
0x132: {  	v17 =	vadd.f32 v30, v17;
	v19 =	vor.u32 v37, v32;
	v18 =	vadd.f32 v29, v18  }
0x133: {  	v28 =	vadd.f32 v31, v28;
	v30 =	vor.u32 v35, v36;
	v29 =	vadd.f32 $2.500000000e-01, v47  }
0x134: {  	v31 =	vadd.f32 v33, v17;
	v17 =	vand.u32 $0x7FFFFFFF, v13;
	v27 =	vadd.f32 v27, v18  }
0x135: {  	v26 =	vadd.f32 v26, v28;
	v28 =	vand.u32 $0x7FFFFFFF, v34;
	v18 =	vmul.f32 $5.000000000e-01, v13  }
0x136: {  	v24 =	vsel vm0, v42, v24;
	v31 =	vadd.f32 v20, v31;
	v20 =	vadd.f32 v23, v27  }
0x137: {  	v23 =	vadd.f32 $3.490658400e-01, v24;
	v24 =	vand.u32 $0x7FFFFF, v26;
	v27 =	vand.u32 $0x7FFFFFFF, v40  }
0x138: {  	v24 =	vor.u32 $0x3F800000, v24;
	v25 =	vadd.f32 v25, v20;
	v20 =	vand.u32 $0x7FFFFF, v31  }
0x139: {  	v32 =	vmul.f32 v23, v0;
	v33 =	vadd.f32 $1.000000000e+00, v24;
	v35 =	vor.u32 $0x3F800000, v20  }
0x13a: {  	v37 =	vmul.f32 $5.000000000e-01, v40;
	v20 =	vadd.f32 $1.000000000e+00, v35;
	v36 =	vand.u32 $0x7FFFFF, v25  }
0x13b: {  	v32 =	vtrunc.f32 v32;
	v36 =	vor.u32 $0x3F800000, v36;
	(erf) = vrcp.f32 v33  }
0x13c: {  	v32 =	vcvt.f32.s32 v32;
	v33 =	vadd.f32 $1.000000000e+00, v36;
	(erf) = vrcp.f32 v20  }
0x13d: {  	v38 =	vadd.f32 $2.500000000e-01, v38;
	v20 =	vadd.f32 $-5.000000000e-01, v17;
	v39 =	vld.idx.msk [tilespmem:v41+s17+$0x0], $0xffff;
	v41 =	vmul.f32 $5.000000000e-01, v34  }
0x13e: {  	vm0 =	vlt.f32 v28, $1.000000000e+00;
	v32 =	vcvt.s32.f32 v32;
	v30 =	vld.idx.msk [tilespmem:v30+s17+$0x0], $0xffff;
	(erf) = vrcp.f32 v33  }
0x13f: {  	v29 =	vsub.f32 v21, v29;
	v21 =	vadd.f32 $-5.000000000e-01, v28;
	v33 =	vmul.f32 v41, v34  }
0x140: {  	v22 =	vsub.f32 v22, v38;
	v28 =	vmul.f32 $6.283185480e+00, v32;
	v32 =	vadd.f32 $-5.000000000e-01, v27  }
0x141: {  	v29 =	vadd.f32 v29, v29;
	v34 =	vmul.f32 v37, v40;
	v33 =	vadd.f32 $0.0e+00, v33  }
0x142: {  	v22 =	vadd.f32 v22, v22;
	vm1 =	vlt.f32 v27, $1.000000000e+00;
	v23 =	vsub.f32 v23, v28  }
0x143: {  	v24 =	vadd.f32 $-1.000000000e+00, v24;
	v28 =	vsel vm1, v34, v32;
	v27 =	vsub.f32 v39, v29  }
0x144: {  	v32 =	vadd.f32 $-1.000000000e+00, v35;
	v29 =	vmul.f32 v23, v1;
	v22 =	vsub.f32 v30, v22;
	v30 =	vpop (erf)  }
0x145: {  	v34 =	vmul.f32 $5.000000000e-01, v27;
	v24 =	vmul.f32 v30, v24;
	v30 =	vand.u32 $0x7FFFFFFF, v27;
	v35 =	vpop (erf)  }
0x146: {  	v29 =	vtrunc.f32 v29;
	v32 =	vmul.f32 v35, v32;
	v35 =	vadd.f32 $-1.000000000e+00, v36  }
0x147: {  	v29 =	vcvt.f32.s32 v29;
	v37 =	vadd.f32 $-5.000000000e-01, v30;
	v36 =	vmul.f32 v24, v24;
	v38 =	vpop (erf)  }
0x148: {  	v26 =	vshra.s32 v26, $0x17;
	v39 =	vmul.f32 v32, v32;
	v35 =	vmul.f32 v38, v35  }
0x149: {  	v31 =	vshra.s32 v31, $0x17;
	vm1 =	vgt.s32 v29, $0x0;
	v38 =	vmul.f32 $1.428571490e-01, v36  }
0x14a: {  	v29 =	vnsel vm1, $0x0, v29;
	v40 =	vmul.f32 $1.428571490e-01, v39;
	v41 =	vmul.f32 v35, v35  }
0x14b: {  	v26 =	vadd.s32 $0xFFFFFF81, v26;
	v31 =	vadd.s32 $0xFFFFFF81, v31;
	v29 =	vmin.u32 v29, $0x8  }
0x14c: {  	v38 =	vadd.f32 $2.000000030e-01, v38;
	v40 =	vadd.f32 $2.000000030e-01, v40;
	v42 =	vmul.f32 $1.428571490e-01, v41  }
0x14d: {  	v26 =	vcvt.s32.f32 v26;
	v31 =	vcvt.s32.f32 v31;
	v12 =	vor.u32 v12, v29  }
0x14e: {  	v38 =	vmul.f32 v38, v36;
	v40 =	vmul.f32 v40, v39;
	v42 =	vadd.f32 $2.000000030e-01, v42  }
0x14f: {  	v26 =	vmul.f32 $6.931471820e-01, v26;
	v25 =	vshra.s32 v25, $0x17;
	v43 =	vadd.s32 $0x22, v12  }
0x150: {  	v38 =	vadd.f32 $3.333333430e-01, v38;
	v40 =	vadd.f32 $3.333333430e-01, v40;
	v42 =	vmul.f32 v42, v41  }
0x151: {  	v25 =	vadd.s32 $0xFFFFFF81, v25;
	v31 =	vmul.f32 $6.931471820e-01, v31;
	v29 =	vcvt.s32.f32 v29  }
0x152: {  	v36 =	vmul.f32 v38, v36;
	v38 =	vmul.f32 v40, v39;
	v39 =	vadd.f32 $3.333333430e-01, v42  }
0x153: {  	v24 =	vadd.f32 v24, v24;
	v32 =	vadd.f32 v32, v32;
	v29 =	vmul.f32 $6.981316800e-01, v29  }
0x154: {  	v36 =	vadd.f32 $1.000000000e+00, v36;
	v38 =	vadd.f32 $1.000000000e+00, v38;
	v39 =	vmul.f32 v39, v41  }
0x155: {  	v25 =	vcvt.s32.f32 v25;
	v35 =	vadd.f32 v35, v35;
	v29 =	vadd.f32 $3.490658400e-01, v29;
	v40 =	vld.idx.msk [tilespmem:v43+s17+$0x0], $0xffff  }
0x156: {  	v24 =	vmul.f32 v36, v24;
	v32 =	vmul.f32 v38, v32;
	v36 =	vadd.f32 $1.000000000e+00, v39  }
0x157: {  	v25 =	vmul.f32 $6.931471820e-01, v25;
	v12 =	vadd.s32 $0x19, v12;
	v23 =	vsub.f32 v23, v29  }
0x158: {  	v24 =	vadd.f32 v24, v26;
	v16 =	vld.idx.msk [tilespmem:v16+s17+$0x0], $0xffff;
	v26 =	vadd.f32 v32, v31;
	v29 =	vmul.f32 v36, v35  }
0x159: {  	v23 =	vmul.f32 v23, v5;
	v31 =	vand.u32 $0x7FFFFFFF, v22;
	v32 =	vmul.f32 $5.000000000e-01, v22  }
0x15a: {  	v19 =	vld.idx.msk [tilespmem:v19+s17+$0x0], $0xffff;
	v24 =	vadd.f32 v26, v24;
	v25 =	vadd.f32 v29, v25;
	v26 =	vmul.f32 v34, v27  }
0x15b: {  	v22 =	vmul.f32 v32, v22;
	v27 =	vadd.f32 $-5.000000000e-01, v31;
	v23 =	vsub.f32 v40, v23  }
0x15c: {  	vm1 =	vlt.f32 v30, $1.000000000e+00;
	vm2 =	vlt.f32 v31, $1.000000000e+00;
	v12 =	vld.idx.msk [tilespmem:v12+s17+$0x0], $0xffff;
	v24 =	vadd.f32 v25, v24  }
0x15d: {  	v25 =	vsel vm1, v26, v37;
	v22 =	vsel vm2, v22, v27;
	v26 =	vmul.f32 $5.000000000e-01, v23  }
0x15e: {  	v22 =	vadd.f32 v22, v25;
	v16 =	vsub.f32 v24, v16;
	v24 =	vand.u32 $0x7FFFFFFF, v23  }
0x15f: {  	v21 =	vsel vm0, v33, v21;
	v23 =	vmul.f32 v26, v23;
	v25 =	vadd.f32 $-5.000000000e-01, v24  }
0x160: {  	v15 =	vadd.f32 v15, v22;
	vm0 =	vlt.f32 v24, $1.000000000e+00;
	v27 =	vld.idx.msk [tilespmem:v11+s14+$0x0], $0xffff;
	v16 =	vsub.f32 v16, v19  }
0x161: {  	v13 =	vmul.f32 v18, v13;
	v21 =	vadd.f32 v28, v21;
	v19 =	vsel vm0, v23, v25  }
0x162: {  	vm0 =	vlt.f32 v17, $1.000000000e+00;
	v16 =	vsub.f32 v16, v12;
	v15 =	vadd.f32 v15, v19  }
0x163: {  	vm1 =	vge.u32 v11, v2;
	v12 =	vor.u32 v8, v14;
	v13 =	vsel vm0, v13, v20  }
0x164: {  	vm0 =	vlt.u32 v11, v3;
	v11 =	vadd.f32 v13, v21;
	v13 =	vadd.f32 v16, v15  }
0x165: {  	v14 =	vor.u32 $0x18, v12;
	vm0 =	vmand vm1, vm0  }
0x166: {  	v26 =	vor.u32 $0x1, v12;
	vm1 =	vge.f32 v27, $5.500000120e-01;
	v11 =	vadd.f32 v13, v11  }
0x167: {  	v15 =	vor.u32 $0x5, v12;
	vm0 =	vmand vm0, vm1  }
0x168: {  	v21 =	vor.u32 $0x4, v12;
	v13 =	vsel vm0, $0x3F800000, v6;
	v16 =	vld.idx.msk [tilespmem:v12+s18+$0x0], $0xffff;
	v11 =	vnsel vm0, $0x0, v11  }
0x169: {  	v25 =	vor.u32 $0x6, v12;
	v10 =	vadd.f32 v13, v10;
	v24 =	vld.idx.msk [tilespmem:v12+s17+$0x0], $0xffff;
	v9 =	vadd.f32 v11, v9  }
0x16a: {  	v17 =	vld.idx.msk [tilespmem:v14+s17+$0x0], $0xffff  }
0x16b: {  	v20 =	vld.idx.msk [tilespmem:v26+s18+$0x0], $0xffff  }
0x16c: {  	v11 =	vor.u32 $0x3, v12;
	v19 =	vld.idx.msk [tilespmem:v15+s18+$0x0], $0xffff  }
0x16d: {  	v14 =	vor.u32 $0x21, v12;
	v18 =	vld.idx.msk [tilespmem:v21+s18+$0x0], $0xffff  }
0x16e: {  	v27 =	vor.u32 $0xB, v12;
	v13 =	vld.idx.msk [tilespmem:v25+s18+$0x0], $0xffff  }
0x16f: {  	v28 =	vor.u32 $0x20, v12;
	v23 =	vld.idx.msk [tilespmem:v15+s17+$0x0], $0xffff  }
0x170: {  	v22 =	vld.idx.msk [tilespmem:v21+s17+$0x0], $0xffff  }
0x171: {  	v29 =	vor.u32 $0xA, v12;
	v15 =	vld.idx.msk [tilespmem:v11+s17+$0x0], $0xffff  }
0x172: {  	v30 =	vor.u32 $0x1F, v12;
	v14 =	vld.idx.msk [tilespmem:v14+s17+$0x0], $0xffff  }
0x173: {  	v31 =	vor.u32 $0x2, v12;
	v33 =	vld.idx.msk [tilespmem:v27+s17+$0x0], $0xffff  }
0x174: {  	v32 =	vor.u32 $0x9, v12;
	v28 =	vld.idx.msk [tilespmem:v28+s17+$0x0], $0xffff  }
0x175: {  	v34 =	vor.u32 $0x1E, v12;
	v21 =	vld.idx.msk [tilespmem:v11+s18+$0x0], $0xffff;
	(erf) = vrcp.f32 v23  }
0x176: {  	v29 =	vld.idx.msk [tilespmem:v29+s17+$0x0], $0xffff;
	(erf) = vrcp.f32 v22  }
0x177: {  	v35 =	vor.u32 $0x8, v12;
	v11 =	vmul.f32 $1.442695020e+00, v24;
	v39 =	vld.idx.msk [tilespmem:v30+s17+$0x0], $0xffff;
	(erf) = vrcp.f32 v15  }
0x178: {  	v40 =	vor.u32 $0x1D, v12;
	v24 =	vmul.f32 v13, v0;
	v30 =	vmul.f32 $1.442695020e+00, v14;
	v27 =	vld.idx.msk [tilespmem:v31+s18+$0x0], $0xffff  }
.Ltmp1:
0x179: {  	v41 =	vmul.f32 $1.442695020e+00, v23;
	v42 =	vmul.f32 $1.442695020e+00, v33;
	v32 =	vld.idx.msk [tilespmem:v32+s17+$0x0], $0xffff;
	(pc) =	sbr.rel @p0 .LBB2_4-.Ltmp1, $4  }
0x17a: {  	v33 =	vor.u32 $0x7, v12;
	v37 =	vmul.f32 $1.442695020e+00, v28;
	v14 =	vld.idx.msk [tilespmem:v34+s17+$0x0], $0xffff;
	(erf) = vpow2.f32 v11  }
0x17b: {  	v36 =	vmul.f32 $1.442695020e+00, v22;
	v34 =	vor.u32 $0x1C, v12;
	v28 =	vld.idx.msk [tilespmem:v31+s17+$0x0], $0xffff;
	(erf) = vpow2.f32 v30  }
0x17c: {  	v11 =	vadd.s32 s23, v7;
	v38 =	vmul.f32 $1.442695020e+00, v29;
	v30 =	vld.idx.msk [tilespmem:v35+s17+$0x0], $0xffff;
	(erf) = vpow2.f32 v41  }
0x17d: {  	s23 =	sadd.s32 $0x10, s23;
	v31 =	vor.u32 $0x1B, v12;
	v35 =	vmul.f32 $1.442695020e+00, v39;
	v29 =	vld.idx.msk [tilespmem:v40+s17+$0x0], $0xffff;
	(erf) = vpow2.f32 v42  }
0x17e: {  	_ = 	snop  }
0x17f: {  	(erf) = vpow2.f32 v37;
	v52 =	vmul.f32 $1.442695020e+00, v15  }
0x180: {  	v53 =	vor.u32 $0x1A, v12;
	v32 =	vmul.f32 $1.442695020e+00, v32;
	v24 =	vtrunc.f32 v24  }
0x181: {  	v39 =	vor.u32 $0x19, v12;
	(erf) = vpow2.f32 v36;
	v14 =	vmul.f32 $1.442695020e+00, v14  }
0x182: {  	v26 =	vld.idx.msk [tilespmem:v26+s17+$0x0], $0xffff;
	v54 =	vpop (erf);
	v18 =	vsub.f32 v18, v22;
	v24 =	vcvt.f32.s32 v24;
	(erf) = vpow2.f32 v38  }
0x183: {  	v33 =	vld.idx.msk [tilespmem:v33+s17+$0x0], $0xffff;
	v19 =	vsub.f32 v19, v23;
	v55 =	vpop (erf);
	v28 =	vmul.f32 $1.442695020e+00, v28;
	(erf) = vpow2.f32 v35  }
0x184: {  	v34 =	vld.idx.msk [tilespmem:v34+s17+$0x0], $0xffff;
	v40 =	vor.u32 $0x2D, v12;
	v18 =	vmul.f32 v18, v55;
	(erf) = vpow2.f32 v52  }
0x185: {  	v25 =	vld.idx.msk [tilespmem:v25+s17+$0x0], $0xffff;
	v57 =	vor.u32 $0x2C, v12;
	v56 =	vpop (erf);
	v19 =	vmul.f32 v19, v54;
	(erf) = vpow2.f32 v32  }
0x186: {  	v31 =	vld.idx.msk [tilespmem:v31+s17+$0x0], $0xffff;
	v58 =	vor.u32 $0x2B, v12;
	v30 =	vmul.f32 $1.442695020e+00, v30;
	v41 =	vpop (erf);
	(erf) = vpow2.f32 v14  }
0x187: {  	v16 =	vadd.f32 $1.500000000e+00, v16;
	v29 =	vmul.f32 $1.442695020e+00, v29;
	v42 =	vpop (erf);
	(erf) = vpow2.f32 v28;
	v28 =	vld.idx.msk [tilespmem:v39+s17+$0x0], $0xffff  }
0x188: {  	v17 =	vsub.f32 v17, v20;
	v26 =	vmul.f32 $1.442695020e+00, v26;
	v33 =	vmul.f32 $1.442695020e+00, v33;
	v39 =	vpop (erf)  }
0x189: {  	v27 =	vadd.f32 $1.500000000e+00, v27;
	(erf) = vpow2.f32 v30;
	v30 =	vmul.f32 $1.442695020e+00, v34;
	v34 =	vpop (erf)  }
0x18a: {  	v15 =	vsub.f32 v21, v15;
	v20 =	vmul.f32 $1.442695020e+00, v25;
	(erf) = vpow2.f32 v29;
	v23 =	vpop (erf)  }
0x18b: {  	vm13 =	vge.u32 v11, v2;
	v25 =	vmul.f32 $1.442695020e+00, v31;
	v14 =	vld.idx.msk [tilespmem:v53+s17+$0x0], $0xffff;
	(erf) = vpow2.f32 v26;
	v22 =	vpop (erf)  }
0x18c: {  	v16 =	vmax.f32 v16, $0.0e+00;
	(erf) = vpow2.f32 v33;
	v26 =	vpop (erf);
	v28 =	vmul.f32 $1.442695020e+00, v28  }
0x18d: {  	v27 =	vmax.f32 v27, $0.0e+00;
	v24 =	vcvt.s32.f32 v24;
	(erf) = vpow2.f32 v30;
	v29 =	vpop (erf)  }
0x18e: {  	v16 =	vmin.f32 v16, $2.999000070e+00;
	v37 =	vmul.f32 v15, v56;
	(erf) = vpow2.f32 v20;
	v20 =	vpop (erf)  }
0x18f: {  	v27 =	vmin.f32 v27, $2.999000070e+00;
	v30 =	vmul.f32 $5.000000000e-01, v17;
	(erf) = vpow2.f32 v25;
	v25 =	vpop (erf)  }
0x190: {  	v43 =	vadd.f32 v27, v27;
	v14 =	vmul.f32 $1.442695020e+00, v14;
	(erf) = vpow2.f32 v28;
	v28 =	vpop (erf)  }
0x191: {  	v31 =	vadd.f32 v16, v16;
	v24 =	vmul.f32 $6.283185480e+00, v24;
	v30 =	vmul.f32 v30, v17;
	v59 =	vpop (erf)  }
0x192: {  	v43 =	vtrunc.f32 v43;
	(erf) = vpow2.f32 v14;
	v14 =	vand.u32 $0x7FFFFFFF, v17;
	v17 =	vpop (erf)  }
0x193: {  	v32 =	vld.idx.msk [tilespmem:v57+s18+$0x0], $0xffff;
	v41 =	vadd.f32 $0.0e+00, v41;
	v43 =	vcvt.f32.s32 v43;
	v44 =	vadd.f32 $-5.000000000e-01, v14;
	v45 =	vpop (erf)  }
0x194: {  	v36 =	vld.idx.msk [tilespmem:v58+s18+$0x0], $0xffff;
	v31 =	vtrunc.f32 v31;
	v24 =	vsub.f32 v13, v24;
	vm0 =	vlt.f32 v14, $1.000000000e+00;
	v21 =	vpop (erf)  }
0x195: {  	v31 =	vcvt.f32.s32 v31;
	v63 =	vadd.s32 $0x6, v43;
	v14 =	vsel vm0, v30, v44;
	v30 =	vpop (erf)  }
0x196: {  	v50 =	vcvt.s32.f32 v43;
	v43 =	vadd.s32 $0x12, v43;
	vm7 =	vlt.f32 v24, $0.0e+00;
	v48 =	vpop (erf)  }
0x197: {  	v60 =	vcvt.s32.f32 v31;
	v46 =	vand.u32 $0xFFFFFF80, v31;
	v47 =	vand.u32 $0x7F, v31;
	v61 =	vpop (erf)  }
0x198: {  	v40 =	vld.idx.msk [tilespmem:v40+s18+$0x0], $0xffff;
	v31 =	vadd.s32 $0xC, v31;
	v52 =	vand.u32 $0xFFFFFF80, v63;
	v18 =	vsub.f32 v32, v18;
	v49 =	vpop (erf)  }
0x199: {  	v56 =	vand.u32 $0x7F, v43;
	v57 =	vand.u32 $0xFFFFFF80, v43;
	v36 =	vsub.f32 v36, v37;
	v15 =	vpop (erf)  }
0x19a: {  	v62 =	vadd.s32 v12, v46;
	v21 =	vadd.f32 v21, v41;
	v13 =	vadd.f32 $0.0e+00, v15  }
0x19b: {  	v51 =	vand.u32 $0xFFFFFF80, v31;
	v31 =	vand.u32 $0x7F, v31;
	v46 =	vand.u32 $0x7F, v63;
	v53 =	vpop (erf)  }
0x19c: {  	v21 =	vadd.f32 v59, v21;
	v15 =	vor.u32 v47, v62;
	v47 =	vadd.f32 v53, v13  }
0x19d: {  	v58 =	vadd.s32 v12, v52;
	v13 =	vsub.f32 v40, v19;
	v19 =	vadd.f32 $0.0e+00, v61  }
0x19e: {  	v59 =	vmul.f32 $5.000000000e-01, v50;
	v20 =	vadd.f32 v20, v21;
	v55 =	vadd.f32 v49, v47  }
0x19f: {  	v54 =	vadd.s32 v12, v51;
	v21 =	vadd.f32 $6.283185480e+00, v24;
	v19 =	vadd.f32 v30, v19  }
0x1a0: {  	v31 =	vor.u32 v31, v54;
	v33 =	vadd.f32 $2.500000000e-01, v59;
	v30 =	vadd.f32 v48, v55  }
0x1a1: {  	v22 =	vadd.f32 v22, v20;
	v21 =	vsel vm7, v21, v24;
	v17 =	vadd.f32 v17, v19  }
0x1a2: {  	v24 =	vand.u32 $0x7FFFFFFF, v36;
	v27 =	vsub.f32 v27, v33;
	v19 =	vadd.f32 v45, v30  }
0x1a3: {  	v44 =	vmul.f32 $5.000000000e-01, v60;
	v35 =	vadd.f32 $-5.000000000e-01, v24;
	v17 =	vadd.f32 v25, v17  }
0x1a4: {  	vm8 =	vlt.f32 v24, $1.000000000e+00;
	v22 =	vadd.f32 v39, v22;
	v19 =	vadd.f32 v28, v19  }
0x1a5: {  	v27 =	vadd.f32 v27, v27;
	v48 =	vmul.f32 $5.000000000e-01, v36;
	v17 =	vadd.f32 v26, v17  }
0x1a6: {  	v30 =	vadd.s32 v12, v57;
	v25 =	vor.u32 v46, v58;
	v19 =	vadd.f32 v29, v19  }
0x1a7: {  	v45 =	vmul.f32 $5.000000000e-01, v18;
	v49 =	vmul.f32 v48, v36;
	v17 =	vadd.f32 v34, v17  }
0x1a8: {  	v30 =	vor.u32 v56, v30;
	v19 =	vadd.f32 v23, v19;
	v23 =	vand.u32 $0x7FFFFF, v22  }
0x1a9: {  	v26 =	vadd.f32 $3.490658400e-01, v21;
	v61 =	vor.u32 $0x3F800000, v23;
	v23 =	vand.u32 $0x7FFFFF, v17  }
0x1aa: {  	v19 =	vadd.f32 v42, v19;
	v62 =	vadd.f32 $1.000000000e+00, v61;
	v63 =	vor.u32 $0x3F800000, v23  }
0x1ab: {  	v28 =	vadd.f32 $2.500000000e-01, v44;
	v60 =	vmul.f32 v26, v0;
	v43 =	vadd.f32 $1.000000000e+00, v63  }
0x1ac: {  	v21 =	vmul.f32 $5.000000000e-01, v13;
	v44 =	vand.u32 $0x7FFFFF, v19;
	(erf) = vrcp.f32 v62  }
0x1ad: {  	v23 =	vtrunc.f32 v60;
	v38 =	vor.u32 $0x3F800000, v44;
	(erf) = vrcp.f32 v43  }
0x1ae: {  	v31 =	vld.idx.msk [tilespmem:v31+s17+$0x0], $0xffff;
	v29 =	vand.u32 $0x7FFFFFFF, v18;
	v23 =	vcvt.f32.s32 v23;
	v46 =	vadd.f32 $1.000000000e+00, v38  }
0x1af: {  	v16 =	vsub.f32 v16, v28;
	v18 =	vmul.f32 v45, v18;
	v24 =	vadd.f32 $-5.000000000e-01, v29  }
0x1b0: {  	vm1 =	vlt.f32 v29, $1.000000000e+00;
	v30 =	vld.idx.msk [tilespmem:v30+s17+$0x0], $0xffff;
	v47 =	vcvt.s32.f32 v23;
	(erf) = vrcp.f32 v46  }
0x1b1: {  	v16 =	vadd.f32 v16, v16;
	v22 =	vshra.s32 v22, $0x17;
	v17 =	vshra.s32 v17, $0x17  }
0x1b2: {  	v22 =	vadd.s32 $0xFFFFFF81, v22;
	v50 =	vadd.f32 $-1.000000000e+00, v61;
	v28 =	vmul.f32 $6.283185480e+00, v47  }
0x1b3: {  	v16 =	vsub.f32 v31, v16;
	v31 =	vsel vm1, v18, v24;
	v17 =	vadd.s32 $0xFFFFFF81, v17  }
0x1b4: {  	v22 =	vcvt.s32.f32 v22;
	v18 =	vadd.f32 $-1.000000000e+00, v63;
	v26 =	vsub.f32 v26, v28  }
0x1b5: {  	v17 =	vcvt.s32.f32 v17;
	v52 =	vmul.f32 $5.000000000e-01, v16;
	v24 =	vsub.f32 v30, v27;
	v27 =	vpop (erf)  }
0x1b6: {  	vm14 =	vlt.u32 v11, v3;
	v29 =	vmul.f32 v26, v1;
	v27 =	vmul.f32 v27, v50;
	v51 =	vpop (erf)  }
0x1b7: {  	vm0 =	vmand vm13, vm14;
	v22 =	vmul.f32 $6.931471820e-01, v22;
	v18 =	vmul.f32 v51, v18  }
0x1b8: {  	v53 =	vadd.f32 $-1.000000000e+00, v38;
	v29 =	vtrunc.f32 v29;
	v54 =	vmul.f32 v27, v27  }
0x1b9: {  	v20 =	vand.u32 $0x7FFFFFFF, v13;
	v29 =	vcvt.f32.s32 v29;
	v56 =	vpop (erf);
	v57 =	vmul.f32 v18, v18  }
0x1ba: {  	v19 =	vshra.s32 v19, $0x17;
	v32 =	vmul.f32 v56, v53;
	v58 =	vmul.f32 $1.428571490e-01, v54  }
0x1bb: {  	v30 =	vand.u32 $0x7FFFFFFF, v16;
	vm9 =	vgt.s32 v29, $0x0;
	v59 =	vmul.f32 $1.428571490e-01, v57  }
0x1bc: {  	v29 =	vnsel vm9, $0x0, v29;
	v60 =	vmul.f32 v32, v32;
	v37 =	vadd.f32 $2.000000030e-01, v58  }
0x1bd: {  	v17 =	vmul.f32 $6.931471820e-01, v17;
	v29 =	vmin.u32 v29, $0x8;
	v39 =	vadd.f32 $2.000000030e-01, v59  }
0x1be: {  	v12 =	vor.u32 v12, v29;
	v62 =	vmul.f32 $1.428571490e-01, v60;
	v37 =	vmul.f32 v37, v54  }
0x1bf: {  	v61 =	vadd.s32 $0x22, v12;
	v12 =	vadd.s32 $0x19, v12;
	v39 =	vmul.f32 v39, v57  }
0x1c0: {  	v19 =	vadd.s32 $0xFFFFFF81, v19;
	v42 =	vadd.f32 $2.000000030e-01, v62;
	v37 =	vadd.f32 $3.333333430e-01, v37  }
0x1c1: {  	v48 =	vld.idx.msk [tilespmem:v11+s14+$0x0], $0xffff;
	v19 =	vcvt.s32.f32 v19;
	v16 =	vmul.f32 v52, v16;
	v39 =	vadd.f32 $3.333333430e-01, v39  }
0x1c2: {  	v63 =	vld.idx.msk [tilespmem:v15+s17+$0x0], $0xffff;
	v55 =	vadd.f32 $-5.000000000e-01, v30;
	v42 =	vmul.f32 v42, v60;
	v15 =	vmul.f32 v37, v54  }
0x1c3: {  	v25 =	vld.idx.msk [tilespmem:v25+s17+$0x0], $0xffff;
	v27 =	vadd.f32 v27, v27;
	v29 =	vcvt.s32.f32 v29;
	v44 =	vmul.f32 v39, v57  }
0x1c4: {  	s23 =	simm.s32 $0x0;
	vm10 =	vlt.f32 v30, $1.000000000e+00;
	v46 =	vld.idx.msk [tilespmem:v12+s17+$0x0], $0xffff;
	v45 =	vadd.f32 $3.333333430e-01, v42;
	v12 =	vadd.f32 $1.000000000e+00, v15  }
0x1c5: {  	v18 =	vadd.f32 v18, v18;
	v29 =	vmul.f32 $6.981316800e-01, v29;
	v41 =	vld.idx.msk [tilespmem:v61+s17+$0x0], $0xffff;
	[tilespmem:s17], [sflag:$0x2] =	stream.linear.gather [hbm4b:s10+s23], $0x5000, $0x38;
	v15 =	vadd.f32 $1.000000000e+00, v44  }
0x1c6: {  	v32 =	vadd.f32 v32, v32;
	v47 =	vmul.f32 v45, v60;
	v12 =	vmul.f32 v12, v27  }
0x1c7: {  	v29 =	vadd.f32 $3.490658400e-01, v29;
	[tilespmem:s18], [sflag:$0x2] =	stream.linear.gather [hbm4b:s11+s23], $0x5000, $0x38;
	v27 =	vmov s23;
	v15 =	vmul.f32 v15, v18;
	[tilespmem:$0x14300] =	vst v63  }
0x1c8: {  	_ =	swait.ge [sflag:s19], $0x5000;
	v18 =	vadd.f32 $1.000000000e+00, v47;
	v22 =	vadd.f32 v12, v22;
	v12 =	vshll.u32 v27, $0x7  }
0x1c9: {  	v19 =	vmul.f32 $6.931471820e-01, v19;
	v26 =	vsub.f32 v26, v29;
	[sflag:s19] =	ssyncset.done $0x0;
	v12 =	vor.u32 v8, v12  }
0x1ca: {  	[sflag:s19] =	ssyncadd.s32 $0xFFFFB000;
	v27 =	vand.u32 $0x7FFFFFFF, v24;
	v15 =	vadd.f32 v15, v17;
	v17 =	vmul.f32 v18, v32  }
0x1cb: {  	_ =	swait.ge [sflag:s19], $0x5000;
	v29 =	vadd.f32 $-5.000000000e-01, v27;
	vm2 =	vlt.f32 v27, $1.000000000e+00;
	v27 =	vor.u32 $0x4, v12  }
0x1cc: {  	[sflag:s19] =	ssyncset.done $0x0;
	v53 =	vor.u32 $0x3, v12;
	v15 =	vadd.f32 v15, v22;
	v17 =	vadd.f32 v17, v19  }
0x1cd: {  	v30 =	vsel vm10, v16, v55;
	[sflag:s19] =	ssyncadd.s32 $0xFFFFB000;
	v18 =	vmul.f32 v26, v5;
	v55 =	vor.u32 $0x20, v12  }
0x1ce: {  	v26 =	vmul.f32 $5.000000000e-01, v24;
	v11 =	vor.u32 $0xA, v12;
	v17 =	vadd.f32 v17, v15;
	v15 =	vld.idx.msk [tilespmem:v12+s16+$0x0], $0xffff  }
0x1cf: {  	v13 =	vmul.f32 v21, v13;
	v28 =	vadd.f32 $0.0e+00, v49;
	v49 =	vor.u32 $0x5, v12;
	v51 =	vld.idx.msk [tilespmem:v12+s2+$0x0], $0xffff  }
0x1d0: {  	v19 =	vor.u32 $0x18, v12;
	v22 =	vmul.f32 v26, v24;
	v18 =	vsub.f32 v41, v18;
	v21 =	vld.idx.msk [tilespmem:v27+s2+$0x0], $0xffff  }
0x1d1: {  	vm12 =	vlt.f32 v20, $1.000000000e+00;
	v23 =	vadd.f32 $-5.000000000e-01, v20;
	v26 =	vor.u32 $0x1, v12;
	v20 =	vld.idx.msk [tilespmem:v53+s2+$0x0], $0xffff  }
0x1d2: {  	v50 =	vmul.f32 $5.000000000e-01, v18;
	v22 =	vsel vm2, v22, v29;
	v29 =	vand.u32 $0x7FFFFFFF, v18;
	v56 =	vld.idx.msk [tilespmem:v55+s2+$0x0], $0xffff  }
0x1d3: {  	vm15 =	vge.f32 v48, $5.500000120e-01;
	v22 =	vadd.f32 v22, v30;
	v52 =	vadd.f32 $-5.000000000e-01, v29;
	v11 =	vld.idx.msk [tilespmem:v11+s2+$0x0], $0xffff  }
0x1d4: {  	vm11 =	vlt.f32 v29, $1.000000000e+00;
	v29 =	vor.u32 $0x21, v12;
	v30 =	vmul.f32 v50, v18;
	v18 =	vld.idx.msk [tilespmem:v49+s16+$0x0], $0xffff  }
0x1d5: {  	v28 =	vsel vm8, v28, v35;
	v24 =	vor.u32 $0x6, v12;
	v17 =	vsub.f32 v17, v63;
	v16 =	vld.idx.msk [tilespmem:v19+s2+$0x0], $0xffff  }
0x1d6: {  	v28 =	vadd.f32 v31, v28;
	v31 =	vor.u32 $0xB, v12;
	v54 =	vadd.f32 v14, v22;
	v22 =	vld.idx.msk [tilespmem:v49+s2+$0x0], $0xffff  }
0x1d7: {  	vm0 =	vmand vm0, vm15;
	v13 =	vsel vm12, v13, v23;
	v19 =	vld.idx.msk [tilespmem:v26+s16+$0x0], $0xffff;
	v25 =	vsub.f32 v17, v25  }
0x1d8: {  	v13 =	vadd.f32 v13, v28;
	v17 =	vld.idx.msk [tilespmem:v27+s16+$0x0], $0xffff;
	v30 =	vsel vm11, v30, v52;
	v27 =	vor.u32 $0x1F, v12  }
0x1d9: {  	v30 =	vadd.f32 v54, v30;
	v25 =	vsub.f32 v25, v46;
	v28 =	vld.idx.msk [tilespmem:v29+s2+$0x0], $0xffff;
	v29 =	vor.u32 $0x2, v12  }
0x1da: {  	v58 =	vsel vm0, $0x3F800000, v6;
	v57 =	vor.u32 $0x1E, v12;
	v14 =	vld.idx.msk [tilespmem:v24+s16+$0x0], $0xffff  }
0x1db: {  	v23 =	vadd.f32 v25, v30;
	v30 =	vld.idx.msk [tilespmem:v31+s2+$0x0], $0xffff;
	v31 =	vor.u32 $0x9, v12;
	(erf) = vrcp.f32 v22  }
0x1dc: {  	v59 =	vor.u32 $0x8, v12;
	v34 =	vmul.f32 $1.442695020e+00, v51;
	v25 =	vld.idx.msk [tilespmem:v53+s16+$0x0], $0xffff;
	(erf) = vrcp.f32 v21  }
0x1dd: {  	v61 =	vor.u32 $0x1D, v12;
	v38 =	vmul.f32 $1.442695020e+00, v56;
	v60 =	vld.idx.msk [tilespmem:v27+s2+$0x0], $0xffff;
	(erf) = vrcp.f32 v20  }
0x1de: {  	v37 =	vmul.f32 $1.442695020e+00, v21;
	v36 =	vmul.f32 $1.442695020e+00, v11;
	v13 =	vadd.f32 v23, v13;
	v27 =	vld.idx.msk [tilespmem:v29+s16+$0x0], $0xffff  }
0x1df: {  	v33 =	vor.u32 $0x1C, v12;
	v62 =	vmul.f32 $1.442695020e+00, v22;
	v28 =	vmul.f32 $1.442695020e+00, v28;
	v29 =	vld.idx.msk [tilespmem:v29+s2+$0x0], $0xffff  }
0x1e0: {  	(erf) = vpow2.f32 v34;
	v34 =	vor.u32 $0x7, v12;
	v13 =	vnsel vm0, $0x0, v13;
	v32 =	vld.idx.msk [tilespmem:v31+s2+$0x0], $0xffff  }
0x1e1: {  	v9 =	vadd.f32 v13, v9;
	v63 =	vmul.f32 $1.442695020e+00, v30;
	v13 =	vld.idx.msk [tilespmem:v57+s2+$0x0], $0xffff;
	(erf) = vpow2.f32 v28  }
0x1e2: {  	v10 =	vadd.f32 v58, v10;
	v23 =	vmul.f32 v14, v0;
	v30 =	vld.idx.msk [tilespmem:v59+s2+$0x0], $0xffff;
	(erf) = vpow2.f32 v62  }
0x1e3: {  	s24 =	simm.s32 $0x10;
	v31 =	vor.u32 $0x1B, v12;
	v28 =	vld.idx.msk [tilespmem:v61+s2+$0x0], $0xffff;
	v35 =	vmul.f32 $1.442695020e+00, v60;
	(erf) = vpow2.f32 v63  }
.LBB2_6:
0x1e4: {  	p0 =	sne.s32 s24, $0x90;
	v26 =	vld.idx.msk [tilespmem:v26+s2+$0x0], $0xffff;
	v39 =	vmul.f32 $1.442695020e+00, v20;
	v40 =	vor.u32 $0x1A, v12;
	(erf) = vpow2.f32 v38;
	v38 =	vpop (erf)  }
0x1e5: {  	v32 =	vmul.f32 $1.442695020e+00, v32;
	v41 =	vor.u32 $0x19, v12;
	v34 =	vld.idx.msk [tilespmem:v34+s2+$0x0], $0xffff;
	(erf) = vpow2.f32 v37;
	v37 =	vpop (erf)  }
0x1e6: {  	v11 =	vor.u32 $0x140, v4;
	v42 =	vmul.f32 $1.442695020e+00, v13;
	v33 =	vld.idx.msk [tilespmem:v33+s2+$0x0], $0xffff;
	(erf) = vpow2.f32 v36;
	v36 =	vpop (erf)  }
0x1e7: {  	v13 =	vadd.s32 s23, v11;
	s23 =	smov.u32 s24;
	v29 =	vmul.f32 $1.442695020e+00, v29;
	v43 =	vld.idx.msk [tilespmem:v24+s2+$0x0], $0xffff;
	(erf) = vpow2.f32 v35  }
0x1e8: {  	v30 =	vmul.f32 $1.442695020e+00, v30;
	v35 =	vor.u32 $0x2D, v12;
	v31 =	vld.idx.msk [tilespmem:v31+s2+$0x0], $0xffff;
	(erf) = vpow2.f32 v39  }
0x1e9: {  	v44 =	vor.u32 $0x2C, v12;
	v39 =	vld.idx.msk [tilespmem:v40+s2+$0x0], $0xffff;
	v40 =	vmul.f32 $1.442695020e+00, v28;
	v45 =	vpop (erf);
	(erf) = vpow2.f32 v32  }
0x1ea: {  	v46 =	vor.u32 $0x2B, v12;
	v32 =	vmul.f32 $1.442695020e+00, v26;
	v41 =	vld.idx.msk [tilespmem:v41+s2+$0x0], $0xffff;
	(erf) = vpow2.f32 v42;
	v24 =	vpop (erf)  }
0x1eb: {  	v15 =	vadd.f32 $1.500000000e+00, v15;
	v34 =	vmul.f32 $1.442695020e+00, v34;
	(erf) = vpow2.f32 v29;
	v26 =	vpop (erf)  }
0x1ec: {  	v16 =	vsub.f32 v16, v19;
	v33 =	vmul.f32 $1.442695020e+00, v33;
	(erf) = vpow2.f32 v30;
	v28 =	vpop (erf)  }
0x1ed: {  	v18 =	vsub.f32 v18, v22;
	v19 =	vmul.f32 $1.442695020e+00, v43;
	(erf) = vpow2.f32 v40;
	v29 =	vpop (erf)  }
0x1ee: {  	v17 =	vsub.f32 v17, v21;
	v22 =	vmul.f32 $1.442695020e+00, v31;
	(erf) = vpow2.f32 v32;
	v30 =	vpop (erf)  }
0x1ef: {  	v20 =	vsub.f32 v25, v20;
	v31 =	vmul.f32 $1.442695020e+00, v39;
	(erf) = vpow2.f32 v34;
	v25 =	vpop (erf)  }
0x1f0: {  	v40 =	vadd.f32 $1.500000000e+00, v27;
	v32 =	vmul.f32 $1.442695020e+00, v41;
	(erf) = vpow2.f32 v33;
	v33 =	vpop (erf)  }
0x1f1: {  	v15 =	vmax.f32 v15, $0.0e+00;
	v34 =	vand.u32 $0x7FFFFFFF, v16;
	v39 =	vpop (erf);
	(erf) = vpow2.f32 v19  }
0x1f2: {  	v21 =	vmin.f32 v15, $2.999000070e+00;
	v15 =	vmul.f32 $5.000000000e-01, v16;
	v19 =	vpop (erf);
	(erf) = vpow2.f32 v22  }
0x1f3: {  	v23 =	vtrunc.f32 v23;
	v22 =	vmax.f32 v40, $0.0e+00;
	(erf) = vpow2.f32 v32;
	v27 =	vpop (erf)  }
0x1f4: {  	v23 =	vcvt.f32.s32 v23;
	v43 =	vadd.f32 v21, v21;
	v22 =	vmin.f32 v22, $2.999000070e+00;
	v40 =	vpop (erf)  }
0x1f5: {  	v15 =	vmul.f32 v15, v16;
	v41 =	vadd.f32 v22, v22;
	v42 =	vpop (erf);
	(erf) = vpow2.f32 v31  }
0x1f6: {  	v23 =	vcvt.s32.f32 v23;
	v16 =	vtrunc.f32 v43;
	v43 =	vadd.f32 $-5.000000000e-01, v34;
	v32 =	vpop (erf)  }
0x1f7: {  	v16 =	vcvt.f32.s32 v16;
	vm0 =	vlt.f32 v34, $1.000000000e+00;
	v41 =	vtrunc.f32 v41;
	v34 =	vpop (erf)  }
0x1f8: {  	v23 =	vmul.f32 $6.283185480e+00, v23;
	v15 =	vsel vm0, v15, v43;
	v41 =	vcvt.f32.s32 v41;
	v31 =	vpop (erf)  }
0x1f9: {  	v43 =	vcvt.s32.f32 v16;
	v47 =	vand.u32 $0xFFFFFF80, v16;
	v48 =	vand.u32 $0x7F, v16;
	v35 =	vld.idx.msk [tilespmem:v35+s16+$0x0], $0xffff;
	v49 =	vpop (erf)  }
0x1fa: {  	v17 =	vmul.f32 v17, v37;
	v18 =	vmul.f32 v18, v38;
	v53 =	vadd.s32 $0xC, v16;
	v44 =	vld.idx.msk [tilespmem:v44+s16+$0x0], $0xffff;
	v37 =	vpop (erf)  }
0x1fb: {  	v20 =	vmul.f32 v20, v36;
	v38 =	vadd.s32 v12, v47;
	v47 =	vadd.s32 $0x6, v41;
	v36 =	vpop (erf)  }
0x1fc: {  	v51 =	vand.u32 $0xFFFFFF80, v53;
	v52 =	vand.u32 $0x7F, v53;
	v50 =	vcvt.s32.f32 v41;
	v46 =	vld.idx.msk [tilespmem:v46+s16+$0x0], $0xffff;
	v16 =	vpop (erf)  }
0x1fd: {  	v23 =	vsub.f32 v14, v23;
	v41 =	vadd.s32 $0x12, v41;
	v14 =	vadd.f32 $0.0e+00, v16  }
0x1fe: {  	v16 =	vor.u32 v48, v38;
	v38 =	vand.u32 $0xFFFFFF80, v47;
	v47 =	vand.u32 $0x7F, v47;
	v48 =	vpop (erf)  }
0x1ff: {  	v45 =	vadd.f32 $0.0e+00, v45;
	v43 =	vmul.f32 $5.000000000e-01, v43;
	v48 =	vadd.f32 v48, v14  }
0x200: {  	v51 =	vadd.s32 v12, v51;
	v44 =	vsub.f32 v44, v17;
	v14 =	vsub.f32 v35, v18  }
0x201: {  	v17 =	vadd.f32 $0.0e+00, v37;
	v35 =	vand.u32 $0x7F, v41;
	v18 =	vadd.f32 v36, v48  }
0x202: {  	v34 =	vadd.f32 v34, v45;
	v36 =	vand.u32 $0xFFFFFF80, v41;
	v37 =	vsub.f32 v46, v20  }
0x203: {  	v17 =	vadd.f32 v31, v17;
	v20 =	vadd.s32 v12, v38;
	v18 =	vadd.f32 v49, v18  }
0x204: {  	v31 =	vadd.f32 v40, v34;
	v34 =	vmul.f32 $5.000000000e-01, v50;
	v38 =	vor.u32 v52, v51  }
0x205: {  	v17 =	vadd.f32 v42, v17;
	v18 =	vadd.f32 v32, v18;
	v32 =	vadd.s32 v12, v36  }
0x206: {  	vm0 =	vlt.f32 v23, $0.0e+00;
	v31 =	vadd.f32 v39, v31;
	v36 =	vadd.f32 $6.283185480e+00, v23  }
0x207: {  	v17 =	vadd.f32 v19, v17;
	v19 =	vor.u32 v47, v20;
	v18 =	vadd.f32 v27, v18  }
0x208: {  	v20 =	vadd.f32 v30, v31;
	v30 =	vor.u32 v35, v32;
	v27 =	vadd.f32 $2.500000000e-01, v43  }
0x209: {  	v25 =	vadd.f32 v25, v17;
	v17 =	vand.u32 $0x7FFFFFFF, v14;
	v31 =	vadd.f32 v33, v18  }
0x20a: {  	v32 =	vand.u32 $0x7FFFFFFF, v37;
	v26 =	vadd.f32 v26, v20;
	v18 =	vmul.f32 $5.000000000e-01, v14  }
0x20b: {  	v20 =	vsel vm0, v36, v23;
	v23 =	vadd.f32 v28, v25;
	v25 =	vadd.f32 v29, v31  }
0x20c: {  	v28 =	vadd.f32 $3.490658400e-01, v20;
	v20 =	vand.u32 $0x7FFFFF, v26;
	v29 =	vand.u32 $0x7FFFFFFF, v44  }
0x20d: {  	v24 =	vadd.f32 v24, v25;
	v25 =	vor.u32 $0x3F800000, v20;
	v20 =	vand.u32 $0x7FFFFF, v23  }
0x20e: {  	v31 =	vmul.f32 v28, v0;
	v33 =	vadd.f32 $1.000000000e+00, v25;
	v35 =	vor.u32 $0x3F800000, v20  }
0x20f: {  	v39 =	vmul.f32 $5.000000000e-01, v44;
	v20 =	vadd.f32 $1.000000000e+00, v35;
	v36 =	vand.u32 $0x7FFFFF, v24  }
0x210: {  	v31 =	vtrunc.f32 v31;
	v36 =	vor.u32 $0x3F800000, v36;
	(erf) = vrcp.f32 v33  }
0x211: {  	v31 =	vcvt.f32.s32 v31;
	v33 =	vadd.f32 $1.000000000e+00, v36;
	(erf) = vrcp.f32 v20  }
0x212: {  	v34 =	vadd.f32 $2.500000000e-01, v34;
	v40 =	vmul.f32 $5.000000000e-01, v37;
	v20 =	vadd.f32 $-5.000000000e-01, v17;
	v38 =	vld.idx.msk [tilespmem:v38+s2+$0x0], $0xffff  }
0x213: {  	vm0 =	vlt.f32 v32, $1.000000000e+00;
	v31 =	vcvt.s32.f32 v31;
	v30 =	vld.idx.msk [tilespmem:v30+s2+$0x0], $0xffff;
	(erf) = vrcp.f32 v33  }
0x214: {  	v27 =	vsub.f32 v21, v27;
	v21 =	vadd.f32 $-5.000000000e-01, v32;
	v33 =	vmul.f32 v40, v37  }
0x215: {  	v22 =	vsub.f32 v22, v34;
	v32 =	vadd.f32 $-5.000000000e-01, v29;
	v31 =	vmul.f32 $6.283185480e+00, v31  }
0x216: {  	v34 =	vmul.f32 v39, v44;
	v27 =	vadd.f32 v27, v27;
	v33 =	vadd.f32 $0.0e+00, v33  }
0x217: {  	v22 =	vadd.f32 v22, v22;
	vm1 =	vlt.f32 v29, $1.000000000e+00;
	v28 =	vsub.f32 v28, v31  }
0x218: {  	v25 =	vadd.f32 $-1.000000000e+00, v25;
	v29 =	vsel vm1, v34, v32;
	v27 =	vsub.f32 v38, v27  }
0x219: {  	v32 =	vadd.f32 $-1.000000000e+00, v35;
	v31 =	vmul.f32 v28, v1;
	v22 =	vsub.f32 v30, v22;
	v30 =	vpop (erf)  }
0x21a: {  	v34 =	vmul.f32 $5.000000000e-01, v27;
	v25 =	vmul.f32 v30, v25;
	v30 =	vand.u32 $0x7FFFFFFF, v27;
	v35 =	vpop (erf)  }
0x21b: {  	v31 =	vtrunc.f32 v31;
	v32 =	vmul.f32 v35, v32;
	v35 =	vadd.f32 $-1.000000000e+00, v36  }
0x21c: {  	v31 =	vcvt.f32.s32 v31;
	v37 =	vadd.f32 $-5.000000000e-01, v30;
	v36 =	vmul.f32 v25, v25;
	v38 =	vpop (erf)  }
0x21d: {  	v26 =	vshra.s32 v26, $0x17;
	v39 =	vmul.f32 v32, v32;
	v35 =	vmul.f32 v38, v35  }
0x21e: {  	v23 =	vshra.s32 v23, $0x17;
	vm1 =	vgt.s32 v31, $0x0;
	v38 =	vmul.f32 $1.428571490e-01, v36  }
0x21f: {  	v31 =	vnsel vm1, $0x0, v31;
	v40 =	vmul.f32 $1.428571490e-01, v39;
	v41 =	vmul.f32 v35, v35  }
0x220: {  	v26 =	vadd.s32 $0xFFFFFF81, v26;
	v23 =	vadd.s32 $0xFFFFFF81, v23;
	v31 =	vmin.u32 v31, $0x8  }
0x221: {  	v38 =	vadd.f32 $2.000000030e-01, v38;
	v40 =	vadd.f32 $2.000000030e-01, v40;
	v42 =	vmul.f32 $1.428571490e-01, v41  }
0x222: {  	v26 =	vcvt.s32.f32 v26;
	v23 =	vcvt.s32.f32 v23;
	v12 =	vor.u32 v12, v31  }
0x223: {  	v38 =	vmul.f32 v38, v36;
	v40 =	vmul.f32 v40, v39;
	v42 =	vadd.f32 $2.000000030e-01, v42  }
0x224: {  	v26 =	vmul.f32 $6.931471820e-01, v26;
	v24 =	vshra.s32 v24, $0x17;
	v43 =	vadd.s32 $0x22, v12  }
0x225: {  	v38 =	vadd.f32 $3.333333430e-01, v38;
	v40 =	vadd.f32 $3.333333430e-01, v40;
	v42 =	vmul.f32 v42, v41  }
0x226: {  	v24 =	vadd.s32 $0xFFFFFF81, v24;
	v23 =	vmul.f32 $6.931471820e-01, v23;
	v31 =	vcvt.s32.f32 v31  }
0x227: {  	v36 =	vmul.f32 v38, v36;
	v38 =	vmul.f32 v40, v39;
	v39 =	vadd.f32 $3.333333430e-01, v42  }
0x228: {  	v25 =	vadd.f32 v25, v25;
	v32 =	vadd.f32 v32, v32;
	v31 =	vmul.f32 $6.981316800e-01, v31  }
0x229: {  	v36 =	vadd.f32 $1.000000000e+00, v36;
	v38 =	vadd.f32 $1.000000000e+00, v38;
	v39 =	vmul.f32 v39, v41  }
0x22a: {  	v24 =	vcvt.s32.f32 v24;
	v35 =	vadd.f32 v35, v35;
	v31 =	vadd.f32 $3.490658400e-01, v31;
	v40 =	vld.idx.msk [tilespmem:v43+s2+$0x0], $0xffff  }
0x22b: {  	v25 =	vmul.f32 v36, v25;
	v32 =	vmul.f32 v38, v32;
	v36 =	vadd.f32 $1.000000000e+00, v39  }
0x22c: {  	v24 =	vmul.f32 $6.931471820e-01, v24;
	v12 =	vadd.s32 $0x19, v12;
	v28 =	vsub.f32 v28, v31  }
0x22d: {  	v25 =	vadd.f32 v25, v26;
	v16 =	vld.idx.msk [tilespmem:v16+s2+$0x0], $0xffff;
	v23 =	vadd.f32 v32, v23;
	v26 =	vmul.f32 v36, v35  }
0x22e: {  	v31 =	vand.u32 $0x7FFFFFFF, v22;
	v28 =	vmul.f32 v28, v5;
	v32 =	vmul.f32 $5.000000000e-01, v22  }
0x22f: {  	v19 =	vld.idx.msk [tilespmem:v19+s2+$0x0], $0xffff;
	v23 =	vadd.f32 v23, v25;
	v24 =	vadd.f32 v26, v24;
	v25 =	vmul.f32 v34, v27  }
0x230: {  	v22 =	vmul.f32 v32, v22;
	v26 =	vadd.f32 $-5.000000000e-01, v31;
	v27 =	vsub.f32 v40, v28  }
0x231: {  	vm1 =	vlt.f32 v30, $1.000000000e+00;
	vm2 =	vlt.f32 v31, $1.000000000e+00;
	v12 =	vld.idx.msk [tilespmem:v12+s2+$0x0], $0xffff;
	v23 =	vadd.f32 v24, v23  }
0x232: {  	v24 =	vsel vm1, v25, v37;
	v22 =	vsel vm2, v22, v26;
	v25 =	vmul.f32 $5.000000000e-01, v27  }
0x233: {  	v22 =	vadd.f32 v22, v24;
	v16 =	vsub.f32 v23, v16;
	v23 =	vand.u32 $0x7FFFFFFF, v27  }
0x234: {  	v21 =	vsel vm0, v33, v21;
	v24 =	vmul.f32 v25, v27;
	v25 =	vadd.f32 $-5.000000000e-01, v23  }
0x235: {  	v15 =	vadd.f32 v15, v22;
	vm0 =	vlt.f32 v23, $1.000000000e+00;
	v26 =	vld.idx.msk [tilespmem:v13+s14+$0x0], $0xffff;
	v16 =	vsub.f32 v16, v19  }
0x236: {  	v14 =	vmul.f32 v18, v14;
	v21 =	vadd.f32 v29, v21;
	v19 =	vsel vm0, v24, v25  }
0x237: {  	vm0 =	vlt.f32 v17, $1.000000000e+00;
	v12 =	vsub.f32 v16, v12;
	v15 =	vadd.f32 v15, v19  }
0x238: {  	v16 =	vmov s24;
	v14 =	vsel vm0, v14, v20  }
0x239: {  	v16 =	vshll.u32 v16, $0x7;
	v14 =	vadd.f32 v14, v21;
	v15 =	vadd.f32 v12, v15  }
0x23a: {  	vm1 =	vlt.u32 v13, v3;
	vm0 =	vge.u32 v13, v2;
	v12 =	vor.u32 v8, v16  }
0x23b: {  	vm0 =	vmand vm0, vm1;
	vm1 =	vge.f32 v26, $5.500000120e-01;
	v13 =	vadd.f32 v15, v14  }
0x23c: {  	v14 =	vor.u32 $0x18, v12;
	vm0 =	vmand vm0, vm1  }
0x23d: {  	v26 =	vor.u32 $0x1, v12;
	v15 =	vsel vm0, $0x3F800000, v6;
	v13 =	vnsel vm0, $0x0, v13  }
0x23e: {  	v20 =	vor.u32 $0x5, v12;
	v10 =	vadd.f32 v15, v10;
	v9 =	vadd.f32 v13, v9  }
0x23f: {  	v13 =	vor.u32 $0x4, v12;
	v15 =	vld.idx.msk [tilespmem:v12+s16+$0x0], $0xffff  }
0x240: {  	v24 =	vor.u32 $0x6, v12;
	v23 =	vld.idx.msk [tilespmem:v12+s2+$0x0], $0xffff  }
0x241: {  	v16 =	vld.idx.msk [tilespmem:v14+s2+$0x0], $0xffff  }
0x242: {  	v19 =	vld.idx.msk [tilespmem:v26+s16+$0x0], $0xffff  }
0x243: {  	v25 =	vor.u32 $0x3, v12;
	v18 =	vld.idx.msk [tilespmem:v20+s16+$0x0], $0xffff  }
0x244: {  	v27 =	vor.u32 $0x21, v12;
	v17 =	vld.idx.msk [tilespmem:v13+s16+$0x0], $0xffff  }
0x245: {  	v28 =	vor.u32 $0xB, v12;
	v14 =	vld.idx.msk [tilespmem:v24+s16+$0x0], $0xffff  }
0x246: {  	v29 =	vor.u32 $0x20, v12;
	v22 =	vld.idx.msk [tilespmem:v20+s2+$0x0], $0xffff  }
0x247: {  	v21 =	vld.idx.msk [tilespmem:v13+s2+$0x0], $0xffff  }
0x248: {  	v13 =	vor.u32 $0xA, v12;
	v20 =	vld.idx.msk [tilespmem:v25+s2+$0x0], $0xffff  }
0x249: {  	v30 =	vor.u32 $0x1F, v12;
	v31 =	vld.idx.msk [tilespmem:v27+s2+$0x0], $0xffff  }
0x24a: {  	v33 =	vor.u32 $0x2, v12;
	v28 =	vld.idx.msk [tilespmem:v28+s2+$0x0], $0xffff  }
0x24b: {  	v32 =	vor.u32 $0x9, v12;
	v29 =	vld.idx.msk [tilespmem:v29+s2+$0x0], $0xffff  }
0x24c: {  	v35 =	vor.u32 $0x1E, v12;
	v25 =	vld.idx.msk [tilespmem:v25+s16+$0x0], $0xffff;
	(erf) = vrcp.f32 v22  }
0x24d: {  	v36 =	vld.idx.msk [tilespmem:v13+s2+$0x0], $0xffff;
	(erf) = vrcp.f32 v21  }
0x24e: {  	v39 =	vor.u32 $0x8, v12;
	v37 =	vmul.f32 $1.442695020e+00, v23;
	v40 =	vld.idx.msk [tilespmem:v30+s2+$0x0], $0xffff;
	(erf) = vrcp.f32 v20  }
0x24f: {  	v41 =	vor.u32 $0x1D, v12;
	v23 =	vmul.f32 v14, v0;
	v30 =	vmul.f32 $1.442695020e+00, v31;
	v27 =	vld.idx.msk [tilespmem:v33+s16+$0x0], $0xffff  }
.Ltmp2:
0x250: {  	v31 =	vmul.f32 $1.442695020e+00, v22;
	v42 =	vmul.f32 $1.442695020e+00, v28;
	v32 =	vld.idx.msk [tilespmem:v32+s2+$0x0], $0xffff;
	(pc) =	sbr.rel @p0 .LBB2_6-.Ltmp2, $4  }
0x251: {  	v34 =	vor.u32 $0x7, v12;
	v38 =	vmul.f32 $1.442695020e+00, v29;
	v13 =	vld.idx.msk [tilespmem:v35+s2+$0x0], $0xffff;
	(erf) = vpow2.f32 v37  }
0x252: {  	v37 =	vmul.f32 $1.442695020e+00, v21;
	v29 =	vld.idx.msk [tilespmem:v33+s2+$0x0], $0xffff;
	v33 =	vor.u32 $0x1C, v12;
	(erf) = vpow2.f32 v30  }
0x253: {  	v36 =	vmul.f32 $1.442695020e+00, v36;
	v30 =	vld.idx.msk [tilespmem:v39+s2+$0x0], $0xffff;
	(erf) = vpow2.f32 v31  }
0x254: {  	s24 =	sadd.s32 $0x10, s24;
	v31 =	vor.u32 $0x1B, v12;
	v35 =	vmul.f32 $1.442695020e+00, v40;
	v28 =	vld.idx.msk [tilespmem:v41+s2+$0x0], $0xffff;
	(erf) = vpow2.f32 v42  }
0x255: {  	_ =	sdelay $0x2  }
0x256: {  	v39 =	vmul.f32 $1.442695020e+00, v20;
	(erf) = vpow2.f32 v38  }
0x257: {  	v26 =	vld.idx.msk [tilespmem:v26+s2+$0x0], $0xffff;
	v57 =	vor.u32 $0x1A, v12;
	v32 =	vmul.f32 $1.442695020e+00, v32;
	(erf) = vpow2.f32 v37  }
0x258: {  	v58 =	vpop (erf);
	v40 =	vor.u32 $0x19, v12;
	v41 =	vmul.f32 $1.442695020e+00, v13;
	(erf) = vpow2.f32 v36  }
0x259: {  	v61 =	vor.u32 $0x2C, v12;
	v23 =	vtrunc.f32 v23;
	v59 =	vpop (erf);
	(erf) = vpow2.f32 v35  }
0x25a: {  	v34 =	vld.idx.msk [tilespmem:v34+s2+$0x0], $0xffff;
	v13 =	vadd.s32 s23, v11;
	v11 =	vmul.f32 $1.442695020e+00, v29;
	v29 =	vpop (erf);
	(erf) = vpow2.f32 v39  }
0x25b: {  	v33 =	vld.idx.msk [tilespmem:v33+s2+$0x0], $0xffff;
	v63 =	vor.u32 $0x2B, v12;
	v30 =	vmul.f32 $1.442695020e+00, v30;
	v42 =	vpop (erf);
	(erf) = vpow2.f32 v32  }
0x25c: {  	v24 =	vld.idx.msk [tilespmem:v24+s2+$0x0], $0xffff;
	v15 =	vadd.f32 $1.500000000e+00, v15;
	v26 =	vmul.f32 $1.442695020e+00, v26;
	(erf) = vpow2.f32 v41;
	v41 =	vpop (erf)  }
0x25d: {  	v31 =	vld.idx.msk [tilespmem:v31+s2+$0x0], $0xffff;
	v16 =	vsub.f32 v16, v19;
	v28 =	vmul.f32 $1.442695020e+00, v28;
	(erf) = vpow2.f32 v11;
	v43 =	vpop (erf)  }
0x25e: {  	v18 =	vsub.f32 v18, v22;
	v23 =	vcvt.f32.s32 v23;
	v40 =	vld.idx.msk [tilespmem:v40+s2+$0x0], $0xffff;
	(erf) = vpow2.f32 v30;
	v19 =	vpop (erf)  }
0x25f: {  	v21 =	vsub.f32 v17, v21;
	v34 =	vmul.f32 $1.442695020e+00, v34;
	(erf) = vpow2.f32 v28;
	v22 =	vpop (erf)  }
0x260: {  	v27 =	vadd.f32 $1.500000000e+00, v27;
	v62 =	vld.idx.msk [tilespmem:v57+s2+$0x0], $0xffff;
	v11 =	vmul.f32 $1.442695020e+00, v33;
	(erf) = vpow2.f32 v26;
	v26 =	vpop (erf)  }
0x261: {  	v20 =	vsub.f32 v25, v20;
	v24 =	vmul.f32 $1.442695020e+00, v24;
	(erf) = vpow2.f32 v34;
	v25 =	vpop (erf)  }
0x262: {  	v27 =	vmax.f32 v27, $0.0e+00;
	v28 =	vmul.f32 $1.442695020e+00, v31;
	(erf) = vpow2.f32 v11;
	v31 =	vpop (erf)  }
0x263: {  	v30 =	vmul.f32 $1.442695020e+00, v40;
	v11 =	vmax.f32 v15, $0.0e+00;
	v32 =	vpop (erf);
	(erf) = vpow2.f32 v24  }
0x264: {  	v27 =	vmin.f32 v27, $2.999000070e+00;
	v24 =	vmin.f32 v11, $2.999000070e+00;
	(erf) = vpow2.f32 v28  }
0x265: {  	v17 =	vmul.f32 $1.442695020e+00, v62;
	v33 =	vpop (erf);
	(erf) = vpow2.f32 v30;
	v30 =	vadd.f32 v24, v24  }
0x266: {  	v23 =	vcvt.s32.f32 v23;
	v15 =	vand.u32 $0x7FFFFFFF, v16;
	v11 =	vmul.f32 $5.000000000e-01, v16;
	v28 =	vpop (erf)  }
0x267: {  	v57 =	vld.idx.msk [tilespmem:v61+s16+$0x0], $0xffff;
	v54 =	vpop (erf);
	(erf) = vpow2.f32 v17;
	v17 =	vtrunc.f32 v30;
	v30 =	vadd.f32 $-5.000000000e-01, v15  }
0x268: {  	v21 =	vmul.f32 v21, v59;
	v55 =	vadd.f32 v27, v27;
	v38 =	vld.idx.msk [tilespmem:v63+s16+$0x0], $0xffff;
	v11 =	vmul.f32 v11, v16;
	v16 =	vpop (erf)  }
0x269: {  	v60 =	vor.u32 $0x2D, v12;
	v20 =	vmul.f32 v20, v29;
	v23 =	vmul.f32 $6.283185480e+00, v23;
	v44 =	vpop (erf)  }
0x26a: {  	vm0 =	vlt.f32 v15, $1.000000000e+00;
	v45 =	vcvt.f32.s32 v17;
	v17 =	vtrunc.f32 v55;
	v15 =	vpop (erf)  }
0x26b: {  	v23 =	vsub.f32 v14, v23;
	v40 =	vcvt.f32.s32 v17;
	v17 =	vsel vm0, v11, v30;
	v30 =	vpop (erf)  }
0x26c: {  	v18 =	vmul.f32 v18, v58;
	vm13 =	vge.u32 v13, v2;
	v42 =	vadd.f32 $0.0e+00, v42;
	v48 =	vpop (erf)  }
0x26d: {  	vm7 =	vlt.f32 v23, $0.0e+00;
	v37 =	vsub.f32 v57, v21;
	v62 =	vsub.f32 v38, v20;
	v56 =	vpop (erf)  }
0x26e: {  	v35 =	vld.idx.msk [tilespmem:v60+s16+$0x0], $0xffff;
	v46 =	vcvt.s32.f32 v45;
	v11 =	vand.u32 $0xFFFFFF80, v45;
	v47 =	vand.u32 $0x7F, v45;
	v29 =	vpop (erf)  }
0x26f: {  	v45 =	vadd.s32 $0xC, v45;
	v15 =	vadd.f32 v15, v42;
	v42 =	vadd.f32 $6.283185480e+00, v23;
	v51 =	vpop (erf)  }
0x270: {  	v11 =	vadd.s32 v12, v11;
	v58 =	vadd.s32 $0x6, v40;
	v14 =	vadd.f32 $0.0e+00, v51  }
0x271: {  	v49 =	vcvt.s32.f32 v40;
	v50 =	vand.u32 $0xFFFFFF80, v45;
	v45 =	vand.u32 $0x7F, v45;
	v60 =	vpop (erf)  }
0x272: {  	v40 =	vadd.s32 $0x12, v40;
	v50 =	vadd.s32 v12, v50;
	v51 =	vadd.f32 v60, v14  }
0x273: {  	v15 =	vadd.f32 v54, v15;
	v63 =	vor.u32 v45, v50;
	v14 =	vsub.f32 v35, v18  }
0x274: {  	v11 =	vor.u32 v47, v11;
	v18 =	vadd.f32 $0.0e+00, v56;
	v21 =	vadd.f32 v29, v51  }
0x275: {  	v59 =	vand.u32 $0xFFFFFF80, v58;
	v46 =	vmul.f32 $5.000000000e-01, v46;
	v15 =	vadd.f32 v32, v15  }
0x276: {  	v39 =	vand.u32 $0x7F, v58;
	v18 =	vadd.f32 v30, v18;
	v20 =	vadd.f32 v48, v21  }
0x277: {  	v61 =	vand.u32 $0xFFFFFF80, v40;
	v15 =	vadd.f32 v26, v15;
	v26 =	vadd.f32 $2.500000000e-01, v46  }
0x278: {  	v50 =	vmul.f32 $5.000000000e-01, v62;
	v34 =	vld.idx.msk [tilespmem:v63+s2+$0x0], $0xffff;
	v16 =	vadd.f32 v16, v18;
	v18 =	vadd.f32 v44, v20  }
0x279: {  	v23 =	vsel vm7, v42, v23;
	v15 =	vadd.f32 v43, v15;
	v24 =	vsub.f32 v24, v26  }
0x27a: {  	v26 =	vmul.f32 v50, v62;
	v16 =	vadd.f32 v33, v16;
	v18 =	vadd.f32 v28, v18  }
0x27b: {  	v29 =	vand.u32 $0x7F, v40;
	v30 =	vmul.f32 $5.000000000e-01, v49;
	v24 =	vadd.f32 v24, v24  }
0x27c: {  	v21 =	vadd.s32 v12, v59;
	v16 =	vadd.f32 v25, v16;
	v18 =	vadd.f32 v31, v18  }
0x27d: {  	v48 =	vmul.f32 $5.000000000e-01, v37;
	v30 =	vadd.f32 $2.500000000e-01, v30;
	v24 =	vsub.f32 v34, v24  }
0x27e: {  	v20 =	vadd.s32 v12, v61;
	v16 =	vadd.f32 v19, v16;
	v18 =	vadd.f32 v22, v18  }
0x27f: {  	v33 =	vadd.f32 $0.0e+00, v26;
	v19 =	vadd.f32 $3.490658400e-01, v23;
	v22 =	vand.u32 $0x7FFFFF, v15  }
0x280: {  	v23 =	vand.u32 $0x7FFFFF, v16;
	v22 =	vor.u32 $0x3F800000, v22;
	v18 =	vadd.f32 v41, v18  }
0x281: {  	v29 =	vor.u32 v29, v20;
	v46 =	vor.u32 $0x3F800000, v23;
	v45 =	vadd.f32 $1.000000000e+00, v22  }
0x282: {  	v44 =	vmul.f32 v19, v0;
	v23 =	vadd.f32 $1.000000000e+00, v46;
	v47 =	vand.u32 $0x7FFFFF, v18  }
0x283: {  	v26 =	vmul.f32 v48, v37;
	(erf) = vrcp.f32 v45;
	v38 =	vor.u32 $0x3F800000, v47  }
0x284: {  	v32 =	vtrunc.f32 v44;
	(erf) = vrcp.f32 v23;
	v49 =	vadd.f32 $1.000000000e+00, v38  }
0x285: {  	v27 =	vsub.f32 v27, v30;
	v51 =	vmul.f32 $5.000000000e-01, v24;
	v32 =	vcvt.f32.s32 v32  }
0x286: {  	v28 =	vor.u32 v39, v21;
	v25 =	vand.u32 $0x7FFFFFFF, v62;
	(erf) = vrcp.f32 v49  }
0x287: {  	v21 =	vmul.f32 $5.000000000e-01, v14;
	v31 =	vand.u32 $0x7FFFFFFF, v37;
	v29 =	vld.idx.msk [tilespmem:v29+s2+$0x0], $0xffff;
	v32 =	vcvt.s32.f32 v32  }
0x288: {  	v27 =	vadd.f32 v27, v27;
	vm8 =	vlt.f32 v25, $1.000000000e+00;
	v30 =	vadd.f32 $-5.000000000e-01, v31  }
0x289: {  	vm1 =	vlt.f32 v31, $1.000000000e+00;
	v15 =	vshra.s32 v15, $0x17;
	v32 =	vmul.f32 $6.283185480e+00, v32  }
0x28a: {  	v16 =	vshra.s32 v16, $0x17;
	v15 =	vadd.s32 $0xFFFFFF81, v15;
	v22 =	vadd.f32 $-1.000000000e+00, v22  }
0x28b: {  	v16 =	vadd.s32 $0xFFFFFF81, v16;
	v31 =	vadd.f32 $-1.000000000e+00, v46;
	v19 =	vsub.f32 v19, v32  }
0x28c: {  	v15 =	vcvt.s32.f32 v15;
	v16 =	vcvt.s32.f32 v16;
	v27 =	vsub.f32 v29, v27;
	v29 =	vpop (erf)  }
0x28d: {  	v30 =	vsel vm1, v26, v30;
	v26 =	vmul.f32 v19, v1;
	v22 =	vmul.f32 v29, v22;
	v52 =	vpop (erf)  }
0x28e: {  	v15 =	vmul.f32 $6.931471820e-01, v15;
	v53 =	vadd.f32 $-1.000000000e+00, v38;
	v31 =	vmul.f32 v52, v31  }
0x28f: {  	v25 =	vadd.f32 $-5.000000000e-01, v25;
	v26 =	vtrunc.f32 v26;
	v54 =	vmul.f32 v22, v22;
	v56 =	vpop (erf)  }
0x290: {  	v20 =	vand.u32 $0x7FFFFFFF, v14;
	v57 =	vmul.f32 v31, v31;
	v34 =	vmul.f32 v56, v53  }
0x291: {  	v25 =	vsel vm8, v33, v25;
	v26 =	vcvt.f32.s32 v26;
	v58 =	vmul.f32 $1.428571490e-01, v54  }
0x292: {  	v25 =	vadd.f32 v30, v25;
	v59 =	vmul.f32 $1.428571490e-01, v57;
	v60 =	vmul.f32 v34, v34  }
0x293: {  	v18 =	vshra.s32 v18, $0x17;
	v16 =	vmul.f32 $6.931471820e-01, v16;
	v37 =	vadd.f32 $2.000000030e-01, v58  }
0x294: {  	vm9 =	vgt.s32 v26, $0x0;
	v39 =	vadd.f32 $2.000000030e-01, v59;
	v61 =	vmul.f32 $1.428571490e-01, v60  }
0x295: {  	v18 =	vadd.s32 $0xFFFFFF81, v18;
	v26 =	vnsel vm9, $0x0, v26;
	v37 =	vmul.f32 v37, v54  }
0x296: {  	v26 =	vmin.u32 v26, $0x8;
	v39 =	vmul.f32 v39, v57;
	v41 =	vadd.f32 $2.000000030e-01, v61  }
0x297: {  	v12 =	vor.u32 v12, v26;
	v26 =	vcvt.s32.f32 v26;
	v37 =	vadd.f32 $3.333333430e-01, v37  }
0x298: {  	v62 =	vadd.s32 $0x22, v12;
	v39 =	vadd.f32 $3.333333430e-01, v39;
	v41 =	vmul.f32 v41, v60  }
0x299: {  	v22 =	vadd.f32 v22, v22;
	v26 =	vmul.f32 $6.981316800e-01, v26;
	v35 =	vmul.f32 v37, v54  }
0x29a: {  	v12 =	vadd.s32 $0x19, v12;
	v63 =	vmul.f32 v39, v57;
	v43 =	vadd.f32 $3.333333430e-01, v41  }
0x29b: {  	v18 =	vcvt.s32.f32 v18;
	v26 =	vadd.f32 $3.490658400e-01, v26;
	v35 =	vadd.f32 $1.000000000e+00, v35  }
0x29c: {  	v28 =	vld.idx.msk [tilespmem:v28+s2+$0x0], $0xffff;
	v31 =	vadd.f32 v31, v31;
	v37 =	vadd.f32 $1.000000000e+00, v63;
	v38 =	vmul.f32 v43, v60  }
0x29d: {  	v47 =	vmul.f32 $5.000000000e-01, v27;
	v44 =	vld.idx.msk [tilespmem:v62+s2+$0x0], $0xffff;
	v19 =	vsub.f32 v19, v26;
	v22 =	vmul.f32 v35, v22  }
0x29e: {  	s23 =	simm.s32 $0x0;
	v45 =	vld.idx.msk [tilespmem:v11+s2+$0x0], $0xffff;
	v11 =	vadd.f32 v34, v34;
	v31 =	vmul.f32 v37, v31;
	v46 =	vadd.f32 $1.000000000e+00, v38  }
0x29f: {  	v12 =	vld.idx.msk [tilespmem:v12+s2+$0x0], $0xffff;
	v19 =	vmul.f32 v19, v5;
	v15 =	vadd.f32 v22, v15;
	v22 =	vmov s23  }
0x2a0: {  	v16 =	vadd.f32 v31, v16;
	v31 =	vld.idx.msk [tilespmem:v13+s14+$0x0], $0xffff;
	_ =	swait.ge [sflag:s20], $0x5000;
	v26 =	vmul.f32 v46, v11;
	v11 =	vshll.u32 v22, $0x7  }
0x2a1: {  	v18 =	vmul.f32 $6.931471820e-01, v18;
	v29 =	vand.u32 $0x7FFFFFFF, v24;
	[sflag:s20] =	ssyncset.done $0x0;
	v11 =	vor.u32 v8, v11  }
0x2a2: {  	v55 =	vadd.f32 $-5.000000000e-01, v29;
	v19 =	vsub.f32 v44, v19;
	v22 =	vand.u32 $0x7FFFFFFF, v27;
	[sflag:s20] =	ssyncadd.s32 $0xFFFFB000  }
0x2a3: {  	v15 =	vadd.f32 v16, v15;
	vm2 =	vlt.f32 v22, $1.000000000e+00;
	_ =	swait.ge [sflag:s20], $0x5000;
	v48 =	vor.u32 $0x18, v11  }
0x2a4: {  	v16 =	vadd.f32 v26, v18;
	v18 =	vmul.f32 v51, v24;
	v26 =	vor.u32 $0x1, v11;
	[sflag:s20] =	ssyncset.done $0x0  }
0x2a5: {  	v24 =	vmul.f32 v47, v27;
	v27 =	vadd.f32 $-5.000000000e-01, v22;
	v22 =	vor.u32 $0x5, v11;
	[sflag:s20] =	ssyncadd.s32 $0xFFFFB000  }
0x2a6: {  	vm10 =	vlt.f32 v29, $1.000000000e+00;
	v49 =	vor.u32 $0x4, v11;
	v16 =	vadd.f32 v16, v15;
	v15 =	vld.idx.msk [tilespmem:v11+s18+$0x0], $0xffff  }
0x2a7: {  	v29 =	vmul.f32 $5.000000000e-01, v19;
	v18 =	vsel vm10, v18, v55;
	v27 =	vsel vm2, v24, v27;
	v51 =	vld.idx.msk [tilespmem:v11+s17+$0x0], $0xffff  }
0x2a8: {  	v21 =	vmul.f32 v21, v14;
	v18 =	vadd.f32 v27, v18;
	v50 =	vsub.f32 v16, v45;
	v16 =	vld.idx.msk [tilespmem:v48+s17+$0x0], $0xffff  }
0x2a9: {  	v29 =	vmul.f32 v29, v19;
	v30 =	vor.u32 $0x21, v11;
	v27 =	vand.u32 $0x7FFFFFFF, v19;
	v19 =	vld.idx.msk [tilespmem:v26+s18+$0x0], $0xffff  }
0x2aa: {  	v23 =	vadd.f32 $-5.000000000e-01, v20;
	v54 =	vor.u32 $0x20, v11;
	v53 =	vadd.f32 v17, v18;
	v18 =	vld.idx.msk [tilespmem:v22+s18+$0x0], $0xffff  }
0x2ab: {  	v52 =	vadd.f32 $-5.000000000e-01, v27;
	vm11 =	vlt.f32 v27, $1.000000000e+00;
	v27 =	vor.u32 $0x3, v11;
	v17 =	vld.idx.msk [tilespmem:v49+s18+$0x0], $0xffff  }
0x2ac: {  	vm14 =	vlt.u32 v13, v3;
	vm12 =	vlt.f32 v20, $1.000000000e+00;
	v13 =	vor.u32 $0x1F, v11;
	v22 =	vld.idx.msk [tilespmem:v22+s17+$0x0], $0xffff  }
0x2ad: {  	v20 =	vsel vm12, v21, v23;
	v57 =	vor.u32 $0x1E, v11;
	v21 =	vld.idx.msk [tilespmem:v49+s17+$0x0], $0xffff;
	v28 =	vsub.f32 v50, v28  }
0x2ae: {  	v24 =	vor.u32 $0x6, v11;
	v30 =	vld.idx.msk [tilespmem:v30+s17+$0x0], $0xffff;
	v29 =	vsel vm11, v29, v52  }
0x2af: {  	v56 =	vld.idx.msk [tilespmem:v54+s17+$0x0], $0xffff;
	v29 =	vadd.f32 v53, v29;
	v12 =	vsub.f32 v28, v12;
	v28 =	vor.u32 $0xB, v11  }
0x2b0: {  	v23 =	vadd.f32 v20, v25;
	vm15 =	vge.f32 v31, $5.500000120e-01;
	v31 =	vor.u32 $0x9, v11;
	v20 =	vld.idx.msk [tilespmem:v27+s17+$0x0], $0xffff  }
0x2b1: {  	v61 =	vld.idx.msk [tilespmem:v13+s17+$0x0], $0xffff;
	v12 =	vadd.f32 v12, v29;
	v29 =	vor.u32 $0xA, v11  }
0x2b2: {  	vm0 =	vmand vm13, vm14;
	v60 =	vor.u32 $0x8, v11;
	v13 =	vld.idx.msk [tilespmem:v57+s17+$0x0], $0xffff  }
0x2b3: {  	v62 =	vor.u32 $0x1D, v11;
	v55 =	vor.u32 $0x2, v11;
	v14 =	vld.idx.msk [tilespmem:v24+s18+$0x0], $0xffff;
	(erf) = vrcp.f32 v22  }
0x2b4: {  	v34 =	vor.u32 $0x7, v11;
	v33 =	vor.u32 $0x1C, v11;
	(erf) = vrcp.f32 v21;
	v28 =	vld.idx.msk [tilespmem:v28+s17+$0x0], $0xffff  }
0x2b5: {  	v32 =	vld.idx.msk [tilespmem:v31+s17+$0x0], $0xffff;
	v30 =	vmul.f32 $1.442695020e+00, v30;
	v12 =	vadd.f32 v12, v23;
	(erf) = vrcp.f32 v20  }
0x2b6: {  	vm0 =	vmand vm0, vm15;
	v38 =	vmul.f32 $1.442695020e+00, v56;
	v59 =	vld.idx.msk [tilespmem:v29+s17+$0x0], $0xffff;
	v29 =	vmul.f32 $1.442695020e+00, v51  }
0x2b7: {  	v25 =	vld.idx.msk [tilespmem:v27+s18+$0x0], $0xffff;
	v37 =	vmul.f32 $1.442695020e+00, v21;
	v35 =	vmul.f32 $1.442695020e+00, v61;
	v12 =	vnsel vm0, $0x0, v12  }
0x2b8: {  	v27 =	vld.idx.msk [tilespmem:v55+s18+$0x0], $0xffff;
	v9 =	vadd.f32 v12, v9;
	v12 =	vmul.f32 $1.442695020e+00, v22;
	(erf) = vpow2.f32 v29  }
0x2b9: {  	v58 =	vsel vm0, $0x3F800000, v6;
	v29 =	vld.idx.msk [tilespmem:v55+s17+$0x0], $0xffff;
	v63 =	vmul.f32 $1.442695020e+00, v28;
	(erf) = vpow2.f32 v30  }
0x2ba: {  	v10 =	vadd.f32 v58, v10;
	v23 =	vmul.f32 v14, v0;
	v30 =	vld.idx.msk [tilespmem:v60+s17+$0x0], $0xffff;
	(erf) = vpow2.f32 v12  }
0x2bb: {  	s24 =	simm.s32 $0x10;
	v31 =	vor.u32 $0x1B, v11;
	v28 =	vld.idx.msk [tilespmem:v62+s17+$0x0], $0xffff;
	v36 =	vmul.f32 $1.442695020e+00, v59;
	(erf) = vpow2.f32 v63  }
.LBB2_8:
0x2bc: {  	p0 =	sne.s32 s24, $0x90;
	v26 =	vld.idx.msk [tilespmem:v26+s17+$0x0], $0xffff;
	v39 =	vmul.f32 $1.442695020e+00, v20;
	v40 =	vor.u32 $0x1A, v11;
	(erf) = vpow2.f32 v38;
	v38 =	vpop (erf)  }
0x2bd: {  	v32 =	vmul.f32 $1.442695020e+00, v32;
	v41 =	vor.u32 $0x19, v11;
	v34 =	vld.idx.msk [tilespmem:v34+s17+$0x0], $0xffff;
	(erf) = vpow2.f32 v37;
	v37 =	vpop (erf)  }
0x2be: {  	v12 =	vor.u32 $0x1E0, v4;
	v42 =	vmul.f32 $1.442695020e+00, v13;
	v33 =	vld.idx.msk [tilespmem:v33+s17+$0x0], $0xffff;
	(erf) = vpow2.f32 v36;
	v36 =	vpop (erf)  }
0x2bf: {  	v13 =	vadd.s32 s23, v12;
	s23 =	smov.u32 s24;
	v29 =	vmul.f32 $1.442695020e+00, v29;
	v43 =	vld.idx.msk [tilespmem:v24+s17+$0x0], $0xffff;
	(erf) = vpow2.f32 v35  }
0x2c0: {  	v30 =	vmul.f32 $1.442695020e+00, v30;
	v35 =	vor.u32 $0x2D, v11;
	v31 =	vld.idx.msk [tilespmem:v31+s17+$0x0], $0xffff;
	(erf) = vpow2.f32 v39  }
0x2c1: {  	v44 =	vor.u32 $0x2C, v11;
	v39 =	vld.idx.msk [tilespmem:v40+s17+$0x0], $0xffff;
	v40 =	vmul.f32 $1.442695020e+00, v28;
	v45 =	vpop (erf);
	(erf) = vpow2.f32 v32  }
0x2c2: {  	v46 =	vor.u32 $0x2B, v11;
	v32 =	vmul.f32 $1.442695020e+00, v26;
	v41 =	vld.idx.msk [tilespmem:v41+s17+$0x0], $0xffff;
	(erf) = vpow2.f32 v42;
	v24 =	vpop (erf)  }
0x2c3: {  	v15 =	vadd.f32 $1.500000000e+00, v15;
	v34 =	vmul.f32 $1.442695020e+00, v34;
	(erf) = vpow2.f32 v29;
	v26 =	vpop (erf)  }
0x2c4: {  	v16 =	vsub.f32 v16, v19;
	v33 =	vmul.f32 $1.442695020e+00, v33;
	(erf) = vpow2.f32 v30;
	v28 =	vpop (erf)  }
0x2c5: {  	v18 =	vsub.f32 v18, v22;
	v19 =	vmul.f32 $1.442695020e+00, v43;
	(erf) = vpow2.f32 v40;
	v29 =	vpop (erf)  }
0x2c6: {  	v17 =	vsub.f32 v17, v21;
	v22 =	vmul.f32 $1.442695020e+00, v31;
	(erf) = vpow2.f32 v32;
	v30 =	vpop (erf)  }
0x2c7: {  	v20 =	vsub.f32 v25, v20;
	v31 =	vmul.f32 $1.442695020e+00, v39;
	(erf) = vpow2.f32 v34;
	v25 =	vpop (erf)  }
0x2c8: {  	v40 =	vadd.f32 $1.500000000e+00, v27;
	v32 =	vmul.f32 $1.442695020e+00, v41;
	(erf) = vpow2.f32 v33;
	v33 =	vpop (erf)  }
0x2c9: {  	v15 =	vmax.f32 v15, $0.0e+00;
	v34 =	vand.u32 $0x7FFFFFFF, v16;
	v39 =	vpop (erf);
	(erf) = vpow2.f32 v19  }
0x2ca: {  	v21 =	vmin.f32 v15, $2.999000070e+00;
	v15 =	vmul.f32 $5.000000000e-01, v16;
	v19 =	vpop (erf);
	(erf) = vpow2.f32 v22  }
0x2cb: {  	v23 =	vtrunc.f32 v23;
	v22 =	vmax.f32 v40, $0.0e+00;
	(erf) = vpow2.f32 v32;
	v27 =	vpop (erf)  }
0x2cc: {  	v23 =	vcvt.f32.s32 v23;
	v43 =	vadd.f32 v21, v21;
	v22 =	vmin.f32 v22, $2.999000070e+00;
	v40 =	vpop (erf)  }
0x2cd: {  	v15 =	vmul.f32 v15, v16;
	v41 =	vadd.f32 v22, v22;
	v42 =	vpop (erf);
	(erf) = vpow2.f32 v31  }
0x2ce: {  	v23 =	vcvt.s32.f32 v23;
	v16 =	vtrunc.f32 v43;
	v43 =	vadd.f32 $-5.000000000e-01, v34;
	v32 =	vpop (erf)  }
0x2cf: {  	v16 =	vcvt.f32.s32 v16;
	vm0 =	vlt.f32 v34, $1.000000000e+00;
	v41 =	vtrunc.f32 v41;
	v34 =	vpop (erf)  }
0x2d0: {  	v23 =	vmul.f32 $6.283185480e+00, v23;
	v15 =	vsel vm0, v15, v43;
	v41 =	vcvt.f32.s32 v41;
	v31 =	vpop (erf)  }
0x2d1: {  	v43 =	vcvt.s32.f32 v16;
	v47 =	vand.u32 $0xFFFFFF80, v16;
	v48 =	vand.u32 $0x7F, v16;
	v35 =	vld.idx.msk [tilespmem:v35+s18+$0x0], $0xffff;
	v49 =	vpop (erf)  }
0x2d2: {  	v17 =	vmul.f32 v17, v37;
	v18 =	vmul.f32 v18, v38;
	v53 =	vadd.s32 $0xC, v16;
	v44 =	vld.idx.msk [tilespmem:v44+s18+$0x0], $0xffff;
	v37 =	vpop (erf)  }
0x2d3: {  	v20 =	vmul.f32 v20, v36;
	v38 =	vadd.s32 v11, v47;
	v47 =	vadd.s32 $0x6, v41;
	v36 =	vpop (erf)  }
0x2d4: {  	v51 =	vand.u32 $0xFFFFFF80, v53;
	v52 =	vand.u32 $0x7F, v53;
	v50 =	vcvt.s32.f32 v41;
	v46 =	vld.idx.msk [tilespmem:v46+s18+$0x0], $0xffff;
	v16 =	vpop (erf)  }
0x2d5: {  	v23 =	vsub.f32 v14, v23;
	v41 =	vadd.s32 $0x12, v41;
	v14 =	vadd.f32 $0.0e+00, v16  }
0x2d6: {  	v16 =	vor.u32 v48, v38;
	v38 =	vand.u32 $0xFFFFFF80, v47;
	v47 =	vand.u32 $0x7F, v47;
	v48 =	vpop (erf)  }
0x2d7: {  	v45 =	vadd.f32 $0.0e+00, v45;
	v43 =	vmul.f32 $5.000000000e-01, v43;
	v48 =	vadd.f32 v48, v14  }
0x2d8: {  	v51 =	vadd.s32 v11, v51;
	v44 =	vsub.f32 v44, v17;
	v14 =	vsub.f32 v35, v18  }
0x2d9: {  	v17 =	vadd.f32 $0.0e+00, v37;
	v35 =	vand.u32 $0x7F, v41;
	v18 =	vadd.f32 v36, v48  }
0x2da: {  	v34 =	vadd.f32 v34, v45;
	v36 =	vand.u32 $0xFFFFFF80, v41;
	v37 =	vsub.f32 v46, v20  }
0x2db: {  	v17 =	vadd.f32 v31, v17;
	v20 =	vadd.s32 v11, v38;
	v18 =	vadd.f32 v49, v18  }
0x2dc: {  	v31 =	vadd.f32 v40, v34;
	v34 =	vmul.f32 $5.000000000e-01, v50;
	v38 =	vor.u32 v52, v51  }
0x2dd: {  	v17 =	vadd.f32 v42, v17;
	v18 =	vadd.f32 v32, v18;
	v32 =	vadd.s32 v11, v36  }
0x2de: {  	vm0 =	vlt.f32 v23, $0.0e+00;
	v31 =	vadd.f32 v39, v31;
	v36 =	vadd.f32 $6.283185480e+00, v23  }
0x2df: {  	v17 =	vadd.f32 v19, v17;
	v19 =	vor.u32 v47, v20;
	v18 =	vadd.f32 v27, v18  }
0x2e0: {  	v20 =	vadd.f32 v30, v31;
	v30 =	vor.u32 v35, v32;
	v27 =	vadd.f32 $2.500000000e-01, v43  }
0x2e1: {  	v25 =	vadd.f32 v25, v17;
	v17 =	vand.u32 $0x7FFFFFFF, v14;
	v31 =	vadd.f32 v33, v18  }
0x2e2: {  	v32 =	vand.u32 $0x7FFFFFFF, v37;
	v26 =	vadd.f32 v26, v20;
	v18 =	vmul.f32 $5.000000000e-01, v14  }
0x2e3: {  	v20 =	vsel vm0, v36, v23;
	v23 =	vadd.f32 v28, v25;
	v25 =	vadd.f32 v29, v31  }
0x2e4: {  	v28 =	vadd.f32 $3.490658400e-01, v20;
	v20 =	vand.u32 $0x7FFFFF, v26;
	v29 =	vand.u32 $0x7FFFFFFF, v44  }
0x2e5: {  	v24 =	vadd.f32 v24, v25;
	v25 =	vor.u32 $0x3F800000, v20;
	v20 =	vand.u32 $0x7FFFFF, v23  }
0x2e6: {  	v31 =	vmul.f32 v28, v0;
	v33 =	vadd.f32 $1.000000000e+00, v25;
	v35 =	vor.u32 $0x3F800000, v20  }
0x2e7: {  	v39 =	vmul.f32 $5.000000000e-01, v44;
	v20 =	vadd.f32 $1.000000000e+00, v35;
	v36 =	vand.u32 $0x7FFFFF, v24  }
0x2e8: {  	v31 =	vtrunc.f32 v31;
	v36 =	vor.u32 $0x3F800000, v36;
	(erf) = vrcp.f32 v33  }
0x2e9: {  	v31 =	vcvt.f32.s32 v31;
	v33 =	vadd.f32 $1.000000000e+00, v36;
	(erf) = vrcp.f32 v20  }
0x2ea: {  	v34 =	vadd.f32 $2.500000000e-01, v34;
	v40 =	vmul.f32 $5.000000000e-01, v37;
	v20 =	vadd.f32 $-5.000000000e-01, v17;
	v38 =	vld.idx.msk [tilespmem:v38+s17+$0x0], $0xffff  }
0x2eb: {  	vm0 =	vlt.f32 v32, $1.000000000e+00;
	v31 =	vcvt.s32.f32 v31;
	v30 =	vld.idx.msk [tilespmem:v30+s17+$0x0], $0xffff;
	(erf) = vrcp.f32 v33  }
0x2ec: {  	v27 =	vsub.f32 v21, v27;
	v21 =	vadd.f32 $-5.000000000e-01, v32;
	v33 =	vmul.f32 v40, v37  }
0x2ed: {  	v22 =	vsub.f32 v22, v34;
	v32 =	vadd.f32 $-5.000000000e-01, v29;
	v31 =	vmul.f32 $6.283185480e+00, v31  }
0x2ee: {  	v34 =	vmul.f32 v39, v44;
	v27 =	vadd.f32 v27, v27;
	v33 =	vadd.f32 $0.0e+00, v33  }
0x2ef: {  	v22 =	vadd.f32 v22, v22;
	vm1 =	vlt.f32 v29, $1.000000000e+00;
	v28 =	vsub.f32 v28, v31  }
0x2f0: {  	v25 =	vadd.f32 $-1.000000000e+00, v25;
	v29 =	vsel vm1, v34, v32;
	v27 =	vsub.f32 v38, v27  }
0x2f1: {  	v32 =	vadd.f32 $-1.000000000e+00, v35;
	v31 =	vmul.f32 v28, v1;
	v22 =	vsub.f32 v30, v22;
	v30 =	vpop (erf)  }
0x2f2: {  	v34 =	vmul.f32 $5.000000000e-01, v27;
	v25 =	vmul.f32 v30, v25;
	v30 =	vand.u32 $0x7FFFFFFF, v27;
	v35 =	vpop (erf)  }
0x2f3: {  	v31 =	vtrunc.f32 v31;
	v32 =	vmul.f32 v35, v32;
	v35 =	vadd.f32 $-1.000000000e+00, v36  }
0x2f4: {  	v31 =	vcvt.f32.s32 v31;
	v37 =	vadd.f32 $-5.000000000e-01, v30;
	v36 =	vmul.f32 v25, v25;
	v38 =	vpop (erf)  }
0x2f5: {  	v26 =	vshra.s32 v26, $0x17;
	v39 =	vmul.f32 v32, v32;
	v35 =	vmul.f32 v38, v35  }
0x2f6: {  	v23 =	vshra.s32 v23, $0x17;
	vm1 =	vgt.s32 v31, $0x0;
	v38 =	vmul.f32 $1.428571490e-01, v36  }
0x2f7: {  	v31 =	vnsel vm1, $0x0, v31;
	v40 =	vmul.f32 $1.428571490e-01, v39;
	v41 =	vmul.f32 v35, v35  }
0x2f8: {  	v26 =	vadd.s32 $0xFFFFFF81, v26;
	v23 =	vadd.s32 $0xFFFFFF81, v23;
	v31 =	vmin.u32 v31, $0x8  }
0x2f9: {  	v38 =	vadd.f32 $2.000000030e-01, v38;
	v40 =	vadd.f32 $2.000000030e-01, v40;
	v42 =	vmul.f32 $1.428571490e-01, v41  }
0x2fa: {  	v26 =	vcvt.s32.f32 v26;
	v23 =	vcvt.s32.f32 v23;
	v11 =	vor.u32 v11, v31  }
0x2fb: {  	v38 =	vmul.f32 v38, v36;
	v40 =	vmul.f32 v40, v39;
	v42 =	vadd.f32 $2.000000030e-01, v42  }
0x2fc: {  	v26 =	vmul.f32 $6.931471820e-01, v26;
	v24 =	vshra.s32 v24, $0x17;
	v43 =	vadd.s32 $0x22, v11  }
0x2fd: {  	v38 =	vadd.f32 $3.333333430e-01, v38;
	v40 =	vadd.f32 $3.333333430e-01, v40;
	v42 =	vmul.f32 v42, v41  }
0x2fe: {  	v24 =	vadd.s32 $0xFFFFFF81, v24;
	v23 =	vmul.f32 $6.931471820e-01, v23;
	v31 =	vcvt.s32.f32 v31  }
0x2ff: {  	v36 =	vmul.f32 v38, v36;
	v38 =	vmul.f32 v40, v39;
	v39 =	vadd.f32 $3.333333430e-01, v42  }
0x300: {  	v25 =	vadd.f32 v25, v25;
	v32 =	vadd.f32 v32, v32;
	v31 =	vmul.f32 $6.981316800e-01, v31  }
0x301: {  	v36 =	vadd.f32 $1.000000000e+00, v36;
	v38 =	vadd.f32 $1.000000000e+00, v38;
	v39 =	vmul.f32 v39, v41  }
0x302: {  	v24 =	vcvt.s32.f32 v24;
	v35 =	vadd.f32 v35, v35;
	v31 =	vadd.f32 $3.490658400e-01, v31;
	v40 =	vld.idx.msk [tilespmem:v43+s17+$0x0], $0xffff  }
0x303: {  	v25 =	vmul.f32 v36, v25;
	v32 =	vmul.f32 v38, v32;
	v36 =	vadd.f32 $1.000000000e+00, v39  }
0x304: {  	v24 =	vmul.f32 $6.931471820e-01, v24;
	v11 =	vadd.s32 $0x19, v11;
	v28 =	vsub.f32 v28, v31  }
0x305: {  	v25 =	vadd.f32 v25, v26;
	v16 =	vld.idx.msk [tilespmem:v16+s17+$0x0], $0xffff;
	v23 =	vadd.f32 v32, v23;
	v26 =	vmul.f32 v36, v35  }
0x306: {  	v31 =	vand.u32 $0x7FFFFFFF, v22;
	v28 =	vmul.f32 v28, v5;
	v32 =	vmul.f32 $5.000000000e-01, v22  }
0x307: {  	v19 =	vld.idx.msk [tilespmem:v19+s17+$0x0], $0xffff;
	v23 =	vadd.f32 v23, v25;
	v24 =	vadd.f32 v26, v24;
	v25 =	vmul.f32 v34, v27  }
0x308: {  	v22 =	vmul.f32 v32, v22;
	v26 =	vadd.f32 $-5.000000000e-01, v31;
	v27 =	vsub.f32 v40, v28  }
0x309: {  	vm1 =	vlt.f32 v30, $1.000000000e+00;
	vm2 =	vlt.f32 v31, $1.000000000e+00;
	v11 =	vld.idx.msk [tilespmem:v11+s17+$0x0], $0xffff;
	v23 =	vadd.f32 v24, v23  }
0x30a: {  	v24 =	vsel vm1, v25, v37;
	v22 =	vsel vm2, v22, v26;
	v25 =	vmul.f32 $5.000000000e-01, v27  }
0x30b: {  	v22 =	vadd.f32 v22, v24;
	v16 =	vsub.f32 v23, v16;
	v23 =	vand.u32 $0x7FFFFFFF, v27  }
0x30c: {  	v21 =	vsel vm0, v33, v21;
	v24 =	vmul.f32 v25, v27;
	v25 =	vadd.f32 $-5.000000000e-01, v23  }
0x30d: {  	v15 =	vadd.f32 v15, v22;
	vm0 =	vlt.f32 v23, $1.000000000e+00;
	v26 =	vld.idx.msk [tilespmem:v13+s14+$0x0], $0xffff;
	v16 =	vsub.f32 v16, v19  }
0x30e: {  	v14 =	vmul.f32 v18, v14;
	v21 =	vadd.f32 v29, v21;
	v19 =	vsel vm0, v24, v25  }
0x30f: {  	vm0 =	vlt.f32 v17, $1.000000000e+00;
	v11 =	vsub.f32 v16, v11;
	v15 =	vadd.f32 v15, v19  }
0x310: {  	v16 =	vmov s24;
	v14 =	vsel vm0, v14, v20  }
0x311: {  	v16 =	vshll.u32 v16, $0x7;
	v14 =	vadd.f32 v14, v21;
	v15 =	vadd.f32 v11, v15  }
0x312: {  	vm1 =	vlt.u32 v13, v3;
	vm0 =	vge.u32 v13, v2;
	v11 =	vor.u32 v8, v16  }
0x313: {  	vm0 =	vmand vm0, vm1;
	vm1 =	vge.f32 v26, $5.500000120e-01;
	v13 =	vadd.f32 v15, v14  }
0x314: {  	v14 =	vor.u32 $0x18, v11;
	vm0 =	vmand vm0, vm1  }
0x315: {  	v26 =	vor.u32 $0x1, v11;
	v15 =	vsel vm0, $0x3F800000, v6;
	v13 =	vnsel vm0, $0x0, v13  }
0x316: {  	v20 =	vor.u32 $0x5, v11;
	v10 =	vadd.f32 v15, v10;
	v9 =	vadd.f32 v13, v9  }
0x317: {  	v13 =	vor.u32 $0x4, v11;
	v15 =	vld.idx.msk [tilespmem:v11+s18+$0x0], $0xffff  }
0x318: {  	v24 =	vor.u32 $0x6, v11;
	v23 =	vld.idx.msk [tilespmem:v11+s17+$0x0], $0xffff  }
0x319: {  	v16 =	vld.idx.msk [tilespmem:v14+s17+$0x0], $0xffff  }
0x31a: {  	v19 =	vld.idx.msk [tilespmem:v26+s18+$0x0], $0xffff  }
0x31b: {  	v25 =	vor.u32 $0x3, v11;
	v18 =	vld.idx.msk [tilespmem:v20+s18+$0x0], $0xffff  }
0x31c: {  	v27 =	vor.u32 $0x21, v11;
	v17 =	vld.idx.msk [tilespmem:v13+s18+$0x0], $0xffff  }
0x31d: {  	v28 =	vor.u32 $0xB, v11;
	v14 =	vld.idx.msk [tilespmem:v24+s18+$0x0], $0xffff  }
0x31e: {  	v29 =	vor.u32 $0x20, v11;
	v22 =	vld.idx.msk [tilespmem:v20+s17+$0x0], $0xffff  }
0x31f: {  	v21 =	vld.idx.msk [tilespmem:v13+s17+$0x0], $0xffff  }
0x320: {  	v13 =	vor.u32 $0xA, v11;
	v20 =	vld.idx.msk [tilespmem:v25+s17+$0x0], $0xffff  }
0x321: {  	v30 =	vor.u32 $0x1F, v11;
	v31 =	vld.idx.msk [tilespmem:v27+s17+$0x0], $0xffff  }
0x322: {  	v33 =	vor.u32 $0x2, v11;
	v28 =	vld.idx.msk [tilespmem:v28+s17+$0x0], $0xffff  }
0x323: {  	v32 =	vor.u32 $0x9, v11;
	v29 =	vld.idx.msk [tilespmem:v29+s17+$0x0], $0xffff  }
0x324: {  	v35 =	vor.u32 $0x1E, v11;
	v25 =	vld.idx.msk [tilespmem:v25+s18+$0x0], $0xffff;
	(erf) = vrcp.f32 v22  }
0x325: {  	v36 =	vld.idx.msk [tilespmem:v13+s17+$0x0], $0xffff;
	(erf) = vrcp.f32 v21  }
0x326: {  	v39 =	vor.u32 $0x8, v11;
	v37 =	vmul.f32 $1.442695020e+00, v23;
	v40 =	vld.idx.msk [tilespmem:v30+s17+$0x0], $0xffff;
	(erf) = vrcp.f32 v20  }
0x327: {  	v41 =	vor.u32 $0x1D, v11;
	v23 =	vmul.f32 v14, v0;
	v30 =	vmul.f32 $1.442695020e+00, v31;
	v27 =	vld.idx.msk [tilespmem:v33+s18+$0x0], $0xffff  }
.Ltmp3:
0x328: {  	v31 =	vmul.f32 $1.442695020e+00, v22;
	v42 =	vmul.f32 $1.442695020e+00, v28;
	v32 =	vld.idx.msk [tilespmem:v32+s17+$0x0], $0xffff;
	(pc) =	sbr.rel @p0 .LBB2_8-.Ltmp3, $4  }
0x329: {  	v34 =	vor.u32 $0x7, v11;
	v38 =	vmul.f32 $1.442695020e+00, v29;
	v13 =	vld.idx.msk [tilespmem:v35+s17+$0x0], $0xffff;
	(erf) = vpow2.f32 v37  }
0x32a: {  	v37 =	vmul.f32 $1.442695020e+00, v21;
	v29 =	vld.idx.msk [tilespmem:v33+s17+$0x0], $0xffff;
	v33 =	vor.u32 $0x1C, v11;
	(erf) = vpow2.f32 v30  }
0x32b: {  	v36 =	vmul.f32 $1.442695020e+00, v36;
	v30 =	vld.idx.msk [tilespmem:v39+s17+$0x0], $0xffff;
	(erf) = vpow2.f32 v31  }
0x32c: {  	s24 =	sadd.s32 $0x10, s24;
	v31 =	vor.u32 $0x1B, v11;
	v35 =	vmul.f32 $1.442695020e+00, v40;
	v28 =	vld.idx.msk [tilespmem:v41+s17+$0x0], $0xffff;
	(erf) = vpow2.f32 v42  }
0x32d: {  	v39 =	vmul.f32 $1.442695020e+00, v20  }
0x32e: {  	(erf) = vpow2.f32 v38;
	v32 =	vmul.f32 $1.442695020e+00, v32  }
0x32f: {  	v23 =	vtrunc.f32 v23;
	(erf) = vpow2.f32 v37  }
0x330: {  	v40 =	vor.u32 $0x19, v11;
	v37 =	vpop (erf);
	v13 =	vmul.f32 $1.442695020e+00, v13;
	(erf) = vpow2.f32 v36  }
0x331: {  	v26 =	vld.idx.msk [tilespmem:v26+s17+$0x0], $0xffff;
	v16 =	vsub.f32 v16, v19;
	v57 =	vpop (erf);
	v29 =	vmul.f32 $1.442695020e+00, v29;
	(erf) = vpow2.f32 v35  }
0x332: {  	v56 =	vor.u32 $0x1A, v11;
	v34 =	vld.idx.msk [tilespmem:v34+s17+$0x0], $0xffff;
	v23 =	vcvt.f32.s32 v23;
	v35 =	vpop (erf);
	(erf) = vpow2.f32 v39  }
0x333: {  	v33 =	vld.idx.msk [tilespmem:v33+s17+$0x0], $0xffff;
	v41 =	vor.u32 $0x2D, v11;
	v49 =	vmul.f32 $5.000000000e-01, v16;
	v42 =	vpop (erf);
	(erf) = vpow2.f32 v32  }
0x334: {  	v24 =	vld.idx.msk [tilespmem:v24+s17+$0x0], $0xffff;
	v58 =	vor.u32 $0x2C, v11;
	v30 =	vmul.f32 $1.442695020e+00, v30;
	(erf) = vpow2.f32 v13;
	v43 =	vpop (erf)  }
0x335: {  	v31 =	vld.idx.msk [tilespmem:v31+s17+$0x0], $0xffff;
	v38 =	vor.u32 $0x2B, v11;
	v28 =	vmul.f32 $1.442695020e+00, v28;
	(erf) = vpow2.f32 v29;
	v29 =	vpop (erf)  }
0x336: {  	v15 =	vadd.f32 $1.500000000e+00, v15;
	v26 =	vmul.f32 $1.442695020e+00, v26;
	v60 =	vld.idx.msk [tilespmem:v40+s17+$0x0], $0xffff;
	(erf) = vpow2.f32 v30;
	v19 =	vpop (erf)  }
0x337: {  	v18 =	vsub.f32 v18, v22;
	v34 =	vmul.f32 $1.442695020e+00, v34;
	(erf) = vpow2.f32 v28;
	v22 =	vpop (erf)  }
0x338: {  	v17 =	vsub.f32 v17, v21;
	v59 =	vld.idx.msk [tilespmem:v56+s17+$0x0], $0xffff;
	v33 =	vmul.f32 $1.442695020e+00, v33;
	(erf) = vpow2.f32 v26;
	v21 =	vpop (erf)  }
0x339: {  	v63 =	vsub.f32 v25, v20;
	v24 =	vmul.f32 $1.442695020e+00, v24;
	(erf) = vpow2.f32 v34;
	v25 =	vpop (erf)  }
0x33a: {  	v27 =	vadd.f32 $1.500000000e+00, v27;
	v61 =	vmul.f32 $1.442695020e+00, v31;
	(erf) = vpow2.f32 v33;
	v30 =	vpop (erf)  }
0x33b: {  	v15 =	vmax.f32 v15, $0.0e+00;
	v13 =	vmul.f32 $1.442695020e+00, v60;
	v32 =	vpop (erf);
	(erf) = vpow2.f32 v24  }
0x33c: {  	v27 =	vmax.f32 v27, $0.0e+00;
	v23 =	vcvt.s32.f32 v23;
	v33 =	vpop (erf);
	(erf) = vpow2.f32 v61  }
0x33d: {  	v27 =	vmin.f32 v27, $2.999000070e+00;
	v62 =	vmul.f32 $1.442695020e+00, v59;
	(erf) = vpow2.f32 v13;
	v28 =	vpop (erf)  }
0x33e: {  	v48 =	vand.u32 $0x7FFFFFFF, v16;
	v51 =	vadd.f32 v27, v27;
	v23 =	vmul.f32 $6.283185480e+00, v23;
	v58 =	vld.idx.msk [tilespmem:v58+s18+$0x0], $0xffff;
	v34 =	vpop (erf)  }
0x33f: {  	v41 =	vld.idx.msk [tilespmem:v41+s18+$0x0], $0xffff;
	v24 =	vmin.f32 v15, $2.999000070e+00;
	v15 =	vmul.f32 v49, v16;
	(erf) = vpow2.f32 v62;
	v16 =	vpop (erf)  }
0x340: {  	v12 =	vadd.s32 s23, v12;
	v18 =	vmul.f32 v18, v37;
	v52 =	vadd.f32 $-5.000000000e-01, v48;
	v38 =	vld.idx.msk [tilespmem:v38+s18+$0x0], $0xffff;
	v44 =	vpop (erf)  }
0x341: {  	v17 =	vmul.f32 v17, v57;
	v53 =	vtrunc.f32 v51;
	v23 =	vsub.f32 v14, v23;
	v54 =	vpop (erf)  }
0x342: {  	vm0 =	vlt.f32 v48, $1.000000000e+00;
	v20 =	vmul.f32 v63, v35;
	v40 =	vcvt.f32.s32 v53;
	v55 =	vpop (erf)  }
0x343: {  	v42 =	vadd.f32 $0.0e+00, v42;
	vm7 =	vlt.f32 v23, $0.0e+00;
	v37 =	vsub.f32 v58, v17;
	v48 =	vpop (erf)  }
0x344: {  	v59 =	vadd.s32 $0x6, v40;
	v14 =	vsub.f32 v41, v18;
	v50 =	vadd.f32 v24, v24;
	v57 =	vpop (erf)  }
0x345: {  	v20 =	vsub.f32 v38, v20;
	v49 =	vcvt.s32.f32 v40;
	v40 =	vadd.s32 $0x12, v40;
	v60 =	vpop (erf)  }
0x346: {  	v39 =	vand.u32 $0x7F, v59;
	v53 =	vand.u32 $0xFFFFFF80, v40;
	v13 =	vtrunc.f32 v50;
	v51 =	vpop (erf)  }
0x347: {  	v62 =	vand.u32 $0xFFFFFF80, v59;
	v59 =	vadd.f32 $6.283185480e+00, v23;
	v61 =	vadd.f32 $0.0e+00, v51  }
0x348: {  	v58 =	vadd.s32 v11, v53;
	v45 =	vcvt.f32.s32 v13;
	v13 =	vsel vm0, v15, v52;
	v63 =	vpop (erf)  }
0x349: {  	v52 =	vand.u32 $0x7F, v40;
	v23 =	vsel vm7, v59, v23;
	v51 =	vadd.f32 v63, v61  }
0x34a: {  	v46 =	vcvt.s32.f32 v45;
	v56 =	vand.u32 $0xFFFFFF80, v45;
	v47 =	vand.u32 $0x7F, v45  }
0x34b: {  	v45 =	vadd.s32 $0xC, v45;
	v41 =	vadd.f32 $0.0e+00, v57;
	v51 =	vadd.f32 v60, v51  }
0x34c: {  	v23 =	vadd.f32 $3.490658400e-01, v23;
	v15 =	vadd.s32 v11, v56;
	v31 =	vadd.f32 v54, v42  }
0x34d: {  	v50 =	vand.u32 $0xFFFFFF80, v45;
	v17 =	vadd.f32 v55, v41;
	v18 =	vadd.f32 v48, v51  }
0x34e: {  	v45 =	vand.u32 $0x7F, v45;
	v54 =	vadd.s32 v11, v62;
	v31 =	vadd.f32 v34, v31  }
0x34f: {  	v15 =	vor.u32 v47, v15;
	v16 =	vadd.f32 v16, v17;
	v57 =	vadd.f32 v44, v18  }
0x350: {  	v46 =	vmul.f32 $5.000000000e-01, v46;
	v50 =	vadd.s32 v11, v50;
	v31 =	vadd.f32 v32, v31  }
0x351: {  	v42 =	vmul.f32 v23, v0;
	v16 =	vadd.f32 v33, v16;
	v17 =	vadd.f32 v28, v57  }
0x352: {  	v26 =	vor.u32 v39, v54;
	v56 =	vor.u32 v45, v50;
	v21 =	vadd.f32 v21, v31  }
0x353: {  	v32 =	vtrunc.f32 v42;
	v25 =	vadd.f32 v25, v16;
	v30 =	vadd.f32 v30, v17  }
0x354: {  	v55 =	vmul.f32 $5.000000000e-01, v49;
	v32 =	vcvt.f32.s32 v32;
	v21 =	vadd.f32 v29, v21  }
0x355: {  	v61 =	vand.u32 $0x7FFFFFFF, v20;
	v19 =	vadd.f32 v19, v25;
	v22 =	vadd.f32 v22, v30  }
0x356: {  	v63 =	vand.u32 $0x7FFFFFFF, v37;
	v34 =	vadd.f32 $2.500000000e-01, v55;
	v62 =	vand.u32 $0x7FFFFF, v21  }
0x357: {  	v25 =	vor.u32 $0x3F800000, v62;
	v41 =	vand.u32 $0x7FFFFF, v19;
	v22 =	vadd.f32 v43, v22  }
0x358: {  	v32 =	vcvt.s32.f32 v32;
	v31 =	vor.u32 $0x3F800000, v41;
	v43 =	vadd.f32 $1.000000000e+00, v25  }
0x359: {  	vm8 =	vlt.f32 v61, $1.000000000e+00;
	v44 =	vadd.f32 $1.000000000e+00, v31;
	v45 =	vand.u32 $0x7FFFFF, v22  }
0x35a: {  	v50 =	vadd.f32 $-5.000000000e-01, v63;
	(erf) = vrcp.f32 v43;
	v36 =	vor.u32 $0x3F800000, v45  }
0x35b: {  	vm1 =	vlt.f32 v63, $1.000000000e+00;
	(erf) = vrcp.f32 v44;
	v47 =	vadd.f32 $1.000000000e+00, v36  }
0x35c: {  	v60 =	vadd.f32 $2.500000000e-01, v46;
	v46 =	vmul.f32 $5.000000000e-01, v37;
	v49 =	vmul.f32 $6.283185480e+00, v32  }
0x35d: {  	v27 =	vsub.f32 v27, v34;
	v21 =	vshra.s32 v21, $0x17;
	(erf) = vrcp.f32 v47  }
0x35e: {  	v16 =	vand.u32 $0x7FFFFFFF, v14;
	v48 =	vmul.f32 $5.000000000e-01, v20;
	v24 =	vsub.f32 v24, v60  }
0x35f: {  	v51 =	vmul.f32 v46, v37;
	v23 =	vsub.f32 v23, v49;
	v21 =	vadd.s32 $0xFFFFFF81, v21  }
0x360: {  	v27 =	vadd.f32 v27, v27;
	v40 =	vadd.f32 $-5.000000000e-01, v16;
	v21 =	vcvt.s32.f32 v21  }
0x361: {  	v18 =	vor.u32 v52, v58;
	v20 =	vmul.f32 v48, v20;
	v24 =	vadd.f32 v24, v24  }
0x362: {  	v29 =	vsel vm1, v51, v50;
	v52 =	vmul.f32 v23, v1;
	v25 =	vadd.f32 $-1.000000000e+00, v25  }
0x363: {  	v38 =	vld.idx.msk [tilespmem:v56+s17+$0x0], $0xffff;
	v21 =	vmul.f32 $6.931471820e-01, v21;
	v28 =	vadd.f32 $-5.000000000e-01, v61;
	v31 =	vadd.f32 $-1.000000000e+00, v31;
	v53 =	vpop (erf)  }
0x364: {  	v20 =	vadd.f32 $0.0e+00, v20;
	v17 =	vmul.f32 $5.000000000e-01, v14;
	v25 =	vmul.f32 v53, v25;
	v55 =	vpop (erf)  }
0x365: {  	v30 =	vtrunc.f32 v52;
	v56 =	vadd.f32 $-1.000000000e+00, v36;
	v31 =	vmul.f32 v55, v31  }
0x366: {  	v19 =	vshra.s32 v19, $0x17;
	v30 =	vcvt.f32.s32 v30;
	v57 =	vmul.f32 v25, v25;
	v59 =	vpop (erf)  }
0x367: {  	v19 =	vadd.s32 $0xFFFFFF81, v19;
	v18 =	vld.idx.msk [tilespmem:v18+s17+$0x0], $0xffff;
	v60 =	vmul.f32 v31, v31;
	v33 =	vmul.f32 v59, v56  }
0x368: {  	v24 =	vsub.f32 v38, v24;
	v19 =	vcvt.s32.f32 v19;
	v61 =	vmul.f32 $1.428571490e-01, v57  }
0x369: {  	vm9 =	vgt.s32 v30, $0x0;
	v62 =	vmul.f32 $1.428571490e-01, v60;
	v63 =	vmul.f32 v33, v33  }
0x36a: {  	v54 =	vmul.f32 $5.000000000e-01, v24;
	v19 =	vmul.f32 $6.931471820e-01, v19;
	v30 =	vnsel vm9, $0x0, v30  }
0x36b: {  	v36 =	vadd.f32 $2.000000030e-01, v61;
	v38 =	vadd.f32 $2.000000030e-01, v62;
	v44 =	vmul.f32 $1.428571490e-01, v63  }
0x36c: {  	v54 =	vmul.f32 v54, v24;
	v18 =	vsub.f32 v18, v27;
	v30 =	vmin.u32 v30, $0x8  }
0x36d: {  	v36 =	vmul.f32 v36, v57;
	v38 =	vmul.f32 v38, v60;
	v41 =	vadd.f32 $2.000000030e-01, v44  }
0x36e: {  	v27 =	vand.u32 $0x7FFFFFFF, v24;
	v22 =	vshra.s32 v22, $0x17;
	v11 =	vor.u32 v11, v30  }
0x36f: {  	v36 =	vadd.f32 $3.333333430e-01, v36;
	v38 =	vadd.f32 $3.333333430e-01, v38;
	v41 =	vmul.f32 v41, v63  }
0x370: {  	v22 =	vadd.s32 $0xFFFFFF81, v22;
	v30 =	vcvt.s32.f32 v30;
	v45 =	vadd.s32 $0x22, v11  }
0x371: {  	v34 =	vmul.f32 v36, v57;
	v46 =	vmul.f32 v38, v60;
	v47 =	vadd.f32 $3.333333430e-01, v41  }
0x372: {  	v30 =	vmul.f32 $6.981316800e-01, v30;
	v25 =	vadd.f32 v25, v25;
	v31 =	vadd.f32 v31, v31  }
0x373: {  	v34 =	vadd.f32 $1.000000000e+00, v34;
	v36 =	vadd.f32 $1.000000000e+00, v46;
	v37 =	vmul.f32 v47, v63  }
0x374: {  	v22 =	vcvt.s32.f32 v22;
	v30 =	vadd.f32 $3.490658400e-01, v30;
	v33 =	vadd.f32 v33, v33  }
0x375: {  	v48 =	vld.idx.msk [tilespmem:v45+s17+$0x0], $0xffff;
	v25 =	vmul.f32 v34, v25;
	v31 =	vmul.f32 v36, v31;
	v49 =	vadd.f32 $1.000000000e+00, v37  }
0x376: {  	v11 =	vadd.s32 $0x19, v11;
	v22 =	vmul.f32 $6.931471820e-01, v22;
	v23 =	vsub.f32 v23, v30  }
0x377: {  	v21 =	vadd.f32 v25, v21;
	v19 =	vadd.f32 v31, v19;
	v50 =	vmul.f32 v49, v33  }
0x378: {  	v15 =	vld.idx.msk [tilespmem:v15+s17+$0x0], $0xffff;
	v58 =	vadd.f32 $-5.000000000e-01, v27;
	v52 =	vmul.f32 $5.000000000e-01, v18;
	v23 =	vmul.f32 v23, v5  }
0x379: {  	v51 =	vand.u32 $0x7FFFFFFF, v18;
	v19 =	vadd.f32 v19, v21;
	v53 =	vadd.f32 v50, v22  }
0x37a: {  	v18 =	vmul.f32 v52, v18;
	v55 =	vld.idx.msk [tilespmem:v26+s17+$0x0], $0xffff;
	v23 =	vsub.f32 v48, v23;
	v56 =	vadd.f32 $-5.000000000e-01, v51  }
0x37b: {  	vm10 =	vlt.f32 v27, $1.000000000e+00;
	vm2 =	vlt.f32 v51, $1.000000000e+00;
	v19 =	vadd.f32 v53, v19  }
0x37c: {  	v11 =	vld.idx.msk [tilespmem:v11+s17+$0x0], $0xffff;
	v18 =	vsel vm2, v18, v56;
	v57 =	vsel vm10, v54, v58;
	v58 =	vmul.f32 $5.000000000e-01, v23  }
0x37d: {  	v59 =	vand.u32 $0x7FFFFFFF, v23;
	v18 =	vadd.f32 v18, v57;
	v15 =	vsub.f32 v19, v15  }
0x37e: {  	v20 =	vsel vm8, v20, v28;
	v61 =	vadd.f32 $-5.000000000e-01, v59;
	v60 =	vmul.f32 v58, v23  }
0x37f: {  	vm11 =	vlt.f32 v59, $1.000000000e+00;
	v62 =	vld.idx.msk [tilespmem:v12+s14+$0x0], $0xffff;
	v13 =	vadd.f32 v13, v18;
	v15 =	vsub.f32 v15, v55  }
0x380: {  	v20 =	vadd.f32 v29, v20;
	v14 =	vmul.f32 v17, v14;
	v19 =	vsel vm11, v60, v61  }
0x381: {  	vm12 =	vlt.f32 v16, $1.000000000e+00;
	v13 =	vadd.f32 v13, v19;
	v11 =	vsub.f32 v15, v11  }
0x382: {  	vm13 =	vge.u32 v12, v2;
	v14 =	vsel vm12, v14, v40  }
0x383: {  	vm14 =	vlt.u32 v12, v3;
	v14 =	vadd.f32 v14, v20;
	v11 =	vadd.f32 v11, v13  }
0x384: {  	vm0 =	vmand vm13, vm14;
	vm15 =	vge.f32 v62, $5.500000120e-01  }
0x385: {  	vm0 =	vmand vm0, vm15;
	v11 =	vadd.f32 v11, v14  }
0x386: {  	v63 =	vsel vm0, $0x3F800000, v6  }
0x387: {  	v10 =	vadd.f32 v63, v10;
	v11 =	vnsel vm0, $0x0, v11  }
0x388: {  	s22 =	sadd.s32 $0x1, s22;
	v9 =	vadd.f32 v11, v9  }
0x389: {  	p0 =	sne.s32 s22, s13;
	[tilespmem:$0x14290] =	vst v10  }
.Ltmp4:
0x38a: {  	[tilespmem:$0x14280] =	vst v9;
	(pc) =	sbr.rel @p0 .LBB2_1-.Ltmp4, $4  }
0x38b: {  	[hbm4b:s12+s2] =	stream.linear.scatter [tilespmem:s21], [sflag:$0x3], $0x20, $0x38;
	[tilespmem:$0x14300] =	vst v63  }
0x38c: {  	_ =	swait.ge [sflag:s15], $0x20  }
0x38d: {  	[sflag:s15] =	ssyncset.done $0x0  }
0x38e: {  	[sflag:s15] =	ssyncadd.s32 $0xFFFFFFE0  }
0x38f: {  	_ =	sfence.sel $0x180000  }
0x390: {  	[bflag:$0x0] =	sbarrier.arrive $0xFFFF  }
0x391: {  	p0 =	sne.s32 s1, $0x0;
	_ =	strace $0x90000047  }
0x392: {  	s0 =	sadd.s32 @!p0 $0x100000, s0;
	[bflag:$0x2] =	sbarrier.arrive $0xFFFF  }
0x393: {  	[sflag:s0] =	ssyncadd.tile.s32 @!p0 $0x1;
	_ =	shalt  }
.Lfunc_end2:
_tile_overlayer_lowered:
.L_overlay_start_2:
0x394: {  	(tag) =	ssettag $0x2  }
0x395: {  	s0 =	rddreg [dreg:$0x0];
	s2 =	stileid.u32  }
0x396: {  	s1 =	rddreg [dreg:$0x1];
	p0 =	sne.s32 s2, $0x0  }
0x397: {  	s3 =	rddreg [dreg:$0x2];
	[bflag:$0x3] =	sbarrier.arrive $0xFFFF;
	s2 =	simm.s32 @!p0 $0x1C03  }
0x398: {  	[timem:s3], [sflag:s2] =	dma.local @!p0 [hbm:s0], s1  }
0x399: {  	s0 =	simm.s32 @!p0 $0x3  }
0x39a: {  	_ =	swait.ge @!p0 [sflag:s0], s1  }
0x39b: {  	s1 =	ssub.s32 @!p0 $0x0, s1;
	[sflag:s0] =	ssyncset.done @!p0 $0x0  }
0x39c: {  	[sflag:s0] =	ssyncadd.s32 @!p0 s1  }
0x39d: {  	[bflag:$0x3] =	sbarrier.arrive $0xFFFF  }
0x39e: {  	_ =	shalt  }

</sc_bundles>
